<compile_context>
chip_gen: v7x
topology: tpu7x:2x2x1
jax: 0.10.2.dev20260603
libtpu: 0.0.44.dev20260713+nightly
codegen_flags: <defaults>
</compile_context>

<pallas_src>
import functools

import jax
import jax.numpy as jnp
from jax import lax
from jax.experimental import pallas as pl
from jax.experimental.pallas import tpu as pltpu
from jax.experimental.pallas import tpu_sc as plsc

F32 = jnp.float32
DEPTH = 3
NC = 2
NS = 16
NW = NC * NS
NPAD = 10240


def _dot(x, w):
    return jnp.dot(x, w, preferred_element_type=F32)


def _mlp_pack(p, H=64):
    lins, bns = p["lins"], p["bns"]
    Ws = [W.T for (W, b) in lins]
    bs = [b.reshape(1, -1) for (W, b) in lins]
    bn = []
    for g, bb, m, v in bns:
        d = jnp.sqrt(v + 1e-5)
        bn += [m.reshape(1, H), d.reshape(1, H),
               g.reshape(1, H), bb.reshape(1, H)]
    return Ws, bs, bn


def _mlp_seq(x, mats, biases, bns):
    x = _dot(x, mats[0]) + biases[0]
    x = _dot(x, mats[1]) + biases[1]
    x = jnp.maximum((x - bns[0]) / bns[1] * bns[2] + bns[3], 0.0)
    x = _dot(x, mats[2]) + biases[2]
    x = _dot(x, mats[3]) + biases[3]
    x = jnp.maximum((x - bns[4]) / bns[5] * bns[6] + bns[7], 0.0)
    return _dot(x, mats[4]) + biases[4]


def _unstack(ref, n):
    return [ref[i] for i in range(n)]



def _node_init_body(x_ref, w0_ref, wr_ref, b_ref, bn_ref, wio_ref,
                    nf_ref, ti_ref, tj_ref):
    mats = [w0_ref[...]] + _unstack(wr_ref, 4)
    nf = _mlp_seq(x_ref[...], mats, _unstack(b_ref, 5), _unstack(bn_ref, 8))
    nf_ref[...] = nf
    tij = _dot(nf, wio_ref[...])
    z = jnp.zeros_like(tij[:, :64])
    ti_ref[...] = jnp.concatenate([tij[:, :64], z], axis=1)
    tj_ref[...] = jnp.concatenate([tij[:, 64:], z], axis=1)


def _node_init_call(x, w0, wr, b, bn, wio, N, H):
    t_sh = jax.ShapeDtypeStruct((N, 2 * H), F32)
    return pl.pallas_call(
        _node_init_body,
        out_shape=[jax.ShapeDtypeStruct((N, H), F32), t_sh, t_sh],
    )(x, w0, wr, b, bn, wio)


def _edge_init_body(x_ref, w0_ref, wr_ref, b_ref, bn_ref, ea_ref):
    mats = [w0_ref[...]] + _unstack(wr_ref, 4)
    ea_ref[...] = _mlp_seq(x_ref[...], mats, _unstack(b_ref, 5),
                           _unstack(bn_ref, 8))


def _edge_init_call(x, w0, wr, b, bn, E, H, BE):
    d_in = x.shape[1]
    return pl.pallas_call(
        _edge_init_body,
        grid=(E // BE,),
        in_specs=[
            pl.BlockSpec((BE, d_in), lambda i: (i, 0)),
            pl.BlockSpec(w0.shape, lambda i: (0, 0)),
            pl.BlockSpec(wr.shape, lambda i: (0, 0, 0)),
            pl.BlockSpec(b.shape, lambda i: (0, 0, 0)),
            pl.BlockSpec(bn.shape, lambda i: (0, 0, 0)),
        ],
        out_specs=pl.BlockSpec((BE, H), lambda i: (i, 0)),
        out_shape=jax.ShapeDtypeStruct((E, H), F32),
    )(x, w0, wr, b, bn)


def _edge_body(ea_ref, gi_ref, gj_ref, we_ref, be_ref,
               emw_ref, emb_ref, embn_ref,
               n1w_ref, n1wm_ref, n1b_ref, n1bm_ref, n1bn_ref,
               ean_ref, m_ref):
    ea = ea_ref[...]
    f_ij = _dot(ea, we_ref[...]) + be_ref[...]
    t = jnp.maximum(f_ij + gi_ref[...][:, :64] + gj_ref[...][:, :64], 0.0)
    ean = ea + _mlp_seq(t, _unstack(emw_ref, 5), _unstack(emb_ref, 5),
                        _unstack(embn_ref, 8))
    ean_ref[...] = ean
    mats = _unstack(n1w_ref, 4) + [n1wm_ref[...]]
    biases = _unstack(n1b_ref, 4) + [n1bm_ref[...]]
    m_ref[...] = _mlp_seq(ean, mats, biases, _unstack(n1bn_ref, 8))


def _edge_call(ea, gs, gd, we, be, emw, emb, embn, n1w, n1wm, n1b, n1bm, n1bn,
               E, H, BE):
    blk = pl.BlockSpec((BE, H), lambda i: (i, 0))
    blk2 = pl.BlockSpec((BE, 2 * H), lambda i: (i, 0))
    full = lambda a: pl.BlockSpec(a.shape, lambda i: (0,) * a.ndim)
    return pl.pallas_call(
        _edge_body,
        grid=(E // BE,),
        in_specs=[blk, blk2, blk2] + [full(a) for a in
                  (we, be, emw, emb, embn, n1w, n1wm, n1b, n1bm, n1bn)],
        out_specs=[blk, blk2],
        out_shape=[jax.ShapeDtypeStruct((E, H), F32),
                   jax.ShapeDtypeStruct((E, 2 * H), F32)],
    )(ea, gs, gd, we, be, emw, emb, embn, n1w, n1wm, n1b, n1bm, n1bn)


def _node_body(nf_ref, a0_ref, a1_ref, w_ref, b_ref, bn_ref, wio_ref,
               nfn_ref, ti_ref, tj_ref):
    n = nf_ref.shape[0]
    a = a0_ref[...][:n, :64] + a1_ref[...][:n, :64]
    nfn = nf_ref[...] + _mlp_seq(a, _unstack(w_ref, 5), _unstack(b_ref, 5),
                                 _unstack(bn_ref, 8))
    nfn_ref[...] = nfn
    tij = _dot(nfn, wio_ref[...])
    z = jnp.zeros_like(tij[:, :64])
    ti_ref[...] = jnp.concatenate([tij[:, :64], z], axis=1)
    tj_ref[...] = jnp.concatenate([tij[:, 64:], z], axis=1)


def _node_call(nf, agg0, agg1, w, b, bn, wio, N, H):
    t_sh = jax.ShapeDtypeStruct((N, 2 * H), F32)
    return pl.pallas_call(
        _node_body,
        out_shape=[jax.ShapeDtypeStruct((N, H), F32), t_sh, t_sh],
    )(nf, agg0, agg1, w, b, bn, wio)



def _sc_gather_pair(ti, tj, src, dst):
    N, W = ti.shape
    E = src.shape[0]
    CH = 80
    per_w = E // NW
    nch = per_w // CH
    mesh = plsc.VectorSubcoreMesh(core_axis_name="c", subcore_axis_name="s")
    out = jax.ShapeDtypeStruct((E, W), F32)

    @functools.partial(
        pl.kernel,
        mesh=mesh,
        out_type=[out, out],
        scratch_types=[
            pltpu.VMEM((per_w,), jnp.int32),
            pltpu.VMEM((per_w,), jnp.int32),
            pltpu.VMEM((CH, W), F32),
            pltpu.VMEM((CH, W), F32),
            pltpu.VMEM((CH, W), F32),
            pltpu.VMEM((CH, W), F32),
            pltpu.SemaphoreType.DMA,
            pltpu.SemaphoreType.DMA,
            pltpu.SemaphoreType.DMA,
            pltpu.SemaphoreType.DMA,
        ],
    )
    def k(ti_hbm, tj_hbm, src_hbm, dst_hbm, gs_hbm, gd_hbm,
          idi_v, idj_v, ri0, rj0, ri1, rj1, si0, sj0, si1, sj1):
        wid = lax.axis_index("s") * NC + lax.axis_index("c")
        base0 = wid * per_w
        pltpu.sync_copy(src_hbm.at[pl.ds(base0, per_w)], idi_v)
        pltpu.sync_copy(dst_hbm.at[pl.ds(base0, per_w)], idj_v)
        bufs = ((ri0, rj0, si0, sj0), (ri1, rj1, si1, sj1))

        def fire(kk, b):
            ri, rj, si, sj = bufs[b]
            s = pl.ds(kk * CH, CH)
            pltpu.async_copy(ti_hbm.at[idi_v.at[s]], ri, si)
            pltpu.async_copy(tj_hbm.at[idj_v.at[s]], rj, sj)

        def drain_store(kk, b):
            ri, rj, si, sj = bufs[b]
            dummy = ti_hbm.at[pl.ds(0, CH)]
            pltpu.make_async_copy(dummy, ri, si).wait()
            pltpu.make_async_copy(dummy, rj, sj).wait()
            s = pl.ds(base0 + kk * CH, CH)
            pltpu.sync_copy(ri, gs_hbm.at[s])
            pltpu.sync_copy(rj, gd_hbm.at[s])

        fire(0, 0)

        @pl.loop(0, (nch - 1) // 2)
        def _(t):
            k0 = 2 * t
            fire(k0 + 1, 1)
            drain_store(k0, 0)
            fire(k0 + 2, 0)
            drain_store(k0 + 1, 1)

        drain_store(nch - 1, 0)

    return k(ti, tj, src, dst)


def _sc_scatter(m, dst, zeros):
    E, W = m.shape
    N = zeros.shape[0]
    CH = 80
    rps = N // NS
    per_w = E // NW
    mesh = plsc.VectorSubcoreMesh(core_axis_name="c", subcore_axis_name="s")

    nch = per_w // CH

    @functools.partial(
        pl.kernel,
        mesh=mesh,
        out_type=jax.ShapeDtypeStruct((NC, N, W), F32),
        scratch_types=[
            pltpu.VMEM((CH,), jnp.int32),
            pltpu.VMEM((CH,), jnp.int32),
            pltpu.VMEM((CH, W), F32),
            pltpu.VMEM((CH, W), F32),
            pltpu.VMEM_SHARED((N, W), F32),
            pltpu.SemaphoreType.DMA,
            pltpu.SemaphoreType.DMA,
        ],
    )
    def k(m_hbm, dst_hbm, z_hbm, out_hbm, idx0, idx1, rows0, rows1,
          acc_sh, sm0, sm1):
        c = lax.axis_index("c")
        s = lax.axis_index("s")
        pltpu.sync_copy(z_hbm.at[pl.ds(s * rps, rps)],
                        acc_sh.at[pl.ds(s * rps, rps)])
        plsc.subcore_barrier()
        base0 = (c * NS + s) * per_w
        bufs = ((idx0, rows0, sm0), (idx1, rows1, sm1))

        def fire(kk, b):
            idx, rows, sm = bufs[b]
            base = base0 + kk * CH
            pltpu.sync_copy(dst_hbm.at[pl.ds(base, CH)], idx)
            pltpu.async_copy(m_hbm.at[pl.ds(base, CH)], rows, sm)

        def drain_scatter(kk, b):
            idx, rows, sm = bufs[b]
            pltpu.make_async_copy(m_hbm.at[pl.ds(0, CH)], rows, sm).wait()
            pltpu.sync_copy(rows, acc_sh.at[idx], add=True)

        fire(0, 0)

        @pl.loop(0, (nch - 1) // 2)
        def _(t):
            k0 = 2 * t
            fire(k0 + 1, 1)
            drain_scatter(k0, 0)
            fire(k0 + 2, 0)
            drain_scatter(k0 + 1, 1)

        drain_scatter(nch - 1, 0)

        plsc.subcore_barrier()
        pltpu.sync_copy(acc_sh.at[pl.ds(s * rps, rps)],
                        out_hbm.at[c].at[pl.ds(s * rps, rps)])

    return k(m, dst, zeros)



def kernel(node_feats, edge_index, edge_attr, params):
    node_feats = node_feats.astype(F32)
    edge_attr = edge_attr.astype(F32)
    src = edge_index[0].astype(jnp.int32)
    dst = edge_index[1].astype(jnp.int32)
    N, H = node_feats.shape[0], 64
    E = edge_attr.shape[0]
    BE = 4000

    stk = jnp.stack

    niW, nib, nibn = _mlp_pack(params["node_init"])
    eiW, eib, eibn = _mlp_pack(params["edge_init"])
    em = params["edge_model"]
    emW, emb, embn = _mlp_pack(em["mlp"])
    n1W, n1b, n1bn = _mlp_pack(params["node_model"]["mlp1"])
    n2W, n2b, n2bn = _mlp_pack(params["node_model"]["mlp2"])
    WeT = em["edge_lin"][0].T
    be = em["edge_lin"][1].reshape(1, H)
    wio = jnp.concatenate([em["node_in"].T, em["node_out"].T], axis=1)

    ni_args = (niW[0], stk(niW[1:]), stk(nib), stk(nibn))
    ei_args = (eiW[0], stk(eiW[1:]), stk(eib), stk(eibn))
    em_args = (stk(emW), stk(emb), stk(embn))
    n1_args = (stk(n1W[:4]), jnp.pad(n1W[4], ((0, 0), (0, H))),
               stk(n1b[:4]), jnp.pad(n1b[4], ((0, 0), (0, H))), stk(n1bn))
    n2_args = (stk(n2W), stk(n2b), stk(n2bn))

    nf, ti, tj = _node_init_call(node_feats, *ni_args, wio, N, H)
    ea = _edge_init_call(edge_attr, *ei_args, E, H, BE)
    zeros = jnp.zeros((NPAD, 2 * H), F32)

    for _ in range(DEPTH):
        gs, gd = _sc_gather_pair(ti, tj, src, dst)
        ea, msg = _edge_call(ea, gs, gd, WeT, be, *em_args, *n1_args, E, H, BE)
        agg2 = _sc_scatter(msg, dst, zeros)
        nf, ti, tj = _node_call(nf, agg2[0], agg2[1], *n2_args, wio, N, H)

    return nf, ea

# --- scband reference (transcript-rebuilt; emitter-appended) ---
"""Pipeline reference for scband-gnn-67044439490696 (READ-ONLY COPY).

The authoritative reference and input builder live on the scoring server;
editing this copy changes nothing except your own understanding.
"""

import jax, jax.numpy as jnp
import numpy as np

H = 64
N_LAYERS = 2
DEPTH = 3
N_NODES = 10000
N_EDGES = 320000
D_NODE = 128
D_EDGE = 16


def _lin(key, in_f, out_f, bias=True):
    kW, kb = jax.random.split(key)
    W = jax.random.normal(kW, (out_f, in_f), dtype=jnp.float32) * (1.0 / np.sqrt(in_f))
    if bias:
        b = jax.random.normal(kb, (out_f,), dtype=jnp.float32) * 0.01
        return (W, b)
    return W


def _mlp_params(key, in_nf, out_nf):
    keys = jax.random.split(key, 2 * N_LAYERS + 1)
    lins = []
    for l in range(N_LAYERS):
        lins.append(_lin(keys[2 * l], in_nf if l == 0 else out_nf, out_nf))
        lins.append(_lin(keys[2 * l + 1], out_nf, out_nf))
    lins.append(_lin(keys[2 * N_LAYERS], out_nf, out_nf))
    bns = [(jnp.ones((out_nf,), jnp.float32), jnp.zeros((out_nf,), jnp.float32),
            jnp.zeros((out_nf,), jnp.float32), jnp.ones((out_nf,), jnp.float32))
           for _ in range(N_LAYERS)]
    return {"lins": lins, "bns": bns}


def _mlp_apply(p, x):
    lins = p["lins"]
    bns = p["bns"]
    for l in range(N_LAYERS):
        W, b = lins[2 * l]
        x = x @ W.T + b
        # Dropout(p=0.5) is identity in eval mode
        W, b = lins[2 * l + 1]
        x = x @ W.T + b
        g, bb, m, v = bns[l]
        x = (x - m) / jnp.sqrt(v + 1e-5) * g + bb  # BatchNorm1d eval w/ running stats
        x = jax.nn.relu(x)
    W, b = lins[2 * N_LAYERS]
    return x @ W.T + b


def _gnn_forward(node_feats, edge_attr, edge_index, params):
    nf = _mlp_apply(params["node_init"], node_feats)
    ea = _mlp_apply(params["edge_init"], edge_attr)
    node_is = edge_index[0]
    node_js = edge_index[1]
    N = nf.shape[0]
    em = params["edge_model"]
    nm = params["node_model"]
    for _ in range(DEPTH):
        # EdgeModel
        We, be = em["edge_lin"]
        f_ij = ea @ We.T + be
        f_i = nf @ em["node_in"].T
        f_j = nf @ em["node_out"].T
        out = jax.nn.relu(f_ij + jnp.take(f_i, node_is, axis=0) + jnp.take(f_j, node_js, axis=0))
        ea = ea + _mlp_apply(em["mlp"], out)
        # NodeModel
        agg = _mlp_apply(nm["mlp1"], ea)
        agg = jax.ops.segment_sum(agg, node_js, num_segments=N)
        nf = nf + _mlp_apply(nm["mlp2"], agg)
    return nf, ea


def setup_inputs(seed: int = 0) -> dict:
    key = jax.random.key(seed)
    k_nf, k_ei, k_ea, k_p = jax.random.split(key, 4)
    node_feats = jax.random.normal(k_nf, (N_NODES, D_NODE), dtype=jnp.float32)
    edge_index = jax.random.randint(k_ei, (2, N_EDGES), 0, N_NODES, dtype=jnp.int64)
    edge_attr = jax.random.normal(k_ea, (N_EDGES, D_EDGE), dtype=jnp.float32)
    pk = jax.random.split(k_p, 8)
    params = {
        "node_init": _mlp_params(pk[0], D_NODE, H),
        "edge_init": _mlp_params(pk[1], D_EDGE, H),
        "edge_model": {
            "edge_lin": _lin(pk[2], H, H),
            "node_in": _lin(pk[3], H, H, bias=False),
            "node_out": _lin(pk[4], H, H, bias=False),
            "mlp": _mlp_params(pk[5], H, H),
        },
        "node_model": {
            "mlp1": _mlp_params(pk[6], H, H),
            "mlp2": _mlp_params(pk[7], H, H),
        },
    }
    return {"node_feats": node_feats, "edge_index": edge_index, "edge_attr": edge_attr, "params": params}


def reference(node_feats, edge_index, edge_attr, params):
    return _gnn_forward(node_feats, edge_attr, edge_index, params)

if __name__ == "__main__":
    import jax
    _d = setup_inputs()
    print(jax.jit(kernel)(*tuple(_d.values())))

</pallas_src>

<mosaic_0001>
#map = affine_map<(d0, d1) -> (0, 0)>
#map1 = affine_map<(d0, d1) -> (0)>
module attributes {stable_mosaic.version = 14 : i64} {
  func.func @k(%arg0: i32, %arg1: i32, %arg2: memref<10000x128xf32, #tpu.memory_space<hbm>>, %arg3: memref<10000x128xf32, #tpu.memory_space<hbm>>, %arg4: memref<320000xi32, #tpu.memory_space<hbm>>, %arg5: memref<320000xi32, #tpu.memory_space<hbm>>, %arg6: memref<320000x128xf32, #tpu.memory_space<hbm>>, %arg7: memref<320000x128xf32, #tpu.memory_space<hbm>>, %arg8: memref<10000xi32, #tpu.memory_space<vmem>>, %arg9: memref<10000xi32, #tpu.memory_space<vmem>>, %arg10: memref<80x128xf32, #tpu.memory_space<vmem>>, %arg11: memref<80x128xf32, #tpu.memory_space<vmem>>, %arg12: memref<80x128xf32, #tpu.memory_space<vmem>>, %arg13: memref<80x128xf32, #tpu.memory_space<vmem>>, %arg14: memref<!tpu.dma_semaphore, #tpu.memory_space<semaphore_mem>>, %arg15: memref<!tpu.dma_semaphore, #tpu.memory_space<semaphore_mem>>, %arg16: memref<!tpu.dma_semaphore, #tpu.memory_space<semaphore_mem>>, %arg17: memref<!tpu.dma_semaphore, #tpu.memory_space<semaphore_mem>>) attributes {dimension_semantics = [#tpu.dimension_semantics<core_parallel>, #tpu.dimension_semantics<subcore_parallel>], iteration_bounds = array<i64: 2, 16>, scalar_prefetch = 0 : i64, scratch_operands = 10 : i64, tpu.core_type = #tpu.core_type<sc_vector_subcore>, window_params = [{transform_indices = #map}, {transform_indices = #map}, {transform_indices = #map1}, {transform_indices = #map1}, {transform_indices = #map}, {transform_indices = #map}]} {
    %mul3A = arith.constant 2 : i32
    %mul3A_0 = arith.muli %arg1, %mul3A : i32
    %add3A = arith.addi %mul3A_0, %arg0 : i32
    %mul3A_1 = arith.constant 10000 : i32
    %mul3A_2 = arith.muli %add3A, %mul3A_1 : i32
    "tpu.region"() ({
      %run_scoped3A = tpu.sem_alloc : memref<!tpu.dma_semaphore, #tpu.memory_space<semaphore_mem>>
      %dma_start3A_29 = tpu.memref_slice %arg4[%mul3A_2] : memref<320000xi32, #tpu.memory_space<hbm>> -> memref<10000xi32, #tpu.memory_space<hbm>>
      %dma_start3A_30 = tpu.memref_slice %arg4[%mul3A_2] : memref<320000xi32, #tpu.memory_space<hbm>> -> memref<10000xi32, #tpu.memory_space<hbm>>
      tpu.enqueue_dma source(%dma_start3A_30 : memref<10000xi32, #tpu.memory_space<hbm>>) target(%arg8 : memref<10000xi32, #tpu.memory_space<vmem>>) target_semaphore(%run_scoped3A : memref<!tpu.dma_semaphore, #tpu.memory_space<semaphore_mem>>)
      %dma_wait3A_31 = tpu.memref_slice %arg4[%mul3A_2] : memref<320000xi32, #tpu.memory_space<hbm>> -> memref<10000xi32, #tpu.memory_space<hbm>>
      %dma_wait3A_32 = tpu.memref_slice %arg4[%mul3A_2] : memref<320000xi32, #tpu.memory_space<hbm>> -> memref<10000xi32, #tpu.memory_space<hbm>>
      tpu.wait_dma2 semaphore(%run_scoped3A : memref<!tpu.dma_semaphore, #tpu.memory_space<semaphore_mem>>) src(%dma_wait3A_32 : memref<10000xi32, #tpu.memory_space<hbm>>) dst(%arg8 : memref<10000xi32, #tpu.memory_space<vmem>>)
      tpu.yield
    }) : () -> ()
    "tpu.region"() ({
      %run_scoped3A = tpu.sem_alloc : memref<!tpu.dma_semaphore, #tpu.memory_space<semaphore_mem>>
      %dma_start3A_29 = tpu.memref_slice %arg5[%mul3A_2] : memref<320000xi32, #tpu.memory_space<hbm>> -> memref<10000xi32, #tpu.memory_space<hbm>>
      %dma_start3A_30 = tpu.memref_slice %arg5[%mul3A_2] : memref<320000xi32, #tpu.memory_space<hbm>> -> memref<10000xi32, #tpu.memory_space<hbm>>
      tpu.enqueue_dma source(%dma_start3A_30 : memref<10000xi32, #tpu.memory_space<hbm>>) target(%arg9 : memref<10000xi32, #tpu.memory_space<vmem>>) target_semaphore(%run_scoped3A : memref<!tpu.dma_semaphore, #tpu.memory_space<semaphore_mem>>)
      %dma_wait3A_31 = tpu.memref_slice %arg5[%mul3A_2] : memref<320000xi32, #tpu.memory_space<hbm>> -> memref<10000xi32, #tpu.memory_space<hbm>>
      %dma_wait3A_32 = tpu.memref_slice %arg5[%mul3A_2] : memref<320000xi32, #tpu.memory_space<hbm>> -> memref<10000xi32, #tpu.memory_space<hbm>>
      tpu.wait_dma2 semaphore(%run_scoped3A : memref<!tpu.dma_semaphore, #tpu.memory_space<semaphore_mem>>) src(%dma_wait3A_32 : memref<10000xi32, #tpu.memory_space<hbm>>) dst(%arg9 : memref<10000xi32, #tpu.memory_space<vmem>>)
      tpu.yield
    }) : () -> ()
    %dma_start3A = arith.constant 0 : i32
    %dma_start3A_3 = tpu.memref_slice %arg8[%dma_start3A] : memref<10000xi32, #tpu.memory_space<vmem>> -> memref<80xi32, #tpu.memory_space<vmem>>
    %dma_start3A_4 = arith.constant 0 : i32
    %dma_start3A_5 = arith.constant 0 : i32
    %dma_start3A_6 = tpu.memref_slice %arg2[%dma_start3A_4, %dma_start3A_5] : memref<10000x128xf32, #tpu.memory_space<hbm>> -> memref<10000x128xf32, #tpu.memory_space<hbm>>
    tpu.enqueue_indirect_dma source(%dma_start3A_6 : memref<10000x128xf32, #tpu.memory_space<hbm>>) target(%arg10 : memref<80x128xf32, #tpu.memory_space<vmem>>) offsets(%dma_start3A_3 : memref<80xi32, #tpu.memory_space<vmem>>) semaphore(%arg14 : memref<!tpu.dma_semaphore, #tpu.memory_space<semaphore_mem>>)
    %dma_start3A_7 = arith.constant 0 : i32
    %dma_start3A_8 = tpu.memref_slice %arg9[%dma_start3A_7] : memref<10000xi32, #tpu.memory_space<vmem>> -> memref<80xi32, #tpu.memory_space<vmem>>
    %dma_start3A_9 = arith.constant 0 : i32
    %dma_start3A_10 = arith.constant 0 : i32
    %dma_start3A_11 = tpu.memref_slice %arg3[%dma_start3A_9, %dma_start3A_10] : memref<10000x128xf32, #tpu.memory_space<hbm>> -> memref<10000x128xf32, #tpu.memory_space<hbm>>
    tpu.enqueue_indirect_dma source(%dma_start3A_11 : memref<10000x128xf32, #tpu.memory_space<hbm>>) target(%arg11 : memref<80x128xf32, #tpu.memory_space<vmem>>) offsets(%dma_start3A_8 : memref<80xi32, #tpu.memory_space<vmem>>) semaphore(%arg15 : memref<!tpu.dma_semaphore, #tpu.memory_space<semaphore_mem>>)
    %scan3A = arith.constant 0 : i32
    %scan3A_12 = arith.constant 62 : i32
    %scan3A_13 = arith.addi %scan3A, %scan3A_12 : i32
    %scan3A_14 = arith.constant 1 : i32
    scf.for %scan3A_29 = %scan3A to %scan3A_13 step %scan3A_14  : i32 {
      %mul3A_30 = arith.constant 1 : i32
      %mul3A_31 = arith.muli %scan3A_29, %mul3A_30 : i32
      %add3A_32 = arith.constant 0 : i32
      %add3A_33 = arith.addi %add3A_32, %mul3A_31 : i32
      %mul3A_34 = arith.constant 2 : i32
      %mul3A_35 = arith.muli %mul3A_34, %add3A_33 : i32
      %add3A_36 = arith.constant 1 : i32
      %add3A_37 = arith.addi %mul3A_35, %add3A_36 : i32
      %mul3A_38 = arith.constant 80 : i32
      %mul3A_39 = arith.muli %add3A_37, %mul3A_38 : i32
      %dma_start3A_40 = tpu.memref_slice %arg8[%mul3A_39] : memref<10000xi32, #tpu.memory_space<vmem>> -> memref<80xi32, #tpu.memory_space<vmem>>
      %dma_start3A_41 = arith.constant 0 : i32
      %dma_start3A_42 = arith.constant 0 : i32
      %dma_start3A_43 = tpu.memref_slice %arg2[%dma_start3A_41, %dma_start3A_42] : memref<10000x128xf32, #tpu.memory_space<hbm>> -> memref<10000x128xf32, #tpu.memory_space<hbm>>
      tpu.enqueue_indirect_dma source(%dma_start3A_43 : memref<10000x128xf32, #tpu.memory_space<hbm>>) target(%arg12 : memref<80x128xf32, #tpu.memory_space<vmem>>) offsets(%dma_start3A_40 : memref<80xi32, #tpu.memory_space<vmem>>) semaphore(%arg16 : memref<!tpu.dma_semaphore, #tpu.memory_space<semaphore_mem>>)
      %dma_start3A_44 = tpu.memref_slice %arg9[%mul3A_39] : memref<10000xi32, #tpu.memory_space<vmem>> -> memref<80xi32, #tpu.memory_space<vmem>>
      %dma_start3A_45 = arith.constant 0 : i32
      %dma_start3A_46 = arith.constant 0 : i32
      %dma_start3A_47 = tpu.memref_slice %arg3[%dma_start3A_45, %dma_start3A_46] : memref<10000x128xf32, #tpu.memory_space<hbm>> -> memref<10000x128xf32, #tpu.memory_space<hbm>>
      tpu.enqueue_indirect_dma source(%dma_start3A_47 : memref<10000x128xf32, #tpu.memory_space<hbm>>) target(%arg13 : memref<80x128xf32, #tpu.memory_space<vmem>>) offsets(%dma_start3A_44 : memref<80xi32, #tpu.memory_space<vmem>>) semaphore(%arg17 : memref<!tpu.dma_semaphore, #tpu.memory_space<semaphore_mem>>)
      %dma_wait3A_48 = arith.constant 0 : i32
      %dma_wait3A_49 = arith.constant 0 : i32
      %dma_wait3A_50 = tpu.memref_slice %arg2[%dma_wait3A_48, %dma_wait3A_49] : memref<10000x128xf32, #tpu.memory_space<hbm>> -> memref<80x128xf32, #tpu.memory_space<hbm>>
      %dma_wait3A_51 = arith.constant 0 : i32
      %dma_wait3A_52 = arith.constant 0 : i32
      %dma_wait3A_53 = tpu.memref_slice %arg2[%dma_wait3A_51, %dma_wait3A_52] : memref<10000x128xf32, #tpu.memory_space<hbm>> -> memref<80x128xf32, #tpu.memory_space<hbm>>
      tpu.wait_dma2 semaphore(%arg14 : memref<!tpu.dma_semaphore, #tpu.memory_space<semaphore_mem>>) src(%dma_wait3A_53 : memref<80x128xf32, #tpu.memory_space<hbm>>) dst(%arg10 : memref<80x128xf32, #tpu.memory_space<vmem>>)
      %dma_wait3A_54 = arith.constant 0 : i32
      %dma_wait3A_55 = arith.constant 0 : i32
      %dma_wait3A_56 = tpu.memref_slice %arg2[%dma_wait3A_54, %dma_wait3A_55] : memref<10000x128xf32, #tpu.memory_space<hbm>> -> memref<80x128xf32, #tpu.memory_space<hbm>>
      %dma_wait3A_57 = arith.constant 0 : i32
      %dma_wait3A_58 = arith.constant 0 : i32
      %dma_wait3A_59 = tpu.memref_slice %arg2[%dma_wait3A_57, %dma_wait3A_58] : memref<10000x128xf32, #tpu.memory_space<hbm>> -> memref<80x128xf32, #tpu.memory_space<hbm>>
      tpu.wait_dma2 semaphore(%arg15 : memref<!tpu.dma_semaphore, #tpu.memory_space<semaphore_mem>>) src(%dma_wait3A_59 : memref<80x128xf32, #tpu.memory_space<hbm>>) dst(%arg11 : memref<80x128xf32, #tpu.memory_space<vmem>>)
      %mul3A_60 = arith.constant 80 : i32
      %mul3A_61 = arith.muli %mul3A_35, %mul3A_60 : i32
      %add3A_62 = arith.addi %mul3A_2, %mul3A_61 : i32
      "tpu.region"() ({
        %run_scoped3A = tpu.sem_alloc : memref<!tpu.dma_semaphore, #tpu.memory_space<semaphore_mem>>
        %dma_start3A_92 = arith.constant 0 : i32
        %dma_start3A_93 = tpu.memref_slice %arg6[%add3A_62, %dma_start3A_92] : memref<320000x128xf32, #tpu.memory_space<hbm>> -> memref<80x128xf32, #tpu.memory_space<hbm>>
        %dma_start3A_94 = arith.constant 0 : i32
        %dma_start3A_95 = tpu.memref_slice %arg6[%add3A_62, %dma_start3A_94] : memref<320000x128xf32, #tpu.memory_space<hbm>> -> memref<80x128xf32, #tpu.memory_space<hbm>>
        tpu.enqueue_dma source(%arg10 : memref<80x128xf32, #tpu.memory_space<vmem>>) target(%dma_start3A_95 : memref<80x128xf32, #tpu.memory_space<hbm>>) target_semaphore(%run_scoped3A : memref<!tpu.dma_semaphore, #tpu.memory_space<semaphore_mem>>)
        %dma_wait3A_96 = arith.constant 0 : i32
        %dma_wait3A_97 = tpu.memref_slice %arg6[%add3A_62, %dma_wait3A_96] : memref<320000x128xf32, #tpu.memory_space<hbm>> -> memref<80x128xf32, #tpu.memory_space<hbm>>
        %dma_wait3A_98 = arith.constant 0 : i32
        %dma_wait3A_99 = tpu.memref_slice %arg6[%add3A_62, %dma_wait3A_98] : memref<320000x128xf32, #tpu.memory_space<hbm>> -> memref<80x128xf32, #tpu.memory_space<hbm>>
        tpu.wait_dma2 semaphore(%run_scoped3A : memref<!tpu.dma_semaphore, #tpu.memory_space<semaphore_mem>>) src(%arg10 : memref<80x128xf32, #tpu.memory_space<vmem>>) dst(%dma_wait3A_99 : memref<80x128xf32, #tpu.memory_space<hbm>>)
        tpu.yield
      }) : () -> ()
      "tpu.region"() ({
        %run_scoped3A = tpu.sem_alloc : memref<!tpu.dma_semaphore, #tpu.memory_space<semaphore_mem>>
        %dma_start3A_92 = arith.constant 0 : i32
        %dma_start3A_93 = tpu.memref_slice %arg7[%add3A_62, %dma_start3A_92] : memref<320000x128xf32, #tpu.memory_space<hbm>> -> memref<80x128xf32, #tpu.memory_space<hbm>>
        %dma_start3A_94 = arith.constant 0 : i32
        %dma_start3A_95 = tpu.memref_slice %arg7[%add3A_62, %dma_start3A_94] : memref<320000x128xf32, #tpu.memory_space<hbm>> -> memref<80x128xf32, #tpu.memory_space<hbm>>
        tpu.enqueue_dma source(%arg11 : memref<80x128xf32, #tpu.memory_space<vmem>>) target(%dma_start3A_95 : memref<80x128xf32, #tpu.memory_space<hbm>>) target_semaphore(%run_scoped3A : memref<!tpu.dma_semaphore, #tpu.memory_space<semaphore_mem>>)
        %dma_wait3A_96 = arith.constant 0 : i32
        %dma_wait3A_97 = tpu.memref_slice %arg7[%add3A_62, %dma_wait3A_96] : memref<320000x128xf32, #tpu.memory_space<hbm>> -> memref<80x128xf32, #tpu.memory_space<hbm>>
        %dma_wait3A_98 = arith.constant 0 : i32
        %dma_wait3A_99 = tpu.memref_slice %arg7[%add3A_62, %dma_wait3A_98] : memref<320000x128xf32, #tpu.memory_space<hbm>> -> memref<80x128xf32, #tpu.memory_space<hbm>>
        tpu.wait_dma2 semaphore(%run_scoped3A : memref<!tpu.dma_semaphore, #tpu.memory_space<semaphore_mem>>) src(%arg11 : memref<80x128xf32, #tpu.memory_space<vmem>>) dst(%dma_wait3A_99 : memref<80x128xf32, #tpu.memory_space<hbm>>)
        tpu.yield
      }) : () -> ()
      %add3A_63 = arith.constant 2 : i32
      %add3A_64 = arith.addi %mul3A_35, %add3A_63 : i32
      %mul3A_65 = arith.constant 80 : i32
      %mul3A_66 = arith.muli %add3A_64, %mul3A_65 : i32
      %dma_start3A_67 = tpu.memref_slice %arg8[%mul3A_66] : memref<10000xi32, #tpu.memory_space<vmem>> -> memref<80xi32, #tpu.memory_space<vmem>>
      %dma_start3A_68 = arith.constant 0 : i32
      %dma_start3A_69 = arith.constant 0 : i32
      %dma_start3A_70 = tpu.memref_slice %arg2[%dma_start3A_68, %dma_start3A_69] : memref<10000x128xf32, #tpu.memory_space<hbm>> -> memref<10000x128xf32, #tpu.memory_space<hbm>>
      tpu.enqueue_indirect_dma source(%dma_start3A_70 : memref<10000x128xf32, #tpu.memory_space<hbm>>) target(%arg10 : memref<80x128xf32, #tpu.memory_space<vmem>>) offsets(%dma_start3A_67 : memref<80xi32, #tpu.memory_space<vmem>>) semaphore(%arg14 : memref<!tpu.dma_semaphore, #tpu.memory_space<semaphore_mem>>)
      %dma_start3A_71 = tpu.memref_slice %arg9[%mul3A_66] : memref<10000xi32, #tpu.memory_space<vmem>> -> memref<80xi32, #tpu.memory_space<vmem>>
      %dma_start3A_72 = arith.constant 0 : i32
      %dma_start3A_73 = arith.constant 0 : i32
      %dma_start3A_74 = tpu.memref_slice %arg3[%dma_start3A_72, %dma_start3A_73] : memref<10000x128xf32, #tpu.memory_space<hbm>> -> memref<10000x128xf32, #tpu.memory_space<hbm>>
      tpu.enqueue_indirect_dma source(%dma_start3A_74 : memref<10000x128xf32, #tpu.memory_space<hbm>>) target(%arg11 : memref<80x128xf32, #tpu.memory_space<vmem>>) offsets(%dma_start3A_71 : memref<80xi32, #tpu.memory_space<vmem>>) semaphore(%arg15 : memref<!tpu.dma_semaphore, #tpu.memory_space<semaphore_mem>>)
      %add3A_75 = arith.constant 1 : i32
      %add3A_76 = arith.addi %mul3A_35, %add3A_75 : i32
      %dma_wait3A_77 = arith.constant 0 : i32
      %dma_wait3A_78 = arith.constant 0 : i32
      %dma_wait3A_79 = tpu.memref_slice %arg2[%dma_wait3A_77, %dma_wait3A_78] : memref<10000x128xf32, #tpu.memory_space<hbm>> -> memref<80x128xf32, #tpu.memory_space<hbm>>
      %dma_wait3A_80 = arith.constant 0 : i32
      %dma_wait3A_81 = arith.constant 0 : i32
      %dma_wait3A_82 = tpu.memref_slice %arg2[%dma_wait3A_80, %dma_wait3A_81] : memref<10000x128xf32, #tpu.memory_space<hbm>> -> memref<80x128xf32, #tpu.memory_space<hbm>>
      tpu.wait_dma2 semaphore(%arg16 : memref<!tpu.dma_semaphore, #tpu.memory_space<semaphore_mem>>) src(%dma_wait3A_82 : memref<80x128xf32, #tpu.memory_space<hbm>>) dst(%arg12 : memref<80x128xf32, #tpu.memory_space<vmem>>)
      %dma_wait3A_83 = arith.constant 0 : i32
      %dma_wait3A_84 = arith.constant 0 : i32
      %dma_wait3A_85 = tpu.memref_slice %arg2[%dma_wait3A_83, %dma_wait3A_84] : memref<10000x128xf32, #tpu.memory_space<hbm>> -> memref<80x128xf32, #tpu.memory_space<hbm>>
      %dma_wait3A_86 = arith.constant 0 : i32
      %dma_wait3A_87 = arith.constant 0 : i32
      %dma_wait3A_88 = tpu.memref_slice %arg2[%dma_wait3A_86, %dma_wait3A_87] : memref<10000x128xf32, #tpu.memory_space<hbm>> -> memref<80x128xf32, #tpu.memory_space<hbm>>
      tpu.wait_dma2 semaphore(%arg17 : memref<!tpu.dma_semaphore, #tpu.memory_space<semaphore_mem>>) src(%dma_wait3A_88 : memref<80x128xf32, #tpu.memory_space<hbm>>) dst(%arg13 : memref<80x128xf32, #tpu.memory_space<vmem>>)
      %mul3A_89 = arith.constant 80 : i32
      %mul3A_90 = arith.muli %add3A_76, %mul3A_89 : i32
      %add3A_91 = arith.addi %mul3A_2, %mul3A_90 : i32
      "tpu.region"() ({
        %run_scoped3A = tpu.sem_alloc : memref<!tpu.dma_semaphore, #tpu.memory_space<semaphore_mem>>
        %dma_start3A_92 = arith.constant 0 : i32
        %dma_start3A_93 = tpu.memref_slice %arg6[%add3A_91, %dma_start3A_92] : memref<320000x128xf32, #tpu.memory_space<hbm>> -> memref<80x128xf32, #tpu.memory_space<hbm>>
        %dma_start3A_94 = arith.constant 0 : i32
        %dma_start3A_95 = tpu.memref_slice %arg6[%add3A_91, %dma_start3A_94] : memref<320000x128xf32, #tpu.memory_space<hbm>> -> memref<80x128xf32, #tpu.memory_space<hbm>>
        tpu.enqueue_dma source(%arg12 : memref<80x128xf32, #tpu.memory_space<vmem>>) target(%dma_start3A_95 : memref<80x128xf32, #tpu.memory_space<hbm>>) target_semaphore(%run_scoped3A : memref<!tpu.dma_semaphore, #tpu.memory_space<semaphore_mem>>)
        %dma_wait3A_96 = arith.constant 0 : i32
        %dma_wait3A_97 = tpu.memref_slice %arg6[%add3A_91, %dma_wait3A_96] : memref<320000x128xf32, #tpu.memory_space<hbm>> -> memref<80x128xf32, #tpu.memory_space<hbm>>
        %dma_wait3A_98 = arith.constant 0 : i32
        %dma_wait3A_99 = tpu.memref_slice %arg6[%add3A_91, %dma_wait3A_98] : memref<320000x128xf32, #tpu.memory_space<hbm>> -> memref<80x128xf32, #tpu.memory_space<hbm>>
        tpu.wait_dma2 semaphore(%run_scoped3A : memref<!tpu.dma_semaphore, #tpu.memory_space<semaphore_mem>>) src(%arg12 : memref<80x128xf32, #tpu.memory_space<vmem>>) dst(%dma_wait3A_99 : memref<80x128xf32, #tpu.memory_space<hbm>>)
        tpu.yield
      }) : () -> ()
      "tpu.region"() ({
        %run_scoped3A = tpu.sem_alloc : memref<!tpu.dma_semaphore, #tpu.memory_space<semaphore_mem>>
        %dma_start3A_92 = arith.constant 0 : i32
        %dma_start3A_93 = tpu.memref_slice %arg7[%add3A_91, %dma_start3A_92] : memref<320000x128xf32, #tpu.memory_space<hbm>> -> memref<80x128xf32, #tpu.memory_space<hbm>>
        %dma_start3A_94 = arith.constant 0 : i32
        %dma_start3A_95 = tpu.memref_slice %arg7[%add3A_91, %dma_start3A_94] : memref<320000x128xf32, #tpu.memory_space<hbm>> -> memref<80x128xf32, #tpu.memory_space<hbm>>
        tpu.enqueue_dma source(%arg13 : memref<80x128xf32, #tpu.memory_space<vmem>>) target(%dma_start3A_95 : memref<80x128xf32, #tpu.memory_space<hbm>>) target_semaphore(%run_scoped3A : memref<!tpu.dma_semaphore, #tpu.memory_space<semaphore_mem>>)
        %dma_wait3A_96 = arith.constant 0 : i32
        %dma_wait3A_97 = tpu.memref_slice %arg7[%add3A_91, %dma_wait3A_96] : memref<320000x128xf32, #tpu.memory_space<hbm>> -> memref<80x128xf32, #tpu.memory_space<hbm>>
        %dma_wait3A_98 = arith.constant 0 : i32
        %dma_wait3A_99 = tpu.memref_slice %arg7[%add3A_91, %dma_wait3A_98] : memref<320000x128xf32, #tpu.memory_space<hbm>> -> memref<80x128xf32, #tpu.memory_space<hbm>>
        tpu.wait_dma2 semaphore(%run_scoped3A : memref<!tpu.dma_semaphore, #tpu.memory_space<semaphore_mem>>) src(%arg13 : memref<80x128xf32, #tpu.memory_space<vmem>>) dst(%dma_wait3A_99 : memref<80x128xf32, #tpu.memory_space<hbm>>)
        tpu.yield
      }) : () -> ()
    }
    %scan3A_15 = arith.constant 62 : i32
    %dma_wait3A = arith.constant 0 : i32
    %dma_wait3A_16 = arith.constant 0 : i32
    %dma_wait3A_17 = tpu.memref_slice %arg2[%dma_wait3A, %dma_wait3A_16] : memref<10000x128xf32, #tpu.memory_space<hbm>> -> memref<80x128xf32, #tpu.memory_space<hbm>>
    %dma_wait3A_18 = arith.constant 0 : i32
    %dma_wait3A_19 = arith.constant 0 : i32
    %dma_wait3A_20 = tpu.memref_slice %arg2[%dma_wait3A_18, %dma_wait3A_19] : memref<10000x128xf32, #tpu.memory_space<hbm>> -> memref<80x128xf32, #tpu.memory_space<hbm>>
    tpu.wait_dma2 semaphore(%arg14 : memref<!tpu.dma_semaphore, #tpu.memory_space<semaphore_mem>>) src(%dma_wait3A_20 : memref<80x128xf32, #tpu.memory_space<hbm>>) dst(%arg10 : memref<80x128xf32, #tpu.memory_space<vmem>>)
    %dma_wait3A_21 = arith.constant 0 : i32
    %dma_wait3A_22 = arith.constant 0 : i32
    %dma_wait3A_23 = tpu.memref_slice %arg2[%dma_wait3A_21, %dma_wait3A_22] : memref<10000x128xf32, #tpu.memory_space<hbm>> -> memref<80x128xf32, #tpu.memory_space<hbm>>
    %dma_wait3A_24 = arith.constant 0 : i32
    %dma_wait3A_25 = arith.constant 0 : i32
    %dma_wait3A_26 = tpu.memref_slice %arg2[%dma_wait3A_24, %dma_wait3A_25] : memref<10000x128xf32, #tpu.memory_space<hbm>> -> memref<80x128xf32, #tpu.memory_space<hbm>>
    tpu.wait_dma2 semaphore(%arg15 : memref<!tpu.dma_semaphore, #tpu.memory_space<semaphore_mem>>) src(%dma_wait3A_26 : memref<80x128xf32, #tpu.memory_space<hbm>>) dst(%arg11 : memref<80x128xf32, #tpu.memory_space<vmem>>)
    %add3A_27 = arith.constant 9920 : i32
    %add3A_28 = arith.addi %mul3A_2, %add3A_27 : i32
    "tpu.region"() ({
      %run_scoped3A = tpu.sem_alloc : memref<!tpu.dma_semaphore, #tpu.memory_space<semaphore_mem>>
      %dma_start3A_29 = arith.constant 0 : i32
      %dma_start3A_30 = tpu.memref_slice %arg6[%add3A_28, %dma_start3A_29] : memref<320000x128xf32, #tpu.memory_space<hbm>> -> memref<80x128xf32, #tpu.memory_space<hbm>>
      %dma_start3A_31 = arith.constant 0 : i32
      %dma_start3A_32 = tpu.memref_slice %arg6[%add3A_28, %dma_start3A_31] : memref<320000x128xf32, #tpu.memory_space<hbm>> -> memref<80x128xf32, #tpu.memory_space<hbm>>
      tpu.enqueue_dma source(%arg10 : memref<80x128xf32, #tpu.memory_space<vmem>>) target(%dma_start3A_32 : memref<80x128xf32, #tpu.memory_space<hbm>>) target_semaphore(%run_scoped3A : memref<!tpu.dma_semaphore, #tpu.memory_space<semaphore_mem>>)
      %dma_wait3A_33 = arith.constant 0 : i32
      %dma_wait3A_34 = tpu.memref_slice %arg6[%add3A_28, %dma_wait3A_33] : memref<320000x128xf32, #tpu.memory_space<hbm>> -> memref<80x128xf32, #tpu.memory_space<hbm>>
      %dma_wait3A_35 = arith.constant 0 : i32
      %dma_wait3A_36 = tpu.memref_slice %arg6[%add3A_28, %dma_wait3A_35] : memref<320000x128xf32, #tpu.memory_space<hbm>> -> memref<80x128xf32, #tpu.memory_space<hbm>>
      tpu.wait_dma2 semaphore(%run_scoped3A : memref<!tpu.dma_semaphore, #tpu.memory_space<semaphore_mem>>) src(%arg10 : memref<80x128xf32, #tpu.memory_space<vmem>>) dst(%dma_wait3A_36 : memref<80x128xf32, #tpu.memory_space<hbm>>)
      tpu.yield
    }) : () -> ()
    "tpu.region"() ({
      %run_scoped3A = tpu.sem_alloc : memref<!tpu.dma_semaphore, #tpu.memory_space<semaphore_mem>>
      %dma_start3A_29 = arith.constant 0 : i32
      %dma_start3A_30 = tpu.memref_slice %arg7[%add3A_28, %dma_start3A_29] : memref<320000x128xf32, #tpu.memory_space<hbm>> -> memref<80x128xf32, #tpu.memory_space<hbm>>
      %dma_start3A_31 = arith.constant 0 : i32
      %dma_start3A_32 = tpu.memref_slice %arg7[%add3A_28, %dma_start3A_31] : memref<320000x128xf32, #tpu.memory_space<hbm>> -> memref<80x128xf32, #tpu.memory_space<hbm>>
      tpu.enqueue_dma source(%arg11 : memref<80x128xf32, #tpu.memory_space<vmem>>) target(%dma_start3A_32 : memref<80x128xf32, #tpu.memory_space<hbm>>) target_semaphore(%run_scoped3A : memref<!tpu.dma_semaphore, #tpu.memory_space<semaphore_mem>>)
      %dma_wait3A_33 = arith.constant 0 : i32
      %dma_wait3A_34 = tpu.memref_slice %arg7[%add3A_28, %dma_wait3A_33] : memref<320000x128xf32, #tpu.memory_space<hbm>> -> memref<80x128xf32, #tpu.memory_space<hbm>>
      %dma_wait3A_35 = arith.constant 0 : i32
      %dma_wait3A_36 = tpu.memref_slice %arg7[%add3A_28, %dma_wait3A_35] : memref<320000x128xf32, #tpu.memory_space<hbm>> -> memref<80x128xf32, #tpu.memory_space<hbm>>
      tpu.wait_dma2 semaphore(%run_scoped3A : memref<!tpu.dma_semaphore, #tpu.memory_space<semaphore_mem>>) src(%arg11 : memref<80x128xf32, #tpu.memory_space<vmem>>) dst(%dma_wait3A_36 : memref<80x128xf32, #tpu.memory_space<hbm>>)
      tpu.yield
    }) : () -> ()
    return
  }
}

#map = affine_map<(d0, d1) -> (0, 0)>
#map1 = affine_map<(d0, d1) -> (0)>
#map2 = affine_map<(d0, d1) -> (0, 0, 0)>
module attributes {stable_mosaic.version = 14 : i64} {
  func.func @k(%arg0: i32, %arg1: i32, %arg2: memref<320000x128xf32, #tpu.memory_space<hbm>>, %arg3: memref<320000xi32, #tpu.memory_space<hbm>>, %arg4: memref<10240x128xf32, #tpu.memory_space<hbm>>, %arg5: memref<2x10240x128xf32, #tpu.memory_space<hbm>>, %arg6: memref<80xi32, #tpu.memory_space<vmem>>, %arg7: memref<80xi32, #tpu.memory_space<vmem>>, %arg8: memref<80x128xf32, #tpu.memory_space<vmem>>, %arg9: memref<80x128xf32, #tpu.memory_space<vmem>>, %arg10: memref<10240x128xf32, #tpu.memory_space<vmem_shared>>, %arg11: memref<!tpu.dma_semaphore, #tpu.memory_space<semaphore_mem>>, %arg12: memref<!tpu.dma_semaphore, #tpu.memory_space<semaphore_mem>>) attributes {dimension_semantics = [#tpu.dimension_semantics<core_parallel>, #tpu.dimension_semantics<subcore_parallel>], iteration_bounds = array<i64: 2, 16>, scalar_prefetch = 0 : i64, scratch_operands = 7 : i64, tpu.core_type = #tpu.core_type<sc_vector_subcore>, window_params = [{transform_indices = #map}, {transform_indices = #map1}, {transform_indices = #map}, {transform_indices = #map2}]} {
    %mul3A = arith.constant 640 : i32
    %mul3A_0 = arith.muli %arg1, %mul3A : i32
    %mul3A_1 = arith.constant 640 : i32
    %mul3A_2 = arith.muli %arg1, %mul3A_1 : i32
    "tpu.region"() ({
      %run_scoped3A = tpu.sem_alloc : memref<!tpu.dma_semaphore, #tpu.memory_space<semaphore_mem>>
      %dma_start3A_26 = arith.constant 0 : i32
      %dma_start3A_27 = tpu.memref_slice %arg10[%mul3A_2, %dma_start3A_26] : memref<10240x128xf32, #tpu.memory_space<vmem_shared>> -> memref<640x128xf32, #tpu.memory_space<vmem_shared>>
      %dma_start3A_28 = arith.constant 0 : i32
      %dma_start3A_29 = tpu.memref_slice %arg4[%mul3A_0, %dma_start3A_28] : memref<10240x128xf32, #tpu.memory_space<hbm>> -> memref<640x128xf32, #tpu.memory_space<hbm>>
      tpu.enqueue_dma source(%dma_start3A_29 : memref<640x128xf32, #tpu.memory_space<hbm>>) target(%dma_start3A_27 : memref<640x128xf32, #tpu.memory_space<vmem_shared>>) target_semaphore(%run_scoped3A : memref<!tpu.dma_semaphore, #tpu.memory_space<semaphore_mem>>)
      %dma_wait3A_30 = arith.constant 0 : i32
      %dma_wait3A_31 = tpu.memref_slice %arg10[%mul3A_2, %dma_wait3A_30] : memref<10240x128xf32, #tpu.memory_space<vmem_shared>> -> memref<640x128xf32, #tpu.memory_space<vmem_shared>>
      %dma_wait3A_32 = arith.constant 0 : i32
      %dma_wait3A_33 = tpu.memref_slice %arg4[%mul3A_0, %dma_wait3A_32] : memref<10240x128xf32, #tpu.memory_space<hbm>> -> memref<640x128xf32, #tpu.memory_space<hbm>>
      tpu.wait_dma2 semaphore(%run_scoped3A : memref<!tpu.dma_semaphore, #tpu.memory_space<semaphore_mem>>) src(%dma_wait3A_33 : memref<640x128xf32, #tpu.memory_space<hbm>>) dst(%dma_wait3A_31 : memref<640x128xf32, #tpu.memory_space<vmem_shared>>)
      tpu.yield
    }) : () -> ()
    %barrier3A = arith.constant 0 : index
    tpu.barrier barrier_id(%barrier3A)
    %mul3A_3 = arith.constant 16 : i32
    %mul3A_4 = arith.muli %arg0, %mul3A_3 : i32
    %add3A = arith.addi %mul3A_4, %arg1 : i32
    %mul3A_5 = arith.constant 10000 : i32
    %mul3A_6 = arith.muli %add3A, %mul3A_5 : i32
    %add3A_7 = arith.constant 0 : i32
    %add3A_8 = arith.addi %mul3A_6, %add3A_7 : i32
    "tpu.region"() ({
      %run_scoped3A = tpu.sem_alloc : memref<!tpu.dma_semaphore, #tpu.memory_space<semaphore_mem>>
      %dma_start3A_26 = tpu.memref_slice %arg3[%add3A_8] : memref<320000xi32, #tpu.memory_space<hbm>> -> memref<80xi32, #tpu.memory_space<hbm>>
      %dma_start3A_27 = tpu.memref_slice %arg3[%add3A_8] : memref<320000xi32, #tpu.memory_space<hbm>> -> memref<80xi32, #tpu.memory_space<hbm>>
      tpu.enqueue_dma source(%dma_start3A_27 : memref<80xi32, #tpu.memory_space<hbm>>) target(%arg6 : memref<80xi32, #tpu.memory_space<vmem>>) target_semaphore(%run_scoped3A : memref<!tpu.dma_semaphore, #tpu.memory_space<semaphore_mem>>)
      %dma_wait3A_28 = tpu.memref_slice %arg3[%add3A_8] : memref<320000xi32, #tpu.memory_space<hbm>> -> memref<80xi32, #tpu.memory_space<hbm>>
      %dma_wait3A_29 = tpu.memref_slice %arg3[%add3A_8] : memref<320000xi32, #tpu.memory_space<hbm>> -> memref<80xi32, #tpu.memory_space<hbm>>
      tpu.wait_dma2 semaphore(%run_scoped3A : memref<!tpu.dma_semaphore, #tpu.memory_space<semaphore_mem>>) src(%dma_wait3A_29 : memref<80xi32, #tpu.memory_space<hbm>>) dst(%arg6 : memref<80xi32, #tpu.memory_space<vmem>>)
      tpu.yield
    }) : () -> ()
    %dma_start3A = arith.constant 0 : i32
    %dma_start3A_9 = tpu.memref_slice %arg2[%add3A_8, %dma_start3A] : memref<320000x128xf32, #tpu.memory_space<hbm>> -> memref<80x128xf32, #tpu.memory_space<hbm>>
    %dma_start3A_10 = arith.constant 0 : i32
    %dma_start3A_11 = tpu.memref_slice %arg2[%add3A_8, %dma_start3A_10] : memref<320000x128xf32, #tpu.memory_space<hbm>> -> memref<80x128xf32, #tpu.memory_space<hbm>>
    tpu.enqueue_dma source(%dma_start3A_11 : memref<80x128xf32, #tpu.memory_space<hbm>>) target(%arg8 : memref<80x128xf32, #tpu.memory_space<vmem>>) target_semaphore(%arg11 : memref<!tpu.dma_semaphore, #tpu.memory_space<semaphore_mem>>)
    %scan3A = arith.constant 0 : i32
    %scan3A_12 = arith.constant 62 : i32
    %scan3A_13 = arith.addi %scan3A, %scan3A_12 : i32
    %scan3A_14 = arith.constant 1 : i32
    scf.for %scan3A_26 = %scan3A to %scan3A_13 step %scan3A_14  : i32 {
      %mul3A_27 = arith.constant 1 : i32
      %mul3A_28 = arith.muli %scan3A_26, %mul3A_27 : i32
      %add3A_29 = arith.constant 0 : i32
      %add3A_30 = arith.addi %add3A_29, %mul3A_28 : i32
      %mul3A_31 = arith.constant 2 : i32
      %mul3A_32 = arith.muli %mul3A_31, %add3A_30 : i32
      %add3A_33 = arith.constant 1 : i32
      %add3A_34 = arith.addi %mul3A_32, %add3A_33 : i32
      %mul3A_35 = arith.constant 80 : i32
      %mul3A_36 = arith.muli %add3A_34, %mul3A_35 : i32
      %add3A_37 = arith.addi %mul3A_6, %mul3A_36 : i32
      "tpu.region"() ({
        %run_scoped3A = tpu.sem_alloc : memref<!tpu.dma_semaphore, #tpu.memory_space<semaphore_mem>>
        %dma_start3A_65 = tpu.memref_slice %arg3[%add3A_37] : memref<320000xi32, #tpu.memory_space<hbm>> -> memref<80xi32, #tpu.memory_space<hbm>>
        %dma_start3A_66 = tpu.memref_slice %arg3[%add3A_37] : memref<320000xi32, #tpu.memory_space<hbm>> -> memref<80xi32, #tpu.memory_space<hbm>>
        tpu.enqueue_dma source(%dma_start3A_66 : memref<80xi32, #tpu.memory_space<hbm>>) target(%arg7 : memref<80xi32, #tpu.memory_space<vmem>>) target_semaphore(%run_scoped3A : memref<!tpu.dma_semaphore, #tpu.memory_space<semaphore_mem>>)
        %dma_wait3A_67 = tpu.memref_slice %arg3[%add3A_37] : memref<320000xi32, #tpu.memory_space<hbm>> -> memref<80xi32, #tpu.memory_space<hbm>>
        %dma_wait3A_68 = tpu.memref_slice %arg3[%add3A_37] : memref<320000xi32, #tpu.memory_space<hbm>> -> memref<80xi32, #tpu.memory_space<hbm>>
        tpu.wait_dma2 semaphore(%run_scoped3A : memref<!tpu.dma_semaphore, #tpu.memory_space<semaphore_mem>>) src(%dma_wait3A_68 : memref<80xi32, #tpu.memory_space<hbm>>) dst(%arg7 : memref<80xi32, #tpu.memory_space<vmem>>)
        tpu.yield
      }) : () -> ()
      %dma_start3A_38 = arith.constant 0 : i32
      %dma_start3A_39 = tpu.memref_slice %arg2[%add3A_37, %dma_start3A_38] : memref<320000x128xf32, #tpu.memory_space<hbm>> -> memref<80x128xf32, #tpu.memory_space<hbm>>
      %dma_start3A_40 = arith.constant 0 : i32
      %dma_start3A_41 = tpu.memref_slice %arg2[%add3A_37, %dma_start3A_40] : memref<320000x128xf32, #tpu.memory_space<hbm>> -> memref<80x128xf32, #tpu.memory_space<hbm>>
      tpu.enqueue_dma source(%dma_start3A_41 : memref<80x128xf32, #tpu.memory_space<hbm>>) target(%arg9 : memref<80x128xf32, #tpu.memory_space<vmem>>) target_semaphore(%arg12 : memref<!tpu.dma_semaphore, #tpu.memory_space<semaphore_mem>>)
      %dma_wait3A_42 = arith.constant 0 : i32
      %dma_wait3A_43 = arith.constant 0 : i32
      %dma_wait3A_44 = tpu.memref_slice %arg2[%dma_wait3A_42, %dma_wait3A_43] : memref<320000x128xf32, #tpu.memory_space<hbm>> -> memref<80x128xf32, #tpu.memory_space<hbm>>
      %dma_wait3A_45 = arith.constant 0 : i32
      %dma_wait3A_46 = arith.constant 0 : i32
      %dma_wait3A_47 = tpu.memref_slice %arg2[%dma_wait3A_45, %dma_wait3A_46] : memref<320000x128xf32, #tpu.memory_space<hbm>> -> memref<80x128xf32, #tpu.memory_space<hbm>>
      tpu.wait_dma2 semaphore(%arg11 : memref<!tpu.dma_semaphore, #tpu.memory_space<semaphore_mem>>) src(%dma_wait3A_47 : memref<80x128xf32, #tpu.memory_space<hbm>>) dst(%arg8 : memref<80x128xf32, #tpu.memory_space<vmem>>)
      "tpu.region"() ({
        %run_scoped3A = tpu.sem_alloc : memref<!tpu.dma_semaphore, #tpu.memory_space<semaphore_mem>>
        %dma_start3A_65 = arith.constant 0 : i32
        %dma_start3A_66 = arith.constant 0 : i32
        %dma_start3A_67 = tpu.memref_slice %arg10[%dma_start3A_65, %dma_start3A_66] : memref<10240x128xf32, #tpu.memory_space<vmem_shared>> -> memref<10240x128xf32, #tpu.memory_space<vmem_shared>>
        tpu.enqueue_indirect_dma source(%arg8 : memref<80x128xf32, #tpu.memory_space<vmem>>) target(%dma_start3A_67 : memref<10240x128xf32, #tpu.memory_space<vmem_shared>>) offsets(%arg6 : memref<80xi32, #tpu.memory_space<vmem>>) semaphore(%run_scoped3A : memref<!tpu.dma_semaphore, #tpu.memory_space<semaphore_mem>>) {add = true}
        %dma_wait3A_68 = arith.constant 0 : i32
        %dma_wait3A_69 = arith.constant 0 : i32
        %dma_wait3A_70 = tpu.memref_slice %arg10[%dma_wait3A_68, %dma_wait3A_69] : memref<10240x128xf32, #tpu.memory_space<vmem_shared>> -> memref<10240x128xf32, #tpu.memory_space<vmem_shared>>
        tpu.wait_indirect_dma semaphore(%run_scoped3A : memref<!tpu.dma_semaphore, #tpu.memory_space<semaphore_mem>>) src(%arg8 : memref<80x128xf32, #tpu.memory_space<vmem>>) dst(%dma_wait3A_70 : memref<10240x128xf32, #tpu.memory_space<vmem_shared>>)
        tpu.yield
      }) : () -> ()
      %add3A_48 = arith.constant 2 : i32
      %add3A_49 = arith.addi %mul3A_32, %add3A_48 : i32
      %mul3A_50 = arith.constant 80 : i32
      %mul3A_51 = arith.muli %add3A_49, %mul3A_50 : i32
      %add3A_52 = arith.addi %mul3A_6, %mul3A_51 : i32
      "tpu.region"() ({
        %run_scoped3A = tpu.sem_alloc : memref<!tpu.dma_semaphore, #tpu.memory_space<semaphore_mem>>
        %dma_start3A_65 = tpu.memref_slice %arg3[%add3A_52] : memref<320000xi32, #tpu.memory_space<hbm>> -> memref<80xi32, #tpu.memory_space<hbm>>
        %dma_start3A_66 = tpu.memref_slice %arg3[%add3A_52] : memref<320000xi32, #tpu.memory_space<hbm>> -> memref<80xi32, #tpu.memory_space<hbm>>
        tpu.enqueue_dma source(%dma_start3A_66 : memref<80xi32, #tpu.memory_space<hbm>>) target(%arg6 : memref<80xi32, #tpu.memory_space<vmem>>) target_semaphore(%run_scoped3A : memref<!tpu.dma_semaphore, #tpu.memory_space<semaphore_mem>>)
        %dma_wait3A_67 = tpu.memref_slice %arg3[%add3A_52] : memref<320000xi32, #tpu.memory_space<hbm>> -> memref<80xi32, #tpu.memory_space<hbm>>
        %dma_wait3A_68 = tpu.memref_slice %arg3[%add3A_52] : memref<320000xi32, #tpu.memory_space<hbm>> -> memref<80xi32, #tpu.memory_space<hbm>>
        tpu.wait_dma2 semaphore(%run_scoped3A : memref<!tpu.dma_semaphore, #tpu.memory_space<semaphore_mem>>) src(%dma_wait3A_68 : memref<80xi32, #tpu.memory_space<hbm>>) dst(%arg6 : memref<80xi32, #tpu.memory_space<vmem>>)
        tpu.yield
      }) : () -> ()
      %dma_start3A_53 = arith.constant 0 : i32
      %dma_start3A_54 = tpu.memref_slice %arg2[%add3A_52, %dma_start3A_53] : memref<320000x128xf32, #tpu.memory_space<hbm>> -> memref<80x128xf32, #tpu.memory_space<hbm>>
      %dma_start3A_55 = arith.constant 0 : i32
      %dma_start3A_56 = tpu.memref_slice %arg2[%add3A_52, %dma_start3A_55] : memref<320000x128xf32, #tpu.memory_space<hbm>> -> memref<80x128xf32, #tpu.memory_space<hbm>>
      tpu.enqueue_dma source(%dma_start3A_56 : memref<80x128xf32, #tpu.memory_space<hbm>>) target(%arg8 : memref<80x128xf32, #tpu.memory_space<vmem>>) target_semaphore(%arg11 : memref<!tpu.dma_semaphore, #tpu.memory_space<semaphore_mem>>)
      %add3A_57 = arith.constant 1 : i32
      %add3A_58 = arith.addi %mul3A_32, %add3A_57 : i32
      %dma_wait3A_59 = arith.constant 0 : i32
      %dma_wait3A_60 = arith.constant 0 : i32
      %dma_wait3A_61 = tpu.memref_slice %arg2[%dma_wait3A_59, %dma_wait3A_60] : memref<320000x128xf32, #tpu.memory_space<hbm>> -> memref<80x128xf32, #tpu.memory_space<hbm>>
      %dma_wait3A_62 = arith.constant 0 : i32
      %dma_wait3A_63 = arith.constant 0 : i32
      %dma_wait3A_64 = tpu.memref_slice %arg2[%dma_wait3A_62, %dma_wait3A_63] : memref<320000x128xf32, #tpu.memory_space<hbm>> -> memref<80x128xf32, #tpu.memory_space<hbm>>
      tpu.wait_dma2 semaphore(%arg12 : memref<!tpu.dma_semaphore, #tpu.memory_space<semaphore_mem>>) src(%dma_wait3A_64 : memref<80x128xf32, #tpu.memory_space<hbm>>) dst(%arg9 : memref<80x128xf32, #tpu.memory_space<vmem>>)
      "tpu.region"() ({
        %run_scoped3A = tpu.sem_alloc : memref<!tpu.dma_semaphore, #tpu.memory_space<semaphore_mem>>
        %dma_start3A_65 = arith.constant 0 : i32
        %dma_start3A_66 = arith.constant 0 : i32
        %dma_start3A_67 = tpu.memref_slice %arg10[%dma_start3A_65, %dma_start3A_66] : memref<10240x128xf32, #tpu.memory_space<vmem_shared>> -> memref<10240x128xf32, #tpu.memory_space<vmem_shared>>
        tpu.enqueue_indirect_dma source(%arg9 : memref<80x128xf32, #tpu.memory_space<vmem>>) target(%dma_start3A_67 : memref<10240x128xf32, #tpu.memory_space<vmem_shared>>) offsets(%arg7 : memref<80xi32, #tpu.memory_space<vmem>>) semaphore(%run_scoped3A : memref<!tpu.dma_semaphore, #tpu.memory_space<semaphore_mem>>) {add = true}
        %dma_wait3A_68 = arith.constant 0 : i32
        %dma_wait3A_69 = arith.constant 0 : i32
        %dma_wait3A_70 = tpu.memref_slice %arg10[%dma_wait3A_68, %dma_wait3A_69] : memref<10240x128xf32, #tpu.memory_space<vmem_shared>> -> memref<10240x128xf32, #tpu.memory_space<vmem_shared>>
        tpu.wait_indirect_dma semaphore(%run_scoped3A : memref<!tpu.dma_semaphore, #tpu.memory_space<semaphore_mem>>) src(%arg9 : memref<80x128xf32, #tpu.memory_space<vmem>>) dst(%dma_wait3A_70 : memref<10240x128xf32, #tpu.memory_space<vmem_shared>>)
        tpu.yield
      }) : () -> ()
    }
    %scan3A_15 = arith.constant 62 : i32
    %dma_wait3A = arith.constant 0 : i32
    %dma_wait3A_16 = arith.constant 0 : i32
    %dma_wait3A_17 = tpu.memref_slice %arg2[%dma_wait3A, %dma_wait3A_16] : memref<320000x128xf32, #tpu.memory_space<hbm>> -> memref<80x128xf32, #tpu.memory_space<hbm>>
    %dma_wait3A_18 = arith.constant 0 : i32
    %dma_wait3A_19 = arith.constant 0 : i32
    %dma_wait3A_20 = tpu.memref_slice %arg2[%dma_wait3A_18, %dma_wait3A_19] : memref<320000x128xf32, #tpu.memory_space<hbm>> -> memref<80x128xf32, #tpu.memory_space<hbm>>
    tpu.wait_dma2 semaphore(%arg11 : memref<!tpu.dma_semaphore, #tpu.memory_space<semaphore_mem>>) src(%dma_wait3A_20 : memref<80x128xf32, #tpu.memory_space<hbm>>) dst(%arg8 : memref<80x128xf32, #tpu.memory_space<vmem>>)
    "tpu.region"() ({
      %run_scoped3A = tpu.sem_alloc : memref<!tpu.dma_semaphore, #tpu.memory_space<semaphore_mem>>
      %dma_start3A_26 = arith.constant 0 : i32
      %dma_start3A_27 = arith.constant 0 : i32
      %dma_start3A_28 = tpu.memref_slice %arg10[%dma_start3A_26, %dma_start3A_27] : memref<10240x128xf32, #tpu.memory_space<vmem_shared>> -> memref<10240x128xf32, #tpu.memory_space<vmem_shared>>
      tpu.enqueue_indirect_dma source(%arg8 : memref<80x128xf32, #tpu.memory_space<vmem>>) target(%dma_start3A_28 : memref<10240x128xf32, #tpu.memory_space<vmem_shared>>) offsets(%arg6 : memref<80xi32, #tpu.memory_space<vmem>>) semaphore(%run_scoped3A : memref<!tpu.dma_semaphore, #tpu.memory_space<semaphore_mem>>) {add = true}
      %dma_wait3A_29 = arith.constant 0 : i32
      %dma_wait3A_30 = arith.constant 0 : i32
      %dma_wait3A_31 = tpu.memref_slice %arg10[%dma_wait3A_29, %dma_wait3A_30] : memref<10240x128xf32, #tpu.memory_space<vmem_shared>> -> memref<10240x128xf32, #tpu.memory_space<vmem_shared>>
      tpu.wait_indirect_dma semaphore(%run_scoped3A : memref<!tpu.dma_semaphore, #tpu.memory_space<semaphore_mem>>) src(%arg8 : memref<80x128xf32, #tpu.memory_space<vmem>>) dst(%dma_wait3A_31 : memref<10240x128xf32, #tpu.memory_space<vmem_shared>>)
      tpu.yield
    }) : () -> ()
    %barrier3A_21 = arith.constant 0 : index
    tpu.barrier barrier_id(%barrier3A_21)
    %mul3A_22 = arith.constant 640 : i32
    %mul3A_23 = arith.muli %arg1, %mul3A_22 : i32
    %mul3A_24 = arith.constant 640 : i32
    %mul3A_25 = arith.muli %arg1, %mul3A_24 : i32
    "tpu.region"() ({
      %run_scoped3A = tpu.sem_alloc : memref<!tpu.dma_semaphore, #tpu.memory_space<semaphore_mem>>
      %dma_start3A_26 = arith.constant 0 : i32
      %dma_start3A_27 = arith.constant 0 : i32
      %dma_start3A_28 = tpu.memref_slice %arg5[%arg0, %dma_start3A_26, %dma_start3A_27] : memref<2x10240x128xf32, #tpu.memory_space<hbm>> -> memref<1x10240x128xf32, #tpu.memory_space<hbm>>
      %dma_start3A_29 = tpu.memref_squeeze %dma_start3A_28 : memref<1x10240x128xf32, #tpu.memory_space<hbm>> -> memref<10240x128xf32, #tpu.memory_space<hbm>>
      %dma_start3A_30 = arith.constant 0 : i32
      %dma_start3A_31 = tpu.memref_slice %dma_start3A_29[%mul3A_25, %dma_start3A_30] : memref<10240x128xf32, #tpu.memory_space<hbm>> -> memref<640x128xf32, #tpu.memory_space<hbm>>
      %dma_start3A_32 = arith.constant 0 : i32
      %dma_start3A_33 = tpu.memref_slice %arg10[%mul3A_23, %dma_start3A_32] : memref<10240x128xf32, #tpu.memory_space<vmem_shared>> -> memref<640x128xf32, #tpu.memory_space<vmem_shared>>
      tpu.enqueue_dma source(%dma_start3A_33 : memref<640x128xf32, #tpu.memory_space<vmem_shared>>) target(%dma_start3A_31 : memref<640x128xf32, #tpu.memory_space<hbm>>) target_semaphore(%run_scoped3A : memref<!tpu.dma_semaphore, #tpu.memory_space<semaphore_mem>>)
      %dma_wait3A_34 = arith.constant 0 : i32
      %dma_wait3A_35 = arith.constant 0 : i32
      %dma_wait3A_36 = tpu.memref_slice %arg5[%arg0, %dma_wait3A_34, %dma_wait3A_35] : memref<2x10240x128xf32, #tpu.memory_space<hbm>> -> memref<1x10240x128xf32, #tpu.memory_space<hbm>>
      %dma_wait3A_37 = tpu.memref_squeeze %dma_wait3A_36 : memref<1x10240x128xf32, #tpu.memory_space<hbm>> -> memref<10240x128xf32, #tpu.memory_space<hbm>>
      %dma_wait3A_38 = arith.constant 0 : i32
      %dma_wait3A_39 = tpu.memref_slice %dma_wait3A_37[%mul3A_25, %dma_wait3A_38] : memref<10240x128xf32, #tpu.memory_space<hbm>> -> memref<640x128xf32, #tpu.memory_space<hbm>>
      %dma_wait3A_40 = arith.constant 0 : i32
      %dma_wait3A_41 = tpu.memref_slice %arg10[%mul3A_23, %dma_wait3A_40] : memref<10240x128xf32, #tpu.memory_space<vmem_shared>> -> memref<640x128xf32, #tpu.memory_space<vmem_shared>>
      tpu.wait_dma2 semaphore(%run_scoped3A : memref<!tpu.dma_semaphore, #tpu.memory_space<semaphore_mem>>) src(%dma_wait3A_41 : memref<640x128xf32, #tpu.memory_space<vmem_shared>>) dst(%dma_wait3A_39 : memref<640x128xf32, #tpu.memory_space<hbm>>)
      tpu.yield
    }) : () -> ()
    return
  }
}

#map = affine_map<(d0, d1) -> (0, 0)>
#map1 = affine_map<(d0, d1) -> (0)>
#map2 = affine_map<(d0, d1) -> (0, 0, 0)>
module attributes {stable_mosaic.version = 14 : i64} {
  func.func @k(%arg0: i32, %arg1: i32, %arg2: memref<320000x128xf32, #tpu.memory_space<hbm>>, %arg3: memref<320000xi32, #tpu.memory_space<hbm>>, %arg4: memref<10240x128xf32, #tpu.memory_space<hbm>>, %arg5: memref<2x10240x128xf32, #tpu.memory_space<hbm>>, %arg6: memref<80xi32, #tpu.memory_space<vmem>>, %arg7: memref<80xi32, #tpu.memory_space<vmem>>, %arg8: memref<80x128xf32, #tpu.memory_space<vmem>>, %arg9: memref<80x128xf32, #tpu.memory_space<vmem>>, %arg10: memref<10240x128xf32, #tpu.memory_space<vmem_shared>>, %arg11: memref<!tpu.dma_semaphore, #tpu.memory_space<semaphore_mem>>, %arg12: memref<!tpu.dma_semaphore, #tpu.memory_space<semaphore_mem>>) attributes {dimension_semantics = [#tpu.dimension_semantics<core_parallel>, #tpu.dimension_semantics<subcore_parallel>], iteration_bounds = array<i64: 2, 16>, scalar_prefetch = 0 : i64, scratch_operands = 7 : i64, tpu.core_type = #tpu.core_type<sc_vector_subcore>, window_params = [{transform_indices = #map}, {transform_indices = #map1}, {transform_indices = #map}, {transform_indices = #map2}]} {
    %mul3A = arith.constant 640 : i32
    %mul3A_0 = arith.muli %arg1, %mul3A : i32
    %mul3A_1 = arith.constant 640 : i32
    %mul3A_2 = arith.muli %arg1, %mul3A_1 : i32
    "tpu.region"() ({
      %run_scoped3A = tpu.sem_alloc : memref<!tpu.dma_semaphore, #tpu.memory_space<semaphore_mem>>
      %dma_start3A_26 = arith.constant 0 : i32
      %dma_start3A_27 = tpu.memref_slice %arg10[%mul3A_2, %dma_start3A_26] : memref<10240x128xf32, #tpu.memory_space<vmem_shared>> -> memref<640x128xf32, #tpu.memory_space<vmem_shared>>
      %dma_start3A_28 = arith.constant 0 : i32
      %dma_start3A_29 = tpu.memref_slice %arg4[%mul3A_0, %dma_start3A_28] : memref<10240x128xf32, #tpu.memory_space<hbm>> -> memref<640x128xf32, #tpu.memory_space<hbm>>
      tpu.enqueue_dma source(%dma_start3A_29 : memref<640x128xf32, #tpu.memory_space<hbm>>) target(%dma_start3A_27 : memref<640x128xf32, #tpu.memory_space<vmem_shared>>) target_semaphore(%run_scoped3A : memref<!tpu.dma_semaphore, #tpu.memory_space<semaphore_mem>>)
      %dma_wait3A_30 = arith.constant 0 : i32
      %dma_wait3A_31 = tpu.memref_slice %arg10[%mul3A_2, %dma_wait3A_30] : memref<10240x128xf32, #tpu.memory_space<vmem_shared>> -> memref<640x128xf32, #tpu.memory_space<vmem_shared>>
      %dma_wait3A_32 = arith.constant 0 : i32
      %dma_wait3A_33 = tpu.memref_slice %arg4[%mul3A_0, %dma_wait3A_32] : memref<10240x128xf32, #tpu.memory_space<hbm>> -> memref<640x128xf32, #tpu.memory_space<hbm>>
      tpu.wait_dma2 semaphore(%run_scoped3A : memref<!tpu.dma_semaphore, #tpu.memory_space<semaphore_mem>>) src(%dma_wait3A_33 : memref<640x128xf32, #tpu.memory_space<hbm>>) dst(%dma_wait3A_31 : memref<640x128xf32, #tpu.memory_space<vmem_shared>>)
      tpu.yield
    }) : () -> ()
    %barrier3A = arith.constant 0 : index
    tpu.barrier barrier_id(%barrier3A)
    %mul3A_3 = arith.constant 16 : i32
    %mul3A_4 = arith.muli %arg0, %mul3A_3 : i32
    %add3A = arith.addi %mul3A_4, %arg1 : i32
    %mul3A_5 = arith.constant 10000 : i32
    %mul3A_6 = arith.muli %add3A, %mul3A_5 : i32
    %add3A_7 = arith.constant 0 : i32
    %add3A_8 = arith.addi %mul3A_6, %add3A_7 : i32
    "tpu.region"() ({
      %run_scoped3A = tpu.sem_alloc : memref<!tpu.dma_semaphore, #tpu.memory_space<semaphore_mem>>
      %dma_start3A_26 = tpu.memref_slice %arg3[%add3A_8] : memref<320000xi32, #tpu.memory_space<hbm>> -> memref<80xi32, #tpu.memory_space<hbm>>
      %dma_start3A_27 = tpu.memref_slice %arg3[%add3A_8] : memref<320000xi32, #tpu.memory_space<hbm>> -> memref<80xi32, #tpu.memory_space<hbm>>
      tpu.enqueue_dma source(%dma_start3A_27 : memref<80xi32, #tpu.memory_space<hbm>>) target(%arg6 : memref<80xi32, #tpu.memory_space<vmem>>) target_semaphore(%run_scoped3A : memref<!tpu.dma_semaphore, #tpu.memory_space<semaphore_mem>>)
      %dma_wait3A_28 = tpu.memref_slice %arg3[%add3A_8] : memref<320000xi32, #tpu.memory_space<hbm>> -> memref<80xi32, #tpu.memory_space<hbm>>
      %dma_wait3A_29 = tpu.memref_slice %arg3[%add3A_8] : memref<320000xi32, #tpu.memory_space<hbm>> -> memref<80xi32, #tpu.memory_space<hbm>>
      tpu.wait_dma2 semaphore(%run_scoped3A : memref<!tpu.dma_semaphore, #tpu.memory_space<semaphore_mem>>) src(%dma_wait3A_29 : memref<80xi32, #tpu.memory_space<hbm>>) dst(%arg6 : memref<80xi32, #tpu.memory_space<vmem>>)
      tpu.yield
    }) : () -> ()
    %dma_start3A = arith.constant 0 : i32
    %dma_start3A_9 = tpu.memref_slice %arg2[%add3A_8, %dma_start3A] : memref<320000x128xf32, #tpu.memory_space<hbm>> -> memref<80x128xf32, #tpu.memory_space<hbm>>
    %dma_start3A_10 = arith.constant 0 : i32
    %dma_start3A_11 = tpu.memref_slice %arg2[%add3A_8, %dma_start3A_10] : memref<320000x128xf32, #tpu.memory_space<hbm>> -> memref<80x128xf32, #tpu.memory_space<hbm>>
    tpu.enqueue_dma source(%dma_start3A_11 : memref<80x128xf32, #tpu.memory_space<hbm>>) target(%arg8 : memref<80x128xf32, #tpu.memory_space<vmem>>) target_semaphore(%arg11 : memref<!tpu.dma_semaphore, #tpu.memory_space<semaphore_mem>>)
    %scan3A = arith.constant 0 : i32
    %scan3A_12 = arith.constant 62 : i32
    %scan3A_13 = arith.addi %scan3A, %scan3A_12 : i32
    %scan3A_14 = arith.constant 1 : i32
    scf.for %scan3A_26 = %scan3A to %scan3A_13 step %scan3A_14  : i32 {
      %mul3A_27 = arith.constant 1 : i32
      %mul3A_28 = arith.muli %scan3A_26, %mul3A_27 : i32
      %add3A_29 = arith.constant 0 : i32
      %add3A_30 = arith.addi %add3A_29, %mul3A_28 : i32
      %mul3A_31 = arith.constant 2 : i32
      %mul3A_32 = arith.muli %mul3A_31, %add3A_30 : i32
      %add3A_33 = arith.constant 1 : i32
      %add3A_34 = arith.addi %mul3A_32, %add3A_33 : i32
      %mul3A_35 = arith.constant 80 : i32
      %mul3A_36 = arith.muli %add3A_34, %mul3A_35 : i32
      %add3A_37 = arith.addi %mul3A_6, %mul3A_36 : i32
      "tpu.region"() ({
        %run_scoped3A = tpu.sem_alloc : memref<!tpu.dma_semaphore, #tpu.memory_space<semaphore_mem>>
        %dma_start3A_65 = tpu.memref_slice %arg3[%add3A_37] : memref<320000xi32, #tpu.memory_space<hbm>> -> memref<80xi32, #tpu.memory_space<hbm>>
        %dma_start3A_66 = tpu.memref_slice %arg3[%add3A_37] : memref<320000xi32, #tpu.memory_space<hbm>> -> memref<80xi32, #tpu.memory_space<hbm>>
        tpu.enqueue_dma source(%dma_start3A_66 : memref<80xi32, #tpu.memory_space<hbm>>) target(%arg7 : memref<80xi32, #tpu.memory_space<vmem>>) target_semaphore(%run_scoped3A : memref<!tpu.dma_semaphore, #tpu.memory_space<semaphore_mem>>)
        %dma_wait3A_67 = tpu.memref_slice %arg3[%add3A_37] : memref<320000xi32, #tpu.memory_space<hbm>> -> memref<80xi32, #tpu.memory_space<hbm>>
        %dma_wait3A_68 = tpu.memref_slice %arg3[%add3A_37] : memref<320000xi32, #tpu.memory_space<hbm>> -> memref<80xi32, #tpu.memory_space<hbm>>
        tpu.wait_dma2 semaphore(%run_scoped3A : memref<!tpu.dma_semaphore, #tpu.memory_space<semaphore_mem>>) src(%dma_wait3A_68 : memref<80xi32, #tpu.memory_space<hbm>>) dst(%arg7 : memref<80xi32, #tpu.memory_space<vmem>>)
        tpu.yield
      }) : () -> ()
      %dma_start3A_38 = arith.constant 0 : i32
      %dma_start3A_39 = tpu.memref_slice %arg2[%add3A_37, %dma_start3A_38] : memref<320000x128xf32, #tpu.memory_space<hbm>> -> memref<80x128xf32, #tpu.memory_space<hbm>>
      %dma_start3A_40 = arith.constant 0 : i32
      %dma_start3A_41 = tpu.memref_slice %arg2[%add3A_37, %dma_start3A_40] : memref<320000x128xf32, #tpu.memory_space<hbm>> -> memref<80x128xf32, #tpu.memory_space<hbm>>
      tpu.enqueue_dma source(%dma_start3A_41 : memref<80x128xf32, #tpu.memory_space<hbm>>) target(%arg9 : memref<80x128xf32, #tpu.memory_space<vmem>>) target_semaphore(%arg12 : memref<!tpu.dma_semaphore, #tpu.memory_space<semaphore_mem>>)
      %dma_wait3A_42 = arith.constant 0 : i32
      %dma_wait3A_43 = arith.constant 0 : i32
      %dma_wait3A_44 = tpu.memref_slice %arg2[%dma_wait3A_42, %dma_wait3A_43] : memref<320000x128xf32, #tpu.memory_space<hbm>> -> memref<80x128xf32, #tpu.memory_space<hbm>>
      %dma_wait3A_45 = arith.constant 0 : i32
      %dma_wait3A_46 = arith.constant 0 : i32
      %dma_wait3A_47 = tpu.memref_slice %arg2[%dma_wait3A_45, %dma_wait3A_46] : memref<320000x128xf32, #tpu.memory_space<hbm>> -> memref<80x128xf32, #tpu.memory_space<hbm>>
      tpu.wait_dma2 semaphore(%arg11 : memref<!tpu.dma_semaphore, #tpu.memory_space<semaphore_mem>>) src(%dma_wait3A_47 : memref<80x128xf32, #tpu.memory_space<hbm>>) dst(%arg8 : memref<80x128xf32, #tpu.memory_space<vmem>>)
      "tpu.region"() ({
        %run_scoped3A = tpu.sem_alloc : memref<!tpu.dma_semaphore, #tpu.memory_space<semaphore_mem>>
        %dma_start3A_65 = arith.constant 0 : i32
        %dma_start3A_66 = arith.constant 0 : i32
        %dma_start3A_67 = tpu.memref_slice %arg10[%dma_start3A_65, %dma_start3A_66] : memref<10240x128xf32, #tpu.memory_space<vmem_shared>> -> memref<10240x128xf32, #tpu.memory_space<vmem_shared>>
        tpu.enqueue_indirect_dma source(%arg8 : memref<80x128xf32, #tpu.memory_space<vmem>>) target(%dma_start3A_67 : memref<10240x128xf32, #tpu.memory_space<vmem_shared>>) offsets(%arg6 : memref<80xi32, #tpu.memory_space<vmem>>) semaphore(%run_scoped3A : memref<!tpu.dma_semaphore, #tpu.memory_space<semaphore_mem>>) {add = true}
        %dma_wait3A_68 = arith.constant 0 : i32
        %dma_wait3A_69 = arith.constant 0 : i32
        %dma_wait3A_70 = tpu.memref_slice %arg10[%dma_wait3A_68, %dma_wait3A_69] : memref<10240x128xf32, #tpu.memory_space<vmem_shared>> -> memref<10240x128xf32, #tpu.memory_space<vmem_shared>>
        tpu.wait_indirect_dma semaphore(%run_scoped3A : memref<!tpu.dma_semaphore, #tpu.memory_space<semaphore_mem>>) src(%arg8 : memref<80x128xf32, #tpu.memory_space<vmem>>) dst(%dma_wait3A_70 : memref<10240x128xf32, #tpu.memory_space<vmem_shared>>)
        tpu.yield
      }) : () -> ()
      %add3A_48 = arith.constant 2 : i32
      %add3A_49 = arith.addi %mul3A_32, %add3A_48 : i32
      %mul3A_50 = arith.constant 80 : i32
      %mul3A_51 = arith.muli %add3A_49, %mul3A_50 : i32
      %add3A_52 = arith.addi %mul3A_6, %mul3A_51 : i32
      "tpu.region"() ({
        %run_scoped3A = tpu.sem_alloc : memref<!tpu.dma_semaphore, #tpu.memory_space<semaphore_mem>>
        %dma_start3A_65 = tpu.memref_slice %arg3[%add3A_52] : memref<320000xi32, #tpu.memory_space<hbm>> -> memref<80xi32, #tpu.memory_space<hbm>>
        %dma_start3A_66 = tpu.memref_slice %arg3[%add3A_52] : memref<320000xi32, #tpu.memory_space<hbm>> -> memref<80xi32, #tpu.memory_space<hbm>>
        tpu.enqueue_dma source(%dma_start3A_66 : memref<80xi32, #tpu.memory_space<hbm>>) target(%arg6 : memref<80xi32, #tpu.memory_space<vmem>>) target_semaphore(%run_scoped3A : memref<!tpu.dma_semaphore, #tpu.memory_space<semaphore_mem>>)
        %dma_wait3A_67 = tpu.memref_slice %arg3[%add3A_52] : memref<320000xi32, #tpu.memory_space<hbm>> -> memref<80xi32, #tpu.memory_space<hbm>>
        %dma_wait3A_68 = tpu.memref_slice %arg3[%add3A_52] : memref<320000xi32, #tpu.memory_space<hbm>> -> memref<80xi32, #tpu.memory_space<hbm>>
        tpu.wait_dma2 semaphore(%run_scoped3A : memref<!tpu.dma_semaphore, #tpu.memory_space<semaphore_mem>>) src(%dma_wait3A_68 : memref<80xi32, #tpu.memory_space<hbm>>) dst(%arg6 : memref<80xi32, #tpu.memory_space<vmem>>)
        tpu.yield
      }) : () -> ()
      %dma_start3A_53 = arith.constant 0 : i32
      %dma_start3A_54 = tpu.memref_slice %arg2[%add3A_52, %dma_start3A_53] : memref<320000x128xf32, #tpu.memory_space<hbm>> -> memref<80x128xf32, #tpu.memory_space<hbm>>
      %dma_start3A_55 = arith.constant 0 : i32
      %dma_start3A_56 = tpu.memref_slice %arg2[%add3A_52, %dma_start3A_55] : memref<320000x128xf32, #tpu.memory_space<hbm>> -> memref<80x128xf32, #tpu.memory_space<hbm>>
      tpu.enqueue_dma source(%dma_start3A_56 : memref<80x128xf32, #tpu.memory_space<hbm>>) target(%arg8 : memref<80x128xf32, #tpu.memory_space<vmem>>) target_semaphore(%arg11 : memref<!tpu.dma_semaphore, #tpu.memory_space<semaphore_mem>>)
      %add3A_57 = arith.constant 1 : i32
      %add3A_58 = arith.addi %mul3A_32, %add3A_57 : i32
      %dma_wait3A_59 = arith.constant 0 : i32
      %dma_wait3A_60 = arith.constant 0 : i32
      %dma_wait3A_61 = tpu.memref_slice %arg2[%dma_wait3A_59, %dma_wait3A_60] : memref<320000x128xf32, #tpu.memory_space<hbm>> -> memref<80x128xf32, #tpu.memory_space<hbm>>
      %dma_wait3A_62 = arith.constant 0 : i32
      %dma_wait3A_63 = arith.constant 0 : i32
      %dma_wait3A_64 = tpu.memref_slice %arg2[%dma_wait3A_62, %dma_wait3A_63] : memref<320000x128xf32, #tpu.memory_space<hbm>> -> memref<80x128xf32, #tpu.memory_space<hbm>>
      tpu.wait_dma2 semaphore(%arg12 : memref<!tpu.dma_semaphore, #tpu.memory_space<semaphore_mem>>) src(%dma_wait3A_64 : memref<80x128xf32, #tpu.memory_space<hbm>>) dst(%arg9 : memref<80x128xf32, #tpu.memory_space<vmem>>)
      "tpu.region"() ({
        %run_scoped3A = tpu.sem_alloc : memref<!tpu.dma_semaphore, #tpu.memory_space<semaphore_mem>>
        %dma_start3A_65 = arith.constant 0 : i32
        %dma_start3A_66 = arith.constant 0 : i32
        %dma_start3A_67 = tpu.memref_slice %arg10[%dma_start3A_65, %dma_start3A_66] : memref<10240x128xf32, #tpu.memory_space<vmem_shared>> -> memref<10240x128xf32, #tpu.memory_space<vmem_shared>>
        tpu.enqueue_indirect_dma source(%arg9 : memref<80x128xf32, #tpu.memory_space<vmem>>) target(%dma_start3A_67 : memref<10240x128xf32, #tpu.memory_space<vmem_shared>>) offsets(%arg7 : memref<80xi32, #tpu.memory_space<vmem>>) semaphore(%run_scoped3A : memref<!tpu.dma_semaphore, #tpu.memory_space<semaphore_mem>>) {add = true}
        %dma_wait3A_68 = arith.constant 0 : i32
        %dma_wait3A_69 = arith.constant 0 : i32
        %dma_wait3A_70 = tpu.memref_slice %arg10[%dma_wait3A_68, %dma_wait3A_69] : memref<10240x128xf32, #tpu.memory_space<vmem_shared>> -> memref<10240x128xf32, #tpu.memory_space<vmem_shared>>
        tpu.wait_indirect_dma semaphore(%run_scoped3A : memref<!tpu.dma_semaphore, #tpu.memory_space<semaphore_mem>>) src(%arg9 : memref<80x128xf32, #tpu.memory_space<vmem>>) dst(%dma_wait3A_70 : memref<10240x128xf32, #tpu.memory_space<vmem_shared>>)
        tpu.yield
      }) : () -> ()
    }
    %scan3A_15 = arith.constant 62 : i32
    %dma_wait3A = arith.constant 0 : i32
    %dma_wait3A_16 = arith.constant 0 : i32
    %dma_wait3A_17 = tpu.memref_slice %arg2[%dma_wait3A, %dma_wait3A_16] : memref<320000x128xf32, #tpu.memory_space<hbm>> -> memref<80x128xf32, #tpu.memory_space<hbm>>
    %dma_wait3A_18 = arith.constant 0 : i32
    %dma_wait3A_19 = arith.constant 0 : i32
    %dma_wait3A_20 = tpu.memref_slice %arg2[%dma_wait3A_18, %dma_wait3A_19] : memref<320000x128xf32, #tpu.memory_space<hbm>> -> memref<80x128xf32, #tpu.memory_space<hbm>>
    tpu.wait_dma2 semaphore(%arg11 : memref<!tpu.dma_semaphore, #tpu.memory_space<semaphore_mem>>) src(%dma_wait3A_20 : memref<80x128xf32, #tpu.memory_space<hbm>>) dst(%arg8 : memref<80x128xf32, #tpu.memory_space<vmem>>)
    "tpu.region"() ({
      %run_scoped3A = tpu.sem_alloc : memref<!tpu.dma_semaphore, #tpu.memory_space<semaphore_mem>>
      %dma_start3A_26 = arith.constant 0 : i32
      %dma_start3A_27 = arith.constant 0 : i32
      %dma_start3A_28 = tpu.memref_slice %arg10[%dma_start3A_26, %dma_start3A_27] : memref<10240x128xf32, #tpu.memory_space<vmem_shared>> -> memref<10240x128xf32, #tpu.memory_space<vmem_shared>>
      tpu.enqueue_indirect_dma source(%arg8 : memref<80x128xf32, #tpu.memory_space<vmem>>) target(%dma_start3A_28 : memref<10240x128xf32, #tpu.memory_space<vmem_shared>>) offsets(%arg6 : memref<80xi32, #tpu.memory_space<vmem>>) semaphore(%run_scoped3A : memref<!tpu.dma_semaphore, #tpu.memory_space<semaphore_mem>>) {add = true}
      %dma_wait3A_29 = arith.constant 0 : i32
      %dma_wait3A_30 = arith.constant 0 : i32
      %dma_wait3A_31 = tpu.memref_slice %arg10[%dma_wait3A_29, %dma_wait3A_30] : memref<10240x128xf32, #tpu.memory_space<vmem_shared>> -> memref<10240x128xf32, #tpu.memory_space<vmem_shared>>
      tpu.wait_indirect_dma semaphore(%run_scoped3A : memref<!tpu.dma_semaphore, #tpu.memory_space<semaphore_mem>>) src(%arg8 : memref<80x128xf32, #tpu.memory_space<vmem>>) dst(%dma_wait3A_31 : memref<10240x128xf32, #tpu.memory_space<vmem_shared>>)
      tpu.yield
    }) : () -> ()
    %barrier3A_21 = arith.constant 0 : index
    tpu.barrier barrier_id(%barrier3A_21)
    %mul3A_22 = arith.constant 640 : i32
    %mul3A_23 = arith.muli %arg1, %mul3A_22 : i32
    %mul3A_24 = arith.constant 640 : i32
    %mul3A_25 = arith.muli %arg1, %mul3A_24 : i32
    "tpu.region"() ({
      %run_scoped3A = tpu.sem_alloc : memref<!tpu.dma_semaphore, #tpu.memory_space<semaphore_mem>>
      %dma_start3A_26 = arith.constant 0 : i32
      %dma_start3A_27 = arith.constant 0 : i32
      %dma_start3A_28 = tpu.memref_slice %arg5[%arg0, %dma_start3A_26, %dma_start3A_27] : memref<2x10240x128xf32, #tpu.memory_space<hbm>> -> memref<1x10240x128xf32, #tpu.memory_space<hbm>>
      %dma_start3A_29 = tpu.memref_squeeze %dma_start3A_28 : memref<1x10240x128xf32, #tpu.memory_space<hbm>> -> memref<10240x128xf32, #tpu.memory_space<hbm>>
      %dma_start3A_30 = arith.constant 0 : i32
      %dma_start3A_31 = tpu.memref_slice %dma_start3A_29[%mul3A_25, %dma_start3A_30] : memref<10240x128xf32, #tpu.memory_space<hbm>> -> memref<640x128xf32, #tpu.memory_space<hbm>>
      %dma_start3A_32 = arith.constant 0 : i32
      %dma_start3A_33 = tpu.memref_slice %arg10[%mul3A_23, %dma_start3A_32] : memref<10240x128xf32, #tpu.memory_space<vmem_shared>> -> memref<640x128xf32, #tpu.memory_space<vmem_shared>>
      tpu.enqueue_dma source(%dma_start3A_33 : memref<640x128xf32, #tpu.memory_space<vmem_shared>>) target(%dma_start3A_31 : memref<640x128xf32, #tpu.memory_space<hbm>>) target_semaphore(%run_scoped3A : memref<!tpu.dma_semaphore, #tpu.memory_space<semaphore_mem>>)
      %dma_wait3A_34 = arith.constant 0 : i32
      %dma_wait3A_35 = arith.constant 0 : i32
      %dma_wait3A_36 = tpu.memref_slice %arg5[%arg0, %dma_wait3A_34, %dma_wait3A_35] : memref<2x10240x128xf32, #tpu.memory_space<hbm>> -> memref<1x10240x128xf32, #tpu.memory_space<hbm>>
      %dma_wait3A_37 = tpu.memref_squeeze %dma_wait3A_36 : memref<1x10240x128xf32, #tpu.memory_space<hbm>> -> memref<10240x128xf32, #tpu.memory_space<hbm>>
      %dma_wait3A_38 = arith.constant 0 : i32
      %dma_wait3A_39 = tpu.memref_slice %dma_wait3A_37[%mul3A_25, %dma_wait3A_38] : memref<10240x128xf32, #tpu.memory_space<hbm>> -> memref<640x128xf32, #tpu.memory_space<hbm>>
      %dma_wait3A_40 = arith.constant 0 : i32
      %dma_wait3A_41 = tpu.memref_slice %arg10[%mul3A_23, %dma_wait3A_40] : memref<10240x128xf32, #tpu.memory_space<vmem_shared>> -> memref<640x128xf32, #tpu.memory_space<vmem_shared>>
      tpu.wait_dma2 semaphore(%run_scoped3A : memref<!tpu.dma_semaphore, #tpu.memory_space<semaphore_mem>>) src(%dma_wait3A_41 : memref<640x128xf32, #tpu.memory_space<vmem_shared>>) dst(%dma_wait3A_39 : memref<640x128xf32, #tpu.memory_space<hbm>>)
      tpu.yield
    }) : () -> ()
    return
  }
}

#map = affine_map<(d0, d1) -> (0, 0)>
#map1 = affine_map<(d0, d1) -> (0)>
module attributes {stable_mosaic.version = 14 : i64} {
  func.func @k(%arg0: i32, %arg1: i32, %arg2: memref<10000x128xf32, #tpu.memory_space<hbm>>, %arg3: memref<10000x128xf32, #tpu.memory_space<hbm>>, %arg4: memref<320000xi32, #tpu.memory_space<hbm>>, %arg5: memref<320000xi32, #tpu.memory_space<hbm>>, %arg6: memref<320000x128xf32, #tpu.memory_space<hbm>>, %arg7: memref<320000x128xf32, #tpu.memory_space<hbm>>, %arg8: memref<10000xi32, #tpu.memory_space<vmem>>, %arg9: memref<10000xi32, #tpu.memory_space<vmem>>, %arg10: memref<80x128xf32, #tpu.memory_space<vmem>>, %arg11: memref<80x128xf32, #tpu.memory_space<vmem>>, %arg12: memref<80x128xf32, #tpu.memory_space<vmem>>, %arg13: memref<80x128xf32, #tpu.memory_space<vmem>>, %arg14: memref<!tpu.dma_semaphore, #tpu.memory_space<semaphore_mem>>, %arg15: memref<!tpu.dma_semaphore, #tpu.memory_space<semaphore_mem>>, %arg16: memref<!tpu.dma_semaphore, #tpu.memory_space<semaphore_mem>>, %arg17: memref<!tpu.dma_semaphore, #tpu.memory_space<semaphore_mem>>) attributes {dimension_semantics = [#tpu.dimension_semantics<core_parallel>, #tpu.dimension_semantics<subcore_parallel>], iteration_bounds = array<i64: 2, 16>, scalar_prefetch = 0 : i64, scratch_operands = 10 : i64, tpu.core_type = #tpu.core_type<sc_vector_subcore>, window_params = [{transform_indices = #map}, {transform_indices = #map}, {transform_indices = #map1}, {transform_indices = #map1}, {transform_indices = #map}, {transform_indices = #map}]} {
    %mul3A = arith.constant 2 : i32
    %mul3A_0 = arith.muli %arg1, %mul3A : i32
    %add3A = arith.addi %mul3A_0, %arg0 : i32
    %mul3A_1 = arith.constant 10000 : i32
    %mul3A_2 = arith.muli %add3A, %mul3A_1 : i32
    "tpu.region"() ({
      %run_scoped3A = tpu.sem_alloc : memref<!tpu.dma_semaphore, #tpu.memory_space<semaphore_mem>>
      %dma_start3A_29 = tpu.memref_slice %arg4[%mul3A_2] : memref<320000xi32, #tpu.memory_space<hbm>> -> memref<10000xi32, #tpu.memory_space<hbm>>
      %dma_start3A_30 = tpu.memref_slice %arg4[%mul3A_2] : memref<320000xi32, #tpu.memory_space<hbm>> -> memref<10000xi32, #tpu.memory_space<hbm>>
      tpu.enqueue_dma source(%dma_start3A_30 : memref<10000xi32, #tpu.memory_space<hbm>>) target(%arg8 : memref<10000xi32, #tpu.memory_space<vmem>>) target_semaphore(%run_scoped3A : memref<!tpu.dma_semaphore, #tpu.memory_space<semaphore_mem>>)
      %dma_wait3A_31 = tpu.memref_slice %arg4[%mul3A_2] : memref<320000xi32, #tpu.memory_space<hbm>> -> memref<10000xi32, #tpu.memory_space<hbm>>
      %dma_wait3A_32 = tpu.memref_slice %arg4[%mul3A_2] : memref<320000xi32, #tpu.memory_space<hbm>> -> memref<10000xi32, #tpu.memory_space<hbm>>
      tpu.wait_dma2 semaphore(%run_scoped3A : memref<!tpu.dma_semaphore, #tpu.memory_space<semaphore_mem>>) src(%dma_wait3A_32 : memref<10000xi32, #tpu.memory_space<hbm>>) dst(%arg8 : memref<10000xi32, #tpu.memory_space<vmem>>)
      tpu.yield
    }) : () -> ()
    "tpu.region"() ({
      %run_scoped3A = tpu.sem_alloc : memref<!tpu.dma_semaphore, #tpu.memory_space<semaphore_mem>>
      %dma_start3A_29 = tpu.memref_slice %arg5[%mul3A_2] : memref<320000xi32, #tpu.memory_space<hbm>> -> memref<10000xi32, #tpu.memory_space<hbm>>
      %dma_start3A_30 = tpu.memref_slice %arg5[%mul3A_2] : memref<320000xi32, #tpu.memory_space<hbm>> -> memref<10000xi32, #tpu.memory_space<hbm>>
      tpu.enqueue_dma source(%dma_start3A_30 : memref<10000xi32, #tpu.memory_space<hbm>>) target(%arg9 : memref<10000xi32, #tpu.memory_space<vmem>>) target_semaphore(%run_scoped3A : memref<!tpu.dma_semaphore, #tpu.memory_space<semaphore_mem>>)
      %dma_wait3A_31 = tpu.memref_slice %arg5[%mul3A_2] : memref<320000xi32, #tpu.memory_space<hbm>> -> memref<10000xi32, #tpu.memory_space<hbm>>
      %dma_wait3A_32 = tpu.memref_slice %arg5[%mul3A_2] : memref<320000xi32, #tpu.memory_space<hbm>> -> memref<10000xi32, #tpu.memory_space<hbm>>
      tpu.wait_dma2 semaphore(%run_scoped3A : memref<!tpu.dma_semaphore, #tpu.memory_space<semaphore_mem>>) src(%dma_wait3A_32 : memref<10000xi32, #tpu.memory_space<hbm>>) dst(%arg9 : memref<10000xi32, #tpu.memory_space<vmem>>)
      tpu.yield
    }) : () -> ()
    %dma_start3A = arith.constant 0 : i32
    %dma_start3A_3 = tpu.memref_slice %arg8[%dma_start3A] : memref<10000xi32, #tpu.memory_space<vmem>> -> memref<80xi32, #tpu.memory_space<vmem>>
    %dma_start3A_4 = arith.constant 0 : i32
    %dma_start3A_5 = arith.constant 0 : i32
    %dma_start3A_6 = tpu.memref_slice %arg2[%dma_start3A_4, %dma_start3A_5] : memref<10000x128xf32, #tpu.memory_space<hbm>> -> memref<10000x128xf32, #tpu.memory_space<hbm>>
    tpu.enqueue_indirect_dma source(%dma_start3A_6 : memref<10000x128xf32, #tpu.memory_space<hbm>>) target(%arg10 : memref<80x128xf32, #tpu.memory_space<vmem>>) offsets(%dma_start3A_3 : memref<80xi32, #tpu.memory_space<vmem>>) semaphore(%arg14 : memref<!tpu.dma_semaphore, #tpu.memory_space<semaphore_mem>>)
    %dma_start3A_7 = arith.constant 0 : i32
    %dma_start3A_8 = tpu.memref_slice %arg9[%dma_start3A_7] : memref<10000xi32, #tpu.memory_space<vmem>> -> memref<80xi32, #tpu.memory_space<vmem>>
    %dma_start3A_9 = arith.constant 0 : i32
    %dma_start3A_10 = arith.constant 0 : i32
    %dma_start3A_11 = tpu.memref_slice %arg3[%dma_start3A_9, %dma_start3A_10] : memref<10000x128xf32, #tpu.memory_space<hbm>> -> memref<10000x128xf32, #tpu.memory_space<hbm>>
    tpu.enqueue_indirect_dma source(%dma_start3A_11 : memref<10000x128xf32, #tpu.memory_space<hbm>>) target(%arg11 : memref<80x128xf32, #tpu.memory_space<vmem>>) offsets(%dma_start3A_8 : memref<80xi32, #tpu.memory_space<vmem>>) semaphore(%arg15 : memref<!tpu.dma_semaphore, #tpu.memory_space<semaphore_mem>>)
    %scan3A = arith.constant 0 : i32
    %scan3A_12 = arith.constant 62 : i32
    %scan3A_13 = arith.addi %scan3A, %scan3A_12 : i32
    %scan3A_14 = arith.constant 1 : i32
    scf.for %scan3A_29 = %scan3A to %scan3A_13 step %scan3A_14  : i32 {
      %mul3A_30 = arith.constant 1 : i32
      %mul3A_31 = arith.muli %scan3A_29, %mul3A_30 : i32
      %add3A_32 = arith.constant 0 : i32
      %add3A_33 = arith.addi %add3A_32, %mul3A_31 : i32
      %mul3A_34 = arith.constant 2 : i32
      %mul3A_35 = arith.muli %mul3A_34, %add3A_33 : i32
      %add3A_36 = arith.constant 1 : i32
      %add3A_37 = arith.addi %mul3A_35, %add3A_36 : i32
      %mul3A_38 = arith.constant 80 : i32
      %mul3A_39 = arith.muli %add3A_37, %mul3A_38 : i32
      %dma_start3A_40 = tpu.memref_slice %arg8[%mul3A_39] : memref<10000xi32, #tpu.memory_space<vmem>> -> memref<80xi32, #tpu.memory_space<vmem>>
      %dma_start3A_41 = arith.constant 0 : i32
      %dma_start3A_42 = arith.constant 0 : i32
      %dma_start3A_43 = tpu.memref_slice %arg2[%dma_start3A_41, %dma_start3A_42] : memref<10000x128xf32, #tpu.memory_space<hbm>> -> memref<10000x128xf32, #tpu.memory_space<hbm>>
      tpu.enqueue_indirect_dma source(%dma_start3A_43 : memref<10000x128xf32, #tpu.memory_space<hbm>>) target(%arg12 : memref<80x128xf32, #tpu.memory_space<vmem>>) offsets(%dma_start3A_40 : memref<80xi32, #tpu.memory_space<vmem>>) semaphore(%arg16 : memref<!tpu.dma_semaphore, #tpu.memory_space<semaphore_mem>>)
      %dma_start3A_44 = tpu.memref_slice %arg9[%mul3A_39] : memref<10000xi32, #tpu.memory_space<vmem>> -> memref<80xi32, #tpu.memory_space<vmem>>
      %dma_start3A_45 = arith.constant 0 : i32
      %dma_start3A_46 = arith.constant 0 : i32
      %dma_start3A_47 = tpu.memref_slice %arg3[%dma_start3A_45, %dma_start3A_46] : memref<10000x128xf32, #tpu.memory_space<hbm>> -> memref<10000x128xf32, #tpu.memory_space<hbm>>
      tpu.enqueue_indirect_dma source(%dma_start3A_47 : memref<10000x128xf32, #tpu.memory_space<hbm>>) target(%arg13 : memref<80x128xf32, #tpu.memory_space<vmem>>) offsets(%dma_start3A_44 : memref<80xi32, #tpu.memory_space<vmem>>) semaphore(%arg17 : memref<!tpu.dma_semaphore, #tpu.memory_space<semaphore_mem>>)
      %dma_wait3A_48 = arith.constant 0 : i32
      %dma_wait3A_49 = arith.constant 0 : i32
      %dma_wait3A_50 = tpu.memref_slice %arg2[%dma_wait3A_48, %dma_wait3A_49] : memref<10000x128xf32, #tpu.memory_space<hbm>> -> memref<80x128xf32, #tpu.memory_space<hbm>>
      %dma_wait3A_51 = arith.constant 0 : i32
      %dma_wait3A_52 = arith.constant 0 : i32
      %dma_wait3A_53 = tpu.memref_slice %arg2[%dma_wait3A_51, %dma_wait3A_52] : memref<10000x128xf32, #tpu.memory_space<hbm>> -> memref<80x128xf32, #tpu.memory_space<hbm>>
      tpu.wait_dma2 semaphore(%arg14 : memref<!tpu.dma_semaphore, #tpu.memory_space<semaphore_mem>>) src(%dma_wait3A_53 : memref<80x128xf32, #tpu.memory_space<hbm>>) dst(%arg10 : memref<80x128xf32, #tpu.memory_space<vmem>>)
      %dma_wait3A_54 = arith.constant 0 : i32
      %dma_wait3A_55 = arith.constant 0 : i32
      %dma_wait3A_56 = tpu.memref_slice %arg2[%dma_wait3A_54, %dma_wait3A_55] : memref<10000x128xf32, #tpu.memory_space<hbm>> -> memref<80x128xf32, #tpu.memory_space<hbm>>
      %dma_wait3A_57 = arith.constant 0 : i32
      %dma_wait3A_58 = arith.constant 0 : i32
      %dma_wait3A_59 = tpu.memref_slice %arg2[%dma_wait3A_57, %dma_wait3A_58] : memref<10000x128xf32, #tpu.memory_space<hbm>> -> memref<80x128xf32, #tpu.memory_space<hbm>>
      tpu.wait_dma2 semaphore(%arg15 : memref<!tpu.dma_semaphore, #tpu.memory_space<semaphore_mem>>) src(%dma_wait3A_59 : memref<80x128xf32, #tpu.memory_space<hbm>>) dst(%arg11 : memref<80x128xf32, #tpu.memory_space<vmem>>)
      %mul3A_60 = arith.constant 80 : i32
      %mul3A_61 = arith.muli %mul3A_35, %mul3A_60 : i32
      %add3A_62 = arith.addi %mul3A_2, %mul3A_61 : i32
      "tpu.region"() ({
        %run_scoped3A = tpu.sem_alloc : memref<!tpu.dma_semaphore, #tpu.memory_space<semaphore_mem>>
        %dma_start3A_92 = arith.constant 0 : i32
        %dma_start3A_93 = tpu.memref_slice %arg6[%add3A_62, %dma_start3A_92] : memref<320000x128xf32, #tpu.memory_space<hbm>> -> memref<80x128xf32, #tpu.memory_space<hbm>>
        %dma_start3A_94 = arith.constant 0 : i32
        %dma_start3A_95 = tpu.memref_slice %arg6[%add3A_62, %dma_start3A_94] : memref<320000x128xf32, #tpu.memory_space<hbm>> -> memref<80x128xf32, #tpu.memory_space<hbm>>
        tpu.enqueue_dma source(%arg10 : memref<80x128xf32, #tpu.memory_space<vmem>>) target(%dma_start3A_95 : memref<80x128xf32, #tpu.memory_space<hbm>>) target_semaphore(%run_scoped3A : memref<!tpu.dma_semaphore, #tpu.memory_space<semaphore_mem>>)
        %dma_wait3A_96 = arith.constant 0 : i32
        %dma_wait3A_97 = tpu.memref_slice %arg6[%add3A_62, %dma_wait3A_96] : memref<320000x128xf32, #tpu.memory_space<hbm>> -> memref<80x128xf32, #tpu.memory_space<hbm>>
        %dma_wait3A_98 = arith.constant 0 : i32
        %dma_wait3A_99 = tpu.memref_slice %arg6[%add3A_62, %dma_wait3A_98] : memref<320000x128xf32, #tpu.memory_space<hbm>> -> memref<80x128xf32, #tpu.memory_space<hbm>>
        tpu.wait_dma2 semaphore(%run_scoped3A : memref<!tpu.dma_semaphore, #tpu.memory_space<semaphore_mem>>) src(%arg10 : memref<80x128xf32, #tpu.memory_space<vmem>>) dst(%dma_wait3A_99 : memref<80x128xf32, #tpu.memory_space<hbm>>)
        tpu.yield
      }) : () -> ()
      "tpu.region"() ({
        %run_scoped3A = tpu.sem_alloc : memref<!tpu.dma_semaphore, #tpu.memory_space<semaphore_mem>>
        %dma_start3A_92 = arith.constant 0 : i32
        %dma_start3A_93 = tpu.memref_slice %arg7[%add3A_62, %dma_start3A_92] : memref<320000x128xf32, #tpu.memory_space<hbm>> -> memref<80x128xf32, #tpu.memory_space<hbm>>
        %dma_start3A_94 = arith.constant 0 : i32
        %dma_start3A_95 = tpu.memref_slice %arg7[%add3A_62, %dma_start3A_94] : memref<320000x128xf32, #tpu.memory_space<hbm>> -> memref<80x128xf32, #tpu.memory_space<hbm>>
        tpu.enqueue_dma source(%arg11 : memref<80x128xf32, #tpu.memory_space<vmem>>) target(%dma_start3A_95 : memref<80x128xf32, #tpu.memory_space<hbm>>) target_semaphore(%run_scoped3A : memref<!tpu.dma_semaphore, #tpu.memory_space<semaphore_mem>>)
        %dma_wait3A_96 = arith.constant 0 : i32
        %dma_wait3A_97 = tpu.memref_slice %arg7[%add3A_62, %dma_wait3A_96] : memref<320000x128xf32, #tpu.memory_space<hbm>> -> memref<80x128xf32, #tpu.memory_space<hbm>>
        %dma_wait3A_98 = arith.constant 0 : i32
        %dma_wait3A_99 = tpu.memref_slice %arg7[%add3A_62, %dma_wait3A_98] : memref<320000x128xf32, #tpu.memory_space<hbm>> -> memref<80x128xf32, #tpu.memory_space<hbm>>
        tpu.wait_dma2 semaphore(%run_scoped3A : memref<!tpu.dma_semaphore, #tpu.memory_space<semaphore_mem>>) src(%arg11 : memref<80x128xf32, #tpu.memory_space<vmem>>) dst(%dma_wait3A_99 : memref<80x128xf32, #tpu.memory_space<hbm>>)
        tpu.yield
      }) : () -> ()
      %add3A_63 = arith.constant 2 : i32
      %add3A_64 = arith.addi %mul3A_35, %add3A_63 : i32
      %mul3A_65 = arith.constant 80 : i32
      %mul3A_66 = arith.muli %add3A_64, %mul3A_65 : i32
      %dma_start3A_67 = tpu.memref_slice %arg8[%mul3A_66] : memref<10000xi32, #tpu.memory_space<vmem>> -> memref<80xi32, #tpu.memory_space<vmem>>
      %dma_start3A_68 = arith.constant 0 : i32
      %dma_start3A_69 = arith.constant 0 : i32
      %dma_start3A_70 = tpu.memref_slice %arg2[%dma_start3A_68, %dma_start3A_69] : memref<10000x128xf32, #tpu.memory_space<hbm>> -> memref<10000x128xf32, #tpu.memory_space<hbm>>
      tpu.enqueue_indirect_dma source(%dma_start3A_70 : memref<10000x128xf32, #tpu.memory_space<hbm>>) target(%arg10 : memref<80x128xf32, #tpu.memory_space<vmem>>) offsets(%dma_start3A_67 : memref<80xi32, #tpu.memory_space<vmem>>) semaphore(%arg14 : memref<!tpu.dma_semaphore, #tpu.memory_space<semaphore_mem>>)
      %dma_start3A_71 = tpu.memref_slice %arg9[%mul3A_66] : memref<10000xi32, #tpu.memory_space<vmem>> -> memref<80xi32, #tpu.memory_space<vmem>>
      %dma_start3A_72 = arith.constant 0 : i32
      %dma_start3A_73 = arith.constant 0 : i32
      %dma_start3A_74 = tpu.memref_slice %arg3[%dma_start3A_72, %dma_start3A_73] : memref<10000x128xf32, #tpu.memory_space<hbm>> -> memref<10000x128xf32, #tpu.memory_space<hbm>>
      tpu.enqueue_indirect_dma source(%dma_start3A_74 : memref<10000x128xf32, #tpu.memory_space<hbm>>) target(%arg11 : memref<80x128xf32, #tpu.memory_space<vmem>>) offsets(%dma_start3A_71 : memref<80xi32, #tpu.memory_space<vmem>>) semaphore(%arg15 : memref<!tpu.dma_semaphore, #tpu.memory_space<semaphore_mem>>)
      %add3A_75 = arith.constant 1 : i32
      %add3A_76 = arith.addi %mul3A_35, %add3A_75 : i32
      %dma_wait3A_77 = arith.constant 0 : i32
      %dma_wait3A_78 = arith.constant 0 : i32
      %dma_wait3A_79 = tpu.memref_slice %arg2[%dma_wait3A_77, %dma_wait3A_78] : memref<10000x128xf32, #tpu.memory_space<hbm>> -> memref<80x128xf32, #tpu.memory_space<hbm>>
      %dma_wait3A_80 = arith.constant 0 : i32
      %dma_wait3A_81 = arith.constant 0 : i32
      %dma_wait3A_82 = tpu.memref_slice %arg2[%dma_wait3A_80, %dma_wait3A_81] : memref<10000x128xf32, #tpu.memory_space<hbm>> -> memref<80x128xf32, #tpu.memory_space<hbm>>
      tpu.wait_dma2 semaphore(%arg16 : memref<!tpu.dma_semaphore, #tpu.memory_space<semaphore_mem>>) src(%dma_wait3A_82 : memref<80x128xf32, #tpu.memory_space<hbm>>) dst(%arg12 : memref<80x128xf32, #tpu.memory_space<vmem>>)
      %dma_wait3A_83 = arith.constant 0 : i32
      %dma_wait3A_84 = arith.constant 0 : i32
      %dma_wait3A_85 = tpu.memref_slice %arg2[%dma_wait3A_83, %dma_wait3A_84] : memref<10000x128xf32, #tpu.memory_space<hbm>> -> memref<80x128xf32, #tpu.memory_space<hbm>>
      %dma_wait3A_86 = arith.constant 0 : i32
      %dma_wait3A_87 = arith.constant 0 : i32
      %dma_wait3A_88 = tpu.memref_slice %arg2[%dma_wait3A_86, %dma_wait3A_87] : memref<10000x128xf32, #tpu.memory_space<hbm>> -> memref<80x128xf32, #tpu.memory_space<hbm>>
      tpu.wait_dma2 semaphore(%arg17 : memref<!tpu.dma_semaphore, #tpu.memory_space<semaphore_mem>>) src(%dma_wait3A_88 : memref<80x128xf32, #tpu.memory_space<hbm>>) dst(%arg13 : memref<80x128xf32, #tpu.memory_space<vmem>>)
      %mul3A_89 = arith.constant 80 : i32
      %mul3A_90 = arith.muli %add3A_76, %mul3A_89 : i32
      %add3A_91 = arith.addi %mul3A_2, %mul3A_90 : i32
      "tpu.region"() ({
        %run_scoped3A = tpu.sem_alloc : memref<!tpu.dma_semaphore, #tpu.memory_space<semaphore_mem>>
        %dma_start3A_92 = arith.constant 0 : i32
        %dma_start3A_93 = tpu.memref_slice %arg6[%add3A_91, %dma_start3A_92] : memref<320000x128xf32, #tpu.memory_space<hbm>> -> memref<80x128xf32, #tpu.memory_space<hbm>>
        %dma_start3A_94 = arith.constant 0 : i32
        %dma_start3A_95 = tpu.memref_slice %arg6[%add3A_91, %dma_start3A_94] : memref<320000x128xf32, #tpu.memory_space<hbm>> -> memref<80x128xf32, #tpu.memory_space<hbm>>
        tpu.enqueue_dma source(%arg12 : memref<80x128xf32, #tpu.memory_space<vmem>>) target(%dma_start3A_95 : memref<80x128xf32, #tpu.memory_space<hbm>>) target_semaphore(%run_scoped3A : memref<!tpu.dma_semaphore, #tpu.memory_space<semaphore_mem>>)
        %dma_wait3A_96 = arith.constant 0 : i32
        %dma_wait3A_97 = tpu.memref_slice %arg6[%add3A_91, %dma_wait3A_96] : memref<320000x128xf32, #tpu.memory_space<hbm>> -> memref<80x128xf32, #tpu.memory_space<hbm>>
        %dma_wait3A_98 = arith.constant 0 : i32
        %dma_wait3A_99 = tpu.memref_slice %arg6[%add3A_91, %dma_wait3A_98] : memref<320000x128xf32, #tpu.memory_space<hbm>> -> memref<80x128xf32, #tpu.memory_space<hbm>>
        tpu.wait_dma2 semaphore(%run_scoped3A : memref<!tpu.dma_semaphore, #tpu.memory_space<semaphore_mem>>) src(%arg12 : memref<80x128xf32, #tpu.memory_space<vmem>>) dst(%dma_wait3A_99 : memref<80x128xf32, #tpu.memory_space<hbm>>)
        tpu.yield
      }) : () -> ()
      "tpu.region"() ({
        %run_scoped3A = tpu.sem_alloc : memref<!tpu.dma_semaphore, #tpu.memory_space<semaphore_mem>>
        %dma_start3A_92 = arith.constant 0 : i32
        %dma_start3A_93 = tpu.memref_slice %arg7[%add3A_91, %dma_start3A_92] : memref<320000x128xf32, #tpu.memory_space<hbm>> -> memref<80x128xf32, #tpu.memory_space<hbm>>
        %dma_start3A_94 = arith.constant 0 : i32
        %dma_start3A_95 = tpu.memref_slice %arg7[%add3A_91, %dma_start3A_94] : memref<320000x128xf32, #tpu.memory_space<hbm>> -> memref<80x128xf32, #tpu.memory_space<hbm>>
        tpu.enqueue_dma source(%arg13 : memref<80x128xf32, #tpu.memory_space<vmem>>) target(%dma_start3A_95 : memref<80x128xf32, #tpu.memory_space<hbm>>) target_semaphore(%run_scoped3A : memref<!tpu.dma_semaphore, #tpu.memory_space<semaphore_mem>>)
        %dma_wait3A_96 = arith.constant 0 : i32
        %dma_wait3A_97 = tpu.memref_slice %arg7[%add3A_91, %dma_wait3A_96] : memref<320000x128xf32, #tpu.memory_space<hbm>> -> memref<80x128xf32, #tpu.memory_space<hbm>>
        %dma_wait3A_98 = arith.constant 0 : i32
        %dma_wait3A_99 = tpu.memref_slice %arg7[%add3A_91, %dma_wait3A_98] : memref<320000x128xf32, #tpu.memory_space<hbm>> -> memref<80x128xf32, #tpu.memory_space<hbm>>
        tpu.wait_dma2 semaphore(%run_scoped3A : memref<!tpu.dma_semaphore, #tpu.memory_space<semaphore_mem>>) src(%arg13 : memref<80x128xf32, #tpu.memory_space<vmem>>) dst(%dma_wait3A_99 : memref<80x128xf32, #tpu.memory_space<hbm>>)
        tpu.yield
      }) : () -> ()
    }
    %scan3A_15 = arith.constant 62 : i32
    %dma_wait3A = arith.constant 0 : i32
    %dma_wait3A_16 = arith.constant 0 : i32
    %dma_wait3A_17 = tpu.memref_slice %arg2[%dma_wait3A, %dma_wait3A_16] : memref<10000x128xf32, #tpu.memory_space<hbm>> -> memref<80x128xf32, #tpu.memory_space<hbm>>
    %dma_wait3A_18 = arith.constant 0 : i32
    %dma_wait3A_19 = arith.constant 0 : i32
    %dma_wait3A_20 = tpu.memref_slice %arg2[%dma_wait3A_18, %dma_wait3A_19] : memref<10000x128xf32, #tpu.memory_space<hbm>> -> memref<80x128xf32, #tpu.memory_space<hbm>>
    tpu.wait_dma2 semaphore(%arg14 : memref<!tpu.dma_semaphore, #tpu.memory_space<semaphore_mem>>) src(%dma_wait3A_20 : memref<80x128xf32, #tpu.memory_space<hbm>>) dst(%arg10 : memref<80x128xf32, #tpu.memory_space<vmem>>)
    %dma_wait3A_21 = arith.constant 0 : i32
    %dma_wait3A_22 = arith.constant 0 : i32
    %dma_wait3A_23 = tpu.memref_slice %arg2[%dma_wait3A_21, %dma_wait3A_22] : memref<10000x128xf32, #tpu.memory_space<hbm>> -> memref<80x128xf32, #tpu.memory_space<hbm>>
    %dma_wait3A_24 = arith.constant 0 : i32
    %dma_wait3A_25 = arith.constant 0 : i32
    %dma_wait3A_26 = tpu.memref_slice %arg2[%dma_wait3A_24, %dma_wait3A_25] : memref<10000x128xf32, #tpu.memory_space<hbm>> -> memref<80x128xf32, #tpu.memory_space<hbm>>
    tpu.wait_dma2 semaphore(%arg15 : memref<!tpu.dma_semaphore, #tpu.memory_space<semaphore_mem>>) src(%dma_wait3A_26 : memref<80x128xf32, #tpu.memory_space<hbm>>) dst(%arg11 : memref<80x128xf32, #tpu.memory_space<vmem>>)
    %add3A_27 = arith.constant 9920 : i32
    %add3A_28 = arith.addi %mul3A_2, %add3A_27 : i32
    "tpu.region"() ({
      %run_scoped3A = tpu.sem_alloc : memref<!tpu.dma_semaphore, #tpu.memory_space<semaphore_mem>>
      %dma_start3A_29 = arith.constant 0 : i32
      %dma_start3A_30 = tpu.memref_slice %arg6[%add3A_28, %dma_start3A_29] : memref<320000x128xf32, #tpu.memory_space<hbm>> -> memref<80x128xf32, #tpu.memory_space<hbm>>
      %dma_start3A_31 = arith.constant 0 : i32
      %dma_start3A_32 = tpu.memref_slice %arg6[%add3A_28, %dma_start3A_31] : memref<320000x128xf32, #tpu.memory_space<hbm>> -> memref<80x128xf32, #tpu.memory_space<hbm>>
      tpu.enqueue_dma source(%arg10 : memref<80x128xf32, #tpu.memory_space<vmem>>) target(%dma_start3A_32 : memref<80x128xf32, #tpu.memory_space<hbm>>) target_semaphore(%run_scoped3A : memref<!tpu.dma_semaphore, #tpu.memory_space<semaphore_mem>>)
      %dma_wait3A_33 = arith.constant 0 : i32
      %dma_wait3A_34 = tpu.memref_slice %arg6[%add3A_28, %dma_wait3A_33] : memref<320000x128xf32, #tpu.memory_space<hbm>> -> memref<80x128xf32, #tpu.memory_space<hbm>>
      %dma_wait3A_35 = arith.constant 0 : i32
      %dma_wait3A_36 = tpu.memref_slice %arg6[%add3A_28, %dma_wait3A_35] : memref<320000x128xf32, #tpu.memory_space<hbm>> -> memref<80x128xf32, #tpu.memory_space<hbm>>
      tpu.wait_dma2 semaphore(%run_scoped3A : memref<!tpu.dma_semaphore, #tpu.memory_space<semaphore_mem>>) src(%arg10 : memref<80x128xf32, #tpu.memory_space<vmem>>) dst(%dma_wait3A_36 : memref<80x128xf32, #tpu.memory_space<hbm>>)
      tpu.yield
    }) : () -> ()
    "tpu.region"() ({
      %run_scoped3A = tpu.sem_alloc : memref<!tpu.dma_semaphore, #tpu.memory_space<semaphore_mem>>
      %dma_start3A_29 = arith.constant 0 : i32
      %dma_start3A_30 = tpu.memref_slice %arg7[%add3A_28, %dma_start3A_29] : memref<320000x128xf32, #tpu.memory_space<hbm>> -> memref<80x128xf32, #tpu.memory_space<hbm>>
      %dma_start3A_31 = arith.constant 0 : i32
      %dma_start3A_32 = tpu.memref_slice %arg7[%add3A_28, %dma_start3A_31] : memref<320000x128xf32, #tpu.memory_space<hbm>> -> memref<80x128xf32, #tpu.memory_space<hbm>>
      tpu.enqueue_dma source(%arg11 : memref<80x128xf32, #tpu.memory_space<vmem>>) target(%dma_start3A_32 : memref<80x128xf32, #tpu.memory_space<hbm>>) target_semaphore(%run_scoped3A : memref<!tpu.dma_semaphore, #tpu.memory_space<semaphore_mem>>)
      %dma_wait3A_33 = arith.constant 0 : i32
      %dma_wait3A_34 = tpu.memref_slice %arg7[%add3A_28, %dma_wait3A_33] : memref<320000x128xf32, #tpu.memory_space<hbm>> -> memref<80x128xf32, #tpu.memory_space<hbm>>
      %dma_wait3A_35 = arith.constant 0 : i32
      %dma_wait3A_36 = tpu.memref_slice %arg7[%add3A_28, %dma_wait3A_35] : memref<320000x128xf32, #tpu.memory_space<hbm>> -> memref<80x128xf32, #tpu.memory_space<hbm>>
      tpu.wait_dma2 semaphore(%run_scoped3A : memref<!tpu.dma_semaphore, #tpu.memory_space<semaphore_mem>>) src(%arg11 : memref<80x128xf32, #tpu.memory_space<vmem>>) dst(%dma_wait3A_36 : memref<80x128xf32, #tpu.memory_space<hbm>>)
      tpu.yield
    }) : () -> ()
    return
  }
}

#map = affine_map<(d0, d1) -> (0, 0)>
#map1 = affine_map<(d0, d1) -> (0)>
module attributes {stable_mosaic.version = 14 : i64} {
  func.func @k(%arg0: i32, %arg1: i32, %arg2: memref<10000x128xf32, #tpu.memory_space<hbm>>, %arg3: memref<10000x128xf32, #tpu.memory_space<hbm>>, %arg4: memref<320000xi32, #tpu.memory_space<hbm>>, %arg5: memref<320000xi32, #tpu.memory_space<hbm>>, %arg6: memref<320000x128xf32, #tpu.memory_space<hbm>>, %arg7: memref<320000x128xf32, #tpu.memory_space<hbm>>, %arg8: memref<10000xi32, #tpu.memory_space<vmem>>, %arg9: memref<10000xi32, #tpu.memory_space<vmem>>, %arg10: memref<80x128xf32, #tpu.memory_space<vmem>>, %arg11: memref<80x128xf32, #tpu.memory_space<vmem>>, %arg12: memref<80x128xf32, #tpu.memory_space<vmem>>, %arg13: memref<80x128xf32, #tpu.memory_space<vmem>>, %arg14: memref<!tpu.dma_semaphore, #tpu.memory_space<semaphore_mem>>, %arg15: memref<!tpu.dma_semaphore, #tpu.memory_space<semaphore_mem>>, %arg16: memref<!tpu.dma_semaphore, #tpu.memory_space<semaphore_mem>>, %arg17: memref<!tpu.dma_semaphore, #tpu.memory_space<semaphore_mem>>) attributes {dimension_semantics = [#tpu.dimension_semantics<core_parallel>, #tpu.dimension_semantics<subcore_parallel>], iteration_bounds = array<i64: 2, 16>, scalar_prefetch = 0 : i64, scratch_operands = 10 : i64, tpu.core_type = #tpu.core_type<sc_vector_subcore>, window_params = [{transform_indices = #map}, {transform_indices = #map}, {transform_indices = #map1}, {transform_indices = #map1}, {transform_indices = #map}, {transform_indices = #map}]} {
    %mul3A = arith.constant 2 : i32
    %mul3A_0 = arith.muli %arg1, %mul3A : i32
    %add3A = arith.addi %mul3A_0, %arg0 : i32
    %mul3A_1 = arith.constant 10000 : i32
    %mul3A_2 = arith.muli %add3A, %mul3A_1 : i32
    "tpu.region"() ({
      %run_scoped3A = tpu.sem_alloc : memref<!tpu.dma_semaphore, #tpu.memory_space<semaphore_mem>>
      %dma_start3A_29 = tpu.memref_slice %arg4[%mul3A_2] : memref<320000xi32, #tpu.memory_space<hbm>> -> memref<10000xi32, #tpu.memory_space<hbm>>
      %dma_start3A_30 = tpu.memref_slice %arg4[%mul3A_2] : memref<320000xi32, #tpu.memory_space<hbm>> -> memref<10000xi32, #tpu.memory_space<hbm>>
      tpu.enqueue_dma source(%dma_start3A_30 : memref<10000xi32, #tpu.memory_space<hbm>>) target(%arg8 : memref<10000xi32, #tpu.memory_space<vmem>>) target_semaphore(%run_scoped3A : memref<!tpu.dma_semaphore, #tpu.memory_space<semaphore_mem>>)
      %dma_wait3A_31 = tpu.memref_slice %arg4[%mul3A_2] : memref<320000xi32, #tpu.memory_space<hbm>> -> memref<10000xi32, #tpu.memory_space<hbm>>
      %dma_wait3A_32 = tpu.memref_slice %arg4[%mul3A_2] : memref<320000xi32, #tpu.memory_space<hbm>> -> memref<10000xi32, #tpu.memory_space<hbm>>
      tpu.wait_dma2 semaphore(%run_scoped3A : memref<!tpu.dma_semaphore, #tpu.memory_space<semaphore_mem>>) src(%dma_wait3A_32 : memref<10000xi32, #tpu.memory_space<hbm>>) dst(%arg8 : memref<10000xi32, #tpu.memory_space<vmem>>)
      tpu.yield
    }) : () -> ()
    "tpu.region"() ({
      %run_scoped3A = tpu.sem_alloc : memref<!tpu.dma_semaphore, #tpu.memory_space<semaphore_mem>>
      %dma_start3A_29 = tpu.memref_slice %arg5[%mul3A_2] : memref<320000xi32, #tpu.memory_space<hbm>> -> memref<10000xi32, #tpu.memory_space<hbm>>
      %dma_start3A_30 = tpu.memref_slice %arg5[%mul3A_2] : memref<320000xi32, #tpu.memory_space<hbm>> -> memref<10000xi32, #tpu.memory_space<hbm>>
      tpu.enqueue_dma source(%dma_start3A_30 : memref<10000xi32, #tpu.memory_space<hbm>>) target(%arg9 : memref<10000xi32, #tpu.memory_space<vmem>>) target_semaphore(%run_scoped3A : memref<!tpu.dma_semaphore, #tpu.memory_space<semaphore_mem>>)
      %dma_wait3A_31 = tpu.memref_slice %arg5[%mul3A_2] : memref<320000xi32, #tpu.memory_space<hbm>> -> memref<10000xi32, #tpu.memory_space<hbm>>
      %dma_wait3A_32 = tpu.memref_slice %arg5[%mul3A_2] : memref<320000xi32, #tpu.memory_space<hbm>> -> memref<10000xi32, #tpu.memory_space<hbm>>
      tpu.wait_dma2 semaphore(%run_scoped3A : memref<!tpu.dma_semaphore, #tpu.memory_space<semaphore_mem>>) src(%dma_wait3A_32 : memref<10000xi32, #tpu.memory_space<hbm>>) dst(%arg9 : memref<10000xi32, #tpu.memory_space<vmem>>)
      tpu.yield
    }) : () -> ()
    %dma_start3A = arith.constant 0 : i32
    %dma_start3A_3 = tpu.memref_slice %arg8[%dma_start3A] : memref<10000xi32, #tpu.memory_space<vmem>> -> memref<80xi32, #tpu.memory_space<vmem>>
    %dma_start3A_4 = arith.constant 0 : i32
    %dma_start3A_5 = arith.constant 0 : i32
    %dma_start3A_6 = tpu.memref_slice %arg2[%dma_start3A_4, %dma_start3A_5] : memref<10000x128xf32, #tpu.memory_space<hbm>> -> memref<10000x128xf32, #tpu.memory_space<hbm>>
    tpu.enqueue_indirect_dma source(%dma_start3A_6 : memref<10000x128xf32, #tpu.memory_space<hbm>>) target(%arg10 : memref<80x128xf32, #tpu.memory_space<vmem>>) offsets(%dma_start3A_3 : memref<80xi32, #tpu.memory_space<vmem>>) semaphore(%arg14 : memref<!tpu.dma_semaphore, #tpu.memory_space<semaphore_mem>>)
    %dma_start3A_7 = arith.constant 0 : i32
    %dma_start3A_8 = tpu.memref_slice %arg9[%dma_start3A_7] : memref<10000xi32, #tpu.memory_space<vmem>> -> memref<80xi32, #tpu.memory_space<vmem>>
    %dma_start3A_9 = arith.constant 0 : i32
    %dma_start3A_10 = arith.constant 0 : i32
    %dma_start3A_11 = tpu.memref_slice %arg3[%dma_start3A_9, %dma_start3A_10] : memref<10000x128xf32, #tpu.memory_space<hbm>> -> memref<10000x128xf32, #tpu.memory_space<hbm>>
    tpu.enqueue_indirect_dma source(%dma_start3A_11 : memref<10000x128xf32, #tpu.memory_space<hbm>>) target(%arg11 : memref<80x128xf32, #tpu.memory_space<vmem>>) offsets(%dma_start3A_8 : memref<80xi32, #tpu.memory_space<vmem>>) semaphore(%arg15 : memref<!tpu.dma_semaphore, #tpu.memory_space<semaphore_mem>>)
    %scan3A = arith.constant 0 : i32
    %scan3A_12 = arith.constant 62 : i32
    %scan3A_13 = arith.addi %scan3A, %scan3A_12 : i32
    %scan3A_14 = arith.constant 1 : i32
    scf.for %scan3A_29 = %scan3A to %scan3A_13 step %scan3A_14  : i32 {
      %mul3A_30 = arith.constant 1 : i32
      %mul3A_31 = arith.muli %scan3A_29, %mul3A_30 : i32
      %add3A_32 = arith.constant 0 : i32
      %add3A_33 = arith.addi %add3A_32, %mul3A_31 : i32
      %mul3A_34 = arith.constant 2 : i32
      %mul3A_35 = arith.muli %mul3A_34, %add3A_33 : i32
      %add3A_36 = arith.constant 1 : i32
      %add3A_37 = arith.addi %mul3A_35, %add3A_36 : i32
      %mul3A_38 = arith.constant 80 : i32
      %mul3A_39 = arith.muli %add3A_37, %mul3A_38 : i32
      %dma_start3A_40 = tpu.memref_slice %arg8[%mul3A_39] : memref<10000xi32, #tpu.memory_space<vmem>> -> memref<80xi32, #tpu.memory_space<vmem>>
      %dma_start3A_41 = arith.constant 0 : i32
      %dma_start3A_42 = arith.constant 0 : i32
      %dma_start3A_43 = tpu.memref_slice %arg2[%dma_start3A_41, %dma_start3A_42] : memref<10000x128xf32, #tpu.memory_space<hbm>> -> memref<10000x128xf32, #tpu.memory_space<hbm>>
      tpu.enqueue_indirect_dma source(%dma_start3A_43 : memref<10000x128xf32, #tpu.memory_space<hbm>>) target(%arg12 : memref<80x128xf32, #tpu.memory_space<vmem>>) offsets(%dma_start3A_40 : memref<80xi32, #tpu.memory_space<vmem>>) semaphore(%arg16 : memref<!tpu.dma_semaphore, #tpu.memory_space<semaphore_mem>>)
      %dma_start3A_44 = tpu.memref_slice %arg9[%mul3A_39] : memref<10000xi32, #tpu.memory_space<vmem>> -> memref<80xi32, #tpu.memory_space<vmem>>
      %dma_start3A_45 = arith.constant 0 : i32
      %dma_start3A_46 = arith.constant 0 : i32
      %dma_start3A_47 = tpu.memref_slice %arg3[%dma_start3A_45, %dma_start3A_46] : memref<10000x128xf32, #tpu.memory_space<hbm>> -> memref<10000x128xf32, #tpu.memory_space<hbm>>
      tpu.enqueue_indirect_dma source(%dma_start3A_47 : memref<10000x128xf32, #tpu.memory_space<hbm>>) target(%arg13 : memref<80x128xf32, #tpu.memory_space<vmem>>) offsets(%dma_start3A_44 : memref<80xi32, #tpu.memory_space<vmem>>) semaphore(%arg17 : memref<!tpu.dma_semaphore, #tpu.memory_space<semaphore_mem>>)
      %dma_wait3A_48 = arith.constant 0 : i32
      %dma_wait3A_49 = arith.constant 0 : i32
      %dma_wait3A_50 = tpu.memref_slice %arg2[%dma_wait3A_48, %dma_wait3A_49] : memref<10000x128xf32, #tpu.memory_space<hbm>> -> memref<80x128xf32, #tpu.memory_space<hbm>>
      %dma_wait3A_51 = arith.constant 0 : i32
      %dma_wait3A_52 = arith.constant 0 : i32
      %dma_wait3A_53 = tpu.memref_slice %arg2[%dma_wait3A_51, %dma_wait3A_52] : memref<10000x128xf32, #tpu.memory_space<hbm>> -> memref<80x128xf32, #tpu.memory_space<hbm>>
      tpu.wait_dma2 semaphore(%arg14 : memref<!tpu.dma_semaphore, #tpu.memory_space<semaphore_mem>>) src(%dma_wait3A_53 : memref<80x128xf32, #tpu.memory_space<hbm>>) dst(%arg10 : memref<80x128xf32, #tpu.memory_space<vmem>>)
      %dma_wait3A_54 = arith.constant 0 : i32
      %dma_wait3A_55 = arith.constant 0 : i32
      %dma_wait3A_56 = tpu.memref_slice %arg2[%dma_wait3A_54, %dma_wait3A_55] : memref<10000x128xf32, #tpu.memory_space<hbm>> -> memref<80x128xf32, #tpu.memory_space<hbm>>
      %dma_wait3A_57 = arith.constant 0 : i32
      %dma_wait3A_58 = arith.constant 0 : i32
      %dma_wait3A_59 = tpu.memref_slice %arg2[%dma_wait3A_57, %dma_wait3A_58] : memref<10000x128xf32, #tpu.memory_space<hbm>> -> memref<80x128xf32, #tpu.memory_space<hbm>>
      tpu.wait_dma2 semaphore(%arg15 : memref<!tpu.dma_semaphore, #tpu.memory_space<semaphore_mem>>) src(%dma_wait3A_59 : memref<80x128xf32, #tpu.memory_space<hbm>>) dst(%arg11 : memref<80x128xf32, #tpu.memory_space<vmem>>)
      %mul3A_60 = arith.constant 80 : i32
      %mul3A_61 = arith.muli %mul3A_35, %mul3A_60 : i32
      %add3A_62 = arith.addi %mul3A_2, %mul3A_61 : i32
      "tpu.region"() ({
        %run_scoped3A = tpu.sem_alloc : memref<!tpu.dma_semaphore, #tpu.memory_space<semaphore_mem>>
        %dma_start3A_92 = arith.constant 0 : i32
        %dma_start3A_93 = tpu.memref_slice %arg6[%add3A_62, %dma_start3A_92] : memref<320000x128xf32, #tpu.memory_space<hbm>> -> memref<80x128xf32, #tpu.memory_space<hbm>>
        %dma_start3A_94 = arith.constant 0 : i32
        %dma_start3A_95 = tpu.memref_slice %arg6[%add3A_62, %dma_start3A_94] : memref<320000x128xf32, #tpu.memory_space<hbm>> -> memref<80x128xf32, #tpu.memory_space<hbm>>
        tpu.enqueue_dma source(%arg10 : memref<80x128xf32, #tpu.memory_space<vmem>>) target(%dma_start3A_95 : memref<80x128xf32, #tpu.memory_space<hbm>>) target_semaphore(%run_scoped3A : memref<!tpu.dma_semaphore, #tpu.memory_space<semaphore_mem>>)
        %dma_wait3A_96 = arith.constant 0 : i32
        %dma_wait3A_97 = tpu.memref_slice %arg6[%add3A_62, %dma_wait3A_96] : memref<320000x128xf32, #tpu.memory_space<hbm>> -> memref<80x128xf32, #tpu.memory_space<hbm>>
        %dma_wait3A_98 = arith.constant 0 : i32
        %dma_wait3A_99 = tpu.memref_slice %arg6[%add3A_62, %dma_wait3A_98] : memref<320000x128xf32, #tpu.memory_space<hbm>> -> memref<80x128xf32, #tpu.memory_space<hbm>>
        tpu.wait_dma2 semaphore(%run_scoped3A : memref<!tpu.dma_semaphore, #tpu.memory_space<semaphore_mem>>) src(%arg10 : memref<80x128xf32, #tpu.memory_space<vmem>>) dst(%dma_wait3A_99 : memref<80x128xf32, #tpu.memory_space<hbm>>)
        tpu.yield
      }) : () -> ()
      "tpu.region"() ({
        %run_scoped3A = tpu.sem_alloc : memref<!tpu.dma_semaphore, #tpu.memory_space<semaphore_mem>>
        %dma_start3A_92 = arith.constant 0 : i32
        %dma_start3A_93 = tpu.memref_slice %arg7[%add3A_62, %dma_start3A_92] : memref<320000x128xf32, #tpu.memory_space<hbm>> -> memref<80x128xf32, #tpu.memory_space<hbm>>
        %dma_start3A_94 = arith.constant 0 : i32
        %dma_start3A_95 = tpu.memref_slice %arg7[%add3A_62, %dma_start3A_94] : memref<320000x128xf32, #tpu.memory_space<hbm>> -> memref<80x128xf32, #tpu.memory_space<hbm>>
        tpu.enqueue_dma source(%arg11 : memref<80x128xf32, #tpu.memory_space<vmem>>) target(%dma_start3A_95 : memref<80x128xf32, #tpu.memory_space<hbm>>) target_semaphore(%run_scoped3A : memref<!tpu.dma_semaphore, #tpu.memory_space<semaphore_mem>>)
        %dma_wait3A_96 = arith.constant 0 : i32
        %dma_wait3A_97 = tpu.memref_slice %arg7[%add3A_62, %dma_wait3A_96] : memref<320000x128xf32, #tpu.memory_space<hbm>> -> memref<80x128xf32, #tpu.memory_space<hbm>>
        %dma_wait3A_98 = arith.constant 0 : i32
        %dma_wait3A_99 = tpu.memref_slice %arg7[%add3A_62, %dma_wait3A_98] : memref<320000x128xf32, #tpu.memory_space<hbm>> -> memref<80x128xf32, #tpu.memory_space<hbm>>
        tpu.wait_dma2 semaphore(%run_scoped3A : memref<!tpu.dma_semaphore, #tpu.memory_space<semaphore_mem>>) src(%arg11 : memref<80x128xf32, #tpu.memory_space<vmem>>) dst(%dma_wait3A_99 : memref<80x128xf32, #tpu.memory_space<hbm>>)
        tpu.yield
      }) : () -> ()
      %add3A_63 = arith.constant 2 : i32
      %add3A_64 = arith.addi %mul3A_35, %add3A_63 : i32
      %mul3A_65 = arith.constant 80 : i32
      %mul3A_66 = arith.muli %add3A_64, %mul3A_65 : i32
      %dma_start3A_67 = tpu.memref_slice %arg8[%mul3A_66] : memref<10000xi32, #tpu.memory_space<vmem>> -> memref<80xi32, #tpu.memory_space<vmem>>
      %dma_start3A_68 = arith.constant 0 : i32
      %dma_start3A_69 = arith.constant 0 : i32
      %dma_start3A_70 = tpu.memref_slice %arg2[%dma_start3A_68, %dma_start3A_69] : memref<10000x128xf32, #tpu.memory_space<hbm>> -> memref<10000x128xf32, #tpu.memory_space<hbm>>
      tpu.enqueue_indirect_dma source(%dma_start3A_70 : memref<10000x128xf32, #tpu.memory_space<hbm>>) target(%arg10 : memref<80x128xf32, #tpu.memory_space<vmem>>) offsets(%dma_start3A_67 : memref<80xi32, #tpu.memory_space<vmem>>) semaphore(%arg14 : memref<!tpu.dma_semaphore, #tpu.memory_space<semaphore_mem>>)
      %dma_start3A_71 = tpu.memref_slice %arg9[%mul3A_66] : memref<10000xi32, #tpu.memory_space<vmem>> -> memref<80xi32, #tpu.memory_space<vmem>>
      %dma_start3A_72 = arith.constant 0 : i32
      %dma_start3A_73 = arith.constant 0 : i32
      %dma_start3A_74 = tpu.memref_slice %arg3[%dma_start3A_72, %dma_start3A_73] : memref<10000x128xf32, #tpu.memory_space<hbm>> -> memref<10000x128xf32, #tpu.memory_space<hbm>>
      tpu.enqueue_indirect_dma source(%dma_start3A_74 : memref<10000x128xf32, #tpu.memory_space<hbm>>) target(%arg11 : memref<80x128xf32, #tpu.memory_space<vmem>>) offsets(%dma_start3A_71 : memref<80xi32, #tpu.memory_space<vmem>>) semaphore(%arg15 : memref<!tpu.dma_semaphore, #tpu.memory_space<semaphore_mem>>)
      %add3A_75 = arith.constant 1 : i32
      %add3A_76 = arith.addi %mul3A_35, %add3A_75 : i32
      %dma_wait3A_77 = arith.constant 0 : i32
      %dma_wait3A_78 = arith.constant 0 : i32
      %dma_wait3A_79 = tpu.memref_slice %arg2[%dma_wait3A_77, %dma_wait3A_78] : memref<10000x128xf32, #tpu.memory_space<hbm>> -> memref<80x128xf32, #tpu.memory_space<hbm>>
      %dma_wait3A_80 = arith.constant 0 : i32
      %dma_wait3A_81 = arith.constant 0 : i32
      %dma_wait3A_82 = tpu.memref_slice %arg2[%dma_wait3A_80, %dma_wait3A_81] : memref<10000x128xf32, #tpu.memory_space<hbm>> -> memref<80x128xf32, #tpu.memory_space<hbm>>
      tpu.wait_dma2 semaphore(%arg16 : memref<!tpu.dma_semaphore, #tpu.memory_space<semaphore_mem>>) src(%dma_wait3A_82 : memref<80x128xf32, #tpu.memory_space<hbm>>) dst(%arg12 : memref<80x128xf32, #tpu.memory_space<vmem>>)
      %dma_wait3A_83 = arith.constant 0 : i32
      %dma_wait3A_84 = arith.constant 0 : i32
      %dma_wait3A_85 = tpu.memref_slice %arg2[%dma_wait3A_83, %dma_wait3A_84] : memref<10000x128xf32, #tpu.memory_space<hbm>> -> memref<80x128xf32, #tpu.memory_space<hbm>>
      %dma_wait3A_86 = arith.constant 0 : i32
      %dma_wait3A_87 = arith.constant 0 : i32
      %dma_wait3A_88 = tpu.memref_slice %arg2[%dma_wait3A_86, %dma_wait3A_87] : memref<10000x128xf32, #tpu.memory_space<hbm>> -> memref<80x128xf32, #tpu.memory_space<hbm>>
      tpu.wait_dma2 semaphore(%arg17 : memref<!tpu.dma_semaphore, #tpu.memory_space<semaphore_mem>>) src(%dma_wait3A_88 : memref<80x128xf32, #tpu.memory_space<hbm>>) dst(%arg13 : memref<80x128xf32, #tpu.memory_space<vmem>>)
      %mul3A_89 = arith.constant 80 : i32
      %mul3A_90 = arith.muli %add3A_76, %mul3A_89 : i32
      %add3A_91 = arith.addi %mul3A_2, %mul3A_90 : i32
      "tpu.region"() ({
        %run_scoped3A = tpu.sem_alloc : memref<!tpu.dma_semaphore, #tpu.memory_space<semaphore_mem>>
        %dma_start3A_92 = arith.constant 0 : i32
        %dma_start3A_93 = tpu.memref_slice %arg6[%add3A_91, %dma_start3A_92] : memref<320000x128xf32, #tpu.memory_space<hbm>> -> memref<80x128xf32, #tpu.memory_space<hbm>>
        %dma_start3A_94 = arith.constant 0 : i32
        %dma_start3A_95 = tpu.memref_slice %arg6[%add3A_91, %dma_start3A_94] : memref<320000x128xf32, #tpu.memory_space<hbm>> -> memref<80x128xf32, #tpu.memory_space<hbm>>
        tpu.enqueue_dma source(%arg12 : memref<80x128xf32, #tpu.memory_space<vmem>>) target(%dma_start3A_95 : memref<80x128xf32, #tpu.memory_space<hbm>>) target_semaphore(%run_scoped3A : memref<!tpu.dma_semaphore, #tpu.memory_space<semaphore_mem>>)
        %dma_wait3A_96 = arith.constant 0 : i32
        %dma_wait3A_97 = tpu.memref_slice %arg6[%add3A_91, %dma_wait3A_96] : memref<320000x128xf32, #tpu.memory_space<hbm>> -> memref<80x128xf32, #tpu.memory_space<hbm>>
        %dma_wait3A_98 = arith.constant 0 : i32
        %dma_wait3A_99 = tpu.memref_slice %arg6[%add3A_91, %dma_wait3A_98] : memref<320000x128xf32, #tpu.memory_space<hbm>> -> memref<80x128xf32, #tpu.memory_space<hbm>>
        tpu.wait_dma2 semaphore(%run_scoped3A : memref<!tpu.dma_semaphore, #tpu.memory_space<semaphore_mem>>) src(%arg12 : memref<80x128xf32, #tpu.memory_space<vmem>>) dst(%dma_wait3A_99 : memref<80x128xf32, #tpu.memory_space<hbm>>)
        tpu.yield
      }) : () -> ()
      "tpu.region"() ({
        %run_scoped3A = tpu.sem_alloc : memref<!tpu.dma_semaphore, #tpu.memory_space<semaphore_mem>>
        %dma_start3A_92 = arith.constant 0 : i32
        %dma_start3A_93 = tpu.memref_slice %arg7[%add3A_91, %dma_start3A_92] : memref<320000x128xf32, #tpu.memory_space<hbm>> -> memref<80x128xf32, #tpu.memory_space<hbm>>
        %dma_start3A_94 = arith.constant 0 : i32
        %dma_start3A_95 = tpu.memref_slice %arg7[%add3A_91, %dma_start3A_94] : memref<320000x128xf32, #tpu.memory_space<hbm>> -> memref<80x128xf32, #tpu.memory_space<hbm>>
        tpu.enqueue_dma source(%arg13 : memref<80x128xf32, #tpu.memory_space<vmem>>) target(%dma_start3A_95 : memref<80x128xf32, #tpu.memory_space<hbm>>) target_semaphore(%run_scoped3A : memref<!tpu.dma_semaphore, #tpu.memory_space<semaphore_mem>>)
        %dma_wait3A_96 = arith.constant 0 : i32
        %dma_wait3A_97 = tpu.memref_slice %arg7[%add3A_91, %dma_wait3A_96] : memref<320000x128xf32, #tpu.memory_space<hbm>> -> memref<80x128xf32, #tpu.memory_space<hbm>>
        %dma_wait3A_98 = arith.constant 0 : i32
        %dma_wait3A_99 = tpu.memref_slice %arg7[%add3A_91, %dma_wait3A_98] : memref<320000x128xf32, #tpu.memory_space<hbm>> -> memref<80x128xf32, #tpu.memory_space<hbm>>
        tpu.wait_dma2 semaphore(%run_scoped3A : memref<!tpu.dma_semaphore, #tpu.memory_space<semaphore_mem>>) src(%arg13 : memref<80x128xf32, #tpu.memory_space<vmem>>) dst(%dma_wait3A_99 : memref<80x128xf32, #tpu.memory_space<hbm>>)
        tpu.yield
      }) : () -> ()
    }
    %scan3A_15 = arith.constant 62 : i32
    %dma_wait3A = arith.constant 0 : i32
    %dma_wait3A_16 = arith.constant 0 : i32
    %dma_wait3A_17 = tpu.memref_slice %arg2[%dma_wait3A, %dma_wait3A_16] : memref<10000x128xf32, #tpu.memory_space<hbm>> -> memref<80x128xf32, #tpu.memory_space<hbm>>
    %dma_wait3A_18 = arith.constant 0 : i32
    %dma_wait3A_19 = arith.constant 0 : i32
    %dma_wait3A_20 = tpu.memref_slice %arg2[%dma_wait3A_18, %dma_wait3A_19] : memref<10000x128xf32, #tpu.memory_space<hbm>> -> memref<80x128xf32, #tpu.memory_space<hbm>>
    tpu.wait_dma2 semaphore(%arg14 : memref<!tpu.dma_semaphore, #tpu.memory_space<semaphore_mem>>) src(%dma_wait3A_20 : memref<80x128xf32, #tpu.memory_space<hbm>>) dst(%arg10 : memref<80x128xf32, #tpu.memory_space<vmem>>)
    %dma_wait3A_21 = arith.constant 0 : i32
    %dma_wait3A_22 = arith.constant 0 : i32
    %dma_wait3A_23 = tpu.memref_slice %arg2[%dma_wait3A_21, %dma_wait3A_22] : memref<10000x128xf32, #tpu.memory_space<hbm>> -> memref<80x128xf32, #tpu.memory_space<hbm>>
    %dma_wait3A_24 = arith.constant 0 : i32
    %dma_wait3A_25 = arith.constant 0 : i32
    %dma_wait3A_26 = tpu.memref_slice %arg2[%dma_wait3A_24, %dma_wait3A_25] : memref<10000x128xf32, #tpu.memory_space<hbm>> -> memref<80x128xf32, #tpu.memory_space<hbm>>
    tpu.wait_dma2 semaphore(%arg15 : memref<!tpu.dma_semaphore, #tpu.memory_space<semaphore_mem>>) src(%dma_wait3A_26 : memref<80x128xf32, #tpu.memory_space<hbm>>) dst(%arg11 : memref<80x128xf32, #tpu.memory_space<vmem>>)
    %add3A_27 = arith.constant 9920 : i32
    %add3A_28 = arith.addi %mul3A_2, %add3A_27 : i32
    "tpu.region"() ({
      %run_scoped3A = tpu.sem_alloc : memref<!tpu.dma_semaphore, #tpu.memory_space<semaphore_mem>>
      %dma_start3A_29 = arith.constant 0 : i32
      %dma_start3A_30 = tpu.memref_slice %arg6[%add3A_28, %dma_start3A_29] : memref<320000x128xf32, #tpu.memory_space<hbm>> -> memref<80x128xf32, #tpu.memory_space<hbm>>
      %dma_start3A_31 = arith.constant 0 : i32
      %dma_start3A_32 = tpu.memref_slice %arg6[%add3A_28, %dma_start3A_31] : memref<320000x128xf32, #tpu.memory_space<hbm>> -> memref<80x128xf32, #tpu.memory_space<hbm>>
      tpu.enqueue_dma source(%arg10 : memref<80x128xf32, #tpu.memory_space<vmem>>) target(%dma_start3A_32 : memref<80x128xf32, #tpu.memory_space<hbm>>) target_semaphore(%run_scoped3A : memref<!tpu.dma_semaphore, #tpu.memory_space<semaphore_mem>>)
      %dma_wait3A_33 = arith.constant 0 : i32
      %dma_wait3A_34 = tpu.memref_slice %arg6[%add3A_28, %dma_wait3A_33] : memref<320000x128xf32, #tpu.memory_space<hbm>> -> memref<80x128xf32, #tpu.memory_space<hbm>>
      %dma_wait3A_35 = arith.constant 0 : i32
      %dma_wait3A_36 = tpu.memref_slice %arg6[%add3A_28, %dma_wait3A_35] : memref<320000x128xf32, #tpu.memory_space<hbm>> -> memref<80x128xf32, #tpu.memory_space<hbm>>
      tpu.wait_dma2 semaphore(%run_scoped3A : memref<!tpu.dma_semaphore, #tpu.memory_space<semaphore_mem>>) src(%arg10 : memref<80x128xf32, #tpu.memory_space<vmem>>) dst(%dma_wait3A_36 : memref<80x128xf32, #tpu.memory_space<hbm>>)
      tpu.yield
    }) : () -> ()
    "tpu.region"() ({
      %run_scoped3A = tpu.sem_alloc : memref<!tpu.dma_semaphore, #tpu.memory_space<semaphore_mem>>
      %dma_start3A_29 = arith.constant 0 : i32
      %dma_start3A_30 = tpu.memref_slice %arg7[%add3A_28, %dma_start3A_29] : memref<320000x128xf32, #tpu.memory_space<hbm>> -> memref<80x128xf32, #tpu.memory_space<hbm>>
      %dma_start3A_31 = arith.constant 0 : i32
      %dma_start3A_32 = tpu.memref_slice %arg7[%add3A_28, %dma_start3A_31] : memref<320000x128xf32, #tpu.memory_space<hbm>> -> memref<80x128xf32, #tpu.memory_space<hbm>>
      tpu.enqueue_dma source(%arg11 : memref<80x128xf32, #tpu.memory_space<vmem>>) target(%dma_start3A_32 : memref<80x128xf32, #tpu.memory_space<hbm>>) target_semaphore(%run_scoped3A : memref<!tpu.dma_semaphore, #tpu.memory_space<semaphore_mem>>)
      %dma_wait3A_33 = arith.constant 0 : i32
      %dma_wait3A_34 = tpu.memref_slice %arg7[%add3A_28, %dma_wait3A_33] : memref<320000x128xf32, #tpu.memory_space<hbm>> -> memref<80x128xf32, #tpu.memory_space<hbm>>
      %dma_wait3A_35 = arith.constant 0 : i32
      %dma_wait3A_36 = tpu.memref_slice %arg7[%add3A_28, %dma_wait3A_35] : memref<320000x128xf32, #tpu.memory_space<hbm>> -> memref<80x128xf32, #tpu.memory_space<hbm>>
      tpu.wait_dma2 semaphore(%run_scoped3A : memref<!tpu.dma_semaphore, #tpu.memory_space<semaphore_mem>>) src(%arg11 : memref<80x128xf32, #tpu.memory_space<vmem>>) dst(%dma_wait3A_36 : memref<80x128xf32, #tpu.memory_space<hbm>>)
      tpu.yield
    }) : () -> ()
    return
  }
}

#map = affine_map<(d0, d1) -> (0, 0)>
#map1 = affine_map<(d0, d1) -> (0)>
#map2 = affine_map<(d0, d1) -> (0, 0, 0)>
module attributes {stable_mosaic.version = 14 : i64} {
  func.func @k(%arg0: i32, %arg1: i32, %arg2: memref<320000x128xf32, #tpu.memory_space<hbm>>, %arg3: memref<320000xi32, #tpu.memory_space<hbm>>, %arg4: memref<10240x128xf32, #tpu.memory_space<hbm>>, %arg5: memref<2x10240x128xf32, #tpu.memory_space<hbm>>, %arg6: memref<80xi32, #tpu.memory_space<vmem>>, %arg7: memref<80xi32, #tpu.memory_space<vmem>>, %arg8: memref<80x128xf32, #tpu.memory_space<vmem>>, %arg9: memref<80x128xf32, #tpu.memory_space<vmem>>, %arg10: memref<10240x128xf32, #tpu.memory_space<vmem_shared>>, %arg11: memref<!tpu.dma_semaphore, #tpu.memory_space<semaphore_mem>>, %arg12: memref<!tpu.dma_semaphore, #tpu.memory_space<semaphore_mem>>) attributes {dimension_semantics = [#tpu.dimension_semantics<core_parallel>, #tpu.dimension_semantics<subcore_parallel>], iteration_bounds = array<i64: 2, 16>, scalar_prefetch = 0 : i64, scratch_operands = 7 : i64, tpu.core_type = #tpu.core_type<sc_vector_subcore>, window_params = [{transform_indices = #map}, {transform_indices = #map1}, {transform_indices = #map}, {transform_indices = #map2}]} {
    %mul3A = arith.constant 640 : i32
    %mul3A_0 = arith.muli %arg1, %mul3A : i32
    %mul3A_1 = arith.constant 640 : i32
    %mul3A_2 = arith.muli %arg1, %mul3A_1 : i32
    "tpu.region"() ({
      %run_scoped3A = tpu.sem_alloc : memref<!tpu.dma_semaphore, #tpu.memory_space<semaphore_mem>>
      %dma_start3A_26 = arith.constant 0 : i32
      %dma_start3A_27 = tpu.memref_slice %arg10[%mul3A_2, %dma_start3A_26] : memref<10240x128xf32, #tpu.memory_space<vmem_shared>> -> memref<640x128xf32, #tpu.memory_space<vmem_shared>>
      %dma_start3A_28 = arith.constant 0 : i32
      %dma_start3A_29 = tpu.memref_slice %arg4[%mul3A_0, %dma_start3A_28] : memref<10240x128xf32, #tpu.memory_space<hbm>> -> memref<640x128xf32, #tpu.memory_space<hbm>>
      tpu.enqueue_dma source(%dma_start3A_29 : memref<640x128xf32, #tpu.memory_space<hbm>>) target(%dma_start3A_27 : memref<640x128xf32, #tpu.memory_space<vmem_shared>>) target_semaphore(%run_scoped3A : memref<!tpu.dma_semaphore, #tpu.memory_space<semaphore_mem>>)
      %dma_wait3A_30 = arith.constant 0 : i32
      %dma_wait3A_31 = tpu.memref_slice %arg10[%mul3A_2, %dma_wait3A_30] : memref<10240x128xf32, #tpu.memory_space<vmem_shared>> -> memref<640x128xf32, #tpu.memory_space<vmem_shared>>
      %dma_wait3A_32 = arith.constant 0 : i32
      %dma_wait3A_33 = tpu.memref_slice %arg4[%mul3A_0, %dma_wait3A_32] : memref<10240x128xf32, #tpu.memory_space<hbm>> -> memref<640x128xf32, #tpu.memory_space<hbm>>
      tpu.wait_dma2 semaphore(%run_scoped3A : memref<!tpu.dma_semaphore, #tpu.memory_space<semaphore_mem>>) src(%dma_wait3A_33 : memref<640x128xf32, #tpu.memory_space<hbm>>) dst(%dma_wait3A_31 : memref<640x128xf32, #tpu.memory_space<vmem_shared>>)
      tpu.yield
    }) : () -> ()
    %barrier3A = arith.constant 0 : index
    tpu.barrier barrier_id(%barrier3A)
    %mul3A_3 = arith.constant 16 : i32
    %mul3A_4 = arith.muli %arg0, %mul3A_3 : i32
    %add3A = arith.addi %mul3A_4, %arg1 : i32
    %mul3A_5 = arith.constant 10000 : i32
    %mul3A_6 = arith.muli %add3A, %mul3A_5 : i32
    %add3A_7 = arith.constant 0 : i32
    %add3A_8 = arith.addi %mul3A_6, %add3A_7 : i32
    "tpu.region"() ({
      %run_scoped3A = tpu.sem_alloc : memref<!tpu.dma_semaphore, #tpu.memory_space<semaphore_mem>>
      %dma_start3A_26 = tpu.memref_slice %arg3[%add3A_8] : memref<320000xi32, #tpu.memory_space<hbm>> -> memref<80xi32, #tpu.memory_space<hbm>>
      %dma_start3A_27 = tpu.memref_slice %arg3[%add3A_8] : memref<320000xi32, #tpu.memory_space<hbm>> -> memref<80xi32, #tpu.memory_space<hbm>>
      tpu.enqueue_dma source(%dma_start3A_27 : memref<80xi32, #tpu.memory_space<hbm>>) target(%arg6 : memref<80xi32, #tpu.memory_space<vmem>>) target_semaphore(%run_scoped3A : memref<!tpu.dma_semaphore, #tpu.memory_space<semaphore_mem>>)
      %dma_wait3A_28 = tpu.memref_slice %arg3[%add3A_8] : memref<320000xi32, #tpu.memory_space<hbm>> -> memref<80xi32, #tpu.memory_space<hbm>>
      %dma_wait3A_29 = tpu.memref_slice %arg3[%add3A_8] : memref<320000xi32, #tpu.memory_space<hbm>> -> memref<80xi32, #tpu.memory_space<hbm>>
      tpu.wait_dma2 semaphore(%run_scoped3A : memref<!tpu.dma_semaphore, #tpu.memory_space<semaphore_mem>>) src(%dma_wait3A_29 : memref<80xi32, #tpu.memory_space<hbm>>) dst(%arg6 : memref<80xi32, #tpu.memory_space<vmem>>)
      tpu.yield
    }) : () -> ()
    %dma_start3A = arith.constant 0 : i32
    %dma_start3A_9 = tpu.memref_slice %arg2[%add3A_8, %dma_start3A] : memref<320000x128xf32, #tpu.memory_space<hbm>> -> memref<80x128xf32, #tpu.memory_space<hbm>>
    %dma_start3A_10 = arith.constant 0 : i32
    %dma_start3A_11 = tpu.memref_slice %arg2[%add3A_8, %dma_start3A_10] : memref<320000x128xf32, #tpu.memory_space<hbm>> -> memref<80x128xf32, #tpu.memory_space<hbm>>
    tpu.enqueue_dma source(%dma_start3A_11 : memref<80x128xf32, #tpu.memory_space<hbm>>) target(%arg8 : memref<80x128xf32, #tpu.memory_space<vmem>>) target_semaphore(%arg11 : memref<!tpu.dma_semaphore, #tpu.memory_space<semaphore_mem>>)
    %scan3A = arith.constant 0 : i32
    %scan3A_12 = arith.constant 62 : i32
    %scan3A_13 = arith.addi %scan3A, %scan3A_12 : i32
    %scan3A_14 = arith.constant 1 : i32
    scf.for %scan3A_26 = %scan3A to %scan3A_13 step %scan3A_14  : i32 {
      %mul3A_27 = arith.constant 1 : i32
      %mul3A_28 = arith.muli %scan3A_26, %mul3A_27 : i32
      %add3A_29 = arith.constant 0 : i32
      %add3A_30 = arith.addi %add3A_29, %mul3A_28 : i32
      %mul3A_31 = arith.constant 2 : i32
      %mul3A_32 = arith.muli %mul3A_31, %add3A_30 : i32
      %add3A_33 = arith.constant 1 : i32
      %add3A_34 = arith.addi %mul3A_32, %add3A_33 : i32
      %mul3A_35 = arith.constant 80 : i32
      %mul3A_36 = arith.muli %add3A_34, %mul3A_35 : i32
      %add3A_37 = arith.addi %mul3A_6, %mul3A_36 : i32
      "tpu.region"() ({
        %run_scoped3A = tpu.sem_alloc : memref<!tpu.dma_semaphore, #tpu.memory_space<semaphore_mem>>
        %dma_start3A_65 = tpu.memref_slice %arg3[%add3A_37] : memref<320000xi32, #tpu.memory_space<hbm>> -> memref<80xi32, #tpu.memory_space<hbm>>
        %dma_start3A_66 = tpu.memref_slice %arg3[%add3A_37] : memref<320000xi32, #tpu.memory_space<hbm>> -> memref<80xi32, #tpu.memory_space<hbm>>
        tpu.enqueue_dma source(%dma_start3A_66 : memref<80xi32, #tpu.memory_space<hbm>>) target(%arg7 : memref<80xi32, #tpu.memory_space<vmem>>) target_semaphore(%run_scoped3A : memref<!tpu.dma_semaphore, #tpu.memory_space<semaphore_mem>>)
        %dma_wait3A_67 = tpu.memref_slice %arg3[%add3A_37] : memref<320000xi32, #tpu.memory_space<hbm>> -> memref<80xi32, #tpu.memory_space<hbm>>
        %dma_wait3A_68 = tpu.memref_slice %arg3[%add3A_37] : memref<320000xi32, #tpu.memory_space<hbm>> -> memref<80xi32, #tpu.memory_space<hbm>>
        tpu.wait_dma2 semaphore(%run_scoped3A : memref<!tpu.dma_semaphore, #tpu.memory_space<semaphore_mem>>) src(%dma_wait3A_68 : memref<80xi32, #tpu.memory_space<hbm>>) dst(%arg7 : memref<80xi32, #tpu.memory_space<vmem>>)
        tpu.yield
      }) : () -> ()
      %dma_start3A_38 = arith.constant 0 : i32
      %dma_start3A_39 = tpu.memref_slice %arg2[%add3A_37, %dma_start3A_38] : memref<320000x128xf32, #tpu.memory_space<hbm>> -> memref<80x128xf32, #tpu.memory_space<hbm>>
      %dma_start3A_40 = arith.constant 0 : i32
      %dma_start3A_41 = tpu.memref_slice %arg2[%add3A_37, %dma_start3A_40] : memref<320000x128xf32, #tpu.memory_space<hbm>> -> memref<80x128xf32, #tpu.memory_space<hbm>>
      tpu.enqueue_dma source(%dma_start3A_41 : memref<80x128xf32, #tpu.memory_space<hbm>>) target(%arg9 : memref<80x128xf32, #tpu.memory_space<vmem>>) target_semaphore(%arg12 : memref<!tpu.dma_semaphore, #tpu.memory_space<semaphore_mem>>)
      %dma_wait3A_42 = arith.constant 0 : i32
      %dma_wait3A_43 = arith.constant 0 : i32
      %dma_wait3A_44 = tpu.memref_slice %arg2[%dma_wait3A_42, %dma_wait3A_43] : memref<320000x128xf32, #tpu.memory_space<hbm>> -> memref<80x128xf32, #tpu.memory_space<hbm>>
      %dma_wait3A_45 = arith.constant 0 : i32
      %dma_wait3A_46 = arith.constant 0 : i32
      %dma_wait3A_47 = tpu.memref_slice %arg2[%dma_wait3A_45, %dma_wait3A_46] : memref<320000x128xf32, #tpu.memory_space<hbm>> -> memref<80x128xf32, #tpu.memory_space<hbm>>
      tpu.wait_dma2 semaphore(%arg11 : memref<!tpu.dma_semaphore, #tpu.memory_space<semaphore_mem>>) src(%dma_wait3A_47 : memref<80x128xf32, #tpu.memory_space<hbm>>) dst(%arg8 : memref<80x128xf32, #tpu.memory_space<vmem>>)
      "tpu.region"() ({
        %run_scoped3A = tpu.sem_alloc : memref<!tpu.dma_semaphore, #tpu.memory_space<semaphore_mem>>
        %dma_start3A_65 = arith.constant 0 : i32
        %dma_start3A_66 = arith.constant 0 : i32
        %dma_start3A_67 = tpu.memref_slice %arg10[%dma_start3A_65, %dma_start3A_66] : memref<10240x128xf32, #tpu.memory_space<vmem_shared>> -> memref<10240x128xf32, #tpu.memory_space<vmem_shared>>
        tpu.enqueue_indirect_dma source(%arg8 : memref<80x128xf32, #tpu.memory_space<vmem>>) target(%dma_start3A_67 : memref<10240x128xf32, #tpu.memory_space<vmem_shared>>) offsets(%arg6 : memref<80xi32, #tpu.memory_space<vmem>>) semaphore(%run_scoped3A : memref<!tpu.dma_semaphore, #tpu.memory_space<semaphore_mem>>) {add = true}
        %dma_wait3A_68 = arith.constant 0 : i32
        %dma_wait3A_69 = arith.constant 0 : i32
        %dma_wait3A_70 = tpu.memref_slice %arg10[%dma_wait3A_68, %dma_wait3A_69] : memref<10240x128xf32, #tpu.memory_space<vmem_shared>> -> memref<10240x128xf32, #tpu.memory_space<vmem_shared>>
        tpu.wait_indirect_dma semaphore(%run_scoped3A : memref<!tpu.dma_semaphore, #tpu.memory_space<semaphore_mem>>) src(%arg8 : memref<80x128xf32, #tpu.memory_space<vmem>>) dst(%dma_wait3A_70 : memref<10240x128xf32, #tpu.memory_space<vmem_shared>>)
        tpu.yield
      }) : () -> ()
      %add3A_48 = arith.constant 2 : i32
      %add3A_49 = arith.addi %mul3A_32, %add3A_48 : i32
      %mul3A_50 = arith.constant 80 : i32
      %mul3A_51 = arith.muli %add3A_49, %mul3A_50 : i32
      %add3A_52 = arith.addi %mul3A_6, %mul3A_51 : i32
      "tpu.region"() ({
        %run_scoped3A = tpu.sem_alloc : memref<!tpu.dma_semaphore, #tpu.memory_space<semaphore_mem>>
        %dma_start3A_65 = tpu.memref_slice %arg3[%add3A_52] : memref<320000xi32, #tpu.memory_space<hbm>> -> memref<80xi32, #tpu.memory_space<hbm>>
        %dma_start3A_66 = tpu.memref_slice %arg3[%add3A_52] : memref<320000xi32, #tpu.memory_space<hbm>> -> memref<80xi32, #tpu.memory_space<hbm>>
        tpu.enqueue_dma source(%dma_start3A_66 : memref<80xi32, #tpu.memory_space<hbm>>) target(%arg6 : memref<80xi32, #tpu.memory_space<vmem>>) target_semaphore(%run_scoped3A : memref<!tpu.dma_semaphore, #tpu.memory_space<semaphore_mem>>)
        %dma_wait3A_67 = tpu.memref_slice %arg3[%add3A_52] : memref<320000xi32, #tpu.memory_space<hbm>> -> memref<80xi32, #tpu.memory_space<hbm>>
        %dma_wait3A_68 = tpu.memref_slice %arg3[%add3A_52] : memref<320000xi32, #tpu.memory_space<hbm>> -> memref<80xi32, #tpu.memory_space<hbm>>
        tpu.wait_dma2 semaphore(%run_scoped3A : memref<!tpu.dma_semaphore, #tpu.memory_space<semaphore_mem>>) src(%dma_wait3A_68 : memref<80xi32, #tpu.memory_space<hbm>>) dst(%arg6 : memref<80xi32, #tpu.memory_space<vmem>>)
        tpu.yield
      }) : () -> ()
      %dma_start3A_53 = arith.constant 0 : i32
      %dma_start3A_54 = tpu.memref_slice %arg2[%add3A_52, %dma_start3A_53] : memref<320000x128xf32, #tpu.memory_space<hbm>> -> memref<80x128xf32, #tpu.memory_space<hbm>>
      %dma_start3A_55 = arith.constant 0 : i32
      %dma_start3A_56 = tpu.memref_slice %arg2[%add3A_52, %dma_start3A_55] : memref<320000x128xf32, #tpu.memory_space<hbm>> -> memref<80x128xf32, #tpu.memory_space<hbm>>
      tpu.enqueue_dma source(%dma_start3A_56 : memref<80x128xf32, #tpu.memory_space<hbm>>) target(%arg8 : memref<80x128xf32, #tpu.memory_space<vmem>>) target_semaphore(%arg11 : memref<!tpu.dma_semaphore, #tpu.memory_space<semaphore_mem>>)
      %add3A_57 = arith.constant 1 : i32
      %add3A_58 = arith.addi %mul3A_32, %add3A_57 : i32
      %dma_wait3A_59 = arith.constant 0 : i32
      %dma_wait3A_60 = arith.constant 0 : i32
      %dma_wait3A_61 = tpu.memref_slice %arg2[%dma_wait3A_59, %dma_wait3A_60] : memref<320000x128xf32, #tpu.memory_space<hbm>> -> memref<80x128xf32, #tpu.memory_space<hbm>>
      %dma_wait3A_62 = arith.constant 0 : i32
      %dma_wait3A_63 = arith.constant 0 : i32
      %dma_wait3A_64 = tpu.memref_slice %arg2[%dma_wait3A_62, %dma_wait3A_63] : memref<320000x128xf32, #tpu.memory_space<hbm>> -> memref<80x128xf32, #tpu.memory_space<hbm>>
      tpu.wait_dma2 semaphore(%arg12 : memref<!tpu.dma_semaphore, #tpu.memory_space<semaphore_mem>>) src(%dma_wait3A_64 : memref<80x128xf32, #tpu.memory_space<hbm>>) dst(%arg9 : memref<80x128xf32, #tpu.memory_space<vmem>>)
      "tpu.region"() ({
        %run_scoped3A = tpu.sem_alloc : memref<!tpu.dma_semaphore, #tpu.memory_space<semaphore_mem>>
        %dma_start3A_65 = arith.constant 0 : i32
        %dma_start3A_66 = arith.constant 0 : i32
        %dma_start3A_67 = tpu.memref_slice %arg10[%dma_start3A_65, %dma_start3A_66] : memref<10240x128xf32, #tpu.memory_space<vmem_shared>> -> memref<10240x128xf32, #tpu.memory_space<vmem_shared>>
        tpu.enqueue_indirect_dma source(%arg9 : memref<80x128xf32, #tpu.memory_space<vmem>>) target(%dma_start3A_67 : memref<10240x128xf32, #tpu.memory_space<vmem_shared>>) offsets(%arg7 : memref<80xi32, #tpu.memory_space<vmem>>) semaphore(%run_scoped3A : memref<!tpu.dma_semaphore, #tpu.memory_space<semaphore_mem>>) {add = true}
        %dma_wait3A_68 = arith.constant 0 : i32
        %dma_wait3A_69 = arith.constant 0 : i32
        %dma_wait3A_70 = tpu.memref_slice %arg10[%dma_wait3A_68, %dma_wait3A_69] : memref<10240x128xf32, #tpu.memory_space<vmem_shared>> -> memref<10240x128xf32, #tpu.memory_space<vmem_shared>>
        tpu.wait_indirect_dma semaphore(%run_scoped3A : memref<!tpu.dma_semaphore, #tpu.memory_space<semaphore_mem>>) src(%arg9 : memref<80x128xf32, #tpu.memory_space<vmem>>) dst(%dma_wait3A_70 : memref<10240x128xf32, #tpu.memory_space<vmem_shared>>)
        tpu.yield
      }) : () -> ()
    }
    %scan3A_15 = arith.constant 62 : i32
    %dma_wait3A = arith.constant 0 : i32
    %dma_wait3A_16 = arith.constant 0 : i32
    %dma_wait3A_17 = tpu.memref_slice %arg2[%dma_wait3A, %dma_wait3A_16] : memref<320000x128xf32, #tpu.memory_space<hbm>> -> memref<80x128xf32, #tpu.memory_space<hbm>>
    %dma_wait3A_18 = arith.constant 0 : i32
    %dma_wait3A_19 = arith.constant 0 : i32
    %dma_wait3A_20 = tpu.memref_slice %arg2[%dma_wait3A_18, %dma_wait3A_19] : memref<320000x128xf32, #tpu.memory_space<hbm>> -> memref<80x128xf32, #tpu.memory_space<hbm>>
    tpu.wait_dma2 semaphore(%arg11 : memref<!tpu.dma_semaphore, #tpu.memory_space<semaphore_mem>>) src(%dma_wait3A_20 : memref<80x128xf32, #tpu.memory_space<hbm>>) dst(%arg8 : memref<80x128xf32, #tpu.memory_space<vmem>>)
    "tpu.region"() ({
      %run_scoped3A = tpu.sem_alloc : memref<!tpu.dma_semaphore, #tpu.memory_space<semaphore_mem>>
      %dma_start3A_26 = arith.constant 0 : i32
      %dma_start3A_27 = arith.constant 0 : i32
      %dma_start3A_28 = tpu.memref_slice %arg10[%dma_start3A_26, %dma_start3A_27] : memref<10240x128xf32, #tpu.memory_space<vmem_shared>> -> memref<10240x128xf32, #tpu.memory_space<vmem_shared>>
      tpu.enqueue_indirect_dma source(%arg8 : memref<80x128xf32, #tpu.memory_space<vmem>>) target(%dma_start3A_28 : memref<10240x128xf32, #tpu.memory_space<vmem_shared>>) offsets(%arg6 : memref<80xi32, #tpu.memory_space<vmem>>) semaphore(%run_scoped3A : memref<!tpu.dma_semaphore, #tpu.memory_space<semaphore_mem>>) {add = true}
      %dma_wait3A_29 = arith.constant 0 : i32
      %dma_wait3A_30 = arith.constant 0 : i32
      %dma_wait3A_31 = tpu.memref_slice %arg10[%dma_wait3A_29, %dma_wait3A_30] : memref<10240x128xf32, #tpu.memory_space<vmem_shared>> -> memref<10240x128xf32, #tpu.memory_space<vmem_shared>>
      tpu.wait_indirect_dma semaphore(%run_scoped3A : memref<!tpu.dma_semaphore, #tpu.memory_space<semaphore_mem>>) src(%arg8 : memref<80x128xf32, #tpu.memory_space<vmem>>) dst(%dma_wait3A_31 : memref<10240x128xf32, #tpu.memory_space<vmem_shared>>)
      tpu.yield
    }) : () -> ()
    %barrier3A_21 = arith.constant 0 : index
    tpu.barrier barrier_id(%barrier3A_21)
    %mul3A_22 = arith.constant 640 : i32
    %mul3A_23 = arith.muli %arg1, %mul3A_22 : i32
    %mul3A_24 = arith.constant 640 : i32
    %mul3A_25 = arith.muli %arg1, %mul3A_24 : i32
    "tpu.region"() ({
      %run_scoped3A = tpu.sem_alloc : memref<!tpu.dma_semaphore, #tpu.memory_space<semaphore_mem>>
      %dma_start3A_26 = arith.constant 0 : i32
      %dma_start3A_27 = arith.constant 0 : i32
      %dma_start3A_28 = tpu.memref_slice %arg5[%arg0, %dma_start3A_26, %dma_start3A_27] : memref<2x10240x128xf32, #tpu.memory_space<hbm>> -> memref<1x10240x128xf32, #tpu.memory_space<hbm>>
      %dma_start3A_29 = tpu.memref_squeeze %dma_start3A_28 : memref<1x10240x128xf32, #tpu.memory_space<hbm>> -> memref<10240x128xf32, #tpu.memory_space<hbm>>
      %dma_start3A_30 = arith.constant 0 : i32
      %dma_start3A_31 = tpu.memref_slice %dma_start3A_29[%mul3A_25, %dma_start3A_30] : memref<10240x128xf32, #tpu.memory_space<hbm>> -> memref<640x128xf32, #tpu.memory_space<hbm>>
      %dma_start3A_32 = arith.constant 0 : i32
      %dma_start3A_33 = tpu.memref_slice %arg10[%mul3A_23, %dma_start3A_32] : memref<10240x128xf32, #tpu.memory_space<vmem_shared>> -> memref<640x128xf32, #tpu.memory_space<vmem_shared>>
      tpu.enqueue_dma source(%dma_start3A_33 : memref<640x128xf32, #tpu.memory_space<vmem_shared>>) target(%dma_start3A_31 : memref<640x128xf32, #tpu.memory_space<hbm>>) target_semaphore(%run_scoped3A : memref<!tpu.dma_semaphore, #tpu.memory_space<semaphore_mem>>)
      %dma_wait3A_34 = arith.constant 0 : i32
      %dma_wait3A_35 = arith.constant 0 : i32
      %dma_wait3A_36 = tpu.memref_slice %arg5[%arg0, %dma_wait3A_34, %dma_wait3A_35] : memref<2x10240x128xf32, #tpu.memory_space<hbm>> -> memref<1x10240x128xf32, #tpu.memory_space<hbm>>
      %dma_wait3A_37 = tpu.memref_squeeze %dma_wait3A_36 : memref<1x10240x128xf32, #tpu.memory_space<hbm>> -> memref<10240x128xf32, #tpu.memory_space<hbm>>
      %dma_wait3A_38 = arith.constant 0 : i32
      %dma_wait3A_39 = tpu.memref_slice %dma_wait3A_37[%mul3A_25, %dma_wait3A_38] : memref<10240x128xf32, #tpu.memory_space<hbm>> -> memref<640x128xf32, #tpu.memory_space<hbm>>
      %dma_wait3A_40 = arith.constant 0 : i32
      %dma_wait3A_41 = tpu.memref_slice %arg10[%mul3A_23, %dma_wait3A_40] : memref<10240x128xf32, #tpu.memory_space<vmem_shared>> -> memref<640x128xf32, #tpu.memory_space<vmem_shared>>
      tpu.wait_dma2 semaphore(%run_scoped3A : memref<!tpu.dma_semaphore, #tpu.memory_space<semaphore_mem>>) src(%dma_wait3A_41 : memref<640x128xf32, #tpu.memory_space<vmem_shared>>) dst(%dma_wait3A_39 : memref<640x128xf32, #tpu.memory_space<hbm>>)
      tpu.yield
    }) : () -> ()
    return
  }
}

module attributes {stable_mosaic.version = 14 : i64} {
  func.func @_node_init_body(%arg0: memref<10000x128xf32, #tpu.memory_space<vmem>>, %arg1: memref<128x64xf32, #tpu.memory_space<vmem>>, %arg2: memref<4x64x64xf32, #tpu.memory_space<vmem>>, %arg3: memref<5x1x64xf32, #tpu.memory_space<vmem>>, %arg4: memref<8x1x64xf32, #tpu.memory_space<vmem>>, %arg5: memref<64x128xf32, #tpu.memory_space<vmem>>, %arg6: memref<10000x64xf32, #tpu.memory_space<vmem>>, %arg7: memref<10000x128xf32, #tpu.memory_space<vmem>>, %arg8: memref<10000x128xf32, #tpu.memory_space<vmem>>) attributes {dimension_semantics = [], scalar_prefetch = 0 : i64, scratch_operands = 0 : i64, tpu.core_type = #tpu.core_type<tc>} {
    %get3A = arith.constant 0 : index
    %get3A_0 = arith.constant 0 : index
    %get3A_1 = vector.load %arg1[%get3A, %get3A_0] : memref<128x64xf32, #tpu.memory_space<vmem>>, vector<128x64xf32>
    %get3A_2 = arith.constant 0 : index
    %get3A_3 = arith.constant 0 : index
    %get3A_4 = arith.constant 0 : index
    %get3A_5 = vector.load %arg2[%get3A_2, %get3A_3, %get3A_4] : memref<4x64x64xf32, #tpu.memory_space<vmem>>, vector<1x64x64xf32>
    %get3A_6 = vector.shape_cast %get3A_5 : vector<1x64x64xf32> to vector<64x64xf32>
    %get3A_7 = arith.constant 1 : index
    %get3A_8 = arith.constant 0 : index
    %get3A_9 = arith.constant 0 : index
    %get3A_10 = vector.load %arg2[%get3A_7, %get3A_8, %get3A_9] : memref<4x64x64xf32, #tpu.memory_space<vmem>>, vector<1x64x64xf32>
    %get3A_11 = vector.shape_cast %get3A_10 : vector<1x64x64xf32> to vector<64x64xf32>
    %get3A_12 = arith.constant 2 : index
    %get3A_13 = arith.constant 0 : index
    %get3A_14 = arith.constant 0 : index
    %get3A_15 = vector.load %arg2[%get3A_12, %get3A_13, %get3A_14] : memref<4x64x64xf32, #tpu.memory_space<vmem>>, vector<1x64x64xf32>
    %get3A_16 = vector.shape_cast %get3A_15 : vector<1x64x64xf32> to vector<64x64xf32>
    %get3A_17 = arith.constant 3 : index
    %get3A_18 = arith.constant 0 : index
    %get3A_19 = arith.constant 0 : index
    %get3A_20 = vector.load %arg2[%get3A_17, %get3A_18, %get3A_19] : memref<4x64x64xf32, #tpu.memory_space<vmem>>, vector<1x64x64xf32>
    %get3A_21 = vector.shape_cast %get3A_20 : vector<1x64x64xf32> to vector<64x64xf32>
    %get3A_22 = arith.constant 0 : index
    %get3A_23 = arith.constant 0 : index
    %get3A_24 = vector.load %arg0[%get3A_22, %get3A_23] : memref<10000x128xf32, #tpu.memory_space<vmem>>, vector<10000x128xf32>
    %get3A_25 = arith.constant 0 : index
    %get3A_26 = arith.constant 0 : index
    %get3A_27 = arith.constant 0 : index
    %get3A_28 = vector.load %arg3[%get3A_25, %get3A_26, %get3A_27] : memref<5x1x64xf32, #tpu.memory_space<vmem>>, vector<1x1x64xf32>
    %get3A_29 = vector.shape_cast %get3A_28 : vector<1x1x64xf32> to vector<1x64xf32>
    %get3A_30 = arith.constant 1 : index
    %get3A_31 = arith.constant 0 : index
    %get3A_32 = arith.constant 0 : index
    %get3A_33 = vector.load %arg3[%get3A_30, %get3A_31, %get3A_32] : memref<5x1x64xf32, #tpu.memory_space<vmem>>, vector<1x1x64xf32>
    %get3A_34 = vector.shape_cast %get3A_33 : vector<1x1x64xf32> to vector<1x64xf32>
    %get3A_35 = arith.constant 2 : index
    %get3A_36 = arith.constant 0 : index
    %get3A_37 = arith.constant 0 : index
    %get3A_38 = vector.load %arg3[%get3A_35, %get3A_36, %get3A_37] : memref<5x1x64xf32, #tpu.memory_space<vmem>>, vector<1x1x64xf32>
    %get3A_39 = vector.shape_cast %get3A_38 : vector<1x1x64xf32> to vector<1x64xf32>
    %get3A_40 = arith.constant 3 : index
    %get3A_41 = arith.constant 0 : index
    %get3A_42 = arith.constant 0 : index
    %get3A_43 = vector.load %arg3[%get3A_40, %get3A_41, %get3A_42] : memref<5x1x64xf32, #tpu.memory_space<vmem>>, vector<1x1x64xf32>
    %get3A_44 = vector.shape_cast %get3A_43 : vector<1x1x64xf32> to vector<1x64xf32>
    %get3A_45 = arith.constant 4 : index
    %get3A_46 = arith.constant 0 : index
    %get3A_47 = arith.constant 0 : index
    %get3A_48 = vector.load %arg3[%get3A_45, %get3A_46, %get3A_47] : memref<5x1x64xf32, #tpu.memory_space<vmem>>, vector<1x1x64xf32>
    %get3A_49 = vector.shape_cast %get3A_48 : vector<1x1x64xf32> to vector<1x64xf32>
    %get3A_50 = arith.constant 0 : index
    %get3A_51 = arith.constant 0 : index
    %get3A_52 = arith.constant 0 : index
    %get3A_53 = vector.load %arg4[%get3A_50, %get3A_51, %get3A_52] : memref<8x1x64xf32, #tpu.memory_space<vmem>>, vector<1x1x64xf32>
    %get3A_54 = vector.shape_cast %get3A_53 : vector<1x1x64xf32> to vector<1x64xf32>
    %get3A_55 = arith.constant 1 : index
    %get3A_56 = arith.constant 0 : index
    %get3A_57 = arith.constant 0 : index
    %get3A_58 = vector.load %arg4[%get3A_55, %get3A_56, %get3A_57] : memref<8x1x64xf32, #tpu.memory_space<vmem>>, vector<1x1x64xf32>
    %get3A_59 = vector.shape_cast %get3A_58 : vector<1x1x64xf32> to vector<1x64xf32>
    %get3A_60 = arith.constant 2 : index
    %get3A_61 = arith.constant 0 : index
    %get3A_62 = arith.constant 0 : index
    %get3A_63 = vector.load %arg4[%get3A_60, %get3A_61, %get3A_62] : memref<8x1x64xf32, #tpu.memory_space<vmem>>, vector<1x1x64xf32>
    %get3A_64 = vector.shape_cast %get3A_63 : vector<1x1x64xf32> to vector<1x64xf32>
    %get3A_65 = arith.constant 3 : index
    %get3A_66 = arith.constant 0 : index
    %get3A_67 = arith.constant 0 : index
    %get3A_68 = vector.load %arg4[%get3A_65, %get3A_66, %get3A_67] : memref<8x1x64xf32, #tpu.memory_space<vmem>>, vector<1x1x64xf32>
    %get3A_69 = vector.shape_cast %get3A_68 : vector<1x1x64xf32> to vector<1x64xf32>
    %get3A_70 = arith.constant 4 : index
    %get3A_71 = arith.constant 0 : index
    %get3A_72 = arith.constant 0 : index
    %get3A_73 = vector.load %arg4[%get3A_70, %get3A_71, %get3A_72] : memref<8x1x64xf32, #tpu.memory_space<vmem>>, vector<1x1x64xf32>
    %get3A_74 = vector.shape_cast %get3A_73 : vector<1x1x64xf32> to vector<1x64xf32>
    %get3A_75 = arith.constant 5 : index
    %get3A_76 = arith.constant 0 : index
    %get3A_77 = arith.constant 0 : index
    %get3A_78 = vector.load %arg4[%get3A_75, %get3A_76, %get3A_77] : memref<8x1x64xf32, #tpu.memory_space<vmem>>, vector<1x1x64xf32>
    %get3A_79 = vector.shape_cast %get3A_78 : vector<1x1x64xf32> to vector<1x64xf32>
    %get3A_80 = arith.constant 6 : index
    %get3A_81 = arith.constant 0 : index
    %get3A_82 = arith.constant 0 : index
    %get3A_83 = vector.load %arg4[%get3A_80, %get3A_81, %get3A_82] : memref<8x1x64xf32, #tpu.memory_space<vmem>>, vector<1x1x64xf32>
    %get3A_84 = vector.shape_cast %get3A_83 : vector<1x1x64xf32> to vector<1x64xf32>
    %get3A_85 = arith.constant 7 : index
    %get3A_86 = arith.constant 0 : index
    %get3A_87 = arith.constant 0 : index
    %get3A_88 = vector.load %arg4[%get3A_85, %get3A_86, %get3A_87] : memref<8x1x64xf32, #tpu.memory_space<vmem>>, vector<1x1x64xf32>
    %get3A_89 = vector.shape_cast %get3A_88 : vector<1x1x64xf32> to vector<1x64xf32>
    %dot_general3A = arith.constant dense<0.000000e+00> : vector<10000x64xf32>
    %dot_general3A_90 = tpu.matmul %get3A_24, %get3A_1, %dot_general3A {dimension_numbers = #tpu.dot_dimension_numbers<[1], [0], [0], [1], [0, 0, 1, 1], [], []>, transpose_lhs_hint = false} : vector<10000x128xf32>, vector<128x64xf32>, vector<10000x64xf32> -> vector<10000x64xf32>
    %add3A = vector.broadcast %get3A_29 : vector<1x64xf32> to vector<10000x64xf32>
    %add3A_91 = arith.addf %dot_general3A_90, %add3A : vector<10000x64xf32>
    %dot_general3A_92 = arith.constant dense<0.000000e+00> : vector<10000x64xf32>
    %dot_general3A_93 = tpu.matmul %add3A_91, %get3A_6, %dot_general3A_92 {dimension_numbers = #tpu.dot_dimension_numbers<[1], [0], [0], [1], [0, 0, 1, 1], [], []>, transpose_lhs_hint = false} : vector<10000x64xf32>, vector<64x64xf32>, vector<10000x64xf32> -> vector<10000x64xf32>
    %add3A_94 = vector.broadcast %get3A_34 : vector<1x64xf32> to vector<10000x64xf32>
    %add3A_95 = arith.addf %dot_general3A_93, %add3A_94 : vector<10000x64xf32>
    %sub3A = vector.broadcast %get3A_54 : vector<1x64xf32> to vector<10000x64xf32>
    %sub3A_96 = arith.subf %add3A_95, %sub3A : vector<10000x64xf32>
    %div3A = vector.broadcast %get3A_59 : vector<1x64xf32> to vector<10000x64xf32>
    %div3A_97 = arith.divf %sub3A_96, %div3A : vector<10000x64xf32>
    %mul3A = vector.broadcast %get3A_64 : vector<1x64xf32> to vector<10000x64xf32>
    %mul3A_98 = arith.mulf %div3A_97, %mul3A : vector<10000x64xf32>
    %add3A_99 = vector.broadcast %get3A_69 : vector<1x64xf32> to vector<10000x64xf32>
    %add3A_100 = arith.addf %mul3A_98, %add3A_99 : vector<10000x64xf32>
    %max3A = arith.constant 0.000000e+00 : f32
    %max3A_101 = vector.broadcast %max3A : f32 to vector<10000x64xf32>
    %max3A_102 = arith.maximumf %add3A_100, %max3A_101 : vector<10000x64xf32>
    %dot_general3A_103 = arith.constant dense<0.000000e+00> : vector<10000x64xf32>
    %dot_general3A_104 = tpu.matmul %max3A_102, %get3A_11, %dot_general3A_103 {dimension_numbers = #tpu.dot_dimension_numbers<[1], [0], [0], [1], [0, 0, 1, 1], [], []>, transpose_lhs_hint = false} : vector<10000x64xf32>, vector<64x64xf32>, vector<10000x64xf32> -> vector<10000x64xf32>
    %add3A_105 = vector.broadcast %get3A_39 : vector<1x64xf32> to vector<10000x64xf32>
    %add3A_106 = arith.addf %dot_general3A_104, %add3A_105 : vector<10000x64xf32>
    %dot_general3A_107 = arith.constant dense<0.000000e+00> : vector<10000x64xf32>
    %dot_general3A_108 = tpu.matmul %add3A_106, %get3A_16, %dot_general3A_107 {dimension_numbers = #tpu.dot_dimension_numbers<[1], [0], [0], [1], [0, 0, 1, 1], [], []>, transpose_lhs_hint = false} : vector<10000x64xf32>, vector<64x64xf32>, vector<10000x64xf32> -> vector<10000x64xf32>
    %add3A_109 = vector.broadcast %get3A_44 : vector<1x64xf32> to vector<10000x64xf32>
    %add3A_110 = arith.addf %dot_general3A_108, %add3A_109 : vector<10000x64xf32>
    %sub3A_111 = vector.broadcast %get3A_74 : vector<1x64xf32> to vector<10000x64xf32>
    %sub3A_112 = arith.subf %add3A_110, %sub3A_111 : vector<10000x64xf32>
    %div3A_113 = vector.broadcast %get3A_79 : vector<1x64xf32> to vector<10000x64xf32>
    %div3A_114 = arith.divf %sub3A_112, %div3A_113 : vector<10000x64xf32>
    %mul3A_115 = vector.broadcast %get3A_84 : vector<1x64xf32> to vector<10000x64xf32>
    %mul3A_116 = arith.mulf %div3A_114, %mul3A_115 : vector<10000x64xf32>
    %add3A_117 = vector.broadcast %get3A_89 : vector<1x64xf32> to vector<10000x64xf32>
    %add3A_118 = arith.addf %mul3A_116, %add3A_117 : vector<10000x64xf32>
    %max3A_119 = arith.constant 0.000000e+00 : f32
    %max3A_120 = vector.broadcast %max3A_119 : f32 to vector<10000x64xf32>
    %max3A_121 = arith.maximumf %add3A_118, %max3A_120 : vector<10000x64xf32>
    %dot_general3A_122 = arith.constant dense<0.000000e+00> : vector<10000x64xf32>
    %dot_general3A_123 = tpu.matmul %max3A_121, %get3A_21, %dot_general3A_122 {dimension_numbers = #tpu.dot_dimension_numbers<[1], [0], [0], [1], [0, 0, 1, 1], [], []>, transpose_lhs_hint = false} : vector<10000x64xf32>, vector<64x64xf32>, vector<10000x64xf32> -> vector<10000x64xf32>
    %add3A_124 = vector.broadcast %get3A_49 : vector<1x64xf32> to vector<10000x64xf32>
    %add3A_125 = arith.addf %dot_general3A_123, %add3A_124 : vector<10000x64xf32>
    %swap3A = arith.constant 0 : index
    %swap3A_126 = arith.constant 0 : index
    %swap3A_127 = vector.load %arg6[%swap3A, %swap3A_126] : memref<10000x64xf32, #tpu.memory_space<vmem>>, vector<10000x64xf32>
    tpu.vector_store %arg6[%swap3A, %swap3A_126], %add3A_125 {strides = array<i32>} : memref<10000x64xf32, #tpu.memory_space<vmem>>, vector<10000x64xf32>,
    %get3A_128 = arith.constant 0 : index
    %get3A_129 = arith.constant 0 : index
    %get3A_130 = vector.load %arg5[%get3A_128, %get3A_129] : memref<64x128xf32, #tpu.memory_space<vmem>>, vector<64x128xf32>
    %dot_general3A_131 = arith.constant dense<0.000000e+00> : vector<10000x128xf32>
    %dot_general3A_132 = tpu.matmul %add3A_125, %get3A_130, %dot_general3A_131 {dimension_numbers = #tpu.dot_dimension_numbers<[1], [0], [0], [1], [0, 0, 1, 1], [], []>, transpose_lhs_hint = false} : vector<10000x64xf32>, vector<64x128xf32>, vector<10000x128xf32> -> vector<10000x128xf32>
    %broadcast_in_dim3A = arith.constant 0.000000e+00 : f32
    %broadcast_in_dim3A_133 = vector.broadcast %broadcast_in_dim3A : f32 to vector<10000x64xf32>
    %slice3A = vector.extract_strided_slice %dot_general3A_132 {offsets = [0, 0], sizes = [10000, 64], strides = [1, 1]} : vector<10000x128xf32> to vector<10000x64xf32>
    %concatenate3A = tpu.concatenate %slice3A, %broadcast_in_dim3A_133 in 1 : vector<10000x64xf32>, vector<10000x64xf32> -> vector<10000x128xf32>
    %swap3A_134 = arith.constant 0 : index
    %swap3A_135 = arith.constant 0 : index
    %swap3A_136 = vector.load %arg7[%swap3A_134, %swap3A_135] : memref<10000x128xf32, #tpu.memory_space<vmem>>, vector<10000x128xf32>
    tpu.vector_store %arg7[%swap3A_134, %swap3A_135], %concatenate3A {strides = array<i32>} : memref<10000x128xf32, #tpu.memory_space<vmem>>, vector<10000x128xf32>,
    %slice3A_137 = vector.extract_strided_slice %dot_general3A_132 {offsets = [0, 64], sizes = [10000, 64], strides = [1, 1]} : vector<10000x128xf32> to vector<10000x64xf32>
    %concatenate3A_138 = tpu.concatenate %slice3A_137, %broadcast_in_dim3A_133 in 1 : vector<10000x64xf32>, vector<10000x64xf32> -> vector<10000x128xf32>
    %swap3A_139 = arith.constant 0 : index
    %swap3A_140 = arith.constant 0 : index
    %swap3A_141 = vector.load %arg8[%swap3A_139, %swap3A_140] : memref<10000x128xf32, #tpu.memory_space<vmem>>, vector<10000x128xf32>
    tpu.vector_store %arg8[%swap3A_139, %swap3A_140], %concatenate3A_138 {strides = array<i32>} : memref<10000x128xf32, #tpu.memory_space<vmem>>, vector<10000x128xf32>,
    return
  }
}

module attributes {stable_mosaic.version = 14 : i64} {
  func.func @_edge_init_body(%arg0: i32, %arg1: memref<4000x16xf32, #tpu.memory_space<vmem>>, %arg2: memref<16x64xf32, #tpu.memory_space<vmem>>, %arg3: memref<4x64x64xf32, #tpu.memory_space<vmem>>, %arg4: memref<5x1x64xf32, #tpu.memory_space<vmem>>, %arg5: memref<8x1x64xf32, #tpu.memory_space<vmem>>, %arg6: memref<4000x64xf32, #tpu.memory_space<vmem>>) attributes {dimension_semantics = [#tpu.dimension_semantics<arbitrary>], iteration_bounds = array<i64: 80>, scalar_prefetch = 0 : i64, scratch_operands = 0 : i64, tpu.core_type = #tpu.core_type<tc>, window_params = [{transform_indices = @transform_0, window_bounds = array<i64: 4000, 16>}, {pipeline_mode = #tpu.pipeline_mode<synchronous>, transform_indices = @transform_1, window_bounds = array<i64: 16, 64>}, {pipeline_mode = #tpu.pipeline_mode<synchronous>, transform_indices = @transform_2, window_bounds = array<i64: 4, 64, 64>}, {pipeline_mode = #tpu.pipeline_mode<synchronous>, transform_indices = @transform_3, window_bounds = array<i64: 5, 1, 64>}, {pipeline_mode = #tpu.pipeline_mode<synchronous>, transform_indices = @transform_4, window_bounds = array<i64: 8, 1, 64>}, {transform_indices = @transform_5, window_bounds = array<i64: 4000, 64>}]} {
    %get3A = arith.constant 0 : index
    %get3A_0 = arith.constant 0 : index
    %get3A_1 = vector.load %arg2[%get3A, %get3A_0] : memref<16x64xf32, #tpu.memory_space<vmem>>, vector<16x64xf32>
    %get3A_2 = arith.constant 0 : index
    %get3A_3 = arith.constant 0 : index
    %get3A_4 = arith.constant 0 : index
    %get3A_5 = vector.load %arg3[%get3A_2, %get3A_3, %get3A_4] : memref<4x64x64xf32, #tpu.memory_space<vmem>>, vector<1x64x64xf32>
    %get3A_6 = vector.shape_cast %get3A_5 : vector<1x64x64xf32> to vector<64x64xf32>
    %get3A_7 = arith.constant 1 : index
    %get3A_8 = arith.constant 0 : index
    %get3A_9 = arith.constant 0 : index
    %get3A_10 = vector.load %arg3[%get3A_7, %get3A_8, %get3A_9] : memref<4x64x64xf32, #tpu.memory_space<vmem>>, vector<1x64x64xf32>
    %get3A_11 = vector.shape_cast %get3A_10 : vector<1x64x64xf32> to vector<64x64xf32>
    %get3A_12 = arith.constant 2 : index
    %get3A_13 = arith.constant 0 : index
    %get3A_14 = arith.constant 0 : index
    %get3A_15 = vector.load %arg3[%get3A_12, %get3A_13, %get3A_14] : memref<4x64x64xf32, #tpu.memory_space<vmem>>, vector<1x64x64xf32>
    %get3A_16 = vector.shape_cast %get3A_15 : vector<1x64x64xf32> to vector<64x64xf32>
    %get3A_17 = arith.constant 3 : index
    %get3A_18 = arith.constant 0 : index
    %get3A_19 = arith.constant 0 : index
    %get3A_20 = vector.load %arg3[%get3A_17, %get3A_18, %get3A_19] : memref<4x64x64xf32, #tpu.memory_space<vmem>>, vector<1x64x64xf32>
    %get3A_21 = vector.shape_cast %get3A_20 : vector<1x64x64xf32> to vector<64x64xf32>
    %get3A_22 = arith.constant 0 : index
    %get3A_23 = arith.constant 0 : index
    %get3A_24 = vector.load %arg1[%get3A_22, %get3A_23] : memref<4000x16xf32, #tpu.memory_space<vmem>>, vector<4000x16xf32>
    %get3A_25 = arith.constant 0 : index
    %get3A_26 = arith.constant 0 : index
    %get3A_27 = arith.constant 0 : index
    %get3A_28 = vector.load %arg4[%get3A_25, %get3A_26, %get3A_27] : memref<5x1x64xf32, #tpu.memory_space<vmem>>, vector<1x1x64xf32>
    %get3A_29 = vector.shape_cast %get3A_28 : vector<1x1x64xf32> to vector<1x64xf32>
    %get3A_30 = arith.constant 1 : index
    %get3A_31 = arith.constant 0 : index
    %get3A_32 = arith.constant 0 : index
    %get3A_33 = vector.load %arg4[%get3A_30, %get3A_31, %get3A_32] : memref<5x1x64xf32, #tpu.memory_space<vmem>>, vector<1x1x64xf32>
    %get3A_34 = vector.shape_cast %get3A_33 : vector<1x1x64xf32> to vector<1x64xf32>
    %get3A_35 = arith.constant 2 : index
    %get3A_36 = arith.constant 0 : index
    %get3A_37 = arith.constant 0 : index
    %get3A_38 = vector.load %arg4[%get3A_35, %get3A_36, %get3A_37] : memref<5x1x64xf32, #tpu.memory_space<vmem>>, vector<1x1x64xf32>
    %get3A_39 = vector.shape_cast %get3A_38 : vector<1x1x64xf32> to vector<1x64xf32>
    %get3A_40 = arith.constant 3 : index
    %get3A_41 = arith.constant 0 : index
    %get3A_42 = arith.constant 0 : index
    %get3A_43 = vector.load %arg4[%get3A_40, %get3A_41, %get3A_42] : memref<5x1x64xf32, #tpu.memory_space<vmem>>, vector<1x1x64xf32>
    %get3A_44 = vector.shape_cast %get3A_43 : vector<1x1x64xf32> to vector<1x64xf32>
    %get3A_45 = arith.constant 4 : index
    %get3A_46 = arith.constant 0 : index
    %get3A_47 = arith.constant 0 : index
    %get3A_48 = vector.load %arg4[%get3A_45, %get3A_46, %get3A_47] : memref<5x1x64xf32, #tpu.memory_space<vmem>>, vector<1x1x64xf32>
    %get3A_49 = vector.shape_cast %get3A_48 : vector<1x1x64xf32> to vector<1x64xf32>
    %get3A_50 = arith.constant 0 : index
    %get3A_51 = arith.constant 0 : index
    %get3A_52 = arith.constant 0 : index
    %get3A_53 = vector.load %arg5[%get3A_50, %get3A_51, %get3A_52] : memref<8x1x64xf32, #tpu.memory_space<vmem>>, vector<1x1x64xf32>
    %get3A_54 = vector.shape_cast %get3A_53 : vector<1x1x64xf32> to vector<1x64xf32>
    %get3A_55 = arith.constant 1 : index
    %get3A_56 = arith.constant 0 : index
    %get3A_57 = arith.constant 0 : index
    %get3A_58 = vector.load %arg5[%get3A_55, %get3A_56, %get3A_57] : memref<8x1x64xf32, #tpu.memory_space<vmem>>, vector<1x1x64xf32>
    %get3A_59 = vector.shape_cast %get3A_58 : vector<1x1x64xf32> to vector<1x64xf32>
    %get3A_60 = arith.constant 2 : index
    %get3A_61 = arith.constant 0 : index
    %get3A_62 = arith.constant 0 : index
    %get3A_63 = vector.load %arg5[%get3A_60, %get3A_61, %get3A_62] : memref<8x1x64xf32, #tpu.memory_space<vmem>>, vector<1x1x64xf32>
    %get3A_64 = vector.shape_cast %get3A_63 : vector<1x1x64xf32> to vector<1x64xf32>
    %get3A_65 = arith.constant 3 : index
    %get3A_66 = arith.constant 0 : index
    %get3A_67 = arith.constant 0 : index
    %get3A_68 = vector.load %arg5[%get3A_65, %get3A_66, %get3A_67] : memref<8x1x64xf32, #tpu.memory_space<vmem>>, vector<1x1x64xf32>
    %get3A_69 = vector.shape_cast %get3A_68 : vector<1x1x64xf32> to vector<1x64xf32>
    %get3A_70 = arith.constant 4 : index
    %get3A_71 = arith.constant 0 : index
    %get3A_72 = arith.constant 0 : index
    %get3A_73 = vector.load %arg5[%get3A_70, %get3A_71, %get3A_72] : memref<8x1x64xf32, #tpu.memory_space<vmem>>, vector<1x1x64xf32>
    %get3A_74 = vector.shape_cast %get3A_73 : vector<1x1x64xf32> to vector<1x64xf32>
    %get3A_75 = arith.constant 5 : index
    %get3A_76 = arith.constant 0 : index
    %get3A_77 = arith.constant 0 : index
    %get3A_78 = vector.load %arg5[%get3A_75, %get3A_76, %get3A_77] : memref<8x1x64xf32, #tpu.memory_space<vmem>>, vector<1x1x64xf32>
    %get3A_79 = vector.shape_cast %get3A_78 : vector<1x1x64xf32> to vector<1x64xf32>
    %get3A_80 = arith.constant 6 : index
    %get3A_81 = arith.constant 0 : index
    %get3A_82 = arith.constant 0 : index
    %get3A_83 = vector.load %arg5[%get3A_80, %get3A_81, %get3A_82] : memref<8x1x64xf32, #tpu.memory_space<vmem>>, vector<1x1x64xf32>
    %get3A_84 = vector.shape_cast %get3A_83 : vector<1x1x64xf32> to vector<1x64xf32>
    %get3A_85 = arith.constant 7 : index
    %get3A_86 = arith.constant 0 : index
    %get3A_87 = arith.constant 0 : index
    %get3A_88 = vector.load %arg5[%get3A_85, %get3A_86, %get3A_87] : memref<8x1x64xf32, #tpu.memory_space<vmem>>, vector<1x1x64xf32>
    %get3A_89 = vector.shape_cast %get3A_88 : vector<1x1x64xf32> to vector<1x64xf32>
    %dot_general3A = arith.constant dense<0.000000e+00> : vector<4000x64xf32>
    %dot_general3A_90 = tpu.matmul %get3A_24, %get3A_1, %dot_general3A {dimension_numbers = #tpu.dot_dimension_numbers<[1], [0], [0], [1], [0, 0, 1, 1], [], []>, transpose_lhs_hint = false} : vector<4000x16xf32>, vector<16x64xf32>, vector<4000x64xf32> -> vector<4000x64xf32>
    %add3A = vector.broadcast %get3A_29 : vector<1x64xf32> to vector<4000x64xf32>
    %add3A_91 = arith.addf %dot_general3A_90, %add3A : vector<4000x64xf32>
    %dot_general3A_92 = arith.constant dense<0.000000e+00> : vector<4000x64xf32>
    %dot_general3A_93 = tpu.matmul %add3A_91, %get3A_6, %dot_general3A_92 {dimension_numbers = #tpu.dot_dimension_numbers<[1], [0], [0], [1], [0, 0, 1, 1], [], []>, transpose_lhs_hint = false} : vector<4000x64xf32>, vector<64x64xf32>, vector<4000x64xf32> -> vector<4000x64xf32>
    %add3A_94 = vector.broadcast %get3A_34 : vector<1x64xf32> to vector<4000x64xf32>
    %add3A_95 = arith.addf %dot_general3A_93, %add3A_94 : vector<4000x64xf32>
    %sub3A = vector.broadcast %get3A_54 : vector<1x64xf32> to vector<4000x64xf32>
    %sub3A_96 = arith.subf %add3A_95, %sub3A : vector<4000x64xf32>
    %div3A = vector.broadcast %get3A_59 : vector<1x64xf32> to vector<4000x64xf32>
    %div3A_97 = arith.divf %sub3A_96, %div3A : vector<4000x64xf32>
    %mul3A = vector.broadcast %get3A_64 : vector<1x64xf32> to vector<4000x64xf32>
    %mul3A_98 = arith.mulf %div3A_97, %mul3A : vector<4000x64xf32>
    %add3A_99 = vector.broadcast %get3A_69 : vector<1x64xf32> to vector<4000x64xf32>
    %add3A_100 = arith.addf %mul3A_98, %add3A_99 : vector<4000x64xf32>
    %max3A = arith.constant 0.000000e+00 : f32
    %max3A_101 = vector.broadcast %max3A : f32 to vector<4000x64xf32>
    %max3A_102 = arith.maximumf %add3A_100, %max3A_101 : vector<4000x64xf32>
    %dot_general3A_103 = arith.constant dense<0.000000e+00> : vector<4000x64xf32>
    %dot_general3A_104 = tpu.matmul %max3A_102, %get3A_11, %dot_general3A_103 {dimension_numbers = #tpu.dot_dimension_numbers<[1], [0], [0], [1], [0, 0, 1, 1], [], []>, transpose_lhs_hint = false} : vector<4000x64xf32>, vector<64x64xf32>, vector<4000x64xf32> -> vector<4000x64xf32>
    %add3A_105 = vector.broadcast %get3A_39 : vector<1x64xf32> to vector<4000x64xf32>
    %add3A_106 = arith.addf %dot_general3A_104, %add3A_105 : vector<4000x64xf32>
    %dot_general3A_107 = arith.constant dense<0.000000e+00> : vector<4000x64xf32>
    %dot_general3A_108 = tpu.matmul %add3A_106, %get3A_16, %dot_general3A_107 {dimension_numbers = #tpu.dot_dimension_numbers<[1], [0], [0], [1], [0, 0, 1, 1], [], []>, transpose_lhs_hint = false} : vector<4000x64xf32>, vector<64x64xf32>, vector<4000x64xf32> -> vector<4000x64xf32>
    %add3A_109 = vector.broadcast %get3A_44 : vector<1x64xf32> to vector<4000x64xf32>
    %add3A_110 = arith.addf %dot_general3A_108, %add3A_109 : vector<4000x64xf32>
    %sub3A_111 = vector.broadcast %get3A_74 : vector<1x64xf32> to vector<4000x64xf32>
    %sub3A_112 = arith.subf %add3A_110, %sub3A_111 : vector<4000x64xf32>
    %div3A_113 = vector.broadcast %get3A_79 : vector<1x64xf32> to vector<4000x64xf32>
    %div3A_114 = arith.divf %sub3A_112, %div3A_113 : vector<4000x64xf32>
    %mul3A_115 = vector.broadcast %get3A_84 : vector<1x64xf32> to vector<4000x64xf32>
    %mul3A_116 = arith.mulf %div3A_114, %mul3A_115 : vector<4000x64xf32>
    %add3A_117 = vector.broadcast %get3A_89 : vector<1x64xf32> to vector<4000x64xf32>
    %add3A_118 = arith.addf %mul3A_116, %add3A_117 : vector<4000x64xf32>
    %max3A_119 = arith.constant 0.000000e+00 : f32
    %max3A_120 = vector.broadcast %max3A_119 : f32 to vector<4000x64xf32>
    %max3A_121 = arith.maximumf %add3A_118, %max3A_120 : vector<4000x64xf32>
    %dot_general3A_122 = arith.constant dense<0.000000e+00> : vector<4000x64xf32>
    %dot_general3A_123 = tpu.matmul %max3A_121, %get3A_21, %dot_general3A_122 {dimension_numbers = #tpu.dot_dimension_numbers<[1], [0], [0], [1], [0, 0, 1, 1], [], []>, transpose_lhs_hint = false} : vector<4000x64xf32>, vector<64x64xf32>, vector<4000x64xf32> -> vector<4000x64xf32>
    %add3A_124 = vector.broadcast %get3A_49 : vector<1x64xf32> to vector<4000x64xf32>
    %add3A_125 = arith.addf %dot_general3A_123, %add3A_124 : vector<4000x64xf32>
    %swap3A = arith.constant 0 : index
    %swap3A_126 = arith.constant 0 : index
    %swap3A_127 = vector.load %arg6[%swap3A, %swap3A_126] : memref<4000x64xf32, #tpu.memory_space<vmem>>, vector<4000x64xf32>
    tpu.vector_store %arg6[%swap3A, %swap3A_126], %add3A_125 {strides = array<i32>} : memref<4000x64xf32, #tpu.memory_space<vmem>>, vector<4000x64xf32>,
    return
  }
  func.func @transform_0(%arg0: i32) -> (i32, i32) {
    %c0_i32 = arith.constant 0 : i32
    %c0_i32_0 = arith.constant 0 : i32
    return %arg0, %c0_i32 : i32, i32
  }
  func.func @transform_1(%arg0: i32) -> (i32, i32) {
    %c0_i32 = arith.constant 0 : i32
    %c0_i32_0 = arith.constant 0 : i32
    %c0_i32_1 = arith.constant 0 : i32
    return %c0_i32, %c0_i32_0 : i32, i32
  }
  func.func @transform_2(%arg0: i32) -> (i32, i32, i32) {
    %c0_i32 = arith.constant 0 : i32
    %c0_i32_0 = arith.constant 0 : i32
    %c0_i32_1 = arith.constant 0 : i32
    %c0_i32_2 = arith.constant 0 : i32
    return %c0_i32, %c0_i32_0, %c0_i32_1 : i32, i32, i32
  }
  func.func @transform_3(%arg0: i32) -> (i32, i32, i32) {
    %c0_i32 = arith.constant 0 : i32
    %c0_i32_0 = arith.constant 0 : i32
    %c0_i32_1 = arith.constant 0 : i32
    %c0_i32_2 = arith.constant 0 : i32
    return %c0_i32, %c0_i32_0, %c0_i32_1 : i32, i32, i32
  }
  func.func @transform_4(%arg0: i32) -> (i32, i32, i32) {
    %c0_i32 = arith.constant 0 : i32
    %c0_i32_0 = arith.constant 0 : i32
    %c0_i32_1 = arith.constant 0 : i32
    %c0_i32_2 = arith.constant 0 : i32
    return %c0_i32, %c0_i32_0, %c0_i32_1 : i32, i32, i32
  }
  func.func @transform_5(%arg0: i32) -> (i32, i32) {
    %c0_i32 = arith.constant 0 : i32
    %c0_i32_0 = arith.constant 0 : i32
    return %arg0, %c0_i32 : i32, i32
  }
}

module attributes {stable_mosaic.version = 14 : i64} {
  func.func @_edge_body(%arg0: i32, %arg1: memref<4000x64xf32, #tpu.memory_space<vmem>>, %arg2: memref<4000x128xf32, #tpu.memory_space<vmem>>, %arg3: memref<4000x128xf32, #tpu.memory_space<vmem>>, %arg4: memref<64x64xf32, #tpu.memory_space<vmem>>, %arg5: memref<1x64xf32, #tpu.memory_space<vmem>>, %arg6: memref<5x64x64xf32, #tpu.memory_space<vmem>>, %arg7: memref<5x1x64xf32, #tpu.memory_space<vmem>>, %arg8: memref<8x1x64xf32, #tpu.memory_space<vmem>>, %arg9: memref<4x64x64xf32, #tpu.memory_space<vmem>>, %arg10: memref<64x128xf32, #tpu.memory_space<vmem>>, %arg11: memref<4x1x64xf32, #tpu.memory_space<vmem>>, %arg12: memref<1x128xf32, #tpu.memory_space<vmem>>, %arg13: memref<8x1x64xf32, #tpu.memory_space<vmem>>, %arg14: memref<4000x64xf32, #tpu.memory_space<vmem>>, %arg15: memref<4000x128xf32, #tpu.memory_space<vmem>>) attributes {dimension_semantics = [#tpu.dimension_semantics<arbitrary>], iteration_bounds = array<i64: 80>, scalar_prefetch = 0 : i64, scratch_operands = 0 : i64, tpu.core_type = #tpu.core_type<tc>, window_params = [{transform_indices = @transform_0, window_bounds = array<i64: 4000, 64>}, {transform_indices = @transform_1, window_bounds = array<i64: 4000, 128>}, {transform_indices = @transform_2, window_bounds = array<i64: 4000, 128>}, {pipeline_mode = #tpu.pipeline_mode<synchronous>, transform_indices = @transform_3, window_bounds = array<i64: 64, 64>}, {pipeline_mode = #tpu.pipeline_mode<synchronous>, transform_indices = @transform_4, window_bounds = array<i64: 1, 64>}, {pipeline_mode = #tpu.pipeline_mode<synchronous>, transform_indices = @transform_5, window_bounds = array<i64: 5, 64, 64>}, {pipeline_mode = #tpu.pipeline_mode<synchronous>, transform_indices = @transform_6, window_bounds = array<i64: 5, 1, 64>}, {pipeline_mode = #tpu.pipeline_mode<synchronous>, transform_indices = @transform_7, window_bounds = array<i64: 8, 1, 64>}, {pipeline_mode = #tpu.pipeline_mode<synchronous>, transform_indices = @transform_8, window_bounds = array<i64: 4, 64, 64>}, {pipeline_mode = #tpu.pipeline_mode<synchronous>, transform_indices = @transform_9, window_bounds = array<i64: 64, 128>}, {pipeline_mode = #tpu.pipeline_mode<synchronous>, transform_indices = @transform_10, window_bounds = array<i64: 4, 1, 64>}, {pipeline_mode = #tpu.pipeline_mode<synchronous>, transform_indices = @transform_11, window_bounds = array<i64: 1, 128>}, {pipeline_mode = #tpu.pipeline_mode<synchronous>, transform_indices = @transform_12, window_bounds = array<i64: 8, 1, 64>}, {transform_indices = @transform_13, window_bounds = array<i64: 4000, 64>}, {transform_indices = @transform_14, window_bounds = array<i64: 4000, 128>}]} {
    %get3A = arith.constant 0 : index
    %get3A_0 = arith.constant 0 : index
    %get3A_1 = vector.load %arg1[%get3A, %get3A_0] : memref<4000x64xf32, #tpu.memory_space<vmem>>, vector<4000x64xf32>
    %get3A_2 = arith.constant 0 : index
    %get3A_3 = arith.constant 0 : index
    %get3A_4 = vector.load %arg4[%get3A_2, %get3A_3] : memref<64x64xf32, #tpu.memory_space<vmem>>, vector<64x64xf32>
    %dot_general3A = arith.constant dense<0.000000e+00> : vector<4000x64xf32>
    %dot_general3A_5 = tpu.matmul %get3A_1, %get3A_4, %dot_general3A {dimension_numbers = #tpu.dot_dimension_numbers<[1], [0], [0], [1], [0, 0, 1, 1], [], []>, transpose_lhs_hint = false} : vector<4000x64xf32>, vector<64x64xf32>, vector<4000x64xf32> -> vector<4000x64xf32>
    %get3A_6 = arith.constant 0 : index
    %get3A_7 = arith.constant 0 : index
    %get3A_8 = vector.load %arg5[%get3A_6, %get3A_7] : memref<1x64xf32, #tpu.memory_space<vmem>>, vector<1x64xf32>
    %add3A = vector.broadcast %get3A_8 : vector<1x64xf32> to vector<4000x64xf32>
    %add3A_9 = arith.addf %dot_general3A_5, %add3A : vector<4000x64xf32>
    %get3A_10 = arith.constant 0 : index
    %get3A_11 = arith.constant 0 : index
    %get3A_12 = vector.load %arg2[%get3A_10, %get3A_11] : memref<4000x128xf32, #tpu.memory_space<vmem>>, vector<4000x128xf32>
    %slice3A = vector.extract_strided_slice %get3A_12 {offsets = [0, 0], sizes = [4000, 64], strides = [1, 1]} : vector<4000x128xf32> to vector<4000x64xf32>
    %add3A_13 = arith.addf %add3A_9, %slice3A : vector<4000x64xf32>
    %get3A_14 = arith.constant 0 : index
    %get3A_15 = arith.constant 0 : index
    %get3A_16 = vector.load %arg3[%get3A_14, %get3A_15] : memref<4000x128xf32, #tpu.memory_space<vmem>>, vector<4000x128xf32>
    %slice3A_17 = vector.extract_strided_slice %get3A_16 {offsets = [0, 0], sizes = [4000, 64], strides = [1, 1]} : vector<4000x128xf32> to vector<4000x64xf32>
    %add3A_18 = arith.addf %add3A_13, %slice3A_17 : vector<4000x64xf32>
    %max3A = arith.constant 0.000000e+00 : f32
    %max3A_19 = vector.broadcast %max3A : f32 to vector<4000x64xf32>
    %max3A_20 = arith.maximumf %add3A_18, %max3A_19 : vector<4000x64xf32>
    %get3A_21 = arith.constant 0 : index
    %get3A_22 = arith.constant 0 : index
    %get3A_23 = arith.constant 0 : index
    %get3A_24 = vector.load %arg6[%get3A_21, %get3A_22, %get3A_23] : memref<5x64x64xf32, #tpu.memory_space<vmem>>, vector<1x64x64xf32>
    %get3A_25 = vector.shape_cast %get3A_24 : vector<1x64x64xf32> to vector<64x64xf32>
    %get3A_26 = arith.constant 1 : index
    %get3A_27 = arith.constant 0 : index
    %get3A_28 = arith.constant 0 : index
    %get3A_29 = vector.load %arg6[%get3A_26, %get3A_27, %get3A_28] : memref<5x64x64xf32, #tpu.memory_space<vmem>>, vector<1x64x64xf32>
    %get3A_30 = vector.shape_cast %get3A_29 : vector<1x64x64xf32> to vector<64x64xf32>
    %get3A_31 = arith.constant 2 : index
    %get3A_32 = arith.constant 0 : index
    %get3A_33 = arith.constant 0 : index
    %get3A_34 = vector.load %arg6[%get3A_31, %get3A_32, %get3A_33] : memref<5x64x64xf32, #tpu.memory_space<vmem>>, vector<1x64x64xf32>
    %get3A_35 = vector.shape_cast %get3A_34 : vector<1x64x64xf32> to vector<64x64xf32>
    %get3A_36 = arith.constant 3 : index
    %get3A_37 = arith.constant 0 : index
    %get3A_38 = arith.constant 0 : index
    %get3A_39 = vector.load %arg6[%get3A_36, %get3A_37, %get3A_38] : memref<5x64x64xf32, #tpu.memory_space<vmem>>, vector<1x64x64xf32>
    %get3A_40 = vector.shape_cast %get3A_39 : vector<1x64x64xf32> to vector<64x64xf32>
    %get3A_41 = arith.constant 4 : index
    %get3A_42 = arith.constant 0 : index
    %get3A_43 = arith.constant 0 : index
    %get3A_44 = vector.load %arg6[%get3A_41, %get3A_42, %get3A_43] : memref<5x64x64xf32, #tpu.memory_space<vmem>>, vector<1x64x64xf32>
    %get3A_45 = vector.shape_cast %get3A_44 : vector<1x64x64xf32> to vector<64x64xf32>
    %get3A_46 = arith.constant 0 : index
    %get3A_47 = arith.constant 0 : index
    %get3A_48 = arith.constant 0 : index
    %get3A_49 = vector.load %arg7[%get3A_46, %get3A_47, %get3A_48] : memref<5x1x64xf32, #tpu.memory_space<vmem>>, vector<1x1x64xf32>
    %get3A_50 = vector.shape_cast %get3A_49 : vector<1x1x64xf32> to vector<1x64xf32>
    %get3A_51 = arith.constant 1 : index
    %get3A_52 = arith.constant 0 : index
    %get3A_53 = arith.constant 0 : index
    %get3A_54 = vector.load %arg7[%get3A_51, %get3A_52, %get3A_53] : memref<5x1x64xf32, #tpu.memory_space<vmem>>, vector<1x1x64xf32>
    %get3A_55 = vector.shape_cast %get3A_54 : vector<1x1x64xf32> to vector<1x64xf32>
    %get3A_56 = arith.constant 2 : index
    %get3A_57 = arith.constant 0 : index
    %get3A_58 = arith.constant 0 : index
    %get3A_59 = vector.load %arg7[%get3A_56, %get3A_57, %get3A_58] : memref<5x1x64xf32, #tpu.memory_space<vmem>>, vector<1x1x64xf32>
    %get3A_60 = vector.shape_cast %get3A_59 : vector<1x1x64xf32> to vector<1x64xf32>
    %get3A_61 = arith.constant 3 : index
    %get3A_62 = arith.constant 0 : index
    %get3A_63 = arith.constant 0 : index
    %get3A_64 = vector.load %arg7[%get3A_61, %get3A_62, %get3A_63] : memref<5x1x64xf32, #tpu.memory_space<vmem>>, vector<1x1x64xf32>
    %get3A_65 = vector.shape_cast %get3A_64 : vector<1x1x64xf32> to vector<1x64xf32>
    %get3A_66 = arith.constant 4 : index
    %get3A_67 = arith.constant 0 : index
    %get3A_68 = arith.constant 0 : index
    %get3A_69 = vector.load %arg7[%get3A_66, %get3A_67, %get3A_68] : memref<5x1x64xf32, #tpu.memory_space<vmem>>, vector<1x1x64xf32>
    %get3A_70 = vector.shape_cast %get3A_69 : vector<1x1x64xf32> to vector<1x64xf32>
    %get3A_71 = arith.constant 0 : index
    %get3A_72 = arith.constant 0 : index
    %get3A_73 = arith.constant 0 : index
    %get3A_74 = vector.load %arg8[%get3A_71, %get3A_72, %get3A_73] : memref<8x1x64xf32, #tpu.memory_space<vmem>>, vector<1x1x64xf32>
    %get3A_75 = vector.shape_cast %get3A_74 : vector<1x1x64xf32> to vector<1x64xf32>
    %get3A_76 = arith.constant 1 : index
    %get3A_77 = arith.constant 0 : index
    %get3A_78 = arith.constant 0 : index
    %get3A_79 = vector.load %arg8[%get3A_76, %get3A_77, %get3A_78] : memref<8x1x64xf32, #tpu.memory_space<vmem>>, vector<1x1x64xf32>
    %get3A_80 = vector.shape_cast %get3A_79 : vector<1x1x64xf32> to vector<1x64xf32>
    %get3A_81 = arith.constant 2 : index
    %get3A_82 = arith.constant 0 : index
    %get3A_83 = arith.constant 0 : index
    %get3A_84 = vector.load %arg8[%get3A_81, %get3A_82, %get3A_83] : memref<8x1x64xf32, #tpu.memory_space<vmem>>, vector<1x1x64xf32>
    %get3A_85 = vector.shape_cast %get3A_84 : vector<1x1x64xf32> to vector<1x64xf32>
    %get3A_86 = arith.constant 3 : index
    %get3A_87 = arith.constant 0 : index
    %get3A_88 = arith.constant 0 : index
    %get3A_89 = vector.load %arg8[%get3A_86, %get3A_87, %get3A_88] : memref<8x1x64xf32, #tpu.memory_space<vmem>>, vector<1x1x64xf32>
    %get3A_90 = vector.shape_cast %get3A_89 : vector<1x1x64xf32> to vector<1x64xf32>
    %get3A_91 = arith.constant 4 : index
    %get3A_92 = arith.constant 0 : index
    %get3A_93 = arith.constant 0 : index
    %get3A_94 = vector.load %arg8[%get3A_91, %get3A_92, %get3A_93] : memref<8x1x64xf32, #tpu.memory_space<vmem>>, vector<1x1x64xf32>
    %get3A_95 = vector.shape_cast %get3A_94 : vector<1x1x64xf32> to vector<1x64xf32>
    %get3A_96 = arith.constant 5 : index
    %get3A_97 = arith.constant 0 : index
    %get3A_98 = arith.constant 0 : index
    %get3A_99 = vector.load %arg8[%get3A_96, %get3A_97, %get3A_98] : memref<8x1x64xf32, #tpu.memory_space<vmem>>, vector<1x1x64xf32>
    %get3A_100 = vector.shape_cast %get3A_99 : vector<1x1x64xf32> to vector<1x64xf32>
    %get3A_101 = arith.constant 6 : index
    %get3A_102 = arith.constant 0 : index
    %get3A_103 = arith.constant 0 : index
    %get3A_104 = vector.load %arg8[%get3A_101, %get3A_102, %get3A_103] : memref<8x1x64xf32, #tpu.memory_space<vmem>>, vector<1x1x64xf32>
    %get3A_105 = vector.shape_cast %get3A_104 : vector<1x1x64xf32> to vector<1x64xf32>
    %get3A_106 = arith.constant 7 : index
    %get3A_107 = arith.constant 0 : index
    %get3A_108 = arith.constant 0 : index
    %get3A_109 = vector.load %arg8[%get3A_106, %get3A_107, %get3A_108] : memref<8x1x64xf32, #tpu.memory_space<vmem>>, vector<1x1x64xf32>
    %get3A_110 = vector.shape_cast %get3A_109 : vector<1x1x64xf32> to vector<1x64xf32>
    %dot_general3A_111 = arith.constant dense<0.000000e+00> : vector<4000x64xf32>
    %dot_general3A_112 = tpu.matmul %max3A_20, %get3A_25, %dot_general3A_111 {dimension_numbers = #tpu.dot_dimension_numbers<[1], [0], [0], [1], [0, 0, 1, 1], [], []>, transpose_lhs_hint = false} : vector<4000x64xf32>, vector<64x64xf32>, vector<4000x64xf32> -> vector<4000x64xf32>
    %add3A_113 = vector.broadcast %get3A_50 : vector<1x64xf32> to vector<4000x64xf32>
    %add3A_114 = arith.addf %dot_general3A_112, %add3A_113 : vector<4000x64xf32>
    %dot_general3A_115 = arith.constant dense<0.000000e+00> : vector<4000x64xf32>
    %dot_general3A_116 = tpu.matmul %add3A_114, %get3A_30, %dot_general3A_115 {dimension_numbers = #tpu.dot_dimension_numbers<[1], [0], [0], [1], [0, 0, 1, 1], [], []>, transpose_lhs_hint = false} : vector<4000x64xf32>, vector<64x64xf32>, vector<4000x64xf32> -> vector<4000x64xf32>
    %add3A_117 = vector.broadcast %get3A_55 : vector<1x64xf32> to vector<4000x64xf32>
    %add3A_118 = arith.addf %dot_general3A_116, %add3A_117 : vector<4000x64xf32>
    %sub3A = vector.broadcast %get3A_75 : vector<1x64xf32> to vector<4000x64xf32>
    %sub3A_119 = arith.subf %add3A_118, %sub3A : vector<4000x64xf32>
    %div3A = vector.broadcast %get3A_80 : vector<1x64xf32> to vector<4000x64xf32>
    %div3A_120 = arith.divf %sub3A_119, %div3A : vector<4000x64xf32>
    %mul3A = vector.broadcast %get3A_85 : vector<1x64xf32> to vector<4000x64xf32>
    %mul3A_121 = arith.mulf %div3A_120, %mul3A : vector<4000x64xf32>
    %add3A_122 = vector.broadcast %get3A_90 : vector<1x64xf32> to vector<4000x64xf32>
    %add3A_123 = arith.addf %mul3A_121, %add3A_122 : vector<4000x64xf32>
    %max3A_124 = arith.constant 0.000000e+00 : f32
    %max3A_125 = vector.broadcast %max3A_124 : f32 to vector<4000x64xf32>
    %max3A_126 = arith.maximumf %add3A_123, %max3A_125 : vector<4000x64xf32>
    %dot_general3A_127 = arith.constant dense<0.000000e+00> : vector<4000x64xf32>
    %dot_general3A_128 = tpu.matmul %max3A_126, %get3A_35, %dot_general3A_127 {dimension_numbers = #tpu.dot_dimension_numbers<[1], [0], [0], [1], [0, 0, 1, 1], [], []>, transpose_lhs_hint = false} : vector<4000x64xf32>, vector<64x64xf32>, vector<4000x64xf32> -> vector<4000x64xf32>
    %add3A_129 = vector.broadcast %get3A_60 : vector<1x64xf32> to vector<4000x64xf32>
    %add3A_130 = arith.addf %dot_general3A_128, %add3A_129 : vector<4000x64xf32>
    %dot_general3A_131 = arith.constant dense<0.000000e+00> : vector<4000x64xf32>
    %dot_general3A_132 = tpu.matmul %add3A_130, %get3A_40, %dot_general3A_131 {dimension_numbers = #tpu.dot_dimension_numbers<[1], [0], [0], [1], [0, 0, 1, 1], [], []>, transpose_lhs_hint = false} : vector<4000x64xf32>, vector<64x64xf32>, vector<4000x64xf32> -> vector<4000x64xf32>
    %add3A_133 = vector.broadcast %get3A_65 : vector<1x64xf32> to vector<4000x64xf32>
    %add3A_134 = arith.addf %dot_general3A_132, %add3A_133 : vector<4000x64xf32>
    %sub3A_135 = vector.broadcast %get3A_95 : vector<1x64xf32> to vector<4000x64xf32>
    %sub3A_136 = arith.subf %add3A_134, %sub3A_135 : vector<4000x64xf32>
    %div3A_137 = vector.broadcast %get3A_100 : vector<1x64xf32> to vector<4000x64xf32>
    %div3A_138 = arith.divf %sub3A_136, %div3A_137 : vector<4000x64xf32>
    %mul3A_139 = vector.broadcast %get3A_105 : vector<1x64xf32> to vector<4000x64xf32>
    %mul3A_140 = arith.mulf %div3A_138, %mul3A_139 : vector<4000x64xf32>
    %add3A_141 = vector.broadcast %get3A_110 : vector<1x64xf32> to vector<4000x64xf32>
    %add3A_142 = arith.addf %mul3A_140, %add3A_141 : vector<4000x64xf32>
    %max3A_143 = arith.constant 0.000000e+00 : f32
    %max3A_144 = vector.broadcast %max3A_143 : f32 to vector<4000x64xf32>
    %max3A_145 = arith.maximumf %add3A_142, %max3A_144 : vector<4000x64xf32>
    %dot_general3A_146 = arith.constant dense<0.000000e+00> : vector<4000x64xf32>
    %dot_general3A_147 = tpu.matmul %max3A_145, %get3A_45, %dot_general3A_146 {dimension_numbers = #tpu.dot_dimension_numbers<[1], [0], [0], [1], [0, 0, 1, 1], [], []>, transpose_lhs_hint = false} : vector<4000x64xf32>, vector<64x64xf32>, vector<4000x64xf32> -> vector<4000x64xf32>
    %add3A_148 = vector.broadcast %get3A_70 : vector<1x64xf32> to vector<4000x64xf32>
    %add3A_149 = arith.addf %dot_general3A_147, %add3A_148 : vector<4000x64xf32>
    %add3A_150 = arith.addf %get3A_1, %add3A_149 : vector<4000x64xf32>
    %swap3A = arith.constant 0 : index
    %swap3A_151 = arith.constant 0 : index
    %swap3A_152 = vector.load %arg14[%swap3A, %swap3A_151] : memref<4000x64xf32, #tpu.memory_space<vmem>>, vector<4000x64xf32>
    tpu.vector_store %arg14[%swap3A, %swap3A_151], %add3A_150 {strides = array<i32>} : memref<4000x64xf32, #tpu.memory_space<vmem>>, vector<4000x64xf32>,
    %get3A_153 = arith.constant 0 : index
    %get3A_154 = arith.constant 0 : index
    %get3A_155 = arith.constant 0 : index
    %get3A_156 = vector.load %arg9[%get3A_153, %get3A_154, %get3A_155] : memref<4x64x64xf32, #tpu.memory_space<vmem>>, vector<1x64x64xf32>
    %get3A_157 = vector.shape_cast %get3A_156 : vector<1x64x64xf32> to vector<64x64xf32>
    %get3A_158 = arith.constant 1 : index
    %get3A_159 = arith.constant 0 : index
    %get3A_160 = arith.constant 0 : index
    %get3A_161 = vector.load %arg9[%get3A_158, %get3A_159, %get3A_160] : memref<4x64x64xf32, #tpu.memory_space<vmem>>, vector<1x64x64xf32>
    %get3A_162 = vector.shape_cast %get3A_161 : vector<1x64x64xf32> to vector<64x64xf32>
    %get3A_163 = arith.constant 2 : index
    %get3A_164 = arith.constant 0 : index
    %get3A_165 = arith.constant 0 : index
    %get3A_166 = vector.load %arg9[%get3A_163, %get3A_164, %get3A_165] : memref<4x64x64xf32, #tpu.memory_space<vmem>>, vector<1x64x64xf32>
    %get3A_167 = vector.shape_cast %get3A_166 : vector<1x64x64xf32> to vector<64x64xf32>
    %get3A_168 = arith.constant 3 : index
    %get3A_169 = arith.constant 0 : index
    %get3A_170 = arith.constant 0 : index
    %get3A_171 = vector.load %arg9[%get3A_168, %get3A_169, %get3A_170] : memref<4x64x64xf32, #tpu.memory_space<vmem>>, vector<1x64x64xf32>
    %get3A_172 = vector.shape_cast %get3A_171 : vector<1x64x64xf32> to vector<64x64xf32>
    %get3A_173 = arith.constant 0 : index
    %get3A_174 = arith.constant 0 : index
    %get3A_175 = vector.load %arg10[%get3A_173, %get3A_174] : memref<64x128xf32, #tpu.memory_space<vmem>>, vector<64x128xf32>
    %get3A_176 = arith.constant 0 : index
    %get3A_177 = arith.constant 0 : index
    %get3A_178 = arith.constant 0 : index
    %get3A_179 = vector.load %arg11[%get3A_176, %get3A_177, %get3A_178] : memref<4x1x64xf32, #tpu.memory_space<vmem>>, vector<1x1x64xf32>
    %get3A_180 = vector.shape_cast %get3A_179 : vector<1x1x64xf32> to vector<1x64xf32>
    %get3A_181 = arith.constant 1 : index
    %get3A_182 = arith.constant 0 : index
    %get3A_183 = arith.constant 0 : index
    %get3A_184 = vector.load %arg11[%get3A_181, %get3A_182, %get3A_183] : memref<4x1x64xf32, #tpu.memory_space<vmem>>, vector<1x1x64xf32>
    %get3A_185 = vector.shape_cast %get3A_184 : vector<1x1x64xf32> to vector<1x64xf32>
    %get3A_186 = arith.constant 2 : index
    %get3A_187 = arith.constant 0 : index
    %get3A_188 = arith.constant 0 : index
    %get3A_189 = vector.load %arg11[%get3A_186, %get3A_187, %get3A_188] : memref<4x1x64xf32, #tpu.memory_space<vmem>>, vector<1x1x64xf32>
    %get3A_190 = vector.shape_cast %get3A_189 : vector<1x1x64xf32> to vector<1x64xf32>
    %get3A_191 = arith.constant 3 : index
    %get3A_192 = arith.constant 0 : index
    %get3A_193 = arith.constant 0 : index
    %get3A_194 = vector.load %arg11[%get3A_191, %get3A_192, %get3A_193] : memref<4x1x64xf32, #tpu.memory_space<vmem>>, vector<1x1x64xf32>
    %get3A_195 = vector.shape_cast %get3A_194 : vector<1x1x64xf32> to vector<1x64xf32>
    %get3A_196 = arith.constant 0 : index
    %get3A_197 = arith.constant 0 : index
    %get3A_198 = vector.load %arg12[%get3A_196, %get3A_197] : memref<1x128xf32, #tpu.memory_space<vmem>>, vector<1x128xf32>
    %get3A_199 = arith.constant 0 : index
    %get3A_200 = arith.constant 0 : index
    %get3A_201 = arith.constant 0 : index
    %get3A_202 = vector.load %arg13[%get3A_199, %get3A_200, %get3A_201] : memref<8x1x64xf32, #tpu.memory_space<vmem>>, vector<1x1x64xf32>
    %get3A_203 = vector.shape_cast %get3A_202 : vector<1x1x64xf32> to vector<1x64xf32>
    %get3A_204 = arith.constant 1 : index
    %get3A_205 = arith.constant 0 : index
    %get3A_206 = arith.constant 0 : index
    %get3A_207 = vector.load %arg13[%get3A_204, %get3A_205, %get3A_206] : memref<8x1x64xf32, #tpu.memory_space<vmem>>, vector<1x1x64xf32>
    %get3A_208 = vector.shape_cast %get3A_207 : vector<1x1x64xf32> to vector<1x64xf32>
    %get3A_209 = arith.constant 2 : index
    %get3A_210 = arith.constant 0 : index
    %get3A_211 = arith.constant 0 : index
    %get3A_212 = vector.load %arg13[%get3A_209, %get3A_210, %get3A_211] : memref<8x1x64xf32, #tpu.memory_space<vmem>>, vector<1x1x64xf32>
    %get3A_213 = vector.shape_cast %get3A_212 : vector<1x1x64xf32> to vector<1x64xf32>
    %get3A_214 = arith.constant 3 : index
    %get3A_215 = arith.constant 0 : index
    %get3A_216 = arith.constant 0 : index
    %get3A_217 = vector.load %arg13[%get3A_214, %get3A_215, %get3A_216] : memref<8x1x64xf32, #tpu.memory_space<vmem>>, vector<1x1x64xf32>
    %get3A_218 = vector.shape_cast %get3A_217 : vector<1x1x64xf32> to vector<1x64xf32>
    %get3A_219 = arith.constant 4 : index
    %get3A_220 = arith.constant 0 : index
    %get3A_221 = arith.constant 0 : index
    %get3A_222 = vector.load %arg13[%get3A_219, %get3A_220, %get3A_221] : memref<8x1x64xf32, #tpu.memory_space<vmem>>, vector<1x1x64xf32>
    %get3A_223 = vector.shape_cast %get3A_222 : vector<1x1x64xf32> to vector<1x64xf32>
    %get3A_224 = arith.constant 5 : index
    %get3A_225 = arith.constant 0 : index
    %get3A_226 = arith.constant 0 : index
    %get3A_227 = vector.load %arg13[%get3A_224, %get3A_225, %get3A_226] : memref<8x1x64xf32, #tpu.memory_space<vmem>>, vector<1x1x64xf32>
    %get3A_228 = vector.shape_cast %get3A_227 : vector<1x1x64xf32> to vector<1x64xf32>
    %get3A_229 = arith.constant 6 : index
    %get3A_230 = arith.constant 0 : index
    %get3A_231 = arith.constant 0 : index
    %get3A_232 = vector.load %arg13[%get3A_229, %get3A_230, %get3A_231] : memref<8x1x64xf32, #tpu.memory_space<vmem>>, vector<1x1x64xf32>
    %get3A_233 = vector.shape_cast %get3A_232 : vector<1x1x64xf32> to vector<1x64xf32>
    %get3A_234 = arith.constant 7 : index
    %get3A_235 = arith.constant 0 : index
    %get3A_236 = arith.constant 0 : index
    %get3A_237 = vector.load %arg13[%get3A_234, %get3A_235, %get3A_236] : memref<8x1x64xf32, #tpu.memory_space<vmem>>, vector<1x1x64xf32>
    %get3A_238 = vector.shape_cast %get3A_237 : vector<1x1x64xf32> to vector<1x64xf32>
    %dot_general3A_239 = arith.constant dense<0.000000e+00> : vector<4000x64xf32>
    %dot_general3A_240 = tpu.matmul %add3A_150, %get3A_157, %dot_general3A_239 {dimension_numbers = #tpu.dot_dimension_numbers<[1], [0], [0], [1], [0, 0, 1, 1], [], []>, transpose_lhs_hint = false} : vector<4000x64xf32>, vector<64x64xf32>, vector<4000x64xf32> -> vector<4000x64xf32>
    %add3A_241 = vector.broadcast %get3A_180 : vector<1x64xf32> to vector<4000x64xf32>
    %add3A_242 = arith.addf %dot_general3A_240, %add3A_241 : vector<4000x64xf32>
    %dot_general3A_243 = arith.constant dense<0.000000e+00> : vector<4000x64xf32>
    %dot_general3A_244 = tpu.matmul %add3A_242, %get3A_162, %dot_general3A_243 {dimension_numbers = #tpu.dot_dimension_numbers<[1], [0], [0], [1], [0, 0, 1, 1], [], []>, transpose_lhs_hint = false} : vector<4000x64xf32>, vector<64x64xf32>, vector<4000x64xf32> -> vector<4000x64xf32>
    %add3A_245 = vector.broadcast %get3A_185 : vector<1x64xf32> to vector<4000x64xf32>
    %add3A_246 = arith.addf %dot_general3A_244, %add3A_245 : vector<4000x64xf32>
    %sub3A_247 = vector.broadcast %get3A_203 : vector<1x64xf32> to vector<4000x64xf32>
    %sub3A_248 = arith.subf %add3A_246, %sub3A_247 : vector<4000x64xf32>
    %div3A_249 = vector.broadcast %get3A_208 : vector<1x64xf32> to vector<4000x64xf32>
    %div3A_250 = arith.divf %sub3A_248, %div3A_249 : vector<4000x64xf32>
    %mul3A_251 = vector.broadcast %get3A_213 : vector<1x64xf32> to vector<4000x64xf32>
    %mul3A_252 = arith.mulf %div3A_250, %mul3A_251 : vector<4000x64xf32>
    %add3A_253 = vector.broadcast %get3A_218 : vector<1x64xf32> to vector<4000x64xf32>
    %add3A_254 = arith.addf %mul3A_252, %add3A_253 : vector<4000x64xf32>
    %max3A_255 = arith.constant 0.000000e+00 : f32
    %max3A_256 = vector.broadcast %max3A_255 : f32 to vector<4000x64xf32>
    %max3A_257 = arith.maximumf %add3A_254, %max3A_256 : vector<4000x64xf32>
    %dot_general3A_258 = arith.constant dense<0.000000e+00> : vector<4000x64xf32>
    %dot_general3A_259 = tpu.matmul %max3A_257, %get3A_167, %dot_general3A_258 {dimension_numbers = #tpu.dot_dimension_numbers<[1], [0], [0], [1], [0, 0, 1, 1], [], []>, transpose_lhs_hint = false} : vector<4000x64xf32>, vector<64x64xf32>, vector<4000x64xf32> -> vector<4000x64xf32>
    %add3A_260 = vector.broadcast %get3A_190 : vector<1x64xf32> to vector<4000x64xf32>
    %add3A_261 = arith.addf %dot_general3A_259, %add3A_260 : vector<4000x64xf32>
    %dot_general3A_262 = arith.constant dense<0.000000e+00> : vector<4000x64xf32>
    %dot_general3A_263 = tpu.matmul %add3A_261, %get3A_172, %dot_general3A_262 {dimension_numbers = #tpu.dot_dimension_numbers<[1], [0], [0], [1], [0, 0, 1, 1], [], []>, transpose_lhs_hint = false} : vector<4000x64xf32>, vector<64x64xf32>, vector<4000x64xf32> -> vector<4000x64xf32>
    %add3A_264 = vector.broadcast %get3A_195 : vector<1x64xf32> to vector<4000x64xf32>
    %add3A_265 = arith.addf %dot_general3A_263, %add3A_264 : vector<4000x64xf32>
    %sub3A_266 = vector.broadcast %get3A_223 : vector<1x64xf32> to vector<4000x64xf32>
    %sub3A_267 = arith.subf %add3A_265, %sub3A_266 : vector<4000x64xf32>
    %div3A_268 = vector.broadcast %get3A_228 : vector<1x64xf32> to vector<4000x64xf32>
    %div3A_269 = arith.divf %sub3A_267, %div3A_268 : vector<4000x64xf32>
    %mul3A_270 = vector.broadcast %get3A_233 : vector<1x64xf32> to vector<4000x64xf32>
    %mul3A_271 = arith.mulf %div3A_269, %mul3A_270 : vector<4000x64xf32>
    %add3A_272 = vector.broadcast %get3A_238 : vector<1x64xf32> to vector<4000x64xf32>
    %add3A_273 = arith.addf %mul3A_271, %add3A_272 : vector<4000x64xf32>
    %max3A_274 = arith.constant 0.000000e+00 : f32
    %max3A_275 = vector.broadcast %max3A_274 : f32 to vector<4000x64xf32>
    %max3A_276 = arith.maximumf %add3A_273, %max3A_275 : vector<4000x64xf32>
    %dot_general3A_277 = arith.constant dense<0.000000e+00> : vector<4000x128xf32>
    %dot_general3A_278 = tpu.matmul %max3A_276, %get3A_175, %dot_general3A_277 {dimension_numbers = #tpu.dot_dimension_numbers<[1], [0], [0], [1], [0, 0, 1, 1], [], []>, transpose_lhs_hint = false} : vector<4000x64xf32>, vector<64x128xf32>, vector<4000x128xf32> -> vector<4000x128xf32>
    %add3A_279 = vector.broadcast %get3A_198 : vector<1x128xf32> to vector<4000x128xf32>
    %add3A_280 = arith.addf %dot_general3A_278, %add3A_279 : vector<4000x128xf32>
    %swap3A_281 = arith.constant 0 : index
    %swap3A_282 = arith.constant 0 : index
    %swap3A_283 = vector.load %arg15[%swap3A_281, %swap3A_282] : memref<4000x128xf32, #tpu.memory_space<vmem>>, vector<4000x128xf32>
    tpu.vector_store %arg15[%swap3A_281, %swap3A_282], %add3A_280 {strides = array<i32>} : memref<4000x128xf32, #tpu.memory_space<vmem>>, vector<4000x128xf32>,
    return
  }
  func.func @transform_0(%arg0: i32) -> (i32, i32) {
    %c0_i32 = arith.constant 0 : i32
    %c0_i32_0 = arith.constant 0 : i32
    return %arg0, %c0_i32 : i32, i32
  }
  func.func @transform_1(%arg0: i32) -> (i32, i32) {
    %c0_i32 = arith.constant 0 : i32
    %c0_i32_0 = arith.constant 0 : i32
    return %arg0, %c0_i32 : i32, i32
  }
  func.func @transform_2(%arg0: i32) -> (i32, i32) {
    %c0_i32 = arith.constant 0 : i32
    %c0_i32_0 = arith.constant 0 : i32
    return %arg0, %c0_i32 : i32, i32
  }
  func.func @transform_3(%arg0: i32) -> (i32, i32) {
    %c0_i32 = arith.constant 0 : i32
    %c0_i32_0 = arith.constant 0 : i32
    %c0_i32_1 = arith.constant 0 : i32
    return %c0_i32, %c0_i32_0 : i32, i32
  }
  func.func @transform_4(%arg0: i32) -> (i32, i32) {
    %c0_i32 = arith.constant 0 : i32
    %c0_i32_0 = arith.constant 0 : i32
    %c0_i32_1 = arith.constant 0 : i32
    return %c0_i32, %c0_i32_0 : i32, i32
  }
  func.func @transform_5(%arg0: i32) -> (i32, i32, i32) {
    %c0_i32 = arith.constant 0 : i32
    %c0_i32_0 = arith.constant 0 : i32
    %c0_i32_1 = arith.constant 0 : i32
    %c0_i32_2 = arith.constant 0 : i32
    return %c0_i32, %c0_i32_0, %c0_i32_1 : i32, i32, i32
  }
  func.func @transform_6(%arg0: i32) -> (i32, i32, i32) {
    %c0_i32 = arith.constant 0 : i32
    %c0_i32_0 = arith.constant 0 : i32
    %c0_i32_1 = arith.constant 0 : i32
    %c0_i32_2 = arith.constant 0 : i32
    return %c0_i32, %c0_i32_0, %c0_i32_1 : i32, i32, i32
  }
  func.func @transform_7(%arg0: i32) -> (i32, i32, i32) {
    %c0_i32 = arith.constant 0 : i32
    %c0_i32_0 = arith.constant 0 : i32
    %c0_i32_1 = arith.constant 0 : i32
    %c0_i32_2 = arith.constant 0 : i32
    return %c0_i32, %c0_i32_0, %c0_i32_1 : i32, i32, i32
  }
  func.func @transform_8(%arg0: i32) -> (i32, i32, i32) {
    %c0_i32 = arith.constant 0 : i32
    %c0_i32_0 = arith.constant 0 : i32
    %c0_i32_1 = arith.constant 0 : i32
    %c0_i32_2 = arith.constant 0 : i32
    return %c0_i32, %c0_i32_0, %c0_i32_1 : i32, i32, i32
  }
  func.func @transform_9(%arg0: i32) -> (i32, i32) {
    %c0_i32 = arith.constant 0 : i32
    %c0_i32_0 = arith.constant 0 : i32
    %c0_i32_1 = arith.constant 0 : i32
    return %c0_i32, %c0_i32_0 : i32, i32
  }
  func.func @transform_10(%arg0: i32) -> (i32, i32, i32) {
    %c0_i32 = arith.constant 0 : i32
    %c0_i32_0 = arith.constant 0 : i32
    %c0_i32_1 = arith.constant 0 : i32
    %c0_i32_2 = arith.constant 0 : i32
    return %c0_i32, %c0_i32_0, %c0_i32_1 : i32, i32, i32
  }
  func.func @transform_11(%arg0: i32) -> (i32, i32) {
    %c0_i32 = arith.constant 0 : i32
    %c0_i32_0 = arith.constant 0 : i32
    %c0_i32_1 = arith.constant 0 : i32
    return %c0_i32, %c0_i32_0 : i32, i32
  }
  func.func @transform_12(%arg0: i32) -> (i32, i32, i32) {
    %c0_i32 = arith.constant 0 : i32
    %c0_i32_0 = arith.constant 0 : i32
    %c0_i32_1 = arith.constant 0 : i32
    %c0_i32_2 = arith.constant 0 : i32
    return %c0_i32, %c0_i32_0, %c0_i32_1 : i32, i32, i32
  }
  func.func @transform_13(%arg0: i32) -> (i32, i32) {
    %c0_i32 = arith.constant 0 : i32
    %c0_i32_0 = arith.constant 0 : i32
    return %arg0, %c0_i32 : i32, i32
  }
  func.func @transform_14(%arg0: i32) -> (i32, i32) {
    %c0_i32 = arith.constant 0 : i32
    %c0_i32_0 = arith.constant 0 : i32
    return %arg0, %c0_i32 : i32, i32
  }
}

module attributes {stable_mosaic.version = 14 : i64} {
  func.func @_node_body(%arg0: memref<10000x64xf32, #tpu.memory_space<vmem>>, %arg1: memref<10240x128xf32, #tpu.memory_space<vmem>>, %arg2: memref<10240x128xf32, #tpu.memory_space<vmem>>, %arg3: memref<5x64x64xf32, #tpu.memory_space<vmem>>, %arg4: memref<5x1x64xf32, #tpu.memory_space<vmem>>, %arg5: memref<8x1x64xf32, #tpu.memory_space<vmem>>, %arg6: memref<64x128xf32, #tpu.memory_space<vmem>>, %arg7: memref<10000x64xf32, #tpu.memory_space<vmem>>, %arg8: memref<10000x128xf32, #tpu.memory_space<vmem>>, %arg9: memref<10000x128xf32, #tpu.memory_space<vmem>>) attributes {dimension_semantics = [], scalar_prefetch = 0 : i64, scratch_operands = 0 : i64, tpu.core_type = #tpu.core_type<tc>} {
    %get3A = arith.constant 0 : index
    %get3A_0 = arith.constant 0 : index
    %get3A_1 = vector.load %arg1[%get3A, %get3A_0] : memref<10240x128xf32, #tpu.memory_space<vmem>>, vector<10240x128xf32>
    %slice3A = vector.extract_strided_slice %get3A_1 {offsets = [0, 0], sizes = [10000, 64], strides = [1, 1]} : vector<10240x128xf32> to vector<10000x64xf32>
    %get3A_2 = arith.constant 0 : index
    %get3A_3 = arith.constant 0 : index
    %get3A_4 = vector.load %arg2[%get3A_2, %get3A_3] : memref<10240x128xf32, #tpu.memory_space<vmem>>, vector<10240x128xf32>
    %slice3A_5 = vector.extract_strided_slice %get3A_4 {offsets = [0, 0], sizes = [10000, 64], strides = [1, 1]} : vector<10240x128xf32> to vector<10000x64xf32>
    %add3A = arith.addf %slice3A, %slice3A_5 : vector<10000x64xf32>
    %get3A_6 = arith.constant 0 : index
    %get3A_7 = arith.constant 0 : index
    %get3A_8 = vector.load %arg0[%get3A_6, %get3A_7] : memref<10000x64xf32, #tpu.memory_space<vmem>>, vector<10000x64xf32>
    %get3A_9 = arith.constant 0 : index
    %get3A_10 = arith.constant 0 : index
    %get3A_11 = arith.constant 0 : index
    %get3A_12 = vector.load %arg3[%get3A_9, %get3A_10, %get3A_11] : memref<5x64x64xf32, #tpu.memory_space<vmem>>, vector<1x64x64xf32>
    %get3A_13 = vector.shape_cast %get3A_12 : vector<1x64x64xf32> to vector<64x64xf32>
    %get3A_14 = arith.constant 1 : index
    %get3A_15 = arith.constant 0 : index
    %get3A_16 = arith.constant 0 : index
    %get3A_17 = vector.load %arg3[%get3A_14, %get3A_15, %get3A_16] : memref<5x64x64xf32, #tpu.memory_space<vmem>>, vector<1x64x64xf32>
    %get3A_18 = vector.shape_cast %get3A_17 : vector<1x64x64xf32> to vector<64x64xf32>
    %get3A_19 = arith.constant 2 : index
    %get3A_20 = arith.constant 0 : index
    %get3A_21 = arith.constant 0 : index
    %get3A_22 = vector.load %arg3[%get3A_19, %get3A_20, %get3A_21] : memref<5x64x64xf32, #tpu.memory_space<vmem>>, vector<1x64x64xf32>
    %get3A_23 = vector.shape_cast %get3A_22 : vector<1x64x64xf32> to vector<64x64xf32>
    %get3A_24 = arith.constant 3 : index
    %get3A_25 = arith.constant 0 : index
    %get3A_26 = arith.constant 0 : index
    %get3A_27 = vector.load %arg3[%get3A_24, %get3A_25, %get3A_26] : memref<5x64x64xf32, #tpu.memory_space<vmem>>, vector<1x64x64xf32>
    %get3A_28 = vector.shape_cast %get3A_27 : vector<1x64x64xf32> to vector<64x64xf32>
    %get3A_29 = arith.constant 4 : index
    %get3A_30 = arith.constant 0 : index
    %get3A_31 = arith.constant 0 : index
    %get3A_32 = vector.load %arg3[%get3A_29, %get3A_30, %get3A_31] : memref<5x64x64xf32, #tpu.memory_space<vmem>>, vector<1x64x64xf32>
    %get3A_33 = vector.shape_cast %get3A_32 : vector<1x64x64xf32> to vector<64x64xf32>
    %get3A_34 = arith.constant 0 : index
    %get3A_35 = arith.constant 0 : index
    %get3A_36 = arith.constant 0 : index
    %get3A_37 = vector.load %arg4[%get3A_34, %get3A_35, %get3A_36] : memref<5x1x64xf32, #tpu.memory_space<vmem>>, vector<1x1x64xf32>
    %get3A_38 = vector.shape_cast %get3A_37 : vector<1x1x64xf32> to vector<1x64xf32>
    %get3A_39 = arith.constant 1 : index
    %get3A_40 = arith.constant 0 : index
    %get3A_41 = arith.constant 0 : index
    %get3A_42 = vector.load %arg4[%get3A_39, %get3A_40, %get3A_41] : memref<5x1x64xf32, #tpu.memory_space<vmem>>, vector<1x1x64xf32>
    %get3A_43 = vector.shape_cast %get3A_42 : vector<1x1x64xf32> to vector<1x64xf32>
    %get3A_44 = arith.constant 2 : index
    %get3A_45 = arith.constant 0 : index
    %get3A_46 = arith.constant 0 : index
    %get3A_47 = vector.load %arg4[%get3A_44, %get3A_45, %get3A_46] : memref<5x1x64xf32, #tpu.memory_space<vmem>>, vector<1x1x64xf32>
    %get3A_48 = vector.shape_cast %get3A_47 : vector<1x1x64xf32> to vector<1x64xf32>
    %get3A_49 = arith.constant 3 : index
    %get3A_50 = arith.constant 0 : index
    %get3A_51 = arith.constant 0 : index
    %get3A_52 = vector.load %arg4[%get3A_49, %get3A_50, %get3A_51] : memref<5x1x64xf32, #tpu.memory_space<vmem>>, vector<1x1x64xf32>
    %get3A_53 = vector.shape_cast %get3A_52 : vector<1x1x64xf32> to vector<1x64xf32>
    %get3A_54 = arith.constant 4 : index
    %get3A_55 = arith.constant 0 : index
    %get3A_56 = arith.constant 0 : index
    %get3A_57 = vector.load %arg4[%get3A_54, %get3A_55, %get3A_56] : memref<5x1x64xf32, #tpu.memory_space<vmem>>, vector<1x1x64xf32>
    %get3A_58 = vector.shape_cast %get3A_57 : vector<1x1x64xf32> to vector<1x64xf32>
    %get3A_59 = arith.constant 0 : index
    %get3A_60 = arith.constant 0 : index
    %get3A_61 = arith.constant 0 : index
    %get3A_62 = vector.load %arg5[%get3A_59, %get3A_60, %get3A_61] : memref<8x1x64xf32, #tpu.memory_space<vmem>>, vector<1x1x64xf32>
    %get3A_63 = vector.shape_cast %get3A_62 : vector<1x1x64xf32> to vector<1x64xf32>
    %get3A_64 = arith.constant 1 : index
    %get3A_65 = arith.constant 0 : index
    %get3A_66 = arith.constant 0 : index
    %get3A_67 = vector.load %arg5[%get3A_64, %get3A_65, %get3A_66] : memref<8x1x64xf32, #tpu.memory_space<vmem>>, vector<1x1x64xf32>
    %get3A_68 = vector.shape_cast %get3A_67 : vector<1x1x64xf32> to vector<1x64xf32>
    %get3A_69 = arith.constant 2 : index
    %get3A_70 = arith.constant 0 : index
    %get3A_71 = arith.constant 0 : index
    %get3A_72 = vector.load %arg5[%get3A_69, %get3A_70, %get3A_71] : memref<8x1x64xf32, #tpu.memory_space<vmem>>, vector<1x1x64xf32>
    %get3A_73 = vector.shape_cast %get3A_72 : vector<1x1x64xf32> to vector<1x64xf32>
    %get3A_74 = arith.constant 3 : index
    %get3A_75 = arith.constant 0 : index
    %get3A_76 = arith.constant 0 : index
    %get3A_77 = vector.load %arg5[%get3A_74, %get3A_75, %get3A_76] : memref<8x1x64xf32, #tpu.memory_space<vmem>>, vector<1x1x64xf32>
    %get3A_78 = vector.shape_cast %get3A_77 : vector<1x1x64xf32> to vector<1x64xf32>
    %get3A_79 = arith.constant 4 : index
    %get3A_80 = arith.constant 0 : index
    %get3A_81 = arith.constant 0 : index
    %get3A_82 = vector.load %arg5[%get3A_79, %get3A_80, %get3A_81] : memref<8x1x64xf32, #tpu.memory_space<vmem>>, vector<1x1x64xf32>
    %get3A_83 = vector.shape_cast %get3A_82 : vector<1x1x64xf32> to vector<1x64xf32>
    %get3A_84 = arith.constant 5 : index
    %get3A_85 = arith.constant 0 : index
    %get3A_86 = arith.constant 0 : index
    %get3A_87 = vector.load %arg5[%get3A_84, %get3A_85, %get3A_86] : memref<8x1x64xf32, #tpu.memory_space<vmem>>, vector<1x1x64xf32>
    %get3A_88 = vector.shape_cast %get3A_87 : vector<1x1x64xf32> to vector<1x64xf32>
    %get3A_89 = arith.constant 6 : index
    %get3A_90 = arith.constant 0 : index
    %get3A_91 = arith.constant 0 : index
    %get3A_92 = vector.load %arg5[%get3A_89, %get3A_90, %get3A_91] : memref<8x1x64xf32, #tpu.memory_space<vmem>>, vector<1x1x64xf32>
    %get3A_93 = vector.shape_cast %get3A_92 : vector<1x1x64xf32> to vector<1x64xf32>
    %get3A_94 = arith.constant 7 : index
    %get3A_95 = arith.constant 0 : index
    %get3A_96 = arith.constant 0 : index
    %get3A_97 = vector.load %arg5[%get3A_94, %get3A_95, %get3A_96] : memref<8x1x64xf32, #tpu.memory_space<vmem>>, vector<1x1x64xf32>
    %get3A_98 = vector.shape_cast %get3A_97 : vector<1x1x64xf32> to vector<1x64xf32>
    %dot_general3A = arith.constant dense<0.000000e+00> : vector<10000x64xf32>
    %dot_general3A_99 = tpu.matmul %add3A, %get3A_13, %dot_general3A {dimension_numbers = #tpu.dot_dimension_numbers<[1], [0], [0], [1], [0, 0, 1, 1], [], []>, transpose_lhs_hint = false} : vector<10000x64xf32>, vector<64x64xf32>, vector<10000x64xf32> -> vector<10000x64xf32>
    %add3A_100 = vector.broadcast %get3A_38 : vector<1x64xf32> to vector<10000x64xf32>
    %add3A_101 = arith.addf %dot_general3A_99, %add3A_100 : vector<10000x64xf32>
    %dot_general3A_102 = arith.constant dense<0.000000e+00> : vector<10000x64xf32>
    %dot_general3A_103 = tpu.matmul %add3A_101, %get3A_18, %dot_general3A_102 {dimension_numbers = #tpu.dot_dimension_numbers<[1], [0], [0], [1], [0, 0, 1, 1], [], []>, transpose_lhs_hint = false} : vector<10000x64xf32>, vector<64x64xf32>, vector<10000x64xf32> -> vector<10000x64xf32>
    %add3A_104 = vector.broadcast %get3A_43 : vector<1x64xf32> to vector<10000x64xf32>
    %add3A_105 = arith.addf %dot_general3A_103, %add3A_104 : vector<10000x64xf32>
    %sub3A = vector.broadcast %get3A_63 : vector<1x64xf32> to vector<10000x64xf32>
    %sub3A_106 = arith.subf %add3A_105, %sub3A : vector<10000x64xf32>
    %div3A = vector.broadcast %get3A_68 : vector<1x64xf32> to vector<10000x64xf32>
    %div3A_107 = arith.divf %sub3A_106, %div3A : vector<10000x64xf32>
    %mul3A = vector.broadcast %get3A_73 : vector<1x64xf32> to vector<10000x64xf32>
    %mul3A_108 = arith.mulf %div3A_107, %mul3A : vector<10000x64xf32>
    %add3A_109 = vector.broadcast %get3A_78 : vector<1x64xf32> to vector<10000x64xf32>
    %add3A_110 = arith.addf %mul3A_108, %add3A_109 : vector<10000x64xf32>
    %max3A = arith.constant 0.000000e+00 : f32
    %max3A_111 = vector.broadcast %max3A : f32 to vector<10000x64xf32>
    %max3A_112 = arith.maximumf %add3A_110, %max3A_111 : vector<10000x64xf32>
    %dot_general3A_113 = arith.constant dense<0.000000e+00> : vector<10000x64xf32>
    %dot_general3A_114 = tpu.matmul %max3A_112, %get3A_23, %dot_general3A_113 {dimension_numbers = #tpu.dot_dimension_numbers<[1], [0], [0], [1], [0, 0, 1, 1], [], []>, transpose_lhs_hint = false} : vector<10000x64xf32>, vector<64x64xf32>, vector<10000x64xf32> -> vector<10000x64xf32>
    %add3A_115 = vector.broadcast %get3A_48 : vector<1x64xf32> to vector<10000x64xf32>
    %add3A_116 = arith.addf %dot_general3A_114, %add3A_115 : vector<10000x64xf32>
    %dot_general3A_117 = arith.constant dense<0.000000e+00> : vector<10000x64xf32>
    %dot_general3A_118 = tpu.matmul %add3A_116, %get3A_28, %dot_general3A_117 {dimension_numbers = #tpu.dot_dimension_numbers<[1], [0], [0], [1], [0, 0, 1, 1], [], []>, transpose_lhs_hint = false} : vector<10000x64xf32>, vector<64x64xf32>, vector<10000x64xf32> -> vector<10000x64xf32>
    %add3A_119 = vector.broadcast %get3A_53 : vector<1x64xf32> to vector<10000x64xf32>
    %add3A_120 = arith.addf %dot_general3A_118, %add3A_119 : vector<10000x64xf32>
    %sub3A_121 = vector.broadcast %get3A_83 : vector<1x64xf32> to vector<10000x64xf32>
    %sub3A_122 = arith.subf %add3A_120, %sub3A_121 : vector<10000x64xf32>
    %div3A_123 = vector.broadcast %get3A_88 : vector<1x64xf32> to vector<10000x64xf32>
    %div3A_124 = arith.divf %sub3A_122, %div3A_123 : vector<10000x64xf32>
    %mul3A_125 = vector.broadcast %get3A_93 : vector<1x64xf32> to vector<10000x64xf32>
    %mul3A_126 = arith.mulf %div3A_124, %mul3A_125 : vector<10000x64xf32>
    %add3A_127 = vector.broadcast %get3A_98 : vector<1x64xf32> to vector<10000x64xf32>
    %add3A_128 = arith.addf %mul3A_126, %add3A_127 : vector<10000x64xf32>
    %max3A_129 = arith.constant 0.000000e+00 : f32
    %max3A_130 = vector.broadcast %max3A_129 : f32 to vector<10000x64xf32>
    %max3A_131 = arith.maximumf %add3A_128, %max3A_130 : vector<10000x64xf32>
    %dot_general3A_132 = arith.constant dense<0.000000e+00> : vector<10000x64xf32>
    %dot_general3A_133 = tpu.matmul %max3A_131, %get3A_33, %dot_general3A_132 {dimension_numbers = #tpu.dot_dimension_numbers<[1], [0], [0], [1], [0, 0, 1, 1], [], []>, transpose_lhs_hint = false} : vector<10000x64xf32>, vector<64x64xf32>, vector<10000x64xf32> -> vector<10000x64xf32>
    %add3A_134 = vector.broadcast %get3A_58 : vector<1x64xf32> to vector<10000x64xf32>
    %add3A_135 = arith.addf %dot_general3A_133, %add3A_134 : vector<10000x64xf32>
    %add3A_136 = arith.addf %get3A_8, %add3A_135 : vector<10000x64xf32>
    %swap3A = arith.constant 0 : index
    %swap3A_137 = arith.constant 0 : index
    %swap3A_138 = vector.load %arg7[%swap3A, %swap3A_137] : memref<10000x64xf32, #tpu.memory_space<vmem>>, vector<10000x64xf32>
    tpu.vector_store %arg7[%swap3A, %swap3A_137], %add3A_136 {strides = array<i32>} : memref<10000x64xf32, #tpu.memory_space<vmem>>, vector<10000x64xf32>,
    %get3A_139 = arith.constant 0 : index
    %get3A_140 = arith.constant 0 : index
    %get3A_141 = vector.load %arg6[%get3A_139, %get3A_140] : memref<64x128xf32, #tpu.memory_space<vmem>>, vector<64x128xf32>
    %dot_general3A_142 = arith.constant dense<0.000000e+00> : vector<10000x128xf32>
    %dot_general3A_143 = tpu.matmul %add3A_136, %get3A_141, %dot_general3A_142 {dimension_numbers = #tpu.dot_dimension_numbers<[1], [0], [0], [1], [0, 0, 1, 1], [], []>, transpose_lhs_hint = false} : vector<10000x64xf32>, vector<64x128xf32>, vector<10000x128xf32> -> vector<10000x128xf32>
    %broadcast_in_dim3A = arith.constant 0.000000e+00 : f32
    %broadcast_in_dim3A_144 = vector.broadcast %broadcast_in_dim3A : f32 to vector<10000x64xf32>
    %slice3A_145 = vector.extract_strided_slice %dot_general3A_143 {offsets = [0, 0], sizes = [10000, 64], strides = [1, 1]} : vector<10000x128xf32> to vector<10000x64xf32>
    %concatenate3A = tpu.concatenate %slice3A_145, %broadcast_in_dim3A_144 in 1 : vector<10000x64xf32>, vector<10000x64xf32> -> vector<10000x128xf32>
    %swap3A_146 = arith.constant 0 : index
    %swap3A_147 = arith.constant 0 : index
    %swap3A_148 = vector.load %arg8[%swap3A_146, %swap3A_147] : memref<10000x128xf32, #tpu.memory_space<vmem>>, vector<10000x128xf32>
    tpu.vector_store %arg8[%swap3A_146, %swap3A_147], %concatenate3A {strides = array<i32>} : memref<10000x128xf32, #tpu.memory_space<vmem>>, vector<10000x128xf32>,
    %slice3A_149 = vector.extract_strided_slice %dot_general3A_143 {offsets = [0, 64], sizes = [10000, 64], strides = [1, 1]} : vector<10000x128xf32> to vector<10000x64xf32>
    %concatenate3A_150 = tpu.concatenate %slice3A_149, %broadcast_in_dim3A_144 in 1 : vector<10000x64xf32>, vector<10000x64xf32> -> vector<10000x128xf32>
    %swap3A_151 = arith.constant 0 : index
    %swap3A_152 = arith.constant 0 : index
    %swap3A_153 = vector.load %arg9[%swap3A_151, %swap3A_152] : memref<10000x128xf32, #tpu.memory_space<vmem>>, vector<10000x128xf32>
    tpu.vector_store %arg9[%swap3A_151, %swap3A_152], %concatenate3A_150 {strides = array<i32>} : memref<10000x128xf32, #tpu.memory_space<vmem>>, vector<10000x128xf32>,
    return
  }
}

module attributes {stable_mosaic.version = 14 : i64} {
  func.func @_node_body(%arg0: memref<10000x64xf32, #tpu.memory_space<vmem>>, %arg1: memref<10240x128xf32, #tpu.memory_space<vmem>>, %arg2: memref<10240x128xf32, #tpu.memory_space<vmem>>, %arg3: memref<5x64x64xf32, #tpu.memory_space<vmem>>, %arg4: memref<5x1x64xf32, #tpu.memory_space<vmem>>, %arg5: memref<8x1x64xf32, #tpu.memory_space<vmem>>, %arg6: memref<64x128xf32, #tpu.memory_space<vmem>>, %arg7: memref<10000x64xf32, #tpu.memory_space<vmem>>, %arg8: memref<10000x128xf32, #tpu.memory_space<vmem>>, %arg9: memref<10000x128xf32, #tpu.memory_space<vmem>>) attributes {dimension_semantics = [], scalar_prefetch = 0 : i64, scratch_operands = 0 : i64, tpu.core_type = #tpu.core_type<tc>} {
    %get3A = arith.constant 0 : index
    %get3A_0 = arith.constant 0 : index
    %get3A_1 = vector.load %arg1[%get3A, %get3A_0] : memref<10240x128xf32, #tpu.memory_space<vmem>>, vector<10240x128xf32>
    %slice3A = vector.extract_strided_slice %get3A_1 {offsets = [0, 0], sizes = [10000, 64], strides = [1, 1]} : vector<10240x128xf32> to vector<10000x64xf32>
    %get3A_2 = arith.constant 0 : index
    %get3A_3 = arith.constant 0 : index
    %get3A_4 = vector.load %arg2[%get3A_2, %get3A_3] : memref<10240x128xf32, #tpu.memory_space<vmem>>, vector<10240x128xf32>
    %slice3A_5 = vector.extract_strided_slice %get3A_4 {offsets = [0, 0], sizes = [10000, 64], strides = [1, 1]} : vector<10240x128xf32> to vector<10000x64xf32>
    %add3A = arith.addf %slice3A, %slice3A_5 : vector<10000x64xf32>
    %get3A_6 = arith.constant 0 : index
    %get3A_7 = arith.constant 0 : index
    %get3A_8 = vector.load %arg0[%get3A_6, %get3A_7] : memref<10000x64xf32, #tpu.memory_space<vmem>>, vector<10000x64xf32>
    %get3A_9 = arith.constant 0 : index
    %get3A_10 = arith.constant 0 : index
    %get3A_11 = arith.constant 0 : index
    %get3A_12 = vector.load %arg3[%get3A_9, %get3A_10, %get3A_11] : memref<5x64x64xf32, #tpu.memory_space<vmem>>, vector<1x64x64xf32>
    %get3A_13 = vector.shape_cast %get3A_12 : vector<1x64x64xf32> to vector<64x64xf32>
    %get3A_14 = arith.constant 1 : index
    %get3A_15 = arith.constant 0 : index
    %get3A_16 = arith.constant 0 : index
    %get3A_17 = vector.load %arg3[%get3A_14, %get3A_15, %get3A_16] : memref<5x64x64xf32, #tpu.memory_space<vmem>>, vector<1x64x64xf32>
    %get3A_18 = vector.shape_cast %get3A_17 : vector<1x64x64xf32> to vector<64x64xf32>
    %get3A_19 = arith.constant 2 : index
    %get3A_20 = arith.constant 0 : index
    %get3A_21 = arith.constant 0 : index
    %get3A_22 = vector.load %arg3[%get3A_19, %get3A_20, %get3A_21] : memref<5x64x64xf32, #tpu.memory_space<vmem>>, vector<1x64x64xf32>
    %get3A_23 = vector.shape_cast %get3A_22 : vector<1x64x64xf32> to vector<64x64xf32>
    %get3A_24 = arith.constant 3 : index
    %get3A_25 = arith.constant 0 : index
    %get3A_26 = arith.constant 0 : index
    %get3A_27 = vector.load %arg3[%get3A_24, %get3A_25, %get3A_26] : memref<5x64x64xf32, #tpu.memory_space<vmem>>, vector<1x64x64xf32>
    %get3A_28 = vector.shape_cast %get3A_27 : vector<1x64x64xf32> to vector<64x64xf32>
    %get3A_29 = arith.constant 4 : index
    %get3A_30 = arith.constant 0 : index
    %get3A_31 = arith.constant 0 : index
    %get3A_32 = vector.load %arg3[%get3A_29, %get3A_30, %get3A_31] : memref<5x64x64xf32, #tpu.memory_space<vmem>>, vector<1x64x64xf32>
    %get3A_33 = vector.shape_cast %get3A_32 : vector<1x64x64xf32> to vector<64x64xf32>
    %get3A_34 = arith.constant 0 : index
    %get3A_35 = arith.constant 0 : index
    %get3A_36 = arith.constant 0 : index
    %get3A_37 = vector.load %arg4[%get3A_34, %get3A_35, %get3A_36] : memref<5x1x64xf32, #tpu.memory_space<vmem>>, vector<1x1x64xf32>
    %get3A_38 = vector.shape_cast %get3A_37 : vector<1x1x64xf32> to vector<1x64xf32>
    %get3A_39 = arith.constant 1 : index
    %get3A_40 = arith.constant 0 : index
    %get3A_41 = arith.constant 0 : index
    %get3A_42 = vector.load %arg4[%get3A_39, %get3A_40, %get3A_41] : memref<5x1x64xf32, #tpu.memory_space<vmem>>, vector<1x1x64xf32>
    %get3A_43 = vector.shape_cast %get3A_42 : vector<1x1x64xf32> to vector<1x64xf32>
    %get3A_44 = arith.constant 2 : index
    %get3A_45 = arith.constant 0 : index
    %get3A_46 = arith.constant 0 : index
    %get3A_47 = vector.load %arg4[%get3A_44, %get3A_45, %get3A_46] : memref<5x1x64xf32, #tpu.memory_space<vmem>>, vector<1x1x64xf32>
    %get3A_48 = vector.shape_cast %get3A_47 : vector<1x1x64xf32> to vector<1x64xf32>
    %get3A_49 = arith.constant 3 : index
    %get3A_50 = arith.constant 0 : index
    %get3A_51 = arith.constant 0 : index
    %get3A_52 = vector.load %arg4[%get3A_49, %get3A_50, %get3A_51] : memref<5x1x64xf32, #tpu.memory_space<vmem>>, vector<1x1x64xf32>
    %get3A_53 = vector.shape_cast %get3A_52 : vector<1x1x64xf32> to vector<1x64xf32>
    %get3A_54 = arith.constant 4 : index
    %get3A_55 = arith.constant 0 : index
    %get3A_56 = arith.constant 0 : index
    %get3A_57 = vector.load %arg4[%get3A_54, %get3A_55, %get3A_56] : memref<5x1x64xf32, #tpu.memory_space<vmem>>, vector<1x1x64xf32>
    %get3A_58 = vector.shape_cast %get3A_57 : vector<1x1x64xf32> to vector<1x64xf32>
    %get3A_59 = arith.constant 0 : index
    %get3A_60 = arith.constant 0 : index
    %get3A_61 = arith.constant 0 : index
    %get3A_62 = vector.load %arg5[%get3A_59, %get3A_60, %get3A_61] : memref<8x1x64xf32, #tpu.memory_space<vmem>>, vector<1x1x64xf32>
    %get3A_63 = vector.shape_cast %get3A_62 : vector<1x1x64xf32> to vector<1x64xf32>
    %get3A_64 = arith.constant 1 : index
    %get3A_65 = arith.constant 0 : index
    %get3A_66 = arith.constant 0 : index
    %get3A_67 = vector.load %arg5[%get3A_64, %get3A_65, %get3A_66] : memref<8x1x64xf32, #tpu.memory_space<vmem>>, vector<1x1x64xf32>
    %get3A_68 = vector.shape_cast %get3A_67 : vector<1x1x64xf32> to vector<1x64xf32>
    %get3A_69 = arith.constant 2 : index
    %get3A_70 = arith.constant 0 : index
    %get3A_71 = arith.constant 0 : index
    %get3A_72 = vector.load %arg5[%get3A_69, %get3A_70, %get3A_71] : memref<8x1x64xf32, #tpu.memory_space<vmem>>, vector<1x1x64xf32>
    %get3A_73 = vector.shape_cast %get3A_72 : vector<1x1x64xf32> to vector<1x64xf32>
    %get3A_74 = arith.constant 3 : index
    %get3A_75 = arith.constant 0 : index
    %get3A_76 = arith.constant 0 : index
    %get3A_77 = vector.load %arg5[%get3A_74, %get3A_75, %get3A_76] : memref<8x1x64xf32, #tpu.memory_space<vmem>>, vector<1x1x64xf32>
    %get3A_78 = vector.shape_cast %get3A_77 : vector<1x1x64xf32> to vector<1x64xf32>
    %get3A_79 = arith.constant 4 : index
    %get3A_80 = arith.constant 0 : index
    %get3A_81 = arith.constant 0 : index
    %get3A_82 = vector.load %arg5[%get3A_79, %get3A_80, %get3A_81] : memref<8x1x64xf32, #tpu.memory_space<vmem>>, vector<1x1x64xf32>
    %get3A_83 = vector.shape_cast %get3A_82 : vector<1x1x64xf32> to vector<1x64xf32>
    %get3A_84 = arith.constant 5 : index
    %get3A_85 = arith.constant 0 : index
    %get3A_86 = arith.constant 0 : index
    %get3A_87 = vector.load %arg5[%get3A_84, %get3A_85, %get3A_86] : memref<8x1x64xf32, #tpu.memory_space<vmem>>, vector<1x1x64xf32>
    %get3A_88 = vector.shape_cast %get3A_87 : vector<1x1x64xf32> to vector<1x64xf32>
    %get3A_89 = arith.constant 6 : index
    %get3A_90 = arith.constant 0 : index
    %get3A_91 = arith.constant 0 : index
    %get3A_92 = vector.load %arg5[%get3A_89, %get3A_90, %get3A_91] : memref<8x1x64xf32, #tpu.memory_space<vmem>>, vector<1x1x64xf32>
    %get3A_93 = vector.shape_cast %get3A_92 : vector<1x1x64xf32> to vector<1x64xf32>
    %get3A_94 = arith.constant 7 : index
    %get3A_95 = arith.constant 0 : index
    %get3A_96 = arith.constant 0 : index
    %get3A_97 = vector.load %arg5[%get3A_94, %get3A_95, %get3A_96] : memref<8x1x64xf32, #tpu.memory_space<vmem>>, vector<1x1x64xf32>
    %get3A_98 = vector.shape_cast %get3A_97 : vector<1x1x64xf32> to vector<1x64xf32>
    %dot_general3A = arith.constant dense<0.000000e+00> : vector<10000x64xf32>
    %dot_general3A_99 = tpu.matmul %add3A, %get3A_13, %dot_general3A {dimension_numbers = #tpu.dot_dimension_numbers<[1], [0], [0], [1], [0, 0, 1, 1], [], []>, transpose_lhs_hint = false} : vector<10000x64xf32>, vector<64x64xf32>, vector<10000x64xf32> -> vector<10000x64xf32>
    %add3A_100 = vector.broadcast %get3A_38 : vector<1x64xf32> to vector<10000x64xf32>
    %add3A_101 = arith.addf %dot_general3A_99, %add3A_100 : vector<10000x64xf32>
    %dot_general3A_102 = arith.constant dense<0.000000e+00> : vector<10000x64xf32>
    %dot_general3A_103 = tpu.matmul %add3A_101, %get3A_18, %dot_general3A_102 {dimension_numbers = #tpu.dot_dimension_numbers<[1], [0], [0], [1], [0, 0, 1, 1], [], []>, transpose_lhs_hint = false} : vector<10000x64xf32>, vector<64x64xf32>, vector<10000x64xf32> -> vector<10000x64xf32>
    %add3A_104 = vector.broadcast %get3A_43 : vector<1x64xf32> to vector<10000x64xf32>
    %add3A_105 = arith.addf %dot_general3A_103, %add3A_104 : vector<10000x64xf32>
    %sub3A = vector.broadcast %get3A_63 : vector<1x64xf32> to vector<10000x64xf32>
    %sub3A_106 = arith.subf %add3A_105, %sub3A : vector<10000x64xf32>
    %div3A = vector.broadcast %get3A_68 : vector<1x64xf32> to vector<10000x64xf32>
    %div3A_107 = arith.divf %sub3A_106, %div3A : vector<10000x64xf32>
    %mul3A = vector.broadcast %get3A_73 : vector<1x64xf32> to vector<10000x64xf32>
    %mul3A_108 = arith.mulf %div3A_107, %mul3A : vector<10000x64xf32>
    %add3A_109 = vector.broadcast %get3A_78 : vector<1x64xf32> to vector<10000x64xf32>
    %add3A_110 = arith.addf %mul3A_108, %add3A_109 : vector<10000x64xf32>
    %max3A = arith.constant 0.000000e+00 : f32
    %max3A_111 = vector.broadcast %max3A : f32 to vector<10000x64xf32>
    %max3A_112 = arith.maximumf %add3A_110, %max3A_111 : vector<10000x64xf32>
    %dot_general3A_113 = arith.constant dense<0.000000e+00> : vector<10000x64xf32>
    %dot_general3A_114 = tpu.matmul %max3A_112, %get3A_23, %dot_general3A_113 {dimension_numbers = #tpu.dot_dimension_numbers<[1], [0], [0], [1], [0, 0, 1, 1], [], []>, transpose_lhs_hint = false} : vector<10000x64xf32>, vector<64x64xf32>, vector<10000x64xf32> -> vector<10000x64xf32>
    %add3A_115 = vector.broadcast %get3A_48 : vector<1x64xf32> to vector<10000x64xf32>
    %add3A_116 = arith.addf %dot_general3A_114, %add3A_115 : vector<10000x64xf32>
    %dot_general3A_117 = arith.constant dense<0.000000e+00> : vector<10000x64xf32>
    %dot_general3A_118 = tpu.matmul %add3A_116, %get3A_28, %dot_general3A_117 {dimension_numbers = #tpu.dot_dimension_numbers<[1], [0], [0], [1], [0, 0, 1, 1], [], []>, transpose_lhs_hint = false} : vector<10000x64xf32>, vector<64x64xf32>, vector<10000x64xf32> -> vector<10000x64xf32>
    %add3A_119 = vector.broadcast %get3A_53 : vector<1x64xf32> to vector<10000x64xf32>
    %add3A_120 = arith.addf %dot_general3A_118, %add3A_119 : vector<10000x64xf32>
    %sub3A_121 = vector.broadcast %get3A_83 : vector<1x64xf32> to vector<10000x64xf32>
    %sub3A_122 = arith.subf %add3A_120, %sub3A_121 : vector<10000x64xf32>
    %div3A_123 = vector.broadcast %get3A_88 : vector<1x64xf32> to vector<10000x64xf32>
    %div3A_124 = arith.divf %sub3A_122, %div3A_123 : vector<10000x64xf32>
    %mul3A_125 = vector.broadcast %get3A_93 : vector<1x64xf32> to vector<10000x64xf32>
    %mul3A_126 = arith.mulf %div3A_124, %mul3A_125 : vector<10000x64xf32>
    %add3A_127 = vector.broadcast %get3A_98 : vector<1x64xf32> to vector<10000x64xf32>
    %add3A_128 = arith.addf %mul3A_126, %add3A_127 : vector<10000x64xf32>
    %max3A_129 = arith.constant 0.000000e+00 : f32
    %max3A_130 = vector.broadcast %max3A_129 : f32 to vector<10000x64xf32>
    %max3A_131 = arith.maximumf %add3A_128, %max3A_130 : vector<10000x64xf32>
    %dot_general3A_132 = arith.constant dense<0.000000e+00> : vector<10000x64xf32>
    %dot_general3A_133 = tpu.matmul %max3A_131, %get3A_33, %dot_general3A_132 {dimension_numbers = #tpu.dot_dimension_numbers<[1], [0], [0], [1], [0, 0, 1, 1], [], []>, transpose_lhs_hint = false} : vector<10000x64xf32>, vector<64x64xf32>, vector<10000x64xf32> -> vector<10000x64xf32>
    %add3A_134 = vector.broadcast %get3A_58 : vector<1x64xf32> to vector<10000x64xf32>
    %add3A_135 = arith.addf %dot_general3A_133, %add3A_134 : vector<10000x64xf32>
    %add3A_136 = arith.addf %get3A_8, %add3A_135 : vector<10000x64xf32>
    %swap3A = arith.constant 0 : index
    %swap3A_137 = arith.constant 0 : index
    %swap3A_138 = vector.load %arg7[%swap3A, %swap3A_137] : memref<10000x64xf32, #tpu.memory_space<vmem>>, vector<10000x64xf32>
    tpu.vector_store %arg7[%swap3A, %swap3A_137], %add3A_136 {strides = array<i32>} : memref<10000x64xf32, #tpu.memory_space<vmem>>, vector<10000x64xf32>,
    %get3A_139 = arith.constant 0 : index
    %get3A_140 = arith.constant 0 : index
    %get3A_141 = vector.load %arg6[%get3A_139, %get3A_140] : memref<64x128xf32, #tpu.memory_space<vmem>>, vector<64x128xf32>
    %dot_general3A_142 = arith.constant dense<0.000000e+00> : vector<10000x128xf32>
    %dot_general3A_143 = tpu.matmul %add3A_136, %get3A_141, %dot_general3A_142 {dimension_numbers = #tpu.dot_dimension_numbers<[1], [0], [0], [1], [0, 0, 1, 1], [], []>, transpose_lhs_hint = false} : vector<10000x64xf32>, vector<64x128xf32>, vector<10000x128xf32> -> vector<10000x128xf32>
    %broadcast_in_dim3A = arith.constant 0.000000e+00 : f32
    %broadcast_in_dim3A_144 = vector.broadcast %broadcast_in_dim3A : f32 to vector<10000x64xf32>
    %slice3A_145 = vector.extract_strided_slice %dot_general3A_143 {offsets = [0, 0], sizes = [10000, 64], strides = [1, 1]} : vector<10000x128xf32> to vector<10000x64xf32>
    %concatenate3A = tpu.concatenate %slice3A_145, %broadcast_in_dim3A_144 in 1 : vector<10000x64xf32>, vector<10000x64xf32> -> vector<10000x128xf32>
    %swap3A_146 = arith.constant 0 : index
    %swap3A_147 = arith.constant 0 : index
    %swap3A_148 = vector.load %arg8[%swap3A_146, %swap3A_147] : memref<10000x128xf32, #tpu.memory_space<vmem>>, vector<10000x128xf32>
    tpu.vector_store %arg8[%swap3A_146, %swap3A_147], %concatenate3A {strides = array<i32>} : memref<10000x128xf32, #tpu.memory_space<vmem>>, vector<10000x128xf32>,
    %slice3A_149 = vector.extract_strided_slice %dot_general3A_143 {offsets = [0, 64], sizes = [10000, 64], strides = [1, 1]} : vector<10000x128xf32> to vector<10000x64xf32>
    %concatenate3A_150 = tpu.concatenate %slice3A_149, %broadcast_in_dim3A_144 in 1 : vector<10000x64xf32>, vector<10000x64xf32> -> vector<10000x128xf32>
    %swap3A_151 = arith.constant 0 : index
    %swap3A_152 = arith.constant 0 : index
    %swap3A_153 = vector.load %arg9[%swap3A_151, %swap3A_152] : memref<10000x128xf32, #tpu.memory_space<vmem>>, vector<10000x128xf32>
    tpu.vector_store %arg9[%swap3A_151, %swap3A_152], %concatenate3A_150 {strides = array<i32>} : memref<10000x128xf32, #tpu.memory_space<vmem>>, vector<10000x128xf32>,
    return
  }
}

</mosaic_0001>

<sc_bundles>
// kernel: kernel.16.cloned.1.call-start
scs
__scs_entry_jumppad:
0x0: {  	(pc) =	sbr.rel $0x88, $3  }
0x1: {  	(tag) =	ssettag $0x0;
	lr =	simm.s32 $0x1  }
0x2: {  	[smem:$0x3F40] =	sst lr;
	_ =	strace $0xD0000000  }
0x3: {  	_ = 	snop  }
0x4: {  	_ = 	snop  }
0x5: {  	_ = 	snop  }
0x6: {  	_ = 	snop  }
0x7: {  	_ = 	snop  }
__scs_overlays_trampoline_lowered:
0x8: {  	[smem:$0x3F4F] =	sst s0  }
0x9: {  	[smem:$0x3F50] =	sst s1  }
0xa: {  	[smem:$0x3F51] =	sst s2  }
0xb: {  	[smem:$0x3F52] =	sst s3  }
0xc: {  	[smem:$0x3F53] =	sst s4  }
0xd: {  	[smem:$0x3F54] =	sst s5  }
0xe: {  	[smem:$0x3F55] =	sst s6  }
0xf: {  	[smem:$0x3F56] =	sst s7  }
0x10: {  	[smem:$0x3F57] =	sst s8  }
0x11: {  	[smem:$0x3F58] =	sst s9;
	s0 =	simm.s32 @!p0 $0x0  }
0x12: {  	s1 =	sld [smem:$0x3F3E];
	s0 =	simm.s32 @p0 $0x1  }
0x13: {  	[smem:$0x3F59] =	sst s0;
	s0 =	simm.s32 @!p1 $0x0  }
0x14: {  	s2 =	sld [smem:$0x3F3D];
	s0 =	simm.s32 @p1 $0x1  }
0x15: {  	[smem:$0x3F5A] =	sst s0;
	s0 =	simm.s32 @!p2 $0x0  }
0x16: {  	s3 =	sld [smem:$0x3FDB];
	s0 =	simm.s32 @p2 $0x1  }
0x17: {  	s4 =	simm.s32 $0x1BF5;
	[smem:$0x3F5C] =	sst s0  }
0x18: {  	s0 =	sld [smem:$0x3F3F];
	_ =	swait.ge [sflag:s4], $0x0  }
0x19: {  	s7 =	sld [smem:$0x3F40]  }
0x1a: {  	s8 =	sadd.s32 $0xFFFFE003, lr  }
0x1b: {  	s9 =	sadd.s32 $0xFFFFFEF7, lr;
	s5 =	simm.s32 $0xFFFFFFFF;
	p2 =	slt.u32 s8, $0xFFFFF086  }
0x1c: {  	p1 =	slt.u32 s9, $0xF7A;
	s5 =	simm.s32 @!p2 $0x0  }
0x1d: {  	s5 =	simm.s32 @p1 $0x1;
	p0 =	seq.s32 s7, s2  }
0x1e: {  	s7 =	smul.u32 @!p0 $0xF7A, s2;
	p2 =	seq.s32 @!p0 s5, $0x0  }
0x1f: {  	s9 =	smul.u32 $0xF7A, s1;
	s8 =	simm.s32 @!p0 $0x1BF5;
	p2 =	por !p2, p0  }
0x20: {  	[sflag:s8] =	ssyncset.s32 @!p0 $0xFFFFF086;
	s6 =	sadd.s32 @!p0 s3, s7;
	s7 =	simm.s32 @!p0 $0x108  }
0x21: {  	s3 =	sadd.s32 s3, s9;
	s6 =	sadd.s32 @!p0 $0x88, s6;
	s7 =	simm.s32 @p2 $0x1082  }
0x22: {  	[simem:s7], [sflag:s8] =	dma.local @!p0 [hbm:s6], $0xF7A  }
0x23: {  	s9 =	sor.u32 $0xD0000000, s2;
	s6 =	simm.s32 $0x108;
	_ =	swait.ge @!p0 [sflag:s8], $0x0  }
0x24: {  	s3 =	sadd.s32 $0x88, s3;
	s6 =	simm.s32 @!p1 $0x1082;
	[sflag:s4] =	ssyncset.s32 $0xFFFFF086  }
0x25: {  	[simem:s6], [sflag:s4] =	dma.local [hbm:s3], $0xF7A  }
0x26: {  	[smem:$0x3F40] =	sst s1;
	(tag) =	ssettag s2;
	_ =	strace s9  }
0x27: {  	s1 =	sld [smem:$0x3F50]  }
0x28: {  	s2 =	sld [smem:$0x3F51]  }
0x29: {  	s4 =	sld [smem:$0x3F53]  }
0x2a: {  	p0 =	seq.s32 s5, $0x0;
	s5 =	sld [smem:$0x3F54]  }
0x2b: {  	s6 =	sld [smem:$0x3F55]  }
0x2c: {  	s7 =	sld [smem:$0x3F56]  }
0x2d: {  	s3 =	simm.s32 $0x108;
	s8 =	sld [smem:$0x3F57]  }
0x2e: {  	s3 =	simm.s32 @!p0 $0x1082;
	s9 =	sld [smem:$0x3F58]  }
0x2f: {  	lr =	sadd.s32 s0, s3;
	s0 =	sld [smem:$0x3F4F]  }
0x30: {  	s3 =	sld [smem:$0x3F52]  }
0x31: {  	[smem:$0x3F5B] =	sst s10  }
0x32: {  	s10 =	sld [smem:$0x3F59];
	_ =	sdelay $0x3  }
0x33: {  	p0 =	seq.s32 s10, $0x1;
	s10 =	sld [smem:$0x3F5B];
	_ =	sdelay $0x3  }
0x34: {  	[smem:$0x3F5B] =	sst s10  }
0x35: {  	s10 =	sld [smem:$0x3F5A];
	_ =	sdelay $0x3  }
0x36: {  	p1 =	seq.s32 s10, $0x1;
	s10 =	sld [smem:$0x3F5B];
	_ =	sdelay $0x3  }
0x37: {  	[smem:$0x3F5B] =	sst s10  }
0x38: {  	s10 =	sld [smem:$0x3F5C]  }
0x39: {  	_ = 	snop;
	(pc) =	sbr.ind lr, $3  }
0x3a: {  	_ = 	snop  }
0x3b: {  	_ = 	snop  }
0x3c: {  	p2 =	seq.s32 s10, $0x1;
	s10 =	sld [smem:$0x3F5B]  }
0x3d: {  	_ =	shalt  }
0x3e: {  	_ =	shalt  }
0x3f: {  	_ =	shalt  }
0x40: {  	_ =	shalt  }
0x41: {  	_ =	shalt  }
0x42: {  	_ =	shalt  }
0x43: {  	_ =	shalt  }
0x44: {  	_ =	shalt  }
0x45: {  	_ =	shalt  }
0x46: {  	_ =	shalt  }
0x47: {  	_ =	shalt  }
0x48: {  	_ =	shalt  }
0x49: {  	_ =	shalt  }
0x4a: {  	_ =	shalt  }
0x4b: {  	_ =	shalt  }
0x4c: {  	_ =	shalt  }
0x4d: {  	_ =	shalt  }
0x4e: {  	_ =	shalt  }
0x4f: {  	_ =	shalt  }
0x50: {  	_ =	shalt  }
0x51: {  	_ =	shalt  }
0x52: {  	_ =	shalt  }
0x53: {  	_ =	shalt  }
0x54: {  	_ =	shalt  }
0x55: {  	_ =	shalt  }
0x56: {  	_ =	shalt  }
0x57: {  	_ =	shalt  }
0x58: {  	_ =	shalt  }
0x59: {  	_ =	shalt  }
0x5a: {  	_ =	shalt  }
0x5b: {  	_ =	shalt  }
0x5c: {  	_ =	shalt  }
0x5d: {  	_ =	shalt  }
0x5e: {  	_ =	shalt  }
0x5f: {  	_ =	shalt  }
0x60: {  	_ =	shalt  }
0x61: {  	_ =	shalt  }
0x62: {  	_ =	shalt  }
0x63: {  	_ =	shalt  }
0x64: {  	_ =	shalt  }
0x65: {  	_ =	shalt  }
0x66: {  	_ =	shalt  }
0x67: {  	_ =	shalt  }
0x68: {  	_ =	shalt  }
0x69: {  	_ =	shalt  }
0x6a: {  	_ =	shalt  }
0x6b: {  	_ =	shalt  }
0x6c: {  	_ =	shalt  }
0x6d: {  	_ =	shalt  }
0x6e: {  	_ =	shalt  }
0x6f: {  	_ =	shalt  }
0x70: {  	_ =	shalt  }
0x71: {  	_ =	shalt  }
0x72: {  	_ =	shalt  }
0x73: {  	_ =	shalt  }
0x74: {  	_ =	shalt  }
0x75: {  	_ =	shalt  }
0x76: {  	_ =	shalt  }
0x77: {  	_ =	shalt  }
0x78: {  	_ =	shalt  }
0x79: {  	_ =	shalt  }
0x7a: {  	_ =	shalt  }
0x7b: {  	_ =	shalt  }
0x7c: {  	_ =	shalt  }
0x7d: {  	_ =	shalt  }
0x7e: {  	_ =	shalt  }
0x7f: {  	_ =	shalt  }
0x80: {  	_ =	shalt  }
0x81: {  	_ =	shalt  }
0x82: {  	_ =	shalt  }
0x83: {  	_ =	shalt  }
0x84: {  	_ =	shalt  }
0x85: {  	_ =	shalt  }
0x86: {  	_ =	shalt  }
0x87: {  	_ =	shalt  }
.Lfunc_end0:
.L_simem_size_0:
called_computation_lowered:
.L_overlay_start_0:
0x88: {  	s2 =	sld [smem:$0x3FD9]  }
0x89: {  	s3 =	sld [smem:$0x3FFE];
	_ =	sdelay $0x1  }
0x8a: {  	s1 =	srdreg.scid  }
0x8b: {  	s0 =	sand.u32 $0x1, s1  }
0x8c: {  	s14 =	sshll.u32 s0, $0xA;
	s2 =	sadd.s32 s3, s2  }
0x8d: {  	s2 =	sadd.s32 s2, s14  }
0x8e: {  	[smem:$0x3F67] =	sst s2  }
0x8f: {  	_ = 	snop  }
0x90: {  	s2 =	sld [smem:$0x3FD0];
	_ =	sdelay $0x2  }
0x91: {  	s15 =	simm.s32 $0xA;
	s4 =	simm.s32 $0x10  }
0x92: {  	[smem:s4], [sflag:s15] =	dma.local [hbm:s2], $0x1  }
0x93: {  	_ =	swait.eq [sflag:s15], $0x1  }
0x94: {  	[sflag:s15] =	ssyncset.done $0x0  }
0x95: {  	s16 =	sld [smem:$0x10];
	[sflag:s15] =	ssyncadd.s32 $0xFFFFFFFF  }
0x96: {  	s17 =	sld [smem:$0x11];
	(tm) =	ssettm $0x1  }
0x97: {  	s18 =	sld [smem:$0x3FFB];
	_ =	sdelay $0x3  }
0x98: {  	_ =	strace s18  }
0x99: {  	s4 =	sld [smem:$0x3FFC];
	_ =	sdelay $0x3  }
0x9a: {  	_ =	strace s4  }
0x9b: {  	s4 =	sld [smem:$0x3FFD];
	_ =	sdelay $0x3  }
0x9c: {  	_ =	strace s4  }
0x9d: {  	_ =	strace $0x8FFFFFFF  }
0x9e: {  	s19 =	sld [smem:$0x3FDB];
	_ =	sdelay $0x1  }
0x9f: {  	s5 =	simm.s32 $_scs_section_size  }
0xa0: {  	s6 =	simm.s32 $_size__tile_overlayer_lowered;
	s7 =	simm.s32 $_tile_overlayer_lowered  }
0xa1: {  	s22 =	simm.s32 $0x1BFF;
	s21 =	sshll.u32 s7, $0x1;
	s4 =	sadd.s32 s5, s19  }
0xa2: {  	s8 =	simm.s32 $0x0;
	s20 =	sshll.u32 s6, $0x1;
	s6 =	sadd.s32 s21, s4  }
0xa3: {  	[timem:s8], [sflag:s22] =	dma.local [hbm:s6], s20  }
0xa4: {  	_ =	swait.ge [sflag:s22], s20  }
0xa5: {  	s5 =	ssub.s32 $0x0, s20;
	[sflag:s22] =	ssyncset.done $0x0  }
0xa6: {  	[sflag:s22] =	ssyncadd.s32 s5;
	_ =	sdelay $0x1  }
0xa7: {  	s23 =	simm.s32 $0x1B8B  }
0xa8: {  	_ =	swait.ge [sflag:s23], $0x1  }
0xa9: {  	[sflag:s23] =	ssyncset.done $0x0  }
0xaa: {  	s25 =	simm.s32 $0x1B8E;
	s24 =	sld [smem:$0x3FFE];
	[sflag:s23] =	ssyncadd.s32 $0xFFFFFFFF  }
0xab: {  	s26 =	simm.s32 $execute0_lowered;
	[smem:$0x3FD2] =	sst s25  }
0xac: {  	s6 =	sshll.u32 s26, $0x1;
	_ =	strace $0x80000046;
	[dreg:$0x1] =	wrdreg $0xFFFFFFFF  }
0xad: {  	s28 =	simm.s32 $_size_execute0_lowered;
	s4 =	sadd.s32 s4, s6;
	[dreg:$0x0] =	wrdreg $0x0  }
0xae: {  	s6 =	sshll.u32 s28, $0x1;
	[dreg:$0x2] =	wrdreg s4  }
0xaf: {  	[dreg:$0x3] =	wrdreg s6  }
0xb0: {  	[dreg:$0x4] =	wrdreg $0xC0  }
0xb1: {  	_ =	task [dreg:s8], $0x5FFFF  }
0xb2: {  	[dreg:$0x1] =	wrdreg $0xFFFFFFFF  }
0xb3: {  	[dreg:$0x0] =	wrdreg $0x60  }
0xb4: {  	[dreg:$0x2] =	wrdreg s17  }
0xb5: {  	[dreg:$0x3] =	wrdreg s24  }
0xb6: {  	[dreg:$0x4] =	wrdreg s16  }
0xb7: {  	[dreg:$0x5] =	wrdreg $0x9  }
0xb8: {  	_ =	task.clear_ibuf [dreg:s8], $0x6FFFF;
	_ =	strace $0x90000046  }
0xb9: {  	s29 =	simm.s32 $0x9;
	_ =	strace $0x80000048  }
0xba: {  	_ =	swait.ge [sflag:s29], $0x1  }
0xbb: {  	[sflag:s29] =	ssyncadd.s32 $0xFFFFFFFF  }
0xbc: {  	_ =	strace $0x90000048  }
0xbd: {  	_ =	sfence  }
0xbe: {  	s30 =	sld [smem:$0x0];
	_ =	sdelay $0x2  }
0xbf: {  	s31 =	sshll.u32 s1, $0xD;
	s1 =	sshrl.u32 s1, $0x2  }
0xc0: {  	s3 =	sand.u32 $0x4000, s31;
	s1 =	sadd.s32 s1, s30  }
0xc1: {  	s0 =	sor.u32 s3, s0;
	s1 =	sshll.u32 s1, $0x11  }
0xc2: {  	s0 =	sor.u32 s1, s0  }
0xc3: {  	s0 =	sadd.s32 $0x8F2B, s0  }
0xc4: {  	[sflag:s0] =	ssyncadd.remote.s32 $0x1  }
0xc5: {  	_ =	sfence.sel $0xFFFF  }
0xc6: {  	[dreg:$0x0] =	wrdreg $0xFFFFFFFF;
	(pc) =	sbr.abs _section_cstart, $3  }
0xc7: {  	[dreg:$0x1] =	wrdreg $0xFFFFFFFF  }
0xc8: {  	_ =	task.clear_ibuf [dreg:s8], $0x2FFFF;
	_ =	strace $0x9FFFFFFF  }
0xc9: {  	(tm) =	ssettm $0x7FFFFFFF  }
tec
execute0_lowered:
.L_overlay_start_1:
0x0: {  	(tag) =	ssettag $0x1  }
0x1: {  	s1 =	rddreg [dreg:$0x0]  }
0x2: {  	s5 =	rddreg [dreg:$0x1];
	s2 =	srdreg.scid  }
0x3: {  	s0 =	stileid.u32;
	s6 =	rddreg [dreg:$0x2]  }
0x4: {  	s3 =	simm.s32 $0x0;
	s16 =	simm.s32 $0x7700;
	s17 =	simm.s32 $0x9F00  }
0x5: {  	s18 =	simm.s32 $0xC700;
	s19 =	simm.s32 $0x1;
	s20 =	simm.s32 $0x2  }
0x6: {  	s21 =	simm.s32 $0x3;
	s22 =	simm.s32 $0x4;
	s23 =	simm.s32 $0x0  }
0x7: {  	s8 =	sand.u32 $0x1, s2;
	s4 =	sshll.u32 s0, $0x1;
	s2 =	rddreg [dreg:$0x3]  }
0x8: {  	[smem:$0x7FF] =	sst s3;
	s12 =	sadd.s32 $0x6F600, s5;
	s29 =	smul.u32 $0x4E200, s0  }
0x9: {  	s14 =	sadd.s32 $0x551600, s5;
	s7 =	sor.u32 s8, s4;
	s15 =	smul.u32 $0x27100, s8  }
0xa: {  	_ =	strace $0x80000047;
	s10 =	ssub.s32 $0x2, s8;
	s9 =	smul.u32 $0x2710, s7  }
0xb: {  	s4 =	sadd.s32 $0x21200, s5;
	s7 =	smul.u32 $0x138800, s7;
	s13 =	sshrl.u32 s10, $0x1  }
0xc: {  	s30 =	sadd.s32 s29, s12;
	s31 =	sadd.s32 s29, s14;
	s10 =	ssub.s32 s10, s13  }
0xd: {  	s13 =	simm.s32 $0x2780;
	s9 =	sshrl.u32 s9, $0x3;
	s7 =	sshrl.u32 s7, $0x3  }
0xe: {  	s11 =	sadd.s32 s9, s5;
	s28 =	sadd.s32 $0x26C00, s7;
	s6 =	sadd.s32 s6, s9  }
0xf: {  	s9 =	smax.u32 s10, $0x1;
	s10 =	sadd.s32 s15, s30;
	s5 =	sadd.s32 $0x17000, s11  }
0x10: {  	s7 =	sadd.s32 s12, s28;
	s8 =	sadd.s32 s14, s28;
	s11 =	sadd.s32 s15, s31  }
0x11: {  	s12 =	simm.s32 $0x5;
	s14 =	simm.s32 $0x50;
	s15 =	simm.s32 $0x4F00  }
.LBB2_1:
0x12: {  	[tilespmem:s3], [sflag:$0x5] =	stream.linear.gather [hbm4b:s5+s3], $0x2710, $0x38;
	[tilespmem:$0xEF00] =	vst v63  }
0x13: {  	_ =	swait.ge [sflag:s12], $0x2710  }
0x14: {  	[sflag:s12] =	ssyncset.done $0x0  }
0x15: {  	[sflag:s12] =	ssyncadd.s32 $0xFFFFD8F0  }
0x16: {  	[tilespmem:s13], [sflag:$0x5] =	stream.linear.gather [hbm4b:s6+s3], $0x2710, $0x38;
	[tilespmem:$0xEF00] =	vst v63  }
0x17: {  	_ =	swait.ge [sflag:s12], $0x2710  }
0x18: {  	[sflag:s12] =	ssyncset.done $0x0  }
0x19: {  	[sflag:s12] =	ssyncadd.s32 $0xFFFFD8F0  }
0x1a: {  	[tilespmem:s15], [sflag:$0x1] =	stream.indirect.gather [hbm4b:s1+s14], $0x80, s3, s14, $0xb8;
	[tilespmem:$0xEF00] =	vst v63  }
0x1b: {  	_ = 	snop  }
0x1c: {  	[tilespmem:s16], [sflag:$0x2] =	stream.indirect.gather [hbm4b:s4+s14], $0x80, s13, s14, $0xb8;
	[tilespmem:$0xEF00] =	vst v63  }
0x1d: {  	s24 =	simm.s32 $0x50  }
0x1e: {  	[tilespmem:s17], [sflag:$0x3] =	stream.indirect.gather [hbm4b:s1+s14], $0x80, s24, s14, $0xb8;
	[tilespmem:$0xEF00] =	vst v63  }
0x1f: {  	s25 =	simm.s32 $0x27D0  }
0x20: {  	[tilespmem:s18], [sflag:$0x4] =	stream.indirect.gather [hbm4b:s4+s14], $0x80, s25, s14, $0xb8;
	[tilespmem:$0xEF00] =	vst v63  }
0x21: {  	_ =	swait.ge [sflag:s19], $0x2800  }
0x22: {  	[sflag:s19] =	ssyncset.done $0x0  }
0x23: {  	[sflag:s19] =	ssyncadd.s32 $0xFFFFD800  }
0x24: {  	_ =	swait.ge [sflag:s20], $0x2800  }
0x25: {  	[sflag:s20] =	ssyncset.done $0x0  }
0x26: {  	[sflag:s20] =	ssyncadd.s32 $0xFFFFD800  }
0x27: {  	[hbm4b:s10+s3] =	stream.linear.scatter [tilespmem:s15], [sflag:$0x5], $0x2800, $0x38;
	[tilespmem:$0xEF00] =	vst v63  }
0x28: {  	_ =	swait.ge [sflag:s12], $0x2800  }
0x29: {  	[sflag:s12] =	ssyncset.done $0x0  }
0x2a: {  	[sflag:s12] =	ssyncadd.s32 $0xFFFFD800  }
0x2b: {  	[hbm4b:s11+s3] =	stream.linear.scatter [tilespmem:s16], [sflag:$0x5], $0x2800, $0x38;
	[tilespmem:$0xEF00] =	vst v63  }
0x2c: {  	_ =	swait.ge [sflag:s12], $0x2800  }
0x2d: {  	[sflag:s12] =	ssyncset.done $0x0  }
0x2e: {  	s26 =	simm.s32 $0xA0;
	[sflag:s12] =	ssyncadd.s32 $0xFFFFD800  }
0x2f: {  	[tilespmem:s15], [sflag:$0x1] =	stream.indirect.gather [hbm4b:s1+s14], $0x80, s26, s14, $0xb8;
	[tilespmem:$0xEF00] =	vst v63  }
0x30: {  	s28 =	simm.s32 $0x2820  }
0x31: {  	[tilespmem:s16], [sflag:$0x2] =	stream.indirect.gather [hbm4b:s4+s14], $0x80, s28, s14, $0xb8;
	[tilespmem:$0xEF00] =	vst v63  }
0x32: {  	_ =	swait.ge [sflag:s21], $0x2800  }
0x33: {  	[sflag:s21] =	ssyncset.done $0x0  }
0x34: {  	[sflag:s21] =	ssyncadd.s32 $0xFFFFD800  }
0x35: {  	_ =	swait.ge [sflag:s22], $0x2800  }
0x36: {  	[sflag:s22] =	ssyncset.done $0x0  }
0x37: {  	s29 =	sadd.s32 $0x500, s10;
	[sflag:s22] =	ssyncadd.s32 $0xFFFFD800  }
0x38: {  	[hbm4b:s29+s3] =	stream.linear.scatter [tilespmem:s17], [sflag:$0x5], $0x2800, $0x38;
	[tilespmem:$0xEF00] =	vst v63  }
0x39: {  	_ =	swait.ge [sflag:s12], $0x2800  }
0x3a: {  	[sflag:s12] =	ssyncset.done $0x0  }
0x3b: {  	s31 =	sadd.s32 $0x500, s11;
	[sflag:s12] =	ssyncadd.s32 $0xFFFFD800  }
0x3c: {  	[hbm4b:s31+s3] =	stream.linear.scatter [tilespmem:s18], [sflag:$0x5], $0x2800, $0x38;
	[tilespmem:$0xEF00] =	vst v63  }
0x3d: {  	s30 =	simm.s32 $0x500;
	s24 =	sadd.s32 $0xA00, s11;
	_ =	swait.ge [sflag:s12], $0x2800  }
0x3e: {  	s25 =	sadd.s32 $0xA00, s10;
	s26 =	simm.s32 $0xA0;
	[sflag:s12] =	ssyncset.done $0x0  }
.LBB2_2:
0x3f: {  	s31 =	sadd.s32 $0x50, s26  }
0x40: {  	[sflag:s12] =	ssyncadd.s32 $0xFFFFD800;
	s29 =	smov.u32 s30;
	s28 =	sadd.s32 $0x280, s30  }
0x41: {  	[tilespmem:s17], [sflag:$0x3] =	stream.indirect.gather [hbm4b:s1+s14], $0x80, s31, s14, $0xb8;
	[tilespmem:$0xEF00] =	vst v63  }
0x42: {  	p0 =	sne.s32 s30, $0x9880;
	s30 =	sadd.s32 $0x27D0, s26  }
0x43: {  	[tilespmem:s18], [sflag:$0x4] =	stream.indirect.gather [hbm4b:s4+s14], $0x80, s30, s14, $0xb8;
	[tilespmem:$0xEF00] =	vst v63  }
0x44: {  	_ =	swait.ge [sflag:s19], $0x2800  }
0x45: {  	[sflag:s19] =	ssyncset.done $0x0  }
0x46: {  	[sflag:s19] =	ssyncadd.s32 $0xFFFFD800  }
0x47: {  	_ =	swait.ge [sflag:s20], $0x2800  }
0x48: {  	[sflag:s20] =	ssyncset.done $0x0  }
0x49: {  	[sflag:s20] =	ssyncadd.s32 $0xFFFFD800  }
0x4a: {  	[hbm4b:s25+s3] =	stream.linear.scatter [tilespmem:s15], [sflag:$0x5], $0x2800, $0x38;
	[tilespmem:$0xEF00] =	vst v63  }
0x4b: {  	_ =	swait.ge [sflag:s12], $0x2800  }
0x4c: {  	[sflag:s12] =	ssyncset.done $0x0  }
0x4d: {  	[sflag:s12] =	ssyncadd.s32 $0xFFFFD800  }
0x4e: {  	[hbm4b:s24+s3] =	stream.linear.scatter [tilespmem:s16], [sflag:$0x5], $0x2800, $0x38;
	[tilespmem:$0xEF00] =	vst v63  }
0x4f: {  	_ =	swait.ge [sflag:s12], $0x2800  }
0x50: {  	[sflag:s12] =	ssyncset.done $0x0  }
0x51: {  	s30 =	sadd.s32 $0xA0, s26;
	[sflag:s12] =	ssyncadd.s32 $0xFFFFD800  }
0x52: {  	[tilespmem:s15], [sflag:$0x1] =	stream.indirect.gather [hbm4b:s1+s14], $0x80, s30, s14, $0xb8;
	[tilespmem:$0xEF00] =	vst v63  }
0x53: {  	s26 =	sadd.s32 $0x2820, s26  }
0x54: {  	[tilespmem:s16], [sflag:$0x2] =	stream.indirect.gather [hbm4b:s4+s14], $0x80, s26, s14, $0xb8;
	[tilespmem:$0xEF00] =	vst v63  }
0x55: {  	_ =	swait.ge [sflag:s21], $0x2800  }
0x56: {  	[sflag:s21] =	ssyncset.done $0x0  }
0x57: {  	[sflag:s21] =	ssyncadd.s32 $0xFFFFD800  }
0x58: {  	_ =	swait.ge [sflag:s22], $0x2800  }
0x59: {  	[sflag:s22] =	ssyncset.done $0x0  }
0x5a: {  	s26 =	sadd.s32 $0x500, s25;
	[sflag:s22] =	ssyncadd.s32 $0xFFFFD800  }
0x5b: {  	[hbm4b:s26+s3] =	stream.linear.scatter [tilespmem:s17], [sflag:$0x5], $0x2800, $0x38;
	[tilespmem:$0xEF00] =	vst v63  }
0x5c: {  	_ =	swait.ge [sflag:s12], $0x2800  }
.Ltmp0:
0x5d: {  	[sflag:s12] =	ssyncset.done $0x0;
	(pc) =	sbr.rel @p0 .LBB2_2-.Ltmp0, $4  }
0x5e: {  	s26 =	sadd.s32 $0x500, s24;
	[sflag:s12] =	ssyncadd.s32 $0xFFFFD800  }
0x5f: {  	[hbm4b:s26+s3] =	stream.linear.scatter [tilespmem:s18], [sflag:$0x5], $0x2800, $0x38;
	[tilespmem:$0xEF00] =	vst v63  }
0x60: {  	s30 =	smov.u32 s28;
	s24 =	sadd.s32 $0xA00, s24;
	_ =	swait.ge [sflag:s12], $0x2800  }
0x61: {  	s25 =	sadd.s32 $0xA00, s25;
	s26 =	sshra.s32 s29, $0x2;
	[sflag:s12] =	ssyncset.done $0x0  }
0x62: {  	s28 =	sadd.s32 $0x50, s26;
	[sflag:s12] =	ssyncadd.s32 $0xFFFFD800  }
0x63: {  	[tilespmem:s17], [sflag:$0x3] =	stream.indirect.gather [hbm4b:s1+s14], $0x80, s28, s14, $0xb8;
	[tilespmem:$0xEF00] =	vst v63  }
0x64: {  	s30 =	sadd.s32 $0x27D0, s26  }
0x65: {  	[tilespmem:s18], [sflag:$0x4] =	stream.indirect.gather [hbm4b:s4+s14], $0x80, s30, s14, $0xb8;
	[tilespmem:$0xEF00] =	vst v63  }
0x66: {  	_ =	swait.ge [sflag:s19], $0x2800  }
0x67: {  	[sflag:s19] =	ssyncset.done $0x0  }
0x68: {  	[sflag:s19] =	ssyncadd.s32 $0xFFFFD800  }
0x69: {  	_ =	swait.ge [sflag:s20], $0x2800  }
0x6a: {  	[sflag:s20] =	ssyncset.done $0x0  }
0x6b: {  	[sflag:s20] =	ssyncadd.s32 $0xFFFFD800  }
0x6c: {  	[hbm4b:s25+s3] =	stream.linear.scatter [tilespmem:s15], [sflag:$0x5], $0x2800, $0x38;
	[tilespmem:$0xEF00] =	vst v63  }
0x6d: {  	_ =	swait.ge [sflag:s12], $0x2800  }
0x6e: {  	[sflag:s12] =	ssyncset.done $0x0  }
0x6f: {  	[sflag:s12] =	ssyncadd.s32 $0xFFFFD800  }
0x70: {  	[hbm4b:s24+s3] =	stream.linear.scatter [tilespmem:s16], [sflag:$0x5], $0x2800, $0x38;
	[tilespmem:$0xEF00] =	vst v63  }
0x71: {  	_ =	swait.ge [sflag:s12], $0x2800  }
0x72: {  	[sflag:s12] =	ssyncset.done $0x0  }
0x73: {  	s31 =	sadd.s32 $0xA0, s26;
	[sflag:s12] =	ssyncadd.s32 $0xFFFFD800  }
0x74: {  	[tilespmem:s15], [sflag:$0x1] =	stream.indirect.gather [hbm4b:s1+s14], $0x80, s31, s14, $0xb8;
	[tilespmem:$0xEF00] =	vst v63  }
0x75: {  	s29 =	sadd.s32 $0x2820, s26  }
0x76: {  	[tilespmem:s16], [sflag:$0x2] =	stream.indirect.gather [hbm4b:s4+s14], $0x80, s29, s14, $0xb8;
	[tilespmem:$0xEF00] =	vst v63  }
0x77: {  	_ =	swait.ge [sflag:s21], $0x2800  }
0x78: {  	[sflag:s21] =	ssyncset.done $0x0  }
0x79: {  	[sflag:s21] =	ssyncadd.s32 $0xFFFFD800  }
0x7a: {  	_ =	swait.ge [sflag:s22], $0x2800  }
0x7b: {  	[sflag:s22] =	ssyncset.done $0x0  }
0x7c: {  	s30 =	sadd.s32 $0x500, s25;
	[sflag:s22] =	ssyncadd.s32 $0xFFFFD800  }
0x7d: {  	[hbm4b:s30+s3] =	stream.linear.scatter [tilespmem:s17], [sflag:$0x5], $0x2800, $0x38;
	[tilespmem:$0xEF00] =	vst v63  }
0x7e: {  	_ =	swait.ge [sflag:s12], $0x2800  }
0x7f: {  	[sflag:s12] =	ssyncset.done $0x0  }
0x80: {  	s31 =	sadd.s32 $0x500, s24;
	[sflag:s12] =	ssyncadd.s32 $0xFFFFD800  }
0x81: {  	[hbm4b:s31+s3] =	stream.linear.scatter [tilespmem:s18], [sflag:$0x5], $0x2800, $0x38;
	[tilespmem:$0xEF00] =	vst v63  }
0x82: {  	_ =	swait.ge [sflag:s12], $0x2800  }
0x83: {  	[sflag:s12] =	ssyncset.done $0x0  }
0x84: {  	[sflag:s12] =	ssyncadd.s32 $0xFFFFD800  }
0x85: {  	_ =	swait.ge [sflag:s19], $0x2800  }
0x86: {  	[sflag:s19] =	ssyncset.done $0x0  }
0x87: {  	[sflag:s19] =	ssyncadd.s32 $0xFFFFD800  }
0x88: {  	_ =	swait.ge [sflag:s20], $0x2800  }
0x89: {  	[sflag:s20] =	ssyncset.done $0x0  }
0x8a: {  	[sflag:s20] =	ssyncadd.s32 $0xFFFFD800  }
0x8b: {  	[hbm4b:s7+s3] =	stream.linear.scatter [tilespmem:s15], [sflag:$0x5], $0x2800, $0x38;
	[tilespmem:$0xEF00] =	vst v63  }
0x8c: {  	s23 =	sadd.s32 $0x1, s23;
	_ =	swait.ge [sflag:s12], $0x2800  }
0x8d: {  	p0 =	sne.s32 s23, s9;
	[sflag:s12] =	ssyncset.done $0x0  }
.Ltmp1:
0x8e: {  	[sflag:s12] =	ssyncadd.s32 $0xFFFFD800;
	(pc) =	sbr.rel @p0 .LBB2_1-.Ltmp1, $4  }
0x8f: {  	[hbm4b:s8+s3] =	stream.linear.scatter [tilespmem:s16], [sflag:$0x5], $0x2800, $0x38;
	[tilespmem:$0xEF00] =	vst v63  }
0x90: {  	_ =	swait.ge [sflag:s12], $0x2800  }
0x91: {  	[sflag:s12] =	ssyncset.done $0x0  }
0x92: {  	[sflag:s12] =	ssyncadd.s32 $0xFFFFD800  }
0x93: {  	_ =	sfence.sel $0x180000  }
0x94: {  	[bflag:$0x0] =	sbarrier.arrive $0xFFFF  }
0x95: {  	p0 =	sne.s32 s0, $0x0;
	_ =	strace $0x90000047  }
0x96: {  	s0 =	sadd.s32 @!p0 $0x100000, s2;
	[bflag:$0x2] =	sbarrier.arrive $0xFFFF  }
0x97: {  	[sflag:s0] =	ssyncadd.tile.s32 @!p0 $0x1;
	_ =	shalt  }
.Lfunc_end2:
_tile_overlayer_lowered:
.L_overlay_start_2:
0x98: {  	(tag) =	ssettag $0x2  }
0x99: {  	s0 =	rddreg [dreg:$0x0];
	s2 =	stileid.u32  }
0x9a: {  	s1 =	rddreg [dreg:$0x1];
	p0 =	sne.s32 s2, $0x0  }
0x9b: {  	s3 =	rddreg [dreg:$0x2];
	[bflag:$0x3] =	sbarrier.arrive $0xFFFF;
	s2 =	simm.s32 @!p0 $0x1C05  }
0x9c: {  	[timem:s3], [sflag:s2] =	dma.local @!p0 [hbm:s0], s1  }
0x9d: {  	s0 =	simm.s32 @!p0 $0x5  }
0x9e: {  	_ =	swait.ge @!p0 [sflag:s0], s1  }
0x9f: {  	s1 =	ssub.s32 @!p0 $0x0, s1;
	[sflag:s0] =	ssyncset.done @!p0 $0x0  }
0xa0: {  	[sflag:s0] =	ssyncadd.s32 @!p0 s1  }
0xa1: {  	[bflag:$0x3] =	sbarrier.arrive $0xFFFF  }
0xa2: {  	_ =	shalt  }

// kernel: kernel.19.cloned.1.call-start
scs
__scs_entry_jumppad:
0x0: {  	(pc) =	sbr.rel $0x88, $3  }
0x1: {  	(tag) =	ssettag $0x0;
	lr =	simm.s32 $0x1  }
0x2: {  	[smem:$0x3F40] =	sst lr;
	_ =	strace $0xD0000000  }
0x3: {  	_ = 	snop  }
0x4: {  	_ = 	snop  }
0x5: {  	_ = 	snop  }
0x6: {  	_ = 	snop  }
0x7: {  	_ = 	snop  }
__scs_overlays_trampoline_lowered:
0x8: {  	[smem:$0x3F4F] =	sst s0  }
0x9: {  	[smem:$0x3F50] =	sst s1  }
0xa: {  	[smem:$0x3F51] =	sst s2  }
0xb: {  	[smem:$0x3F52] =	sst s3  }
0xc: {  	[smem:$0x3F53] =	sst s4  }
0xd: {  	[smem:$0x3F54] =	sst s5  }
0xe: {  	[smem:$0x3F55] =	sst s6  }
0xf: {  	[smem:$0x3F56] =	sst s7  }
0x10: {  	[smem:$0x3F57] =	sst s8  }
0x11: {  	[smem:$0x3F58] =	sst s9;
	s0 =	simm.s32 @!p0 $0x0  }
0x12: {  	s1 =	sld [smem:$0x3F3E];
	s0 =	simm.s32 @p0 $0x1  }
0x13: {  	[smem:$0x3F59] =	sst s0;
	s0 =	simm.s32 @!p1 $0x0  }
0x14: {  	s2 =	sld [smem:$0x3F3D];
	s0 =	simm.s32 @p1 $0x1  }
0x15: {  	[smem:$0x3F5A] =	sst s0;
	s0 =	simm.s32 @!p2 $0x0  }
0x16: {  	s3 =	sld [smem:$0x3FDB];
	s0 =	simm.s32 @p2 $0x1  }
0x17: {  	s4 =	simm.s32 $0x1BF5;
	[smem:$0x3F5C] =	sst s0  }
0x18: {  	s0 =	sld [smem:$0x3F3F];
	_ =	swait.ge [sflag:s4], $0x0  }
0x19: {  	s7 =	sld [smem:$0x3F40]  }
0x1a: {  	s8 =	sadd.s32 $0xFFFFE003, lr  }
0x1b: {  	s9 =	sadd.s32 $0xFFFFFEF7, lr;
	s5 =	simm.s32 $0xFFFFFFFF;
	p2 =	slt.u32 s8, $0xFFFFF086  }
0x1c: {  	p1 =	slt.u32 s9, $0xF7A;
	s5 =	simm.s32 @!p2 $0x0  }
0x1d: {  	s5 =	simm.s32 @p1 $0x1;
	p0 =	seq.s32 s7, s2  }
0x1e: {  	s7 =	smul.u32 @!p0 $0xF7A, s2;
	p2 =	seq.s32 @!p0 s5, $0x0  }
0x1f: {  	s9 =	smul.u32 $0xF7A, s1;
	s8 =	simm.s32 @!p0 $0x1BF5;
	p2 =	por !p2, p0  }
0x20: {  	[sflag:s8] =	ssyncset.s32 @!p0 $0xFFFFF086;
	s6 =	sadd.s32 @!p0 s3, s7;
	s7 =	simm.s32 @!p0 $0x108  }
0x21: {  	s3 =	sadd.s32 s3, s9;
	s6 =	sadd.s32 @!p0 $0x88, s6;
	s7 =	simm.s32 @p2 $0x1082  }
0x22: {  	[simem:s7], [sflag:s8] =	dma.local @!p0 [hbm:s6], $0xF7A  }
0x23: {  	s9 =	sor.u32 $0xD0000000, s2;
	s6 =	simm.s32 $0x108;
	_ =	swait.ge @!p0 [sflag:s8], $0x0  }
0x24: {  	s3 =	sadd.s32 $0x88, s3;
	s6 =	simm.s32 @!p1 $0x1082;
	[sflag:s4] =	ssyncset.s32 $0xFFFFF086  }
0x25: {  	[simem:s6], [sflag:s4] =	dma.local [hbm:s3], $0xF7A  }
0x26: {  	[smem:$0x3F40] =	sst s1;
	(tag) =	ssettag s2;
	_ =	strace s9  }
0x27: {  	s1 =	sld [smem:$0x3F50]  }
0x28: {  	s2 =	sld [smem:$0x3F51]  }
0x29: {  	s4 =	sld [smem:$0x3F53]  }
0x2a: {  	p0 =	seq.s32 s5, $0x0;
	s5 =	sld [smem:$0x3F54]  }
0x2b: {  	s6 =	sld [smem:$0x3F55]  }
0x2c: {  	s7 =	sld [smem:$0x3F56]  }
0x2d: {  	s3 =	simm.s32 $0x108;
	s8 =	sld [smem:$0x3F57]  }
0x2e: {  	s3 =	simm.s32 @!p0 $0x1082;
	s9 =	sld [smem:$0x3F58]  }
0x2f: {  	lr =	sadd.s32 s0, s3;
	s0 =	sld [smem:$0x3F4F]  }
0x30: {  	s3 =	sld [smem:$0x3F52]  }
0x31: {  	[smem:$0x3F5B] =	sst s10  }
0x32: {  	s10 =	sld [smem:$0x3F59];
	_ =	sdelay $0x3  }
0x33: {  	p0 =	seq.s32 s10, $0x1;
	s10 =	sld [smem:$0x3F5B];
	_ =	sdelay $0x3  }
0x34: {  	[smem:$0x3F5B] =	sst s10  }
0x35: {  	s10 =	sld [smem:$0x3F5A];
	_ =	sdelay $0x3  }
0x36: {  	p1 =	seq.s32 s10, $0x1;
	s10 =	sld [smem:$0x3F5B];
	_ =	sdelay $0x3  }
0x37: {  	[smem:$0x3F5B] =	sst s10  }
0x38: {  	s10 =	sld [smem:$0x3F5C]  }
0x39: {  	_ = 	snop;
	(pc) =	sbr.ind lr, $3  }
0x3a: {  	_ = 	snop  }
0x3b: {  	_ = 	snop  }
0x3c: {  	p2 =	seq.s32 s10, $0x1;
	s10 =	sld [smem:$0x3F5B]  }
0x3d: {  	_ =	shalt  }
0x3e: {  	_ =	shalt  }
0x3f: {  	_ =	shalt  }
0x40: {  	_ =	shalt  }
0x41: {  	_ =	shalt  }
0x42: {  	_ =	shalt  }
0x43: {  	_ =	shalt  }
0x44: {  	_ =	shalt  }
0x45: {  	_ =	shalt  }
0x46: {  	_ =	shalt  }
0x47: {  	_ =	shalt  }
0x48: {  	_ =	shalt  }
0x49: {  	_ =	shalt  }
0x4a: {  	_ =	shalt  }
0x4b: {  	_ =	shalt  }
0x4c: {  	_ =	shalt  }
0x4d: {  	_ =	shalt  }
0x4e: {  	_ =	shalt  }
0x4f: {  	_ =	shalt  }
0x50: {  	_ =	shalt  }
0x51: {  	_ =	shalt  }
0x52: {  	_ =	shalt  }
0x53: {  	_ =	shalt  }
0x54: {  	_ =	shalt  }
0x55: {  	_ =	shalt  }
0x56: {  	_ =	shalt  }
0x57: {  	_ =	shalt  }
0x58: {  	_ =	shalt  }
0x59: {  	_ =	shalt  }
0x5a: {  	_ =	shalt  }
0x5b: {  	_ =	shalt  }
0x5c: {  	_ =	shalt  }
0x5d: {  	_ =	shalt  }
0x5e: {  	_ =	shalt  }
0x5f: {  	_ =	shalt  }
0x60: {  	_ =	shalt  }
0x61: {  	_ =	shalt  }
0x62: {  	_ =	shalt  }
0x63: {  	_ =	shalt  }
0x64: {  	_ =	shalt  }
0x65: {  	_ =	shalt  }
0x66: {  	_ =	shalt  }
0x67: {  	_ =	shalt  }
0x68: {  	_ =	shalt  }
0x69: {  	_ =	shalt  }
0x6a: {  	_ =	shalt  }
0x6b: {  	_ =	shalt  }
0x6c: {  	_ =	shalt  }
0x6d: {  	_ =	shalt  }
0x6e: {  	_ =	shalt  }
0x6f: {  	_ =	shalt  }
0x70: {  	_ =	shalt  }
0x71: {  	_ =	shalt  }
0x72: {  	_ =	shalt  }
0x73: {  	_ =	shalt  }
0x74: {  	_ =	shalt  }
0x75: {  	_ =	shalt  }
0x76: {  	_ =	shalt  }
0x77: {  	_ =	shalt  }
0x78: {  	_ =	shalt  }
0x79: {  	_ =	shalt  }
0x7a: {  	_ =	shalt  }
0x7b: {  	_ =	shalt  }
0x7c: {  	_ =	shalt  }
0x7d: {  	_ =	shalt  }
0x7e: {  	_ =	shalt  }
0x7f: {  	_ =	shalt  }
0x80: {  	_ =	shalt  }
0x81: {  	_ =	shalt  }
0x82: {  	_ =	shalt  }
0x83: {  	_ =	shalt  }
0x84: {  	_ =	shalt  }
0x85: {  	_ =	shalt  }
0x86: {  	_ =	shalt  }
0x87: {  	_ =	shalt  }
.Lfunc_end0:
.L_simem_size_0:
called_computation.1_lowered:
.L_overlay_start_0:
0x88: {  	s2 =	sld [smem:$0x3FD9]  }
0x89: {  	s3 =	sld [smem:$0x3FFE];
	_ =	sdelay $0x1  }
0x8a: {  	s1 =	srdreg.scid  }
0x8b: {  	s0 =	sand.u32 $0x1, s1  }
0x8c: {  	s14 =	sshll.u32 s0, $0xA;
	s2 =	sadd.s32 s3, s2  }
0x8d: {  	s2 =	sadd.s32 s2, s14  }
0x8e: {  	[smem:$0x3F67] =	sst s2  }
0x8f: {  	_ = 	snop  }
0x90: {  	s2 =	sld [smem:$0x3FD0];
	_ =	sdelay $0x2  }
0x91: {  	s15 =	simm.s32 $0xA;
	s4 =	simm.s32 $0x10  }
0x92: {  	[smem:s4], [sflag:s15] =	dma.local [hbm:s2], $0x1  }
0x93: {  	_ =	swait.eq [sflag:s15], $0x1  }
0x94: {  	[sflag:s15] =	ssyncset.done $0x0  }
0x95: {  	s16 =	sld [smem:$0x10];
	[sflag:s15] =	ssyncadd.s32 $0xFFFFFFFF  }
0x96: {  	s17 =	sld [smem:$0x11];
	(tm) =	ssettm $0x1  }
0x97: {  	s18 =	sld [smem:$0x3FFB];
	_ =	sdelay $0x3  }
0x98: {  	_ =	strace s18  }
0x99: {  	s4 =	sld [smem:$0x3FFC];
	_ =	sdelay $0x3  }
0x9a: {  	_ =	strace s4  }
0x9b: {  	s4 =	sld [smem:$0x3FFD];
	_ =	sdelay $0x3  }
0x9c: {  	_ =	strace s4  }
0x9d: {  	_ =	strace $0x8FFFFFFF  }
0x9e: {  	s19 =	sld [smem:$0x3FDB];
	_ =	sdelay $0x1  }
0x9f: {  	s5 =	simm.s32 $_scs_section_size  }
0xa0: {  	s6 =	simm.s32 $_size__tile_overlayer_lowered;
	s7 =	simm.s32 $_tile_overlayer_lowered  }
0xa1: {  	s22 =	simm.s32 $0x1BFF;
	s21 =	sshll.u32 s7, $0x1;
	s4 =	sadd.s32 s5, s19  }
0xa2: {  	s8 =	simm.s32 $0x0;
	s20 =	sshll.u32 s6, $0x1;
	s6 =	sadd.s32 s21, s4  }
0xa3: {  	[timem:s8], [sflag:s22] =	dma.local [hbm:s6], s20  }
0xa4: {  	_ =	swait.ge [sflag:s22], s20  }
0xa5: {  	s5 =	ssub.s32 $0x0, s20;
	[sflag:s22] =	ssyncset.done $0x0  }
0xa6: {  	[sflag:s22] =	ssyncadd.s32 s5;
	_ =	sdelay $0x1  }
0xa7: {  	s23 =	simm.s32 $0x1B8B  }
0xa8: {  	_ =	swait.ge [sflag:s23], $0x1  }
0xa9: {  	[sflag:s23] =	ssyncset.done $0x0  }
0xaa: {  	s25 =	simm.s32 $0x1B8E;
	s24 =	sld [smem:$0x3FFE];
	[sflag:s23] =	ssyncadd.s32 $0xFFFFFFFF  }
0xab: {  	s26 =	simm.s32 $execute0_lowered;
	[smem:$0x3FD2] =	sst s25  }
0xac: {  	s6 =	sshll.u32 s26, $0x1;
	_ =	strace $0x80000049;
	[dreg:$0x1] =	wrdreg $0xFFFFFFFF  }
0xad: {  	s28 =	simm.s32 $_size_execute0_lowered;
	s4 =	sadd.s32 s4, s6;
	[dreg:$0x0] =	wrdreg $0x0  }
0xae: {  	s6 =	sshll.u32 s28, $0x1;
	[dreg:$0x2] =	wrdreg s4  }
0xaf: {  	[dreg:$0x3] =	wrdreg s6  }
0xb0: {  	[dreg:$0x4] =	wrdreg $0xC0  }
0xb1: {  	_ =	task [dreg:s8], $0x5FFFF  }
0xb2: {  	[dreg:$0x1] =	wrdreg $0xFFFFFFFF  }
0xb3: {  	[dreg:$0x0] =	wrdreg $0x60  }
0xb4: {  	[dreg:$0x2] =	wrdreg s24  }
0xb5: {  	[dreg:$0x3] =	wrdreg s16  }
0xb6: {  	[dreg:$0x4] =	wrdreg s17  }
0xb7: {  	[dreg:$0x5] =	wrdreg $0x51000  }
0xb8: {  	[dreg:$0x6] =	wrdreg $0x9  }
0xb9: {  	_ =	task.clear_ibuf [dreg:s8], $0x7FFFF;
	_ =	strace $0x90000049  }
0xba: {  	s29 =	simm.s32 $0x9;
	_ =	strace $0x8000004B  }
0xbb: {  	_ =	swait.ge [sflag:s29], $0x1  }
0xbc: {  	[sflag:s29] =	ssyncadd.s32 $0xFFFFFFFF  }
0xbd: {  	_ =	strace $0x9000004B  }
0xbe: {  	_ =	sfence  }
0xbf: {  	s30 =	sld [smem:$0x0];
	_ =	sdelay $0x2  }
0xc0: {  	s31 =	sshll.u32 s1, $0xD;
	s1 =	sshrl.u32 s1, $0x2  }
0xc1: {  	s3 =	sand.u32 $0x4000, s31;
	s1 =	sadd.s32 s1, s30  }
0xc2: {  	s0 =	sor.u32 s3, s0;
	s1 =	sshll.u32 s1, $0x11  }
0xc3: {  	s0 =	sor.u32 s1, s0  }
0xc4: {  	s0 =	sadd.s32 $0x8F2B, s0  }
0xc5: {  	[sflag:s0] =	ssyncadd.remote.s32 $0x1  }
0xc6: {  	_ =	sfence.sel $0xFFFF  }
0xc7: {  	[dreg:$0x0] =	wrdreg $0xFFFFFFFF;
	(pc) =	sbr.abs _section_cstart, $3  }
0xc8: {  	[dreg:$0x1] =	wrdreg $0xFFFFFFFF  }
0xc9: {  	_ =	task.clear_ibuf [dreg:s8], $0x2FFFF;
	_ =	strace $0x9FFFFFFF  }
0xca: {  	(tm) =	ssettm $0x7FFFFFFF  }
0xcb: {  	_ =	shalt  }
tec
execute0_lowered:
.L_overlay_start_1:
0x0: {  	(tag) =	ssettag $0x1  }
0x1: {  	s5 =	rddreg [dreg:$0x0]  }
0x2: {  	s1 =	rddreg [dreg:$0x1]  }
0x3: {  	s9 =	rddreg [dreg:$0x2]  }
0x4: {  	s3 =	rddreg [dreg:$0x3];
	s2 =	stileid.u32  }
0x5: {  	s4 =	srdreg.scid;
	s21 =	smul.u32 $0x2800, s2  }
0x6: {  	s0 =	rddreg [dreg:$0x4];
	s19 =	simm.s32 $0x50;
	s8 =	smul.u32 $0x50000, s2  }
0x7: {  	s20 =	simm.s32 $0x2;
	s6 =	sand.u32 $0x1, s4;
	s26 =	smul.u32 $0x2710, s2  }
0x8: {  	s4 =	simm.s32 $0x0;
	s11 =	sadd.s32 $0x13F8000, s5;
	s18 =	smul.u32 $0x27100, s2  }
0x9: {  	s24 =	sshll.u32 s2, $0x6;
	s7 =	sshll.u32 s6, $0x4;
	s14 =	smul.u32 $0x28000, s6  }
0xa: {  	[smem:$0x7FF] =	sst s4;
	s12 =	ssub.s32 $0x2, s6;
	s15 =	smul.u32 $0x271000, s6  }
0xb: {  	s17 =	smul.u32 $0x27100, s6;
	s6 =	sor.u32 $0x1C03, s24;
	s7 =	sor.u32 s2, s7  }
0xc: {  	_ =	strace $0x8000004A;
	s5 =	sadd.s32 s21, s5;
	s10 =	smul.u32 $0x2710, s7  }
0xd: {  	s22 =	sshrl.u32 s12, $0x1;
	s23 =	sshrl.u32 s8, $0x2;
	s13 =	smul.u32 $0x27100, s7  }
0xe: {  	s12 =	ssub.s32 s12, s22;
	s16 =	sadd.s32 s23, s3;
	s5 =	sadd.s32 $0xA36C00, s5  }
0xf: {  	s28 =	sadd.s32 s26, s17;
	s22 =	sadd.s32 s9, s14;
	s14 =	simm.s32 $0x3  }
0x10: {  	s17 =	simm.s32 $0x2900;
	s30 =	sadd.s32 $0x50, s28;
	s9 =	smax.u32 s12, $0x1  }
0x11: {  	s21 =	sadd.s32 s21, s22;
	s22 =	simm.s32 $0x0;
	s25 =	sshrl.u32 s10, $0x3  }
0x12: {  	s8 =	sadd.s32 s11, s13;
	s11 =	sadd.s32 s15, s11;
	s31 =	sshrl.u32 s30, $0x3  }
0x13: {  	s13 =	sshrl.u32 s16, $0x3;
	s15 =	simm.s32 $0x100;
	s16 =	simm.s32 $0x80  }
0x14: {  	s7 =	sadd.s32 s1, s25;
	s29 =	sadd.s32 s18, s11;
	s11 =	sadd.s32 $0xA0, s28  }
0x15: {  	s12 =	sadd.s32 s31, s1;
	s18 =	simm.s32 $0x1;
	s10 =	sadd.s32 $0xA00, s29  }
.LBB2_1:
0x16: {  	[spmem:s13], [sflag:s6] =	dma.local [hbm:s5], $0x2800  }
0x17: {  	_ =	swait.ge [sflag:s14], $0x2800  }
0x18: {  	[sflag:s14] =	ssyncset.done $0x0  }
0x19: {  	[sflag:s14] =	ssyncadd.s32 $0xFFFFD800  }
0x1a: {  	[bflag:$0x0] =	sbarrier.arrive $0xFFFF  }
0x1b: {  	[tilespmem:s4], [sflag:$0x3] =	stream.linear.gather [hbm4b:s7+s4], $0x50, $0x38;
	[tilespmem:$0x19100] =	vst v63  }
0x1c: {  	_ =	swait.ge [sflag:s14], $0x50  }
0x1d: {  	[sflag:s14] =	ssyncset.done $0x0  }
0x1e: {  	[sflag:s14] =	ssyncadd.s32 $0xFFFFFFB0  }
0x1f: {  	[tilespmem:s15], [sflag:$0x1] =	stream.linear.gather [hbm4b:s8+s4], $0x2800, $0x38;
	[tilespmem:$0x19100] =	vst v63  }
0x20: {  	s23 =	sadd.s32 $0x0, s12  }
0x21: {  	[tilespmem:s16], [sflag:$0x3] =	stream.linear.gather [hbm4b:s23+s4], $0x50, $0x38;
	[tilespmem:$0x19100] =	vst v63  }
0x22: {  	_ =	swait.ge [sflag:s14], $0x50  }
0x23: {  	[sflag:s14] =	ssyncset.done $0x0  }
0x24: {  	s30 =	sadd.s32 $0xFFFFFB00, s10;
	[sflag:s14] =	ssyncadd.s32 $0xFFFFFFB0  }
0x25: {  	[tilespmem:s17], [sflag:$0x2] =	stream.linear.gather [hbm4b:s30+s4], $0x2800, $0x38;
	[tilespmem:$0x19100] =	vst v63  }
0x26: {  	_ =	swait.ge [sflag:s18], $0x2800  }
0x27: {  	[sflag:s18] =	ssyncset.done $0x0  }
0x28: {  	[sflag:s18] =	ssyncadd.s32 $0xFFFFD800  }
0x29: {  	[spmem:s3] =	stream.indirect.scatter.add.f32 [tilespmem:s15], [sflag:$0x3], $0x80, s4, s19, $0xb8;
	[tilespmem:$0x19100] =	vst v63  }
0x2a: {  	_ =	swait.ge [sflag:s14], $0x2800  }
0x2b: {  	s31 =	sshrl.u32 s11, $0x3;
	[sflag:s14] =	ssyncset.done $0x0  }
0x2c: {  	s23 =	sadd.s32 s1, s31;
	[sflag:s14] =	ssyncadd.s32 $0xFFFFD800  }
0x2d: {  	[tilespmem:s4], [sflag:$0x3] =	stream.linear.gather [hbm4b:s23+s4], $0x50, $0x38;
	[tilespmem:$0x19100] =	vst v63  }
0x2e: {  	_ =	swait.ge [sflag:s14], $0x50  }
0x2f: {  	[sflag:s14] =	ssyncset.done $0x0  }
0x30: {  	[sflag:s14] =	ssyncadd.s32 $0xFFFFFFB0  }
0x31: {  	[tilespmem:s15], [sflag:$0x1] =	stream.linear.gather [hbm4b:s10+s4], $0x2800, $0x38;
	[tilespmem:$0x19100] =	vst v63  }
0x32: {  	_ =	swait.ge [sflag:s20], $0x2800  }
0x33: {  	[sflag:s20] =	ssyncset.done $0x0  }
0x34: {  	[sflag:s20] =	ssyncadd.s32 $0xFFFFD800  }
0x35: {  	[spmem:s3] =	stream.indirect.scatter.add.f32 [tilespmem:s17], [sflag:$0x3], $0x80, s16, s19, $0xb8;
	[tilespmem:$0x19100] =	vst v63  }
0x36: {  	s25 =	simm.s32 $0x14;
	s26 =	simm.s32 $0x28;
	_ =	swait.ge [sflag:s14], $0x2800  }
0x37: {  	s24 =	sadd.s32 $0xA0, s11;
	s23 =	sadd.s32 $0xA00, s10;
	[sflag:s14] =	ssyncset.done $0x0  }
.LBB2_2:
0x38: {  	s28 =	sadd.s32 s25, s12  }
0x39: {  	[sflag:s14] =	ssyncadd.s32 $0xFFFFD800;
	s25 =	smov.u32 s26;
	s29 =	sadd.s32 $0x14, s26  }
0x3a: {  	[tilespmem:s16], [sflag:$0x3] =	stream.linear.gather [hbm4b:s28+s4], $0x50, $0x38;
	[tilespmem:$0x19100] =	vst v63  }
0x3b: {  	p0 =	sne.s32 s26, $0x4C4;
	_ =	swait.ge [sflag:s14], $0x50  }
0x3c: {  	[sflag:s14] =	ssyncset.done $0x0  }
0x3d: {  	s26 =	sadd.s32 $0xFFFFFB00, s23;
	[sflag:s14] =	ssyncadd.s32 $0xFFFFFFB0  }
0x3e: {  	[tilespmem:s17], [sflag:$0x2] =	stream.linear.gather [hbm4b:s26+s4], $0x2800, $0x38;
	[tilespmem:$0x19100] =	vst v63  }
0x3f: {  	_ =	swait.ge [sflag:s18], $0x2800  }
0x40: {  	[sflag:s18] =	ssyncset.done $0x0  }
0x41: {  	[sflag:s18] =	ssyncadd.s32 $0xFFFFD800  }
0x42: {  	[spmem:s3] =	stream.indirect.scatter.add.f32 [tilespmem:s15], [sflag:$0x3], $0x80, s4, s19, $0xb8;
	[tilespmem:$0x19100] =	vst v63  }
0x43: {  	_ =	swait.ge [sflag:s14], $0x2800  }
0x44: {  	s26 =	sshrl.u32 s24, $0x3;
	[sflag:s14] =	ssyncset.done $0x0  }
0x45: {  	s26 =	sadd.s32 s1, s26;
	[sflag:s14] =	ssyncadd.s32 $0xFFFFD800  }
0x46: {  	[tilespmem:s4], [sflag:$0x3] =	stream.linear.gather [hbm4b:s26+s4], $0x50, $0x38;
	[tilespmem:$0x19100] =	vst v63  }
0x47: {  	_ =	swait.ge [sflag:s14], $0x50  }
0x48: {  	[sflag:s14] =	ssyncset.done $0x0  }
0x49: {  	[sflag:s14] =	ssyncadd.s32 $0xFFFFFFB0  }
0x4a: {  	[tilespmem:s15], [sflag:$0x1] =	stream.linear.gather [hbm4b:s23+s4], $0x2800, $0x38;
	[tilespmem:$0x19100] =	vst v63  }
0x4b: {  	_ =	swait.ge [sflag:s20], $0x2800  }
.Ltmp0:
0x4c: {  	[sflag:s20] =	ssyncset.done $0x0;
	(pc) =	sbr.rel @p0 .LBB2_2-.Ltmp0, $4  }
0x4d: {  	[sflag:s20] =	ssyncadd.s32 $0xFFFFD800  }
0x4e: {  	[spmem:s3] =	stream.indirect.scatter.add.f32 [tilespmem:s17], [sflag:$0x3], $0x80, s16, s19, $0xb8;
	[tilespmem:$0x19100] =	vst v63  }
0x4f: {  	s24 =	sadd.s32 $0xA0, s24;
	_ =	swait.ge [sflag:s14], $0x2800  }
0x50: {  	s26 =	smov.u32 s29;
	s23 =	sadd.s32 $0xA00, s23;
	[sflag:s14] =	ssyncset.done $0x0  }
0x51: {  	s25 =	sadd.s32 s25, s12;
	[sflag:s14] =	ssyncadd.s32 $0xFFFFD800  }
0x52: {  	[tilespmem:s16], [sflag:$0x3] =	stream.linear.gather [hbm4b:s25+s4], $0x50, $0x38;
	[tilespmem:$0x19100] =	vst v63  }
0x53: {  	_ =	swait.ge [sflag:s14], $0x50  }
0x54: {  	[sflag:s14] =	ssyncset.done $0x0  }
0x55: {  	s31 =	sadd.s32 $0xFFFFFB00, s23;
	[sflag:s14] =	ssyncadd.s32 $0xFFFFFFB0  }
0x56: {  	[tilespmem:s17], [sflag:$0x2] =	stream.linear.gather [hbm4b:s31+s4], $0x2800, $0x38;
	[tilespmem:$0x19100] =	vst v63  }
0x57: {  	_ =	swait.ge [sflag:s18], $0x2800  }
0x58: {  	[sflag:s18] =	ssyncset.done $0x0  }
0x59: {  	[sflag:s18] =	ssyncadd.s32 $0xFFFFD800  }
0x5a: {  	[spmem:s3] =	stream.indirect.scatter.add.f32 [tilespmem:s15], [sflag:$0x3], $0x80, s4, s19, $0xb8;
	[tilespmem:$0x19100] =	vst v63  }
0x5b: {  	_ =	swait.ge [sflag:s14], $0x2800  }
0x5c: {  	s24 =	sshrl.u32 s24, $0x3;
	[sflag:s14] =	ssyncset.done $0x0  }
0x5d: {  	s24 =	sadd.s32 s1, s24;
	[sflag:s14] =	ssyncadd.s32 $0xFFFFD800  }
0x5e: {  	[tilespmem:s4], [sflag:$0x3] =	stream.linear.gather [hbm4b:s24+s4], $0x50, $0x38;
	[tilespmem:$0x19100] =	vst v63  }
0x5f: {  	_ =	swait.ge [sflag:s14], $0x50  }
0x60: {  	[sflag:s14] =	ssyncset.done $0x0  }
0x61: {  	[sflag:s14] =	ssyncadd.s32 $0xFFFFFFB0  }
0x62: {  	[tilespmem:s15], [sflag:$0x1] =	stream.linear.gather [hbm4b:s23+s4], $0x2800, $0x38;
	[tilespmem:$0x19100] =	vst v63  }
0x63: {  	_ =	swait.ge [sflag:s20], $0x2800  }
0x64: {  	[sflag:s20] =	ssyncset.done $0x0  }
0x65: {  	[sflag:s20] =	ssyncadd.s32 $0xFFFFD800  }
0x66: {  	[spmem:s3] =	stream.indirect.scatter.add.f32 [tilespmem:s17], [sflag:$0x3], $0x80, s16, s19, $0xb8;
	[tilespmem:$0x19100] =	vst v63  }
0x67: {  	_ =	swait.ge [sflag:s14], $0x2800  }
0x68: {  	[sflag:s14] =	ssyncset.done $0x0  }
0x69: {  	[sflag:s14] =	ssyncadd.s32 $0xFFFFD800  }
0x6a: {  	_ =	swait.ge [sflag:s18], $0x2800  }
0x6b: {  	[sflag:s18] =	ssyncset.done $0x0  }
0x6c: {  	[sflag:s18] =	ssyncadd.s32 $0xFFFFD800  }
0x6d: {  	[spmem:s3] =	stream.indirect.scatter.add.f32 [tilespmem:s15], [sflag:$0x3], $0x80, s4, s19, $0xb8;
	[tilespmem:$0x19100] =	vst v63  }
0x6e: {  	_ =	swait.ge [sflag:s14], $0x2800  }
0x6f: {  	s22 =	sadd.s32 $0x1, s22;
	[sflag:s14] =	ssyncset.done $0x0  }
0x70: {  	p0 =	sne.s32 s22, s9;
	[sflag:s14] =	ssyncadd.s32 $0xFFFFD800  }
.Ltmp1:
0x71: {  	[bflag:$0x0] =	sbarrier.arrive $0xFFFF;
	(pc) =	sbr.rel @p0 .LBB2_1-.Ltmp1, $4  }
0x72: {  	[hbm:s21], [sflag:s6] =	dma.local [spmem:s13], $0x2800  }
0x73: {  	_ =	swait.ge [sflag:s14], $0x2800  }
0x74: {  	[sflag:s14] =	ssyncset.done $0x0  }
0x75: {  	[sflag:s14] =	ssyncadd.s32 $0xFFFFD800  }
0x76: {  	_ =	sfence.sel $0x180000  }
0x77: {  	[bflag:$0x0] =	sbarrier.arrive $0xFFFF  }
0x78: {  	p0 =	sne.s32 s2, $0x0;
	_ =	strace $0x9000004A  }
0x79: {  	s0 =	sadd.s32 @!p0 $0x100000, s0;
	[bflag:$0x2] =	sbarrier.arrive $0xFFFF  }
0x7a: {  	[sflag:s0] =	ssyncadd.tile.s32 @!p0 $0x1;
	_ =	shalt  }
.Lfunc_end2:
_tile_overlayer_lowered:
.L_overlay_start_2:
0x7b: {  	(tag) =	ssettag $0x2  }
0x7c: {  	s0 =	rddreg [dreg:$0x0];
	s2 =	stileid.u32  }
0x7d: {  	s1 =	rddreg [dreg:$0x1];
	p0 =	sne.s32 s2, $0x0  }
0x7e: {  	s3 =	rddreg [dreg:$0x2];
	[bflag:$0x3] =	sbarrier.arrive $0xFFFF;
	s2 =	simm.s32 @!p0 $0x1C03  }
0x7f: {  	[timem:s3], [sflag:s2] =	dma.local @!p0 [hbm:s0], s1  }
0x80: {  	s0 =	simm.s32 @!p0 $0x3  }
0x81: {  	_ =	swait.ge @!p0 [sflag:s0], s1  }
0x82: {  	s1 =	ssub.s32 @!p0 $0x0, s1;
	[sflag:s0] =	ssyncset.done @!p0 $0x0  }
0x83: {  	[sflag:s0] =	ssyncadd.s32 @!p0 s1  }
0x84: {  	[bflag:$0x3] =	sbarrier.arrive $0xFFFF  }
0x85: {  	_ =	shalt  }

// kernel: kernel.22.cloned.1.call-start
scs
__scs_entry_jumppad:
0x0: {  	(pc) =	sbr.rel $0x88, $3  }
0x1: {  	(tag) =	ssettag $0x0;
	lr =	simm.s32 $0x1  }
0x2: {  	[smem:$0x3F40] =	sst lr;
	_ =	strace $0xD0000000  }
0x3: {  	_ = 	snop  }
0x4: {  	_ = 	snop  }
0x5: {  	_ = 	snop  }
0x6: {  	_ = 	snop  }
0x7: {  	_ = 	snop  }
__scs_overlays_trampoline_lowered:
0x8: {  	[smem:$0x3F4F] =	sst s0  }
0x9: {  	[smem:$0x3F50] =	sst s1  }
0xa: {  	[smem:$0x3F51] =	sst s2  }
0xb: {  	[smem:$0x3F52] =	sst s3  }
0xc: {  	[smem:$0x3F53] =	sst s4  }
0xd: {  	[smem:$0x3F54] =	sst s5  }
0xe: {  	[smem:$0x3F55] =	sst s6  }
0xf: {  	[smem:$0x3F56] =	sst s7  }
0x10: {  	[smem:$0x3F57] =	sst s8  }
0x11: {  	[smem:$0x3F58] =	sst s9;
	s0 =	simm.s32 @!p0 $0x0  }
0x12: {  	s1 =	sld [smem:$0x3F3E];
	s0 =	simm.s32 @p0 $0x1  }
0x13: {  	[smem:$0x3F59] =	sst s0;
	s0 =	simm.s32 @!p1 $0x0  }
0x14: {  	s2 =	sld [smem:$0x3F3D];
	s0 =	simm.s32 @p1 $0x1  }
0x15: {  	[smem:$0x3F5A] =	sst s0;
	s0 =	simm.s32 @!p2 $0x0  }
0x16: {  	s3 =	sld [smem:$0x3FDB];
	s0 =	simm.s32 @p2 $0x1  }
0x17: {  	s4 =	simm.s32 $0x1BF5;
	[smem:$0x3F5C] =	sst s0  }
0x18: {  	s0 =	sld [smem:$0x3F3F];
	_ =	swait.ge [sflag:s4], $0x0  }
0x19: {  	s7 =	sld [smem:$0x3F40]  }
0x1a: {  	s8 =	sadd.s32 $0xFFFFE003, lr  }
0x1b: {  	s9 =	sadd.s32 $0xFFFFFEF7, lr;
	s5 =	simm.s32 $0xFFFFFFFF;
	p2 =	slt.u32 s8, $0xFFFFF086  }
0x1c: {  	p1 =	slt.u32 s9, $0xF7A;
	s5 =	simm.s32 @!p2 $0x0  }
0x1d: {  	s5 =	simm.s32 @p1 $0x1;
	p0 =	seq.s32 s7, s2  }
0x1e: {  	s7 =	smul.u32 @!p0 $0xF7A, s2;
	p2 =	seq.s32 @!p0 s5, $0x0  }
0x1f: {  	s9 =	smul.u32 $0xF7A, s1;
	s8 =	simm.s32 @!p0 $0x1BF5;
	p2 =	por !p2, p0  }
0x20: {  	[sflag:s8] =	ssyncset.s32 @!p0 $0xFFFFF086;
	s6 =	sadd.s32 @!p0 s3, s7;
	s7 =	simm.s32 @!p0 $0x108  }
0x21: {  	s3 =	sadd.s32 s3, s9;
	s6 =	sadd.s32 @!p0 $0x88, s6;
	s7 =	simm.s32 @p2 $0x1082  }
0x22: {  	[simem:s7], [sflag:s8] =	dma.local @!p0 [hbm:s6], $0xF7A  }
0x23: {  	s9 =	sor.u32 $0xD0000000, s2;
	s6 =	simm.s32 $0x108;
	_ =	swait.ge @!p0 [sflag:s8], $0x0  }
0x24: {  	s3 =	sadd.s32 $0x88, s3;
	s6 =	simm.s32 @!p1 $0x1082;
	[sflag:s4] =	ssyncset.s32 $0xFFFFF086  }
0x25: {  	[simem:s6], [sflag:s4] =	dma.local [hbm:s3], $0xF7A  }
0x26: {  	[smem:$0x3F40] =	sst s1;
	(tag) =	ssettag s2;
	_ =	strace s9  }
0x27: {  	s1 =	sld [smem:$0x3F50]  }
0x28: {  	s2 =	sld [smem:$0x3F51]  }
0x29: {  	s4 =	sld [smem:$0x3F53]  }
0x2a: {  	p0 =	seq.s32 s5, $0x0;
	s5 =	sld [smem:$0x3F54]  }
0x2b: {  	s6 =	sld [smem:$0x3F55]  }
0x2c: {  	s7 =	sld [smem:$0x3F56]  }
0x2d: {  	s3 =	simm.s32 $0x108;
	s8 =	sld [smem:$0x3F57]  }
0x2e: {  	s3 =	simm.s32 @!p0 $0x1082;
	s9 =	sld [smem:$0x3F58]  }
0x2f: {  	lr =	sadd.s32 s0, s3;
	s0 =	sld [smem:$0x3F4F]  }
0x30: {  	s3 =	sld [smem:$0x3F52]  }
0x31: {  	[smem:$0x3F5B] =	sst s10  }
0x32: {  	s10 =	sld [smem:$0x3F59];
	_ =	sdelay $0x3  }
0x33: {  	p0 =	seq.s32 s10, $0x1;
	s10 =	sld [smem:$0x3F5B];
	_ =	sdelay $0x3  }
0x34: {  	[smem:$0x3F5B] =	sst s10  }
0x35: {  	s10 =	sld [smem:$0x3F5A];
	_ =	sdelay $0x3  }
0x36: {  	p1 =	seq.s32 s10, $0x1;
	s10 =	sld [smem:$0x3F5B];
	_ =	sdelay $0x3  }
0x37: {  	[smem:$0x3F5B] =	sst s10  }
0x38: {  	s10 =	sld [smem:$0x3F5C]  }
0x39: {  	_ = 	snop;
	(pc) =	sbr.ind lr, $3  }
0x3a: {  	_ = 	snop  }
0x3b: {  	_ = 	snop  }
0x3c: {  	p2 =	seq.s32 s10, $0x1;
	s10 =	sld [smem:$0x3F5B]  }
0x3d: {  	_ =	shalt  }
0x3e: {  	_ =	shalt  }
0x3f: {  	_ =	shalt  }
0x40: {  	_ =	shalt  }
0x41: {  	_ =	shalt  }
0x42: {  	_ =	shalt  }
0x43: {  	_ =	shalt  }
0x44: {  	_ =	shalt  }
0x45: {  	_ =	shalt  }
0x46: {  	_ =	shalt  }
0x47: {  	_ =	shalt  }
0x48: {  	_ =	shalt  }
0x49: {  	_ =	shalt  }
0x4a: {  	_ =	shalt  }
0x4b: {  	_ =	shalt  }
0x4c: {  	_ =	shalt  }
0x4d: {  	_ =	shalt  }
0x4e: {  	_ =	shalt  }
0x4f: {  	_ =	shalt  }
0x50: {  	_ =	shalt  }
0x51: {  	_ =	shalt  }
0x52: {  	_ =	shalt  }
0x53: {  	_ =	shalt  }
0x54: {  	_ =	shalt  }
0x55: {  	_ =	shalt  }
0x56: {  	_ =	shalt  }
0x57: {  	_ =	shalt  }
0x58: {  	_ =	shalt  }
0x59: {  	_ =	shalt  }
0x5a: {  	_ =	shalt  }
0x5b: {  	_ =	shalt  }
0x5c: {  	_ =	shalt  }
0x5d: {  	_ =	shalt  }
0x5e: {  	_ =	shalt  }
0x5f: {  	_ =	shalt  }
0x60: {  	_ =	shalt  }
0x61: {  	_ =	shalt  }
0x62: {  	_ =	shalt  }
0x63: {  	_ =	shalt  }
0x64: {  	_ =	shalt  }
0x65: {  	_ =	shalt  }
0x66: {  	_ =	shalt  }
0x67: {  	_ =	shalt  }
0x68: {  	_ =	shalt  }
0x69: {  	_ =	shalt  }
0x6a: {  	_ =	shalt  }
0x6b: {  	_ =	shalt  }
0x6c: {  	_ =	shalt  }
0x6d: {  	_ =	shalt  }
0x6e: {  	_ =	shalt  }
0x6f: {  	_ =	shalt  }
0x70: {  	_ =	shalt  }
0x71: {  	_ =	shalt  }
0x72: {  	_ =	shalt  }
0x73: {  	_ =	shalt  }
0x74: {  	_ =	shalt  }
0x75: {  	_ =	shalt  }
0x76: {  	_ =	shalt  }
0x77: {  	_ =	shalt  }
0x78: {  	_ =	shalt  }
0x79: {  	_ =	shalt  }
0x7a: {  	_ =	shalt  }
0x7b: {  	_ =	shalt  }
0x7c: {  	_ =	shalt  }
0x7d: {  	_ =	shalt  }
0x7e: {  	_ =	shalt  }
0x7f: {  	_ =	shalt  }
0x80: {  	_ =	shalt  }
0x81: {  	_ =	shalt  }
0x82: {  	_ =	shalt  }
0x83: {  	_ =	shalt  }
0x84: {  	_ =	shalt  }
0x85: {  	_ =	shalt  }
0x86: {  	_ =	shalt  }
0x87: {  	_ =	shalt  }
.Lfunc_end0:
.L_simem_size_0:
called_computation.2_lowered:
.L_overlay_start_0:
0x88: {  	s2 =	sld [smem:$0x3FD9]  }
0x89: {  	s3 =	sld [smem:$0x3FFE];
	_ =	sdelay $0x1  }
0x8a: {  	s1 =	srdreg.scid  }
0x8b: {  	s0 =	sand.u32 $0x1, s1  }
0x8c: {  	s14 =	sshll.u32 s0, $0xA;
	s2 =	sadd.s32 s3, s2  }
0x8d: {  	s2 =	sadd.s32 s2, s14  }
0x8e: {  	[smem:$0x3F67] =	sst s2  }
0x8f: {  	_ = 	snop  }
0x90: {  	s2 =	sld [smem:$0x3FD0];
	_ =	sdelay $0x2  }
0x91: {  	s15 =	simm.s32 $0xA;
	s4 =	simm.s32 $0x10  }
0x92: {  	[smem:s4], [sflag:s15] =	dma.local [hbm:s2], $0x1  }
0x93: {  	_ =	swait.eq [sflag:s15], $0x1  }
0x94: {  	[sflag:s15] =	ssyncset.done $0x0  }
0x95: {  	s16 =	sld [smem:$0x10];
	[sflag:s15] =	ssyncadd.s32 $0xFFFFFFFF  }
0x96: {  	s17 =	sld [smem:$0x11];
	(tm) =	ssettm $0x1  }
0x97: {  	s18 =	sld [smem:$0x3FFB];
	_ =	sdelay $0x3  }
0x98: {  	_ =	strace s18  }
0x99: {  	s4 =	sld [smem:$0x3FFC];
	_ =	sdelay $0x3  }
0x9a: {  	_ =	strace s4  }
0x9b: {  	s4 =	sld [smem:$0x3FFD];
	_ =	sdelay $0x3  }
0x9c: {  	_ =	strace s4  }
0x9d: {  	_ =	strace $0x8FFFFFFF  }
0x9e: {  	s19 =	sld [smem:$0x3FDB];
	_ =	sdelay $0x1  }
0x9f: {  	s5 =	simm.s32 $_scs_section_size  }
0xa0: {  	s6 =	simm.s32 $_size__tile_overlayer_lowered;
	s7 =	simm.s32 $_tile_overlayer_lowered  }
0xa1: {  	s22 =	simm.s32 $0x1BFF;
	s21 =	sshll.u32 s7, $0x1;
	s4 =	sadd.s32 s5, s19  }
0xa2: {  	s8 =	simm.s32 $0x0;
	s20 =	sshll.u32 s6, $0x1;
	s6 =	sadd.s32 s21, s4  }
0xa3: {  	[timem:s8], [sflag:s22] =	dma.local [hbm:s6], s20  }
0xa4: {  	_ =	swait.ge [sflag:s22], s20  }
0xa5: {  	s5 =	ssub.s32 $0x0, s20;
	[sflag:s22] =	ssyncset.done $0x0  }
0xa6: {  	[sflag:s22] =	ssyncadd.s32 s5;
	_ =	sdelay $0x1  }
0xa7: {  	s23 =	simm.s32 $0x1B8B  }
0xa8: {  	_ =	swait.ge [sflag:s23], $0x1  }
0xa9: {  	[sflag:s23] =	ssyncset.done $0x0  }
0xaa: {  	s25 =	simm.s32 $0x1B8E;
	s24 =	sld [smem:$0x3FFE];
	[sflag:s23] =	ssyncadd.s32 $0xFFFFFFFF  }
0xab: {  	s26 =	simm.s32 $execute0_lowered;
	[smem:$0x3FD2] =	sst s25  }
0xac: {  	s6 =	sshll.u32 s26, $0x1;
	_ =	strace $0x8000004C;
	[dreg:$0x1] =	wrdreg $0xFFFFFFFF  }
0xad: {  	s28 =	simm.s32 $_size_execute0_lowered;
	s4 =	sadd.s32 s4, s6;
	[dreg:$0x0] =	wrdreg $0x0  }
0xae: {  	s6 =	sshll.u32 s28, $0x1;
	[dreg:$0x2] =	wrdreg s4  }
0xaf: {  	[dreg:$0x3] =	wrdreg s6  }
0xb0: {  	[dreg:$0x4] =	wrdreg $0xC0  }
0xb1: {  	_ =	task [dreg:s8], $0x5FFFF  }
0xb2: {  	[dreg:$0x1] =	wrdreg $0xFFFFFFFF  }
0xb3: {  	[dreg:$0x0] =	wrdreg $0x60  }
0xb4: {  	[dreg:$0x2] =	wrdreg s17  }
0xb5: {  	[dreg:$0x3] =	wrdreg s24  }
0xb6: {  	[dreg:$0x4] =	wrdreg s16  }
0xb7: {  	[dreg:$0x5] =	wrdreg $0x9  }
0xb8: {  	_ =	task.clear_ibuf [dreg:s8], $0x6FFFF;
	_ =	strace $0x9000004C  }
0xb9: {  	s29 =	simm.s32 $0x9;
	_ =	strace $0x8000004E  }
0xba: {  	_ =	swait.ge [sflag:s29], $0x1  }
0xbb: {  	[sflag:s29] =	ssyncadd.s32 $0xFFFFFFFF  }
0xbc: {  	_ =	strace $0x9000004E  }
0xbd: {  	_ =	sfence  }
0xbe: {  	s30 =	sld [smem:$0x0];
	_ =	sdelay $0x2  }
0xbf: {  	s31 =	sshll.u32 s1, $0xD;
	s1 =	sshrl.u32 s1, $0x2  }
0xc0: {  	s3 =	sand.u32 $0x4000, s31;
	s1 =	sadd.s32 s1, s30  }
0xc1: {  	s0 =	sor.u32 s3, s0;
	s1 =	sshll.u32 s1, $0x11  }
0xc2: {  	s0 =	sor.u32 s1, s0  }
0xc3: {  	s0 =	sadd.s32 $0x8F2B, s0  }
0xc4: {  	[sflag:s0] =	ssyncadd.remote.s32 $0x1  }
0xc5: {  	_ =	sfence.sel $0xFFFF  }
0xc6: {  	[dreg:$0x0] =	wrdreg $0xFFFFFFFF;
	(pc) =	sbr.abs _section_cstart, $3  }
0xc7: {  	[dreg:$0x1] =	wrdreg $0xFFFFFFFF  }
0xc8: {  	_ =	task.clear_ibuf [dreg:s8], $0x2FFFF;
	_ =	strace $0x9FFFFFFF  }
0xc9: {  	(tm) =	ssettm $0x7FFFFFFF  }
tec
execute0_lowered:
.L_overlay_start_1:
0x0: {  	(tag) =	ssettag $0x1  }
0x1: {  	s1 =	rddreg [dreg:$0x0]  }
0x2: {  	s5 =	rddreg [dreg:$0x1];
	s2 =	srdreg.scid  }
0x3: {  	s0 =	stileid.u32;
	s6 =	rddreg [dreg:$0x2]  }
0x4: {  	s3 =	simm.s32 $0x0;
	s16 =	simm.s32 $0x7700;
	s17 =	simm.s32 $0x9F00  }
0x5: {  	s18 =	simm.s32 $0xC700;
	s19 =	simm.s32 $0x1;
	s20 =	simm.s32 $0x2  }
0x6: {  	s21 =	simm.s32 $0x3;
	s22 =	simm.s32 $0x4;
	s23 =	simm.s32 $0x0  }
0x7: {  	s8 =	sand.u32 $0x1, s2;
	s4 =	sshll.u32 s0, $0x1;
	s2 =	rddreg [dreg:$0x3]  }
0x8: {  	[smem:$0x7FF] =	sst s3;
	s12 =	sadd.s32 $0x70E00, s5;
	s29 =	smul.u32 $0x4E200, s0  }
0x9: {  	s14 =	sadd.s32 $0xA5EC00, s5;
	s7 =	sor.u32 s8, s4;
	s15 =	smul.u32 $0x27100, s8  }
0xa: {  	_ =	strace $0x8000004D;
	s10 =	ssub.s32 $0x2, s8;
	s9 =	smul.u32 $0x2710, s7  }
0xb: {  	s4 =	sadd.s32 $0x22A00, s5;
	s7 =	smul.u32 $0x138800, s7;
	s13 =	sshrl.u32 s10, $0x1  }
0xc: {  	s30 =	sadd.s32 s29, s12;
	s31 =	sadd.s32 s29, s14;
	s10 =	ssub.s32 s10, s13  }
0xd: {  	s13 =	simm.s32 $0x2780;
	s9 =	sshrl.u32 s9, $0x3;
	s7 =	sshrl.u32 s7, $0x3  }
0xe: {  	s11 =	sadd.s32 s9, s5;
	s28 =	sadd.s32 $0x26C00, s7;
	s6 =	sadd.s32 s6, s9  }
0xf: {  	s9 =	smax.u32 s10, $0x1;
	s10 =	sadd.s32 s15, s30;
	s5 =	sadd.s32 $0x17000, s11  }
0x10: {  	s7 =	sadd.s32 s12, s28;
	s8 =	sadd.s32 s14, s28;
	s11 =	sadd.s32 s15, s31  }
0x11: {  	s12 =	simm.s32 $0x5;
	s14 =	simm.s32 $0x50;
	s15 =	simm.s32 $0x4F00  }
.LBB2_1:
0x12: {  	[tilespmem:s3], [sflag:$0x5] =	stream.linear.gather [hbm4b:s5+s3], $0x2710, $0x38;
	[tilespmem:$0xEF00] =	vst v63  }
0x13: {  	_ =	swait.ge [sflag:s12], $0x2710  }
0x14: {  	[sflag:s12] =	ssyncset.done $0x0  }
0x15: {  	[sflag:s12] =	ssyncadd.s32 $0xFFFFD8F0  }
0x16: {  	[tilespmem:s13], [sflag:$0x5] =	stream.linear.gather [hbm4b:s6+s3], $0x2710, $0x38;
	[tilespmem:$0xEF00] =	vst v63  }
0x17: {  	_ =	swait.ge [sflag:s12], $0x2710  }
0x18: {  	[sflag:s12] =	ssyncset.done $0x0  }
0x19: {  	[sflag:s12] =	ssyncadd.s32 $0xFFFFD8F0  }
0x1a: {  	[tilespmem:s15], [sflag:$0x1] =	stream.indirect.gather [hbm4b:s1+s14], $0x80, s3, s14, $0xb8;
	[tilespmem:$0xEF00] =	vst v63  }
0x1b: {  	_ = 	snop  }
0x1c: {  	[tilespmem:s16], [sflag:$0x2] =	stream.indirect.gather [hbm4b:s4+s14], $0x80, s13, s14, $0xb8;
	[tilespmem:$0xEF00] =	vst v63  }
0x1d: {  	s24 =	simm.s32 $0x50  }
0x1e: {  	[tilespmem:s17], [sflag:$0x3] =	stream.indirect.gather [hbm4b:s1+s14], $0x80, s24, s14, $0xb8;
	[tilespmem:$0xEF00] =	vst v63  }
0x1f: {  	s25 =	simm.s32 $0x27D0  }
0x20: {  	[tilespmem:s18], [sflag:$0x4] =	stream.indirect.gather [hbm4b:s4+s14], $0x80, s25, s14, $0xb8;
	[tilespmem:$0xEF00] =	vst v63  }
0x21: {  	_ =	swait.ge [sflag:s19], $0x2800  }
0x22: {  	[sflag:s19] =	ssyncset.done $0x0  }
0x23: {  	[sflag:s19] =	ssyncadd.s32 $0xFFFFD800  }
0x24: {  	_ =	swait.ge [sflag:s20], $0x2800  }
0x25: {  	[sflag:s20] =	ssyncset.done $0x0  }
0x26: {  	[sflag:s20] =	ssyncadd.s32 $0xFFFFD800  }
0x27: {  	[hbm4b:s10+s3] =	stream.linear.scatter [tilespmem:s15], [sflag:$0x5], $0x2800, $0x38;
	[tilespmem:$0xEF00] =	vst v63  }
0x28: {  	_ =	swait.ge [sflag:s12], $0x2800  }
0x29: {  	[sflag:s12] =	ssyncset.done $0x0  }
0x2a: {  	[sflag:s12] =	ssyncadd.s32 $0xFFFFD800  }
0x2b: {  	[hbm4b:s11+s3] =	stream.linear.scatter [tilespmem:s16], [sflag:$0x5], $0x2800, $0x38;
	[tilespmem:$0xEF00] =	vst v63  }
0x2c: {  	_ =	swait.ge [sflag:s12], $0x2800  }
0x2d: {  	[sflag:s12] =	ssyncset.done $0x0  }
0x2e: {  	s26 =	simm.s32 $0xA0;
	[sflag:s12] =	ssyncadd.s32 $0xFFFFD800  }
0x2f: {  	[tilespmem:s15], [sflag:$0x1] =	stream.indirect.gather [hbm4b:s1+s14], $0x80, s26, s14, $0xb8;
	[tilespmem:$0xEF00] =	vst v63  }
0x30: {  	s28 =	simm.s32 $0x2820  }
0x31: {  	[tilespmem:s16], [sflag:$0x2] =	stream.indirect.gather [hbm4b:s4+s14], $0x80, s28, s14, $0xb8;
	[tilespmem:$0xEF00] =	vst v63  }
0x32: {  	_ =	swait.ge [sflag:s21], $0x2800  }
0x33: {  	[sflag:s21] =	ssyncset.done $0x0  }
0x34: {  	[sflag:s21] =	ssyncadd.s32 $0xFFFFD800  }
0x35: {  	_ =	swait.ge [sflag:s22], $0x2800  }
0x36: {  	[sflag:s22] =	ssyncset.done $0x0  }
0x37: {  	s29 =	sadd.s32 $0x500, s10;
	[sflag:s22] =	ssyncadd.s32 $0xFFFFD800  }
0x38: {  	[hbm4b:s29+s3] =	stream.linear.scatter [tilespmem:s17], [sflag:$0x5], $0x2800, $0x38;
	[tilespmem:$0xEF00] =	vst v63  }
0x39: {  	_ =	swait.ge [sflag:s12], $0x2800  }
0x3a: {  	[sflag:s12] =	ssyncset.done $0x0  }
0x3b: {  	s31 =	sadd.s32 $0x500, s11;
	[sflag:s12] =	ssyncadd.s32 $0xFFFFD800  }
0x3c: {  	[hbm4b:s31+s3] =	stream.linear.scatter [tilespmem:s18], [sflag:$0x5], $0x2800, $0x38;
	[tilespmem:$0xEF00] =	vst v63  }
0x3d: {  	s30 =	simm.s32 $0x500;
	s24 =	sadd.s32 $0xA00, s11;
	_ =	swait.ge [sflag:s12], $0x2800  }
0x3e: {  	s25 =	sadd.s32 $0xA00, s10;
	s26 =	simm.s32 $0xA0;
	[sflag:s12] =	ssyncset.done $0x0  }
.LBB2_2:
0x3f: {  	s31 =	sadd.s32 $0x50, s26  }
0x40: {  	[sflag:s12] =	ssyncadd.s32 $0xFFFFD800;
	s29 =	smov.u32 s30;
	s28 =	sadd.s32 $0x280, s30  }
0x41: {  	[tilespmem:s17], [sflag:$0x3] =	stream.indirect.gather [hbm4b:s1+s14], $0x80, s31, s14, $0xb8;
	[tilespmem:$0xEF00] =	vst v63  }
0x42: {  	p0 =	sne.s32 s30, $0x9880;
	s30 =	sadd.s32 $0x27D0, s26  }
0x43: {  	[tilespmem:s18], [sflag:$0x4] =	stream.indirect.gather [hbm4b:s4+s14], $0x80, s30, s14, $0xb8;
	[tilespmem:$0xEF00] =	vst v63  }
0x44: {  	_ =	swait.ge [sflag:s19], $0x2800  }
0x45: {  	[sflag:s19] =	ssyncset.done $0x0  }
0x46: {  	[sflag:s19] =	ssyncadd.s32 $0xFFFFD800  }
0x47: {  	_ =	swait.ge [sflag:s20], $0x2800  }
0x48: {  	[sflag:s20] =	ssyncset.done $0x0  }
0x49: {  	[sflag:s20] =	ssyncadd.s32 $0xFFFFD800  }
0x4a: {  	[hbm4b:s25+s3] =	stream.linear.scatter [tilespmem:s15], [sflag:$0x5], $0x2800, $0x38;
	[tilespmem:$0xEF00] =	vst v63  }
0x4b: {  	_ =	swait.ge [sflag:s12], $0x2800  }
0x4c: {  	[sflag:s12] =	ssyncset.done $0x0  }
0x4d: {  	[sflag:s12] =	ssyncadd.s32 $0xFFFFD800  }
0x4e: {  	[hbm4b:s24+s3] =	stream.linear.scatter [tilespmem:s16], [sflag:$0x5], $0x2800, $0x38;
	[tilespmem:$0xEF00] =	vst v63  }
0x4f: {  	_ =	swait.ge [sflag:s12], $0x2800  }
0x50: {  	[sflag:s12] =	ssyncset.done $0x0  }
0x51: {  	s30 =	sadd.s32 $0xA0, s26;
	[sflag:s12] =	ssyncadd.s32 $0xFFFFD800  }
0x52: {  	[tilespmem:s15], [sflag:$0x1] =	stream.indirect.gather [hbm4b:s1+s14], $0x80, s30, s14, $0xb8;
	[tilespmem:$0xEF00] =	vst v63  }
0x53: {  	s26 =	sadd.s32 $0x2820, s26  }
0x54: {  	[tilespmem:s16], [sflag:$0x2] =	stream.indirect.gather [hbm4b:s4+s14], $0x80, s26, s14, $0xb8;
	[tilespmem:$0xEF00] =	vst v63  }
0x55: {  	_ =	swait.ge [sflag:s21], $0x2800  }
0x56: {  	[sflag:s21] =	ssyncset.done $0x0  }
0x57: {  	[sflag:s21] =	ssyncadd.s32 $0xFFFFD800  }
0x58: {  	_ =	swait.ge [sflag:s22], $0x2800  }
0x59: {  	[sflag:s22] =	ssyncset.done $0x0  }
0x5a: {  	s26 =	sadd.s32 $0x500, s25;
	[sflag:s22] =	ssyncadd.s32 $0xFFFFD800  }
0x5b: {  	[hbm4b:s26+s3] =	stream.linear.scatter [tilespmem:s17], [sflag:$0x5], $0x2800, $0x38;
	[tilespmem:$0xEF00] =	vst v63  }
0x5c: {  	_ =	swait.ge [sflag:s12], $0x2800  }
.Ltmp0:
0x5d: {  	[sflag:s12] =	ssyncset.done $0x0;
	(pc) =	sbr.rel @p0 .LBB2_2-.Ltmp0, $4  }
0x5e: {  	s26 =	sadd.s32 $0x500, s24;
	[sflag:s12] =	ssyncadd.s32 $0xFFFFD800  }
0x5f: {  	[hbm4b:s26+s3] =	stream.linear.scatter [tilespmem:s18], [sflag:$0x5], $0x2800, $0x38;
	[tilespmem:$0xEF00] =	vst v63  }
0x60: {  	s30 =	smov.u32 s28;
	s24 =	sadd.s32 $0xA00, s24;
	_ =	swait.ge [sflag:s12], $0x2800  }
0x61: {  	s25 =	sadd.s32 $0xA00, s25;
	s26 =	sshra.s32 s29, $0x2;
	[sflag:s12] =	ssyncset.done $0x0  }
0x62: {  	s28 =	sadd.s32 $0x50, s26;
	[sflag:s12] =	ssyncadd.s32 $0xFFFFD800  }
0x63: {  	[tilespmem:s17], [sflag:$0x3] =	stream.indirect.gather [hbm4b:s1+s14], $0x80, s28, s14, $0xb8;
	[tilespmem:$0xEF00] =	vst v63  }
0x64: {  	s30 =	sadd.s32 $0x27D0, s26  }
0x65: {  	[tilespmem:s18], [sflag:$0x4] =	stream.indirect.gather [hbm4b:s4+s14], $0x80, s30, s14, $0xb8;
	[tilespmem:$0xEF00] =	vst v63  }
0x66: {  	_ =	swait.ge [sflag:s19], $0x2800  }
0x67: {  	[sflag:s19] =	ssyncset.done $0x0  }
0x68: {  	[sflag:s19] =	ssyncadd.s32 $0xFFFFD800  }
0x69: {  	_ =	swait.ge [sflag:s20], $0x2800  }
0x6a: {  	[sflag:s20] =	ssyncset.done $0x0  }
0x6b: {  	[sflag:s20] =	ssyncadd.s32 $0xFFFFD800  }
0x6c: {  	[hbm4b:s25+s3] =	stream.linear.scatter [tilespmem:s15], [sflag:$0x5], $0x2800, $0x38;
	[tilespmem:$0xEF00] =	vst v63  }
0x6d: {  	_ =	swait.ge [sflag:s12], $0x2800  }
0x6e: {  	[sflag:s12] =	ssyncset.done $0x0  }
0x6f: {  	[sflag:s12] =	ssyncadd.s32 $0xFFFFD800  }
0x70: {  	[hbm4b:s24+s3] =	stream.linear.scatter [tilespmem:s16], [sflag:$0x5], $0x2800, $0x38;
	[tilespmem:$0xEF00] =	vst v63  }
0x71: {  	_ =	swait.ge [sflag:s12], $0x2800  }
0x72: {  	[sflag:s12] =	ssyncset.done $0x0  }
0x73: {  	s31 =	sadd.s32 $0xA0, s26;
	[sflag:s12] =	ssyncadd.s32 $0xFFFFD800  }
0x74: {  	[tilespmem:s15], [sflag:$0x1] =	stream.indirect.gather [hbm4b:s1+s14], $0x80, s31, s14, $0xb8;
	[tilespmem:$0xEF00] =	vst v63  }
0x75: {  	s29 =	sadd.s32 $0x2820, s26  }
0x76: {  	[tilespmem:s16], [sflag:$0x2] =	stream.indirect.gather [hbm4b:s4+s14], $0x80, s29, s14, $0xb8;
	[tilespmem:$0xEF00] =	vst v63  }
0x77: {  	_ =	swait.ge [sflag:s21], $0x2800  }
0x78: {  	[sflag:s21] =	ssyncset.done $0x0  }
0x79: {  	[sflag:s21] =	ssyncadd.s32 $0xFFFFD800  }
0x7a: {  	_ =	swait.ge [sflag:s22], $0x2800  }
0x7b: {  	[sflag:s22] =	ssyncset.done $0x0  }
0x7c: {  	s30 =	sadd.s32 $0x500, s25;
	[sflag:s22] =	ssyncadd.s32 $0xFFFFD800  }
0x7d: {  	[hbm4b:s30+s3] =	stream.linear.scatter [tilespmem:s17], [sflag:$0x5], $0x2800, $0x38;
	[tilespmem:$0xEF00] =	vst v63  }
0x7e: {  	_ =	swait.ge [sflag:s12], $0x2800  }
0x7f: {  	[sflag:s12] =	ssyncset.done $0x0  }
0x80: {  	s31 =	sadd.s32 $0x500, s24;
	[sflag:s12] =	ssyncadd.s32 $0xFFFFD800  }
0x81: {  	[hbm4b:s31+s3] =	stream.linear.scatter [tilespmem:s18], [sflag:$0x5], $0x2800, $0x38;
	[tilespmem:$0xEF00] =	vst v63  }
0x82: {  	_ =	swait.ge [sflag:s12], $0x2800  }
0x83: {  	[sflag:s12] =	ssyncset.done $0x0  }
0x84: {  	[sflag:s12] =	ssyncadd.s32 $0xFFFFD800  }
0x85: {  	_ =	swait.ge [sflag:s19], $0x2800  }
0x86: {  	[sflag:s19] =	ssyncset.done $0x0  }
0x87: {  	[sflag:s19] =	ssyncadd.s32 $0xFFFFD800  }
0x88: {  	_ =	swait.ge [sflag:s20], $0x2800  }
0x89: {  	[sflag:s20] =	ssyncset.done $0x0  }
0x8a: {  	[sflag:s20] =	ssyncadd.s32 $0xFFFFD800  }
0x8b: {  	[hbm4b:s7+s3] =	stream.linear.scatter [tilespmem:s15], [sflag:$0x5], $0x2800, $0x38;
	[tilespmem:$0xEF00] =	vst v63  }
0x8c: {  	s23 =	sadd.s32 $0x1, s23;
	_ =	swait.ge [sflag:s12], $0x2800  }
0x8d: {  	p0 =	sne.s32 s23, s9;
	[sflag:s12] =	ssyncset.done $0x0  }
.Ltmp1:
0x8e: {  	[sflag:s12] =	ssyncadd.s32 $0xFFFFD800;
	(pc) =	sbr.rel @p0 .LBB2_1-.Ltmp1, $4  }
0x8f: {  	[hbm4b:s8+s3] =	stream.linear.scatter [tilespmem:s16], [sflag:$0x5], $0x2800, $0x38;
	[tilespmem:$0xEF00] =	vst v63  }
0x90: {  	_ =	swait.ge [sflag:s12], $0x2800  }
0x91: {  	[sflag:s12] =	ssyncset.done $0x0  }
0x92: {  	[sflag:s12] =	ssyncadd.s32 $0xFFFFD800  }
0x93: {  	_ =	sfence.sel $0x180000  }
0x94: {  	[bflag:$0x0] =	sbarrier.arrive $0xFFFF  }
0x95: {  	p0 =	sne.s32 s0, $0x0;
	_ =	strace $0x9000004D  }
0x96: {  	s0 =	sadd.s32 @!p0 $0x100000, s2;
	[bflag:$0x2] =	sbarrier.arrive $0xFFFF  }
0x97: {  	[sflag:s0] =	ssyncadd.tile.s32 @!p0 $0x1;
	_ =	shalt  }
.Lfunc_end2:
_tile_overlayer_lowered:
.L_overlay_start_2:
0x98: {  	(tag) =	ssettag $0x2  }
0x99: {  	s0 =	rddreg [dreg:$0x0];
	s2 =	stileid.u32  }
0x9a: {  	s1 =	rddreg [dreg:$0x1];
	p0 =	sne.s32 s2, $0x0  }
0x9b: {  	s3 =	rddreg [dreg:$0x2];
	[bflag:$0x3] =	sbarrier.arrive $0xFFFF;
	s2 =	simm.s32 @!p0 $0x1C05  }
0x9c: {  	[timem:s3], [sflag:s2] =	dma.local @!p0 [hbm:s0], s1  }
0x9d: {  	s0 =	simm.s32 @!p0 $0x5  }
0x9e: {  	_ =	swait.ge @!p0 [sflag:s0], s1  }
0x9f: {  	s1 =	ssub.s32 @!p0 $0x0, s1;
	[sflag:s0] =	ssyncset.done @!p0 $0x0  }
0xa0: {  	[sflag:s0] =	ssyncadd.s32 @!p0 s1  }
0xa1: {  	[bflag:$0x3] =	sbarrier.arrive $0xFFFF  }
0xa2: {  	_ =	shalt  }

// kernel: kernel.25.cloned.1.call-start
scs
__scs_entry_jumppad:
0x0: {  	(pc) =	sbr.rel $0x88, $3  }
0x1: {  	(tag) =	ssettag $0x0;
	lr =	simm.s32 $0x1  }
0x2: {  	[smem:$0x3F40] =	sst lr;
	_ =	strace $0xD0000000  }
0x3: {  	_ = 	snop  }
0x4: {  	_ = 	snop  }
0x5: {  	_ = 	snop  }
0x6: {  	_ = 	snop  }
0x7: {  	_ = 	snop  }
__scs_overlays_trampoline_lowered:
0x8: {  	[smem:$0x3F4F] =	sst s0  }
0x9: {  	[smem:$0x3F50] =	sst s1  }
0xa: {  	[smem:$0x3F51] =	sst s2  }
0xb: {  	[smem:$0x3F52] =	sst s3  }
0xc: {  	[smem:$0x3F53] =	sst s4  }
0xd: {  	[smem:$0x3F54] =	sst s5  }
0xe: {  	[smem:$0x3F55] =	sst s6  }
0xf: {  	[smem:$0x3F56] =	sst s7  }
0x10: {  	[smem:$0x3F57] =	sst s8  }
0x11: {  	[smem:$0x3F58] =	sst s9;
	s0 =	simm.s32 @!p0 $0x0  }
0x12: {  	s1 =	sld [smem:$0x3F3E];
	s0 =	simm.s32 @p0 $0x1  }
0x13: {  	[smem:$0x3F59] =	sst s0;
	s0 =	simm.s32 @!p1 $0x0  }
0x14: {  	s2 =	sld [smem:$0x3F3D];
	s0 =	simm.s32 @p1 $0x1  }
0x15: {  	[smem:$0x3F5A] =	sst s0;
	s0 =	simm.s32 @!p2 $0x0  }
0x16: {  	s3 =	sld [smem:$0x3FDB];
	s0 =	simm.s32 @p2 $0x1  }
0x17: {  	s4 =	simm.s32 $0x1BF5;
	[smem:$0x3F5C] =	sst s0  }
0x18: {  	s0 =	sld [smem:$0x3F3F];
	_ =	swait.ge [sflag:s4], $0x0  }
0x19: {  	s7 =	sld [smem:$0x3F40]  }
0x1a: {  	s8 =	sadd.s32 $0xFFFFE003, lr  }
0x1b: {  	s9 =	sadd.s32 $0xFFFFFEF7, lr;
	s5 =	simm.s32 $0xFFFFFFFF;
	p2 =	slt.u32 s8, $0xFFFFF086  }
0x1c: {  	p1 =	slt.u32 s9, $0xF7A;
	s5 =	simm.s32 @!p2 $0x0  }
0x1d: {  	s5 =	simm.s32 @p1 $0x1;
	p0 =	seq.s32 s7, s2  }
0x1e: {  	s7 =	smul.u32 @!p0 $0xF7A, s2;
	p2 =	seq.s32 @!p0 s5, $0x0  }
0x1f: {  	s9 =	smul.u32 $0xF7A, s1;
	s8 =	simm.s32 @!p0 $0x1BF5;
	p2 =	por !p2, p0  }
0x20: {  	[sflag:s8] =	ssyncset.s32 @!p0 $0xFFFFF086;
	s6 =	sadd.s32 @!p0 s3, s7;
	s7 =	simm.s32 @!p0 $0x108  }
0x21: {  	s3 =	sadd.s32 s3, s9;
	s6 =	sadd.s32 @!p0 $0x88, s6;
	s7 =	simm.s32 @p2 $0x1082  }
0x22: {  	[simem:s7], [sflag:s8] =	dma.local @!p0 [hbm:s6], $0xF7A  }
0x23: {  	s9 =	sor.u32 $0xD0000000, s2;
	s6 =	simm.s32 $0x108;
	_ =	swait.ge @!p0 [sflag:s8], $0x0  }
0x24: {  	s3 =	sadd.s32 $0x88, s3;
	s6 =	simm.s32 @!p1 $0x1082;
	[sflag:s4] =	ssyncset.s32 $0xFFFFF086  }
0x25: {  	[simem:s6], [sflag:s4] =	dma.local [hbm:s3], $0xF7A  }
0x26: {  	[smem:$0x3F40] =	sst s1;
	(tag) =	ssettag s2;
	_ =	strace s9  }
0x27: {  	s1 =	sld [smem:$0x3F50]  }
0x28: {  	s2 =	sld [smem:$0x3F51]  }
0x29: {  	s4 =	sld [smem:$0x3F53]  }
0x2a: {  	p0 =	seq.s32 s5, $0x0;
	s5 =	sld [smem:$0x3F54]  }
0x2b: {  	s6 =	sld [smem:$0x3F55]  }
0x2c: {  	s7 =	sld [smem:$0x3F56]  }
0x2d: {  	s3 =	simm.s32 $0x108;
	s8 =	sld [smem:$0x3F57]  }
0x2e: {  	s3 =	simm.s32 @!p0 $0x1082;
	s9 =	sld [smem:$0x3F58]  }
0x2f: {  	lr =	sadd.s32 s0, s3;
	s0 =	sld [smem:$0x3F4F]  }
0x30: {  	s3 =	sld [smem:$0x3F52]  }
0x31: {  	[smem:$0x3F5B] =	sst s10  }
0x32: {  	s10 =	sld [smem:$0x3F59];
	_ =	sdelay $0x3  }
0x33: {  	p0 =	seq.s32 s10, $0x1;
	s10 =	sld [smem:$0x3F5B];
	_ =	sdelay $0x3  }
0x34: {  	[smem:$0x3F5B] =	sst s10  }
0x35: {  	s10 =	sld [smem:$0x3F5A];
	_ =	sdelay $0x3  }
0x36: {  	p1 =	seq.s32 s10, $0x1;
	s10 =	sld [smem:$0x3F5B];
	_ =	sdelay $0x3  }
0x37: {  	[smem:$0x3F5B] =	sst s10  }
0x38: {  	s10 =	sld [smem:$0x3F5C]  }
0x39: {  	_ = 	snop;
	(pc) =	sbr.ind lr, $3  }
0x3a: {  	_ = 	snop  }
0x3b: {  	_ = 	snop  }
0x3c: {  	p2 =	seq.s32 s10, $0x1;
	s10 =	sld [smem:$0x3F5B]  }
0x3d: {  	_ =	shalt  }
0x3e: {  	_ =	shalt  }
0x3f: {  	_ =	shalt  }
0x40: {  	_ =	shalt  }
0x41: {  	_ =	shalt  }
0x42: {  	_ =	shalt  }
0x43: {  	_ =	shalt  }
0x44: {  	_ =	shalt  }
0x45: {  	_ =	shalt  }
0x46: {  	_ =	shalt  }
0x47: {  	_ =	shalt  }
0x48: {  	_ =	shalt  }
0x49: {  	_ =	shalt  }
0x4a: {  	_ =	shalt  }
0x4b: {  	_ =	shalt  }
0x4c: {  	_ =	shalt  }
0x4d: {  	_ =	shalt  }
0x4e: {  	_ =	shalt  }
0x4f: {  	_ =	shalt  }
0x50: {  	_ =	shalt  }
0x51: {  	_ =	shalt  }
0x52: {  	_ =	shalt  }
0x53: {  	_ =	shalt  }
0x54: {  	_ =	shalt  }
0x55: {  	_ =	shalt  }
0x56: {  	_ =	shalt  }
0x57: {  	_ =	shalt  }
0x58: {  	_ =	shalt  }
0x59: {  	_ =	shalt  }
0x5a: {  	_ =	shalt  }
0x5b: {  	_ =	shalt  }
0x5c: {  	_ =	shalt  }
0x5d: {  	_ =	shalt  }
0x5e: {  	_ =	shalt  }
0x5f: {  	_ =	shalt  }
0x60: {  	_ =	shalt  }
0x61: {  	_ =	shalt  }
0x62: {  	_ =	shalt  }
0x63: {  	_ =	shalt  }
0x64: {  	_ =	shalt  }
0x65: {  	_ =	shalt  }
0x66: {  	_ =	shalt  }
0x67: {  	_ =	shalt  }
0x68: {  	_ =	shalt  }
0x69: {  	_ =	shalt  }
0x6a: {  	_ =	shalt  }
0x6b: {  	_ =	shalt  }
0x6c: {  	_ =	shalt  }
0x6d: {  	_ =	shalt  }
0x6e: {  	_ =	shalt  }
0x6f: {  	_ =	shalt  }
0x70: {  	_ =	shalt  }
0x71: {  	_ =	shalt  }
0x72: {  	_ =	shalt  }
0x73: {  	_ =	shalt  }
0x74: {  	_ =	shalt  }
0x75: {  	_ =	shalt  }
0x76: {  	_ =	shalt  }
0x77: {  	_ =	shalt  }
0x78: {  	_ =	shalt  }
0x79: {  	_ =	shalt  }
0x7a: {  	_ =	shalt  }
0x7b: {  	_ =	shalt  }
0x7c: {  	_ =	shalt  }
0x7d: {  	_ =	shalt  }
0x7e: {  	_ =	shalt  }
0x7f: {  	_ =	shalt  }
0x80: {  	_ =	shalt  }
0x81: {  	_ =	shalt  }
0x82: {  	_ =	shalt  }
0x83: {  	_ =	shalt  }
0x84: {  	_ =	shalt  }
0x85: {  	_ =	shalt  }
0x86: {  	_ =	shalt  }
0x87: {  	_ =	shalt  }
.Lfunc_end0:
.L_simem_size_0:
called_computation.3_lowered:
.L_overlay_start_0:
0x88: {  	s2 =	sld [smem:$0x3FD9]  }
0x89: {  	s3 =	sld [smem:$0x3FFE];
	_ =	sdelay $0x1  }
0x8a: {  	s1 =	srdreg.scid  }
0x8b: {  	s0 =	sand.u32 $0x1, s1  }
0x8c: {  	s14 =	sshll.u32 s0, $0xA;
	s2 =	sadd.s32 s3, s2  }
0x8d: {  	s2 =	sadd.s32 s2, s14  }
0x8e: {  	[smem:$0x3F67] =	sst s2  }
0x8f: {  	_ = 	snop  }
0x90: {  	s2 =	sld [smem:$0x3FD0];
	_ =	sdelay $0x2  }
0x91: {  	s15 =	simm.s32 $0xA;
	s4 =	simm.s32 $0x10  }
0x92: {  	[smem:s4], [sflag:s15] =	dma.local [hbm:s2], $0x1  }
0x93: {  	_ =	swait.eq [sflag:s15], $0x1  }
0x94: {  	[sflag:s15] =	ssyncset.done $0x0  }
0x95: {  	s16 =	sld [smem:$0x10];
	[sflag:s15] =	ssyncadd.s32 $0xFFFFFFFF  }
0x96: {  	s17 =	sld [smem:$0x11];
	(tm) =	ssettm $0x1  }
0x97: {  	s18 =	sld [smem:$0x3FFB];
	_ =	sdelay $0x3  }
0x98: {  	_ =	strace s18  }
0x99: {  	s4 =	sld [smem:$0x3FFC];
	_ =	sdelay $0x3  }
0x9a: {  	_ =	strace s4  }
0x9b: {  	s4 =	sld [smem:$0x3FFD];
	_ =	sdelay $0x3  }
0x9c: {  	_ =	strace s4  }
0x9d: {  	_ =	strace $0x8FFFFFFF  }
0x9e: {  	s19 =	sld [smem:$0x3FDB];
	_ =	sdelay $0x1  }
0x9f: {  	s5 =	simm.s32 $_scs_section_size  }
0xa0: {  	s6 =	simm.s32 $_size__tile_overlayer_lowered;
	s7 =	simm.s32 $_tile_overlayer_lowered  }
0xa1: {  	s22 =	simm.s32 $0x1BFF;
	s21 =	sshll.u32 s7, $0x1;
	s4 =	sadd.s32 s5, s19  }
0xa2: {  	s8 =	simm.s32 $0x0;
	s20 =	sshll.u32 s6, $0x1;
	s6 =	sadd.s32 s21, s4  }
0xa3: {  	[timem:s8], [sflag:s22] =	dma.local [hbm:s6], s20  }
0xa4: {  	_ =	swait.ge [sflag:s22], s20  }
0xa5: {  	s5 =	ssub.s32 $0x0, s20;
	[sflag:s22] =	ssyncset.done $0x0  }
0xa6: {  	[sflag:s22] =	ssyncadd.s32 s5;
	_ =	sdelay $0x1  }
0xa7: {  	s23 =	simm.s32 $0x1B8B  }
0xa8: {  	_ =	swait.ge [sflag:s23], $0x1  }
0xa9: {  	[sflag:s23] =	ssyncset.done $0x0  }
0xaa: {  	s25 =	simm.s32 $0x1B8E;
	s24 =	sld [smem:$0x3FFE];
	[sflag:s23] =	ssyncadd.s32 $0xFFFFFFFF  }
0xab: {  	s26 =	simm.s32 $execute0_lowered;
	[smem:$0x3FD2] =	sst s25  }
0xac: {  	s6 =	sshll.u32 s26, $0x1;
	_ =	strace $0x8000004F;
	[dreg:$0x1] =	wrdreg $0xFFFFFFFF  }
0xad: {  	s28 =	simm.s32 $_size_execute0_lowered;
	s4 =	sadd.s32 s4, s6;
	[dreg:$0x0] =	wrdreg $0x0  }
0xae: {  	s6 =	sshll.u32 s28, $0x1;
	[dreg:$0x2] =	wrdreg s4  }
0xaf: {  	[dreg:$0x3] =	wrdreg s6  }
0xb0: {  	[dreg:$0x4] =	wrdreg $0xC0  }
0xb1: {  	_ =	task [dreg:s8], $0x5FFFF  }
0xb2: {  	[dreg:$0x1] =	wrdreg $0xFFFFFFFF  }
0xb3: {  	[dreg:$0x0] =	wrdreg $0x60  }
0xb4: {  	[dreg:$0x2] =	wrdreg s24  }
0xb5: {  	[dreg:$0x3] =	wrdreg s16  }
0xb6: {  	[dreg:$0x4] =	wrdreg s17  }
0xb7: {  	[dreg:$0x5] =	wrdreg $0x51000  }
0xb8: {  	[dreg:$0x6] =	wrdreg $0x9  }
0xb9: {  	_ =	task.clear_ibuf [dreg:s8], $0x7FFFF;
	_ =	strace $0x9000004F  }
0xba: {  	s29 =	simm.s32 $0x9;
	_ =	strace $0x80000051  }
0xbb: {  	_ =	swait.ge [sflag:s29], $0x1  }
0xbc: {  	[sflag:s29] =	ssyncadd.s32 $0xFFFFFFFF  }
0xbd: {  	_ =	strace $0x90000051  }
0xbe: {  	_ =	sfence  }
0xbf: {  	s30 =	sld [smem:$0x0];
	_ =	sdelay $0x2  }
0xc0: {  	s31 =	sshll.u32 s1, $0xD;
	s1 =	sshrl.u32 s1, $0x2  }
0xc1: {  	s3 =	sand.u32 $0x4000, s31;
	s1 =	sadd.s32 s1, s30  }
0xc2: {  	s0 =	sor.u32 s3, s0;
	s1 =	sshll.u32 s1, $0x11  }
0xc3: {  	s0 =	sor.u32 s1, s0  }
0xc4: {  	s0 =	sadd.s32 $0x8F2B, s0  }
0xc5: {  	[sflag:s0] =	ssyncadd.remote.s32 $0x1  }
0xc6: {  	_ =	sfence.sel $0xFFFF  }
0xc7: {  	[dreg:$0x0] =	wrdreg $0xFFFFFFFF;
	(pc) =	sbr.abs _section_cstart, $3  }
0xc8: {  	[dreg:$0x1] =	wrdreg $0xFFFFFFFF  }
0xc9: {  	_ =	task.clear_ibuf [dreg:s8], $0x2FFFF;
	_ =	strace $0x9FFFFFFF  }
0xca: {  	(tm) =	ssettm $0x7FFFFFFF  }
0xcb: {  	_ =	shalt  }
tec
execute0_lowered:
.L_overlay_start_1:
0x0: {  	(tag) =	ssettag $0x1  }
0x1: {  	s5 =	rddreg [dreg:$0x0]  }
0x2: {  	s1 =	rddreg [dreg:$0x1]  }
0x3: {  	s9 =	rddreg [dreg:$0x2]  }
0x4: {  	s3 =	rddreg [dreg:$0x3];
	s2 =	stileid.u32  }
0x5: {  	s4 =	srdreg.scid;
	s21 =	smul.u32 $0x2800, s2  }
0x6: {  	s0 =	rddreg [dreg:$0x4];
	s19 =	simm.s32 $0x50;
	s8 =	smul.u32 $0x50000, s2  }
0x7: {  	s20 =	simm.s32 $0x2;
	s6 =	sand.u32 $0x1, s4;
	s26 =	smul.u32 $0x2710, s2  }
0x8: {  	s4 =	simm.s32 $0x0;
	s11 =	sadd.s32 $0xF40C00, s5;
	s18 =	smul.u32 $0x27100, s2  }
0x9: {  	s24 =	sshll.u32 s2, $0x6;
	s7 =	sshll.u32 s6, $0x4;
	s14 =	smul.u32 $0x28000, s6  }
0xa: {  	[smem:$0x7FF] =	sst s4;
	s12 =	ssub.s32 $0x2, s6;
	s15 =	smul.u32 $0x271000, s6  }
0xb: {  	s17 =	smul.u32 $0x27100, s6;
	s6 =	sor.u32 $0x1C03, s24;
	s7 =	sor.u32 s2, s7  }
0xc: {  	_ =	strace $0x80000050;
	s5 =	sadd.s32 s21, s5;
	s10 =	smul.u32 $0x2710, s7  }
0xd: {  	s22 =	sshrl.u32 s12, $0x1;
	s23 =	sshrl.u32 s8, $0x2;
	s13 =	smul.u32 $0x27100, s7  }
0xe: {  	s12 =	ssub.s32 s12, s22;
	s16 =	sadd.s32 s23, s3;
	s5 =	sadd.s32 $0xA36C00, s5  }
0xf: {  	s28 =	sadd.s32 s26, s17;
	s22 =	sadd.s32 s9, s14;
	s14 =	simm.s32 $0x3  }
0x10: {  	s17 =	simm.s32 $0x2900;
	s30 =	sadd.s32 $0x50, s28;
	s9 =	smax.u32 s12, $0x1  }
0x11: {  	s21 =	sadd.s32 s21, s22;
	s22 =	simm.s32 $0x0;
	s25 =	sshrl.u32 s10, $0x3  }
0x12: {  	s8 =	sadd.s32 s11, s13;
	s11 =	sadd.s32 s15, s11;
	s31 =	sshrl.u32 s30, $0x3  }
0x13: {  	s13 =	sshrl.u32 s16, $0x3;
	s15 =	simm.s32 $0x100;
	s16 =	simm.s32 $0x80  }
0x14: {  	s7 =	sadd.s32 s1, s25;
	s29 =	sadd.s32 s18, s11;
	s11 =	sadd.s32 $0xA0, s28  }
0x15: {  	s12 =	sadd.s32 s31, s1;
	s18 =	simm.s32 $0x1;
	s10 =	sadd.s32 $0xA00, s29  }
.LBB2_1:
0x16: {  	[spmem:s13], [sflag:s6] =	dma.local [hbm:s5], $0x2800  }
0x17: {  	_ =	swait.ge [sflag:s14], $0x2800  }
0x18: {  	[sflag:s14] =	ssyncset.done $0x0  }
0x19: {  	[sflag:s14] =	ssyncadd.s32 $0xFFFFD800  }
0x1a: {  	[bflag:$0x0] =	sbarrier.arrive $0xFFFF  }
0x1b: {  	[tilespmem:s4], [sflag:$0x3] =	stream.linear.gather [hbm4b:s7+s4], $0x50, $0x38;
	[tilespmem:$0x19100] =	vst v63  }
0x1c: {  	_ =	swait.ge [sflag:s14], $0x50  }
0x1d: {  	[sflag:s14] =	ssyncset.done $0x0  }
0x1e: {  	[sflag:s14] =	ssyncadd.s32 $0xFFFFFFB0  }
0x1f: {  	[tilespmem:s15], [sflag:$0x1] =	stream.linear.gather [hbm4b:s8+s4], $0x2800, $0x38;
	[tilespmem:$0x19100] =	vst v63  }
0x20: {  	s23 =	sadd.s32 $0x0, s12  }
0x21: {  	[tilespmem:s16], [sflag:$0x3] =	stream.linear.gather [hbm4b:s23+s4], $0x50, $0x38;
	[tilespmem:$0x19100] =	vst v63  }
0x22: {  	_ =	swait.ge [sflag:s14], $0x50  }
0x23: {  	[sflag:s14] =	ssyncset.done $0x0  }
0x24: {  	s30 =	sadd.s32 $0xFFFFFB00, s10;
	[sflag:s14] =	ssyncadd.s32 $0xFFFFFFB0  }
0x25: {  	[tilespmem:s17], [sflag:$0x2] =	stream.linear.gather [hbm4b:s30+s4], $0x2800, $0x38;
	[tilespmem:$0x19100] =	vst v63  }
0x26: {  	_ =	swait.ge [sflag:s18], $0x2800  }
0x27: {  	[sflag:s18] =	ssyncset.done $0x0  }
0x28: {  	[sflag:s18] =	ssyncadd.s32 $0xFFFFD800  }
0x29: {  	[spmem:s3] =	stream.indirect.scatter.add.f32 [tilespmem:s15], [sflag:$0x3], $0x80, s4, s19, $0xb8;
	[tilespmem:$0x19100] =	vst v63  }
0x2a: {  	_ =	swait.ge [sflag:s14], $0x2800  }
0x2b: {  	s31 =	sshrl.u32 s11, $0x3;
	[sflag:s14] =	ssyncset.done $0x0  }
0x2c: {  	s23 =	sadd.s32 s1, s31;
	[sflag:s14] =	ssyncadd.s32 $0xFFFFD800  }
0x2d: {  	[tilespmem:s4], [sflag:$0x3] =	stream.linear.gather [hbm4b:s23+s4], $0x50, $0x38;
	[tilespmem:$0x19100] =	vst v63  }
0x2e: {  	_ =	swait.ge [sflag:s14], $0x50  }
0x2f: {  	[sflag:s14] =	ssyncset.done $0x0  }
0x30: {  	[sflag:s14] =	ssyncadd.s32 $0xFFFFFFB0  }
0x31: {  	[tilespmem:s15], [sflag:$0x1] =	stream.linear.gather [hbm4b:s10+s4], $0x2800, $0x38;
	[tilespmem:$0x19100] =	vst v63  }
0x32: {  	_ =	swait.ge [sflag:s20], $0x2800  }
0x33: {  	[sflag:s20] =	ssyncset.done $0x0  }
0x34: {  	[sflag:s20] =	ssyncadd.s32 $0xFFFFD800  }
0x35: {  	[spmem:s3] =	stream.indirect.scatter.add.f32 [tilespmem:s17], [sflag:$0x3], $0x80, s16, s19, $0xb8;
	[tilespmem:$0x19100] =	vst v63  }
0x36: {  	s25 =	simm.s32 $0x14;
	s26 =	simm.s32 $0x28;
	_ =	swait.ge [sflag:s14], $0x2800  }
0x37: {  	s24 =	sadd.s32 $0xA0, s11;
	s23 =	sadd.s32 $0xA00, s10;
	[sflag:s14] =	ssyncset.done $0x0  }
.LBB2_2:
0x38: {  	s28 =	sadd.s32 s25, s12  }
0x39: {  	[sflag:s14] =	ssyncadd.s32 $0xFFFFD800;
	s25 =	smov.u32 s26;
	s29 =	sadd.s32 $0x14, s26  }
0x3a: {  	[tilespmem:s16], [sflag:$0x3] =	stream.linear.gather [hbm4b:s28+s4], $0x50, $0x38;
	[tilespmem:$0x19100] =	vst v63  }
0x3b: {  	p0 =	sne.s32 s26, $0x4C4;
	_ =	swait.ge [sflag:s14], $0x50  }
0x3c: {  	[sflag:s14] =	ssyncset.done $0x0  }
0x3d: {  	s26 =	sadd.s32 $0xFFFFFB00, s23;
	[sflag:s14] =	ssyncadd.s32 $0xFFFFFFB0  }
0x3e: {  	[tilespmem:s17], [sflag:$0x2] =	stream.linear.gather [hbm4b:s26+s4], $0x2800, $0x38;
	[tilespmem:$0x19100] =	vst v63  }
0x3f: {  	_ =	swait.ge [sflag:s18], $0x2800  }
0x40: {  	[sflag:s18] =	ssyncset.done $0x0  }
0x41: {  	[sflag:s18] =	ssyncadd.s32 $0xFFFFD800  }
0x42: {  	[spmem:s3] =	stream.indirect.scatter.add.f32 [tilespmem:s15], [sflag:$0x3], $0x80, s4, s19, $0xb8;
	[tilespmem:$0x19100] =	vst v63  }
0x43: {  	_ =	swait.ge [sflag:s14], $0x2800  }
0x44: {  	s26 =	sshrl.u32 s24, $0x3;
	[sflag:s14] =	ssyncset.done $0x0  }
0x45: {  	s26 =	sadd.s32 s1, s26;
	[sflag:s14] =	ssyncadd.s32 $0xFFFFD800  }
0x46: {  	[tilespmem:s4], [sflag:$0x3] =	stream.linear.gather [hbm4b:s26+s4], $0x50, $0x38;
	[tilespmem:$0x19100] =	vst v63  }
0x47: {  	_ =	swait.ge [sflag:s14], $0x50  }
0x48: {  	[sflag:s14] =	ssyncset.done $0x0  }
0x49: {  	[sflag:s14] =	ssyncadd.s32 $0xFFFFFFB0  }
0x4a: {  	[tilespmem:s15], [sflag:$0x1] =	stream.linear.gather [hbm4b:s23+s4], $0x2800, $0x38;
	[tilespmem:$0x19100] =	vst v63  }
0x4b: {  	_ =	swait.ge [sflag:s20], $0x2800  }
.Ltmp0:
0x4c: {  	[sflag:s20] =	ssyncset.done $0x0;
	(pc) =	sbr.rel @p0 .LBB2_2-.Ltmp0, $4  }
0x4d: {  	[sflag:s20] =	ssyncadd.s32 $0xFFFFD800  }
0x4e: {  	[spmem:s3] =	stream.indirect.scatter.add.f32 [tilespmem:s17], [sflag:$0x3], $0x80, s16, s19, $0xb8;
	[tilespmem:$0x19100] =	vst v63  }
0x4f: {  	s24 =	sadd.s32 $0xA0, s24;
	_ =	swait.ge [sflag:s14], $0x2800  }
0x50: {  	s26 =	smov.u32 s29;
	s23 =	sadd.s32 $0xA00, s23;
	[sflag:s14] =	ssyncset.done $0x0  }
0x51: {  	s25 =	sadd.s32 s25, s12;
	[sflag:s14] =	ssyncadd.s32 $0xFFFFD800  }
0x52: {  	[tilespmem:s16], [sflag:$0x3] =	stream.linear.gather [hbm4b:s25+s4], $0x50, $0x38;
	[tilespmem:$0x19100] =	vst v63  }
0x53: {  	_ =	swait.ge [sflag:s14], $0x50  }
0x54: {  	[sflag:s14] =	ssyncset.done $0x0  }
0x55: {  	s31 =	sadd.s32 $0xFFFFFB00, s23;
	[sflag:s14] =	ssyncadd.s32 $0xFFFFFFB0  }
0x56: {  	[tilespmem:s17], [sflag:$0x2] =	stream.linear.gather [hbm4b:s31+s4], $0x2800, $0x38;
	[tilespmem:$0x19100] =	vst v63  }
0x57: {  	_ =	swait.ge [sflag:s18], $0x2800  }
0x58: {  	[sflag:s18] =	ssyncset.done $0x0  }
0x59: {  	[sflag:s18] =	ssyncadd.s32 $0xFFFFD800  }
0x5a: {  	[spmem:s3] =	stream.indirect.scatter.add.f32 [tilespmem:s15], [sflag:$0x3], $0x80, s4, s19, $0xb8;
	[tilespmem:$0x19100] =	vst v63  }
0x5b: {  	_ =	swait.ge [sflag:s14], $0x2800  }
0x5c: {  	s24 =	sshrl.u32 s24, $0x3;
	[sflag:s14] =	ssyncset.done $0x0  }
0x5d: {  	s24 =	sadd.s32 s1, s24;
	[sflag:s14] =	ssyncadd.s32 $0xFFFFD800  }
0x5e: {  	[tilespmem:s4], [sflag:$0x3] =	stream.linear.gather [hbm4b:s24+s4], $0x50, $0x38;
	[tilespmem:$0x19100] =	vst v63  }
0x5f: {  	_ =	swait.ge [sflag:s14], $0x50  }
0x60: {  	[sflag:s14] =	ssyncset.done $0x0  }
0x61: {  	[sflag:s14] =	ssyncadd.s32 $0xFFFFFFB0  }
0x62: {  	[tilespmem:s15], [sflag:$0x1] =	stream.linear.gather [hbm4b:s23+s4], $0x2800, $0x38;
	[tilespmem:$0x19100] =	vst v63  }
0x63: {  	_ =	swait.ge [sflag:s20], $0x2800  }
0x64: {  	[sflag:s20] =	ssyncset.done $0x0  }
0x65: {  	[sflag:s20] =	ssyncadd.s32 $0xFFFFD800  }
0x66: {  	[spmem:s3] =	stream.indirect.scatter.add.f32 [tilespmem:s17], [sflag:$0x3], $0x80, s16, s19, $0xb8;
	[tilespmem:$0x19100] =	vst v63  }
0x67: {  	_ =	swait.ge [sflag:s14], $0x2800  }
0x68: {  	[sflag:s14] =	ssyncset.done $0x0  }
0x69: {  	[sflag:s14] =	ssyncadd.s32 $0xFFFFD800  }
0x6a: {  	_ =	swait.ge [sflag:s18], $0x2800  }
0x6b: {  	[sflag:s18] =	ssyncset.done $0x0  }
0x6c: {  	[sflag:s18] =	ssyncadd.s32 $0xFFFFD800  }
0x6d: {  	[spmem:s3] =	stream.indirect.scatter.add.f32 [tilespmem:s15], [sflag:$0x3], $0x80, s4, s19, $0xb8;
	[tilespmem:$0x19100] =	vst v63  }
0x6e: {  	_ =	swait.ge [sflag:s14], $0x2800  }
0x6f: {  	s22 =	sadd.s32 $0x1, s22;
	[sflag:s14] =	ssyncset.done $0x0  }
0x70: {  	p0 =	sne.s32 s22, s9;
	[sflag:s14] =	ssyncadd.s32 $0xFFFFD800  }
.Ltmp1:
0x71: {  	[bflag:$0x0] =	sbarrier.arrive $0xFFFF;
	(pc) =	sbr.rel @p0 .LBB2_1-.Ltmp1, $4  }
0x72: {  	[hbm:s21], [sflag:s6] =	dma.local [spmem:s13], $0x2800  }
0x73: {  	_ =	swait.ge [sflag:s14], $0x2800  }
0x74: {  	[sflag:s14] =	ssyncset.done $0x0  }
0x75: {  	[sflag:s14] =	ssyncadd.s32 $0xFFFFD800  }
0x76: {  	_ =	sfence.sel $0x180000  }
0x77: {  	[bflag:$0x0] =	sbarrier.arrive $0xFFFF  }
0x78: {  	p0 =	sne.s32 s2, $0x0;
	_ =	strace $0x90000050  }
0x79: {  	s0 =	sadd.s32 @!p0 $0x100000, s0;
	[bflag:$0x2] =	sbarrier.arrive $0xFFFF  }
0x7a: {  	[sflag:s0] =	ssyncadd.tile.s32 @!p0 $0x1;
	_ =	shalt  }
.Lfunc_end2:
_tile_overlayer_lowered:
.L_overlay_start_2:
0x7b: {  	(tag) =	ssettag $0x2  }
0x7c: {  	s0 =	rddreg [dreg:$0x0];
	s2 =	stileid.u32  }
0x7d: {  	s1 =	rddreg [dreg:$0x1];
	p0 =	sne.s32 s2, $0x0  }
0x7e: {  	s3 =	rddreg [dreg:$0x2];
	[bflag:$0x3] =	sbarrier.arrive $0xFFFF;
	s2 =	simm.s32 @!p0 $0x1C03  }
0x7f: {  	[timem:s3], [sflag:s2] =	dma.local @!p0 [hbm:s0], s1  }
0x80: {  	s0 =	simm.s32 @!p0 $0x3  }
0x81: {  	_ =	swait.ge @!p0 [sflag:s0], s1  }
0x82: {  	s1 =	ssub.s32 @!p0 $0x0, s1;
	[sflag:s0] =	ssyncset.done @!p0 $0x0  }
0x83: {  	[sflag:s0] =	ssyncadd.s32 @!p0 s1  }
0x84: {  	[bflag:$0x3] =	sbarrier.arrive $0xFFFF  }
0x85: {  	_ =	shalt  }

// kernel: kernel.28.cloned.1.call-start
scs
__scs_entry_jumppad:
0x0: {  	(pc) =	sbr.rel $0x88, $3  }
0x1: {  	(tag) =	ssettag $0x0;
	lr =	simm.s32 $0x1  }
0x2: {  	[smem:$0x3F40] =	sst lr;
	_ =	strace $0xD0000000  }
0x3: {  	_ = 	snop  }
0x4: {  	_ = 	snop  }
0x5: {  	_ = 	snop  }
0x6: {  	_ = 	snop  }
0x7: {  	_ = 	snop  }
__scs_overlays_trampoline_lowered:
0x8: {  	[smem:$0x3F4F] =	sst s0  }
0x9: {  	[smem:$0x3F50] =	sst s1  }
0xa: {  	[smem:$0x3F51] =	sst s2  }
0xb: {  	[smem:$0x3F52] =	sst s3  }
0xc: {  	[smem:$0x3F53] =	sst s4  }
0xd: {  	[smem:$0x3F54] =	sst s5  }
0xe: {  	[smem:$0x3F55] =	sst s6  }
0xf: {  	[smem:$0x3F56] =	sst s7  }
0x10: {  	[smem:$0x3F57] =	sst s8  }
0x11: {  	[smem:$0x3F58] =	sst s9;
	s0 =	simm.s32 @!p0 $0x0  }
0x12: {  	s1 =	sld [smem:$0x3F3E];
	s0 =	simm.s32 @p0 $0x1  }
0x13: {  	[smem:$0x3F59] =	sst s0;
	s0 =	simm.s32 @!p1 $0x0  }
0x14: {  	s2 =	sld [smem:$0x3F3D];
	s0 =	simm.s32 @p1 $0x1  }
0x15: {  	[smem:$0x3F5A] =	sst s0;
	s0 =	simm.s32 @!p2 $0x0  }
0x16: {  	s3 =	sld [smem:$0x3FDB];
	s0 =	simm.s32 @p2 $0x1  }
0x17: {  	s4 =	simm.s32 $0x1BF5;
	[smem:$0x3F5C] =	sst s0  }
0x18: {  	s0 =	sld [smem:$0x3F3F];
	_ =	swait.ge [sflag:s4], $0x0  }
0x19: {  	s7 =	sld [smem:$0x3F40]  }
0x1a: {  	s8 =	sadd.s32 $0xFFFFE003, lr  }
0x1b: {  	s9 =	sadd.s32 $0xFFFFFEF7, lr;
	s5 =	simm.s32 $0xFFFFFFFF;
	p2 =	slt.u32 s8, $0xFFFFF086  }
0x1c: {  	p1 =	slt.u32 s9, $0xF7A;
	s5 =	simm.s32 @!p2 $0x0  }
0x1d: {  	s5 =	simm.s32 @p1 $0x1;
	p0 =	seq.s32 s7, s2  }
0x1e: {  	s7 =	smul.u32 @!p0 $0xF7A, s2;
	p2 =	seq.s32 @!p0 s5, $0x0  }
0x1f: {  	s9 =	smul.u32 $0xF7A, s1;
	s8 =	simm.s32 @!p0 $0x1BF5;
	p2 =	por !p2, p0  }
0x20: {  	[sflag:s8] =	ssyncset.s32 @!p0 $0xFFFFF086;
	s6 =	sadd.s32 @!p0 s3, s7;
	s7 =	simm.s32 @!p0 $0x108  }
0x21: {  	s3 =	sadd.s32 s3, s9;
	s6 =	sadd.s32 @!p0 $0x88, s6;
	s7 =	simm.s32 @p2 $0x1082  }
0x22: {  	[simem:s7], [sflag:s8] =	dma.local @!p0 [hbm:s6], $0xF7A  }
0x23: {  	s9 =	sor.u32 $0xD0000000, s2;
	s6 =	simm.s32 $0x108;
	_ =	swait.ge @!p0 [sflag:s8], $0x0  }
0x24: {  	s3 =	sadd.s32 $0x88, s3;
	s6 =	simm.s32 @!p1 $0x1082;
	[sflag:s4] =	ssyncset.s32 $0xFFFFF086  }
0x25: {  	[simem:s6], [sflag:s4] =	dma.local [hbm:s3], $0xF7A  }
0x26: {  	[smem:$0x3F40] =	sst s1;
	(tag) =	ssettag s2;
	_ =	strace s9  }
0x27: {  	s1 =	sld [smem:$0x3F50]  }
0x28: {  	s2 =	sld [smem:$0x3F51]  }
0x29: {  	s4 =	sld [smem:$0x3F53]  }
0x2a: {  	p0 =	seq.s32 s5, $0x0;
	s5 =	sld [smem:$0x3F54]  }
0x2b: {  	s6 =	sld [smem:$0x3F55]  }
0x2c: {  	s7 =	sld [smem:$0x3F56]  }
0x2d: {  	s3 =	simm.s32 $0x108;
	s8 =	sld [smem:$0x3F57]  }
0x2e: {  	s3 =	simm.s32 @!p0 $0x1082;
	s9 =	sld [smem:$0x3F58]  }
0x2f: {  	lr =	sadd.s32 s0, s3;
	s0 =	sld [smem:$0x3F4F]  }
0x30: {  	s3 =	sld [smem:$0x3F52]  }
0x31: {  	[smem:$0x3F5B] =	sst s10  }
0x32: {  	s10 =	sld [smem:$0x3F59];
	_ =	sdelay $0x3  }
0x33: {  	p0 =	seq.s32 s10, $0x1;
	s10 =	sld [smem:$0x3F5B];
	_ =	sdelay $0x3  }
0x34: {  	[smem:$0x3F5B] =	sst s10  }
0x35: {  	s10 =	sld [smem:$0x3F5A];
	_ =	sdelay $0x3  }
0x36: {  	p1 =	seq.s32 s10, $0x1;
	s10 =	sld [smem:$0x3F5B];
	_ =	sdelay $0x3  }
0x37: {  	[smem:$0x3F5B] =	sst s10  }
0x38: {  	s10 =	sld [smem:$0x3F5C]  }
0x39: {  	_ = 	snop;
	(pc) =	sbr.ind lr, $3  }
0x3a: {  	_ = 	snop  }
0x3b: {  	_ = 	snop  }
0x3c: {  	p2 =	seq.s32 s10, $0x1;
	s10 =	sld [smem:$0x3F5B]  }
0x3d: {  	_ =	shalt  }
0x3e: {  	_ =	shalt  }
0x3f: {  	_ =	shalt  }
0x40: {  	_ =	shalt  }
0x41: {  	_ =	shalt  }
0x42: {  	_ =	shalt  }
0x43: {  	_ =	shalt  }
0x44: {  	_ =	shalt  }
0x45: {  	_ =	shalt  }
0x46: {  	_ =	shalt  }
0x47: {  	_ =	shalt  }
0x48: {  	_ =	shalt  }
0x49: {  	_ =	shalt  }
0x4a: {  	_ =	shalt  }
0x4b: {  	_ =	shalt  }
0x4c: {  	_ =	shalt  }
0x4d: {  	_ =	shalt  }
0x4e: {  	_ =	shalt  }
0x4f: {  	_ =	shalt  }
0x50: {  	_ =	shalt  }
0x51: {  	_ =	shalt  }
0x52: {  	_ =	shalt  }
0x53: {  	_ =	shalt  }
0x54: {  	_ =	shalt  }
0x55: {  	_ =	shalt  }
0x56: {  	_ =	shalt  }
0x57: {  	_ =	shalt  }
0x58: {  	_ =	shalt  }
0x59: {  	_ =	shalt  }
0x5a: {  	_ =	shalt  }
0x5b: {  	_ =	shalt  }
0x5c: {  	_ =	shalt  }
0x5d: {  	_ =	shalt  }
0x5e: {  	_ =	shalt  }
0x5f: {  	_ =	shalt  }
0x60: {  	_ =	shalt  }
0x61: {  	_ =	shalt  }
0x62: {  	_ =	shalt  }
0x63: {  	_ =	shalt  }
0x64: {  	_ =	shalt  }
0x65: {  	_ =	shalt  }
0x66: {  	_ =	shalt  }
0x67: {  	_ =	shalt  }
0x68: {  	_ =	shalt  }
0x69: {  	_ =	shalt  }
0x6a: {  	_ =	shalt  }
0x6b: {  	_ =	shalt  }
0x6c: {  	_ =	shalt  }
0x6d: {  	_ =	shalt  }
0x6e: {  	_ =	shalt  }
0x6f: {  	_ =	shalt  }
0x70: {  	_ =	shalt  }
0x71: {  	_ =	shalt  }
0x72: {  	_ =	shalt  }
0x73: {  	_ =	shalt  }
0x74: {  	_ =	shalt  }
0x75: {  	_ =	shalt  }
0x76: {  	_ =	shalt  }
0x77: {  	_ =	shalt  }
0x78: {  	_ =	shalt  }
0x79: {  	_ =	shalt  }
0x7a: {  	_ =	shalt  }
0x7b: {  	_ =	shalt  }
0x7c: {  	_ =	shalt  }
0x7d: {  	_ =	shalt  }
0x7e: {  	_ =	shalt  }
0x7f: {  	_ =	shalt  }
0x80: {  	_ =	shalt  }
0x81: {  	_ =	shalt  }
0x82: {  	_ =	shalt  }
0x83: {  	_ =	shalt  }
0x84: {  	_ =	shalt  }
0x85: {  	_ =	shalt  }
0x86: {  	_ =	shalt  }
0x87: {  	_ =	shalt  }
.Lfunc_end0:
.L_simem_size_0:
called_computation.4_lowered:
.L_overlay_start_0:
0x88: {  	s2 =	sld [smem:$0x3FD9]  }
0x89: {  	s3 =	sld [smem:$0x3FFE];
	_ =	sdelay $0x1  }
0x8a: {  	s1 =	srdreg.scid  }
0x8b: {  	s0 =	sand.u32 $0x1, s1  }
0x8c: {  	s14 =	sshll.u32 s0, $0xA;
	s2 =	sadd.s32 s3, s2  }
0x8d: {  	s2 =	sadd.s32 s2, s14  }
0x8e: {  	[smem:$0x3F67] =	sst s2  }
0x8f: {  	_ = 	snop  }
0x90: {  	s2 =	sld [smem:$0x3FD0];
	_ =	sdelay $0x2  }
0x91: {  	s15 =	simm.s32 $0xA;
	s4 =	simm.s32 $0x10  }
0x92: {  	[smem:s4], [sflag:s15] =	dma.local [hbm:s2], $0x1  }
0x93: {  	_ =	swait.eq [sflag:s15], $0x1  }
0x94: {  	[sflag:s15] =	ssyncset.done $0x0  }
0x95: {  	s16 =	sld [smem:$0x10];
	[sflag:s15] =	ssyncadd.s32 $0xFFFFFFFF  }
0x96: {  	s17 =	sld [smem:$0x11];
	(tm) =	ssettm $0x1  }
0x97: {  	s18 =	sld [smem:$0x3FFB];
	_ =	sdelay $0x3  }
0x98: {  	_ =	strace s18  }
0x99: {  	s4 =	sld [smem:$0x3FFC];
	_ =	sdelay $0x3  }
0x9a: {  	_ =	strace s4  }
0x9b: {  	s4 =	sld [smem:$0x3FFD];
	_ =	sdelay $0x3  }
0x9c: {  	_ =	strace s4  }
0x9d: {  	_ =	strace $0x8FFFFFFF  }
0x9e: {  	s19 =	sld [smem:$0x3FDB];
	_ =	sdelay $0x1  }
0x9f: {  	s5 =	simm.s32 $_scs_section_size  }
0xa0: {  	s6 =	simm.s32 $_size__tile_overlayer_lowered;
	s7 =	simm.s32 $_tile_overlayer_lowered  }
0xa1: {  	s22 =	simm.s32 $0x1BFF;
	s21 =	sshll.u32 s7, $0x1;
	s4 =	sadd.s32 s5, s19  }
0xa2: {  	s8 =	simm.s32 $0x0;
	s20 =	sshll.u32 s6, $0x1;
	s6 =	sadd.s32 s21, s4  }
0xa3: {  	[timem:s8], [sflag:s22] =	dma.local [hbm:s6], s20  }
0xa4: {  	_ =	swait.ge [sflag:s22], s20  }
0xa5: {  	s5 =	ssub.s32 $0x0, s20;
	[sflag:s22] =	ssyncset.done $0x0  }
0xa6: {  	[sflag:s22] =	ssyncadd.s32 s5;
	_ =	sdelay $0x1  }
0xa7: {  	s23 =	simm.s32 $0x1B8B  }
0xa8: {  	_ =	swait.ge [sflag:s23], $0x1  }
0xa9: {  	[sflag:s23] =	ssyncset.done $0x0  }
0xaa: {  	s25 =	simm.s32 $0x1B8E;
	s24 =	sld [smem:$0x3FFE];
	[sflag:s23] =	ssyncadd.s32 $0xFFFFFFFF  }
0xab: {  	s26 =	simm.s32 $execute0_lowered;
	[smem:$0x3FD2] =	sst s25  }
0xac: {  	s6 =	sshll.u32 s26, $0x1;
	_ =	strace $0x80000052;
	[dreg:$0x1] =	wrdreg $0xFFFFFFFF  }
0xad: {  	s28 =	simm.s32 $_size_execute0_lowered;
	s4 =	sadd.s32 s4, s6;
	[dreg:$0x0] =	wrdreg $0x0  }
0xae: {  	s6 =	sshll.u32 s28, $0x1;
	[dreg:$0x2] =	wrdreg s4  }
0xaf: {  	[dreg:$0x3] =	wrdreg s6  }
0xb0: {  	[dreg:$0x4] =	wrdreg $0xC0  }
0xb1: {  	_ =	task [dreg:s8], $0x5FFFF  }
0xb2: {  	[dreg:$0x1] =	wrdreg $0xFFFFFFFF  }
0xb3: {  	[dreg:$0x0] =	wrdreg $0x60  }
0xb4: {  	[dreg:$0x2] =	wrdreg s17  }
0xb5: {  	[dreg:$0x3] =	wrdreg s24  }
0xb6: {  	[dreg:$0x4] =	wrdreg s16  }
0xb7: {  	[dreg:$0x5] =	wrdreg $0x9  }
0xb8: {  	_ =	task.clear_ibuf [dreg:s8], $0x6FFFF;
	_ =	strace $0x90000052  }
0xb9: {  	s29 =	simm.s32 $0x9;
	_ =	strace $0x80000054  }
0xba: {  	_ =	swait.ge [sflag:s29], $0x1  }
0xbb: {  	[sflag:s29] =	ssyncadd.s32 $0xFFFFFFFF  }
0xbc: {  	_ =	strace $0x90000054  }
0xbd: {  	_ =	sfence  }
0xbe: {  	s30 =	sld [smem:$0x0];
	_ =	sdelay $0x2  }
0xbf: {  	s31 =	sshll.u32 s1, $0xD;
	s1 =	sshrl.u32 s1, $0x2  }
0xc0: {  	s3 =	sand.u32 $0x4000, s31;
	s1 =	sadd.s32 s1, s30  }
0xc1: {  	s0 =	sor.u32 s3, s0;
	s1 =	sshll.u32 s1, $0x11  }
0xc2: {  	s0 =	sor.u32 s1, s0  }
0xc3: {  	s0 =	sadd.s32 $0x8F2B, s0  }
0xc4: {  	[sflag:s0] =	ssyncadd.remote.s32 $0x1  }
0xc5: {  	_ =	sfence.sel $0xFFFF  }
0xc6: {  	[dreg:$0x0] =	wrdreg $0xFFFFFFFF;
	(pc) =	sbr.abs _section_cstart, $3  }
0xc7: {  	[dreg:$0x1] =	wrdreg $0xFFFFFFFF  }
0xc8: {  	_ =	task.clear_ibuf [dreg:s8], $0x2FFFF;
	_ =	strace $0x9FFFFFFF  }
0xc9: {  	(tm) =	ssettm $0x7FFFFFFF  }
tec
execute0_lowered:
.L_overlay_start_1:
0x0: {  	(tag) =	ssettag $0x1  }
0x1: {  	s1 =	rddreg [dreg:$0x0]  }
0x2: {  	s5 =	rddreg [dreg:$0x1];
	s2 =	srdreg.scid  }
0x3: {  	s0 =	stileid.u32;
	s6 =	rddreg [dreg:$0x2]  }
0x4: {  	s3 =	simm.s32 $0x0;
	s16 =	simm.s32 $0x7700;
	s17 =	simm.s32 $0x9F00  }
0x5: {  	s18 =	simm.s32 $0xC700;
	s19 =	simm.s32 $0x1;
	s20 =	simm.s32 $0x2  }
0x6: {  	s21 =	simm.s32 $0x3;
	s22 =	simm.s32 $0x4;
	s23 =	simm.s32 $0x0  }
0x7: {  	s8 =	sand.u32 $0x1, s2;
	s4 =	sshll.u32 s0, $0x1;
	s2 =	rddreg [dreg:$0x3]  }
0x8: {  	[smem:$0x7FF] =	sst s3;
	s12 =	sadd.s32 $0x70E00, s5;
	s29 =	smul.u32 $0x4E200, s0  }
0x9: {  	s14 =	sadd.s32 $0xA5EC00, s5;
	s7 =	sor.u32 s8, s4;
	s15 =	smul.u32 $0x27100, s8  }
0xa: {  	_ =	strace $0x80000053;
	s10 =	ssub.s32 $0x2, s8;
	s9 =	smul.u32 $0x2710, s7  }
0xb: {  	s4 =	sadd.s32 $0x22A00, s5;
	s7 =	smul.u32 $0x138800, s7;
	s13 =	sshrl.u32 s10, $0x1  }
0xc: {  	s30 =	sadd.s32 s29, s12;
	s31 =	sadd.s32 s29, s14;
	s10 =	ssub.s32 s10, s13  }
0xd: {  	s13 =	simm.s32 $0x2780;
	s9 =	sshrl.u32 s9, $0x3;
	s7 =	sshrl.u32 s7, $0x3  }
0xe: {  	s11 =	sadd.s32 s9, s5;
	s28 =	sadd.s32 $0x26C00, s7;
	s6 =	sadd.s32 s6, s9  }
0xf: {  	s9 =	smax.u32 s10, $0x1;
	s10 =	sadd.s32 s15, s30;
	s5 =	sadd.s32 $0x17000, s11  }
0x10: {  	s7 =	sadd.s32 s12, s28;
	s8 =	sadd.s32 s14, s28;
	s11 =	sadd.s32 s15, s31  }
0x11: {  	s12 =	simm.s32 $0x5;
	s14 =	simm.s32 $0x50;
	s15 =	simm.s32 $0x4F00  }
.LBB2_1:
0x12: {  	[tilespmem:s3], [sflag:$0x5] =	stream.linear.gather [hbm4b:s5+s3], $0x2710, $0x38;
	[tilespmem:$0xEF00] =	vst v63  }
0x13: {  	_ =	swait.ge [sflag:s12], $0x2710  }
0x14: {  	[sflag:s12] =	ssyncset.done $0x0  }
0x15: {  	[sflag:s12] =	ssyncadd.s32 $0xFFFFD8F0  }
0x16: {  	[tilespmem:s13], [sflag:$0x5] =	stream.linear.gather [hbm4b:s6+s3], $0x2710, $0x38;
	[tilespmem:$0xEF00] =	vst v63  }
0x17: {  	_ =	swait.ge [sflag:s12], $0x2710  }
0x18: {  	[sflag:s12] =	ssyncset.done $0x0  }
0x19: {  	[sflag:s12] =	ssyncadd.s32 $0xFFFFD8F0  }
0x1a: {  	[tilespmem:s15], [sflag:$0x1] =	stream.indirect.gather [hbm4b:s1+s14], $0x80, s3, s14, $0xb8;
	[tilespmem:$0xEF00] =	vst v63  }
0x1b: {  	_ = 	snop  }
0x1c: {  	[tilespmem:s16], [sflag:$0x2] =	stream.indirect.gather [hbm4b:s4+s14], $0x80, s13, s14, $0xb8;
	[tilespmem:$0xEF00] =	vst v63  }
0x1d: {  	s24 =	simm.s32 $0x50  }
0x1e: {  	[tilespmem:s17], [sflag:$0x3] =	stream.indirect.gather [hbm4b:s1+s14], $0x80, s24, s14, $0xb8;
	[tilespmem:$0xEF00] =	vst v63  }
0x1f: {  	s25 =	simm.s32 $0x27D0  }
0x20: {  	[tilespmem:s18], [sflag:$0x4] =	stream.indirect.gather [hbm4b:s4+s14], $0x80, s25, s14, $0xb8;
	[tilespmem:$0xEF00] =	vst v63  }
0x21: {  	_ =	swait.ge [sflag:s19], $0x2800  }
0x22: {  	[sflag:s19] =	ssyncset.done $0x0  }
0x23: {  	[sflag:s19] =	ssyncadd.s32 $0xFFFFD800  }
0x24: {  	_ =	swait.ge [sflag:s20], $0x2800  }
0x25: {  	[sflag:s20] =	ssyncset.done $0x0  }
0x26: {  	[sflag:s20] =	ssyncadd.s32 $0xFFFFD800  }
0x27: {  	[hbm4b:s10+s3] =	stream.linear.scatter [tilespmem:s15], [sflag:$0x5], $0x2800, $0x38;
	[tilespmem:$0xEF00] =	vst v63  }
0x28: {  	_ =	swait.ge [sflag:s12], $0x2800  }
0x29: {  	[sflag:s12] =	ssyncset.done $0x0  }
0x2a: {  	[sflag:s12] =	ssyncadd.s32 $0xFFFFD800  }
0x2b: {  	[hbm4b:s11+s3] =	stream.linear.scatter [tilespmem:s16], [sflag:$0x5], $0x2800, $0x38;
	[tilespmem:$0xEF00] =	vst v63  }
0x2c: {  	_ =	swait.ge [sflag:s12], $0x2800  }
0x2d: {  	[sflag:s12] =	ssyncset.done $0x0  }
0x2e: {  	s26 =	simm.s32 $0xA0;
	[sflag:s12] =	ssyncadd.s32 $0xFFFFD800  }
0x2f: {  	[tilespmem:s15], [sflag:$0x1] =	stream.indirect.gather [hbm4b:s1+s14], $0x80, s26, s14, $0xb8;
	[tilespmem:$0xEF00] =	vst v63  }
0x30: {  	s28 =	simm.s32 $0x2820  }
0x31: {  	[tilespmem:s16], [sflag:$0x2] =	stream.indirect.gather [hbm4b:s4+s14], $0x80, s28, s14, $0xb8;
	[tilespmem:$0xEF00] =	vst v63  }
0x32: {  	_ =	swait.ge [sflag:s21], $0x2800  }
0x33: {  	[sflag:s21] =	ssyncset.done $0x0  }
0x34: {  	[sflag:s21] =	ssyncadd.s32 $0xFFFFD800  }
0x35: {  	_ =	swait.ge [sflag:s22], $0x2800  }
0x36: {  	[sflag:s22] =	ssyncset.done $0x0  }
0x37: {  	s29 =	sadd.s32 $0x500, s10;
	[sflag:s22] =	ssyncadd.s32 $0xFFFFD800  }
0x38: {  	[hbm4b:s29+s3] =	stream.linear.scatter [tilespmem:s17], [sflag:$0x5], $0x2800, $0x38;
	[tilespmem:$0xEF00] =	vst v63  }
0x39: {  	_ =	swait.ge [sflag:s12], $0x2800  }
0x3a: {  	[sflag:s12] =	ssyncset.done $0x0  }
0x3b: {  	s31 =	sadd.s32 $0x500, s11;
	[sflag:s12] =	ssyncadd.s32 $0xFFFFD800  }
0x3c: {  	[hbm4b:s31+s3] =	stream.linear.scatter [tilespmem:s18], [sflag:$0x5], $0x2800, $0x38;
	[tilespmem:$0xEF00] =	vst v63  }
0x3d: {  	s30 =	simm.s32 $0x500;
	s24 =	sadd.s32 $0xA00, s11;
	_ =	swait.ge [sflag:s12], $0x2800  }
0x3e: {  	s25 =	sadd.s32 $0xA00, s10;
	s26 =	simm.s32 $0xA0;
	[sflag:s12] =	ssyncset.done $0x0  }
.LBB2_2:
0x3f: {  	s31 =	sadd.s32 $0x50, s26  }
0x40: {  	[sflag:s12] =	ssyncadd.s32 $0xFFFFD800;
	s29 =	smov.u32 s30;
	s28 =	sadd.s32 $0x280, s30  }
0x41: {  	[tilespmem:s17], [sflag:$0x3] =	stream.indirect.gather [hbm4b:s1+s14], $0x80, s31, s14, $0xb8;
	[tilespmem:$0xEF00] =	vst v63  }
0x42: {  	p0 =	sne.s32 s30, $0x9880;
	s30 =	sadd.s32 $0x27D0, s26  }
0x43: {  	[tilespmem:s18], [sflag:$0x4] =	stream.indirect.gather [hbm4b:s4+s14], $0x80, s30, s14, $0xb8;
	[tilespmem:$0xEF00] =	vst v63  }
0x44: {  	_ =	swait.ge [sflag:s19], $0x2800  }
0x45: {  	[sflag:s19] =	ssyncset.done $0x0  }
0x46: {  	[sflag:s19] =	ssyncadd.s32 $0xFFFFD800  }
0x47: {  	_ =	swait.ge [sflag:s20], $0x2800  }
0x48: {  	[sflag:s20] =	ssyncset.done $0x0  }
0x49: {  	[sflag:s20] =	ssyncadd.s32 $0xFFFFD800  }
0x4a: {  	[hbm4b:s25+s3] =	stream.linear.scatter [tilespmem:s15], [sflag:$0x5], $0x2800, $0x38;
	[tilespmem:$0xEF00] =	vst v63  }
0x4b: {  	_ =	swait.ge [sflag:s12], $0x2800  }
0x4c: {  	[sflag:s12] =	ssyncset.done $0x0  }
0x4d: {  	[sflag:s12] =	ssyncadd.s32 $0xFFFFD800  }
0x4e: {  	[hbm4b:s24+s3] =	stream.linear.scatter [tilespmem:s16], [sflag:$0x5], $0x2800, $0x38;
	[tilespmem:$0xEF00] =	vst v63  }
0x4f: {  	_ =	swait.ge [sflag:s12], $0x2800  }
0x50: {  	[sflag:s12] =	ssyncset.done $0x0  }
0x51: {  	s30 =	sadd.s32 $0xA0, s26;
	[sflag:s12] =	ssyncadd.s32 $0xFFFFD800  }
0x52: {  	[tilespmem:s15], [sflag:$0x1] =	stream.indirect.gather [hbm4b:s1+s14], $0x80, s30, s14, $0xb8;
	[tilespmem:$0xEF00] =	vst v63  }
0x53: {  	s26 =	sadd.s32 $0x2820, s26  }
0x54: {  	[tilespmem:s16], [sflag:$0x2] =	stream.indirect.gather [hbm4b:s4+s14], $0x80, s26, s14, $0xb8;
	[tilespmem:$0xEF00] =	vst v63  }
0x55: {  	_ =	swait.ge [sflag:s21], $0x2800  }
0x56: {  	[sflag:s21] =	ssyncset.done $0x0  }
0x57: {  	[sflag:s21] =	ssyncadd.s32 $0xFFFFD800  }
0x58: {  	_ =	swait.ge [sflag:s22], $0x2800  }
0x59: {  	[sflag:s22] =	ssyncset.done $0x0  }
0x5a: {  	s26 =	sadd.s32 $0x500, s25;
	[sflag:s22] =	ssyncadd.s32 $0xFFFFD800  }
0x5b: {  	[hbm4b:s26+s3] =	stream.linear.scatter [tilespmem:s17], [sflag:$0x5], $0x2800, $0x38;
	[tilespmem:$0xEF00] =	vst v63  }
0x5c: {  	_ =	swait.ge [sflag:s12], $0x2800  }
.Ltmp0:
0x5d: {  	[sflag:s12] =	ssyncset.done $0x0;
	(pc) =	sbr.rel @p0 .LBB2_2-.Ltmp0, $4  }
0x5e: {  	s26 =	sadd.s32 $0x500, s24;
	[sflag:s12] =	ssyncadd.s32 $0xFFFFD800  }
0x5f: {  	[hbm4b:s26+s3] =	stream.linear.scatter [tilespmem:s18], [sflag:$0x5], $0x2800, $0x38;
	[tilespmem:$0xEF00] =	vst v63  }
0x60: {  	s30 =	smov.u32 s28;
	s24 =	sadd.s32 $0xA00, s24;
	_ =	swait.ge [sflag:s12], $0x2800  }
0x61: {  	s25 =	sadd.s32 $0xA00, s25;
	s26 =	sshra.s32 s29, $0x2;
	[sflag:s12] =	ssyncset.done $0x0  }
0x62: {  	s28 =	sadd.s32 $0x50, s26;
	[sflag:s12] =	ssyncadd.s32 $0xFFFFD800  }
0x63: {  	[tilespmem:s17], [sflag:$0x3] =	stream.indirect.gather [hbm4b:s1+s14], $0x80, s28, s14, $0xb8;
	[tilespmem:$0xEF00] =	vst v63  }
0x64: {  	s30 =	sadd.s32 $0x27D0, s26  }
0x65: {  	[tilespmem:s18], [sflag:$0x4] =	stream.indirect.gather [hbm4b:s4+s14], $0x80, s30, s14, $0xb8;
	[tilespmem:$0xEF00] =	vst v63  }
0x66: {  	_ =	swait.ge [sflag:s19], $0x2800  }
0x67: {  	[sflag:s19] =	ssyncset.done $0x0  }
0x68: {  	[sflag:s19] =	ssyncadd.s32 $0xFFFFD800  }
0x69: {  	_ =	swait.ge [sflag:s20], $0x2800  }
0x6a: {  	[sflag:s20] =	ssyncset.done $0x0  }
0x6b: {  	[sflag:s20] =	ssyncadd.s32 $0xFFFFD800  }
0x6c: {  	[hbm4b:s25+s3] =	stream.linear.scatter [tilespmem:s15], [sflag:$0x5], $0x2800, $0x38;
	[tilespmem:$0xEF00] =	vst v63  }
0x6d: {  	_ =	swait.ge [sflag:s12], $0x2800  }
0x6e: {  	[sflag:s12] =	ssyncset.done $0x0  }
0x6f: {  	[sflag:s12] =	ssyncadd.s32 $0xFFFFD800  }
0x70: {  	[hbm4b:s24+s3] =	stream.linear.scatter [tilespmem:s16], [sflag:$0x5], $0x2800, $0x38;
	[tilespmem:$0xEF00] =	vst v63  }
0x71: {  	_ =	swait.ge [sflag:s12], $0x2800  }
0x72: {  	[sflag:s12] =	ssyncset.done $0x0  }
0x73: {  	s31 =	sadd.s32 $0xA0, s26;
	[sflag:s12] =	ssyncadd.s32 $0xFFFFD800  }
0x74: {  	[tilespmem:s15], [sflag:$0x1] =	stream.indirect.gather [hbm4b:s1+s14], $0x80, s31, s14, $0xb8;
	[tilespmem:$0xEF00] =	vst v63  }
0x75: {  	s29 =	sadd.s32 $0x2820, s26  }
0x76: {  	[tilespmem:s16], [sflag:$0x2] =	stream.indirect.gather [hbm4b:s4+s14], $0x80, s29, s14, $0xb8;
	[tilespmem:$0xEF00] =	vst v63  }
0x77: {  	_ =	swait.ge [sflag:s21], $0x2800  }
0x78: {  	[sflag:s21] =	ssyncset.done $0x0  }
0x79: {  	[sflag:s21] =	ssyncadd.s32 $0xFFFFD800  }
0x7a: {  	_ =	swait.ge [sflag:s22], $0x2800  }
0x7b: {  	[sflag:s22] =	ssyncset.done $0x0  }
0x7c: {  	s30 =	sadd.s32 $0x500, s25;
	[sflag:s22] =	ssyncadd.s32 $0xFFFFD800  }
0x7d: {  	[hbm4b:s30+s3] =	stream.linear.scatter [tilespmem:s17], [sflag:$0x5], $0x2800, $0x38;
	[tilespmem:$0xEF00] =	vst v63  }
0x7e: {  	_ =	swait.ge [sflag:s12], $0x2800  }
0x7f: {  	[sflag:s12] =	ssyncset.done $0x0  }
0x80: {  	s31 =	sadd.s32 $0x500, s24;
	[sflag:s12] =	ssyncadd.s32 $0xFFFFD800  }
0x81: {  	[hbm4b:s31+s3] =	stream.linear.scatter [tilespmem:s18], [sflag:$0x5], $0x2800, $0x38;
	[tilespmem:$0xEF00] =	vst v63  }
0x82: {  	_ =	swait.ge [sflag:s12], $0x2800  }
0x83: {  	[sflag:s12] =	ssyncset.done $0x0  }
0x84: {  	[sflag:s12] =	ssyncadd.s32 $0xFFFFD800  }
0x85: {  	_ =	swait.ge [sflag:s19], $0x2800  }
0x86: {  	[sflag:s19] =	ssyncset.done $0x0  }
0x87: {  	[sflag:s19] =	ssyncadd.s32 $0xFFFFD800  }
0x88: {  	_ =	swait.ge [sflag:s20], $0x2800  }
0x89: {  	[sflag:s20] =	ssyncset.done $0x0  }
0x8a: {  	[sflag:s20] =	ssyncadd.s32 $0xFFFFD800  }
0x8b: {  	[hbm4b:s7+s3] =	stream.linear.scatter [tilespmem:s15], [sflag:$0x5], $0x2800, $0x38;
	[tilespmem:$0xEF00] =	vst v63  }
0x8c: {  	s23 =	sadd.s32 $0x1, s23;
	_ =	swait.ge [sflag:s12], $0x2800  }
0x8d: {  	p0 =	sne.s32 s23, s9;
	[sflag:s12] =	ssyncset.done $0x0  }
.Ltmp1:
0x8e: {  	[sflag:s12] =	ssyncadd.s32 $0xFFFFD800;
	(pc) =	sbr.rel @p0 .LBB2_1-.Ltmp1, $4  }
0x8f: {  	[hbm4b:s8+s3] =	stream.linear.scatter [tilespmem:s16], [sflag:$0x5], $0x2800, $0x38;
	[tilespmem:$0xEF00] =	vst v63  }
0x90: {  	_ =	swait.ge [sflag:s12], $0x2800  }
0x91: {  	[sflag:s12] =	ssyncset.done $0x0  }
0x92: {  	[sflag:s12] =	ssyncadd.s32 $0xFFFFD800  }
0x93: {  	_ =	sfence.sel $0x180000  }
0x94: {  	[bflag:$0x0] =	sbarrier.arrive $0xFFFF  }
0x95: {  	p0 =	sne.s32 s0, $0x0;
	_ =	strace $0x90000053  }
0x96: {  	s0 =	sadd.s32 @!p0 $0x100000, s2;
	[bflag:$0x2] =	sbarrier.arrive $0xFFFF  }
0x97: {  	[sflag:s0] =	ssyncadd.tile.s32 @!p0 $0x1;
	_ =	shalt  }
.Lfunc_end2:
_tile_overlayer_lowered:
.L_overlay_start_2:
0x98: {  	(tag) =	ssettag $0x2  }
0x99: {  	s0 =	rddreg [dreg:$0x0];
	s2 =	stileid.u32  }
0x9a: {  	s1 =	rddreg [dreg:$0x1];
	p0 =	sne.s32 s2, $0x0  }
0x9b: {  	s3 =	rddreg [dreg:$0x2];
	[bflag:$0x3] =	sbarrier.arrive $0xFFFF;
	s2 =	simm.s32 @!p0 $0x1C05  }
0x9c: {  	[timem:s3], [sflag:s2] =	dma.local @!p0 [hbm:s0], s1  }
0x9d: {  	s0 =	simm.s32 @!p0 $0x5  }
0x9e: {  	_ =	swait.ge @!p0 [sflag:s0], s1  }
0x9f: {  	s1 =	ssub.s32 @!p0 $0x0, s1;
	[sflag:s0] =	ssyncset.done @!p0 $0x0  }
0xa0: {  	[sflag:s0] =	ssyncadd.s32 @!p0 s1  }
0xa1: {  	[bflag:$0x3] =	sbarrier.arrive $0xFFFF  }
0xa2: {  	_ =	shalt  }

// kernel: kernel.31.cloned.1.call-start
scs
__scs_entry_jumppad:
0x0: {  	(pc) =	sbr.rel $0x88, $3  }
0x1: {  	(tag) =	ssettag $0x0;
	lr =	simm.s32 $0x1  }
0x2: {  	[smem:$0x3F40] =	sst lr;
	_ =	strace $0xD0000000  }
0x3: {  	_ = 	snop  }
0x4: {  	_ = 	snop  }
0x5: {  	_ = 	snop  }
0x6: {  	_ = 	snop  }
0x7: {  	_ = 	snop  }
__scs_overlays_trampoline_lowered:
0x8: {  	[smem:$0x3F4F] =	sst s0  }
0x9: {  	[smem:$0x3F50] =	sst s1  }
0xa: {  	[smem:$0x3F51] =	sst s2  }
0xb: {  	[smem:$0x3F52] =	sst s3  }
0xc: {  	[smem:$0x3F53] =	sst s4  }
0xd: {  	[smem:$0x3F54] =	sst s5  }
0xe: {  	[smem:$0x3F55] =	sst s6  }
0xf: {  	[smem:$0x3F56] =	sst s7  }
0x10: {  	[smem:$0x3F57] =	sst s8  }
0x11: {  	[smem:$0x3F58] =	sst s9;
	s0 =	simm.s32 @!p0 $0x0  }
0x12: {  	s1 =	sld [smem:$0x3F3E];
	s0 =	simm.s32 @p0 $0x1  }
0x13: {  	[smem:$0x3F59] =	sst s0;
	s0 =	simm.s32 @!p1 $0x0  }
0x14: {  	s2 =	sld [smem:$0x3F3D];
	s0 =	simm.s32 @p1 $0x1  }
0x15: {  	[smem:$0x3F5A] =	sst s0;
	s0 =	simm.s32 @!p2 $0x0  }
0x16: {  	s3 =	sld [smem:$0x3FDB];
	s0 =	simm.s32 @p2 $0x1  }
0x17: {  	s4 =	simm.s32 $0x1BF5;
	[smem:$0x3F5C] =	sst s0  }
0x18: {  	s0 =	sld [smem:$0x3F3F];
	_ =	swait.ge [sflag:s4], $0x0  }
0x19: {  	s7 =	sld [smem:$0x3F40]  }
0x1a: {  	s8 =	sadd.s32 $0xFFFFE003, lr  }
0x1b: {  	s9 =	sadd.s32 $0xFFFFFEF7, lr;
	s5 =	simm.s32 $0xFFFFFFFF;
	p2 =	slt.u32 s8, $0xFFFFF086  }
0x1c: {  	p1 =	slt.u32 s9, $0xF7A;
	s5 =	simm.s32 @!p2 $0x0  }
0x1d: {  	s5 =	simm.s32 @p1 $0x1;
	p0 =	seq.s32 s7, s2  }
0x1e: {  	s7 =	smul.u32 @!p0 $0xF7A, s2;
	p2 =	seq.s32 @!p0 s5, $0x0  }
0x1f: {  	s9 =	smul.u32 $0xF7A, s1;
	s8 =	simm.s32 @!p0 $0x1BF5;
	p2 =	por !p2, p0  }
0x20: {  	[sflag:s8] =	ssyncset.s32 @!p0 $0xFFFFF086;
	s6 =	sadd.s32 @!p0 s3, s7;
	s7 =	simm.s32 @!p0 $0x108  }
0x21: {  	s3 =	sadd.s32 s3, s9;
	s6 =	sadd.s32 @!p0 $0x88, s6;
	s7 =	simm.s32 @p2 $0x1082  }
0x22: {  	[simem:s7], [sflag:s8] =	dma.local @!p0 [hbm:s6], $0xF7A  }
0x23: {  	s9 =	sor.u32 $0xD0000000, s2;
	s6 =	simm.s32 $0x108;
	_ =	swait.ge @!p0 [sflag:s8], $0x0  }
0x24: {  	s3 =	sadd.s32 $0x88, s3;
	s6 =	simm.s32 @!p1 $0x1082;
	[sflag:s4] =	ssyncset.s32 $0xFFFFF086  }
0x25: {  	[simem:s6], [sflag:s4] =	dma.local [hbm:s3], $0xF7A  }
0x26: {  	[smem:$0x3F40] =	sst s1;
	(tag) =	ssettag s2;
	_ =	strace s9  }
0x27: {  	s1 =	sld [smem:$0x3F50]  }
0x28: {  	s2 =	sld [smem:$0x3F51]  }
0x29: {  	s4 =	sld [smem:$0x3F53]  }
0x2a: {  	p0 =	seq.s32 s5, $0x0;
	s5 =	sld [smem:$0x3F54]  }
0x2b: {  	s6 =	sld [smem:$0x3F55]  }
0x2c: {  	s7 =	sld [smem:$0x3F56]  }
0x2d: {  	s3 =	simm.s32 $0x108;
	s8 =	sld [smem:$0x3F57]  }
0x2e: {  	s3 =	simm.s32 @!p0 $0x1082;
	s9 =	sld [smem:$0x3F58]  }
0x2f: {  	lr =	sadd.s32 s0, s3;
	s0 =	sld [smem:$0x3F4F]  }
0x30: {  	s3 =	sld [smem:$0x3F52]  }
0x31: {  	[smem:$0x3F5B] =	sst s10  }
0x32: {  	s10 =	sld [smem:$0x3F59];
	_ =	sdelay $0x3  }
0x33: {  	p0 =	seq.s32 s10, $0x1;
	s10 =	sld [smem:$0x3F5B];
	_ =	sdelay $0x3  }
0x34: {  	[smem:$0x3F5B] =	sst s10  }
0x35: {  	s10 =	sld [smem:$0x3F5A];
	_ =	sdelay $0x3  }
0x36: {  	p1 =	seq.s32 s10, $0x1;
	s10 =	sld [smem:$0x3F5B];
	_ =	sdelay $0x3  }
0x37: {  	[smem:$0x3F5B] =	sst s10  }
0x38: {  	s10 =	sld [smem:$0x3F5C]  }
0x39: {  	_ = 	snop;
	(pc) =	sbr.ind lr, $3  }
0x3a: {  	_ = 	snop  }
0x3b: {  	_ = 	snop  }
0x3c: {  	p2 =	seq.s32 s10, $0x1;
	s10 =	sld [smem:$0x3F5B]  }
0x3d: {  	_ =	shalt  }
0x3e: {  	_ =	shalt  }
0x3f: {  	_ =	shalt  }
0x40: {  	_ =	shalt  }
0x41: {  	_ =	shalt  }
0x42: {  	_ =	shalt  }
0x43: {  	_ =	shalt  }
0x44: {  	_ =	shalt  }
0x45: {  	_ =	shalt  }
0x46: {  	_ =	shalt  }
0x47: {  	_ =	shalt  }
0x48: {  	_ =	shalt  }
0x49: {  	_ =	shalt  }
0x4a: {  	_ =	shalt  }
0x4b: {  	_ =	shalt  }
0x4c: {  	_ =	shalt  }
0x4d: {  	_ =	shalt  }
0x4e: {  	_ =	shalt  }
0x4f: {  	_ =	shalt  }
0x50: {  	_ =	shalt  }
0x51: {  	_ =	shalt  }
0x52: {  	_ =	shalt  }
0x53: {  	_ =	shalt  }
0x54: {  	_ =	shalt  }
0x55: {  	_ =	shalt  }
0x56: {  	_ =	shalt  }
0x57: {  	_ =	shalt  }
0x58: {  	_ =	shalt  }
0x59: {  	_ =	shalt  }
0x5a: {  	_ =	shalt  }
0x5b: {  	_ =	shalt  }
0x5c: {  	_ =	shalt  }
0x5d: {  	_ =	shalt  }
0x5e: {  	_ =	shalt  }
0x5f: {  	_ =	shalt  }
0x60: {  	_ =	shalt  }
0x61: {  	_ =	shalt  }
0x62: {  	_ =	shalt  }
0x63: {  	_ =	shalt  }
0x64: {  	_ =	shalt  }
0x65: {  	_ =	shalt  }
0x66: {  	_ =	shalt  }
0x67: {  	_ =	shalt  }
0x68: {  	_ =	shalt  }
0x69: {  	_ =	shalt  }
0x6a: {  	_ =	shalt  }
0x6b: {  	_ =	shalt  }
0x6c: {  	_ =	shalt  }
0x6d: {  	_ =	shalt  }
0x6e: {  	_ =	shalt  }
0x6f: {  	_ =	shalt  }
0x70: {  	_ =	shalt  }
0x71: {  	_ =	shalt  }
0x72: {  	_ =	shalt  }
0x73: {  	_ =	shalt  }
0x74: {  	_ =	shalt  }
0x75: {  	_ =	shalt  }
0x76: {  	_ =	shalt  }
0x77: {  	_ =	shalt  }
0x78: {  	_ =	shalt  }
0x79: {  	_ =	shalt  }
0x7a: {  	_ =	shalt  }
0x7b: {  	_ =	shalt  }
0x7c: {  	_ =	shalt  }
0x7d: {  	_ =	shalt  }
0x7e: {  	_ =	shalt  }
0x7f: {  	_ =	shalt  }
0x80: {  	_ =	shalt  }
0x81: {  	_ =	shalt  }
0x82: {  	_ =	shalt  }
0x83: {  	_ =	shalt  }
0x84: {  	_ =	shalt  }
0x85: {  	_ =	shalt  }
0x86: {  	_ =	shalt  }
0x87: {  	_ =	shalt  }
.Lfunc_end0:
.L_simem_size_0:
called_computation.5_lowered:
.L_overlay_start_0:
0x88: {  	s2 =	sld [smem:$0x3FD9]  }
0x89: {  	s3 =	sld [smem:$0x3FFE];
	_ =	sdelay $0x1  }
0x8a: {  	s1 =	srdreg.scid  }
0x8b: {  	s0 =	sand.u32 $0x1, s1  }
0x8c: {  	s14 =	sshll.u32 s0, $0xA;
	s2 =	sadd.s32 s3, s2  }
0x8d: {  	s2 =	sadd.s32 s2, s14  }
0x8e: {  	[smem:$0x3F67] =	sst s2  }
0x8f: {  	_ = 	snop  }
0x90: {  	s2 =	sld [smem:$0x3FD0];
	_ =	sdelay $0x2  }
0x91: {  	s15 =	simm.s32 $0xA;
	s4 =	simm.s32 $0x10  }
0x92: {  	[smem:s4], [sflag:s15] =	dma.local [hbm:s2], $0x1  }
0x93: {  	_ =	swait.eq [sflag:s15], $0x1  }
0x94: {  	[sflag:s15] =	ssyncset.done $0x0  }
0x95: {  	[sflag:s15] =	ssyncadd.s32 $0xFFFFFFFF  }
0x96: {  	s16 =	sld [smem:$0x10];
	(tm) =	ssettm $0x1  }
0x97: {  	s17 =	sld [smem:$0x3FFB];
	_ =	sdelay $0x3  }
0x98: {  	_ =	strace s17  }
0x99: {  	s3 =	sld [smem:$0x3FFC];
	_ =	sdelay $0x3  }
0x9a: {  	_ =	strace s3  }
0x9b: {  	s3 =	sld [smem:$0x3FFD];
	_ =	sdelay $0x3  }
0x9c: {  	_ =	strace s3  }
0x9d: {  	_ =	strace $0x8FFFFFFF  }
0x9e: {  	s18 =	sld [smem:$0x3FDB];
	_ =	sdelay $0x1  }
0x9f: {  	s19 =	simm.s32 $_scs_section_size  }
0xa0: {  	s5 =	simm.s32 $_size__tile_overlayer_lowered;
	s6 =	simm.s32 $_tile_overlayer_lowered  }
0xa1: {  	s22 =	simm.s32 $0x1BFF;
	s21 =	sshll.u32 s6, $0x1;
	s3 =	sadd.s32 s19, s18  }
0xa2: {  	s7 =	simm.s32 $0x0;
	s20 =	sshll.u32 s5, $0x1;
	s5 =	sadd.s32 s21, s3  }
0xa3: {  	[timem:s7], [sflag:s22] =	dma.local [hbm:s5], s20  }
0xa4: {  	_ =	swait.ge [sflag:s22], s20  }
0xa5: {  	s4 =	ssub.s32 $0x0, s20;
	[sflag:s22] =	ssyncset.done $0x0  }
0xa6: {  	[sflag:s22] =	ssyncadd.s32 s4;
	_ =	sdelay $0x1  }
0xa7: {  	s23 =	simm.s32 $0x1B8B  }
0xa8: {  	_ =	swait.ge [sflag:s23], $0x1  }
0xa9: {  	[sflag:s23] =	ssyncset.done $0x0  }
0xaa: {  	s25 =	simm.s32 $0x1B8E;
	s24 =	sld [smem:$0x3FFE];
	[sflag:s23] =	ssyncadd.s32 $0xFFFFFFFF  }
0xab: {  	s26 =	simm.s32 $execute0_lowered;
	[smem:$0x3FD2] =	sst s25  }
0xac: {  	s5 =	sshll.u32 s26, $0x1;
	_ =	strace $0x80000055;
	[dreg:$0x1] =	wrdreg $0xFFFFFFFF  }
0xad: {  	s28 =	simm.s32 $_size_execute0_lowered;
	s3 =	sadd.s32 s3, s5;
	[dreg:$0x0] =	wrdreg $0x0  }
0xae: {  	s5 =	sshll.u32 s28, $0x1;
	[dreg:$0x2] =	wrdreg s3  }
0xaf: {  	[dreg:$0x3] =	wrdreg s5  }
0xb0: {  	[dreg:$0x4] =	wrdreg $0xC0  }
0xb1: {  	_ =	task [dreg:s7], $0x5FFFF  }
0xb2: {  	[dreg:$0x1] =	wrdreg $0xFFFFFFFF  }
0xb3: {  	[dreg:$0x0] =	wrdreg $0x60  }
0xb4: {  	[dreg:$0x2] =	wrdreg s24  }
0xb5: {  	[dreg:$0x3] =	wrdreg s16  }
0xb6: {  	[dreg:$0x4] =	wrdreg $0x51000  }
0xb7: {  	[dreg:$0x5] =	wrdreg $0x9  }
0xb8: {  	_ =	task.clear_ibuf [dreg:s7], $0x6FFFF;
	_ =	strace $0x90000055  }
0xb9: {  	s29 =	simm.s32 $0x9;
	_ =	strace $0x80000057  }
0xba: {  	_ =	swait.ge [sflag:s29], $0x1  }
0xbb: {  	[sflag:s29] =	ssyncadd.s32 $0xFFFFFFFF  }
0xbc: {  	_ =	strace $0x90000057  }
0xbd: {  	_ =	sfence  }
0xbe: {  	s30 =	sld [smem:$0x0];
	_ =	sdelay $0x2  }
0xbf: {  	s31 =	sshll.u32 s1, $0xD;
	s1 =	sshrl.u32 s1, $0x2  }
0xc0: {  	s3 =	sand.u32 $0x4000, s31;
	s1 =	sadd.s32 s1, s30  }
0xc1: {  	s0 =	sor.u32 s3, s0;
	s1 =	sshll.u32 s1, $0x11  }
0xc2: {  	s0 =	sor.u32 s1, s0  }
0xc3: {  	s0 =	sadd.s32 $0x8F2B, s0  }
0xc4: {  	[sflag:s0] =	ssyncadd.remote.s32 $0x1  }
0xc5: {  	_ =	sfence.sel $0xFFFF  }
0xc6: {  	[dreg:$0x0] =	wrdreg $0xFFFFFFFF;
	(pc) =	sbr.abs _section_cstart, $3  }
0xc7: {  	[dreg:$0x1] =	wrdreg $0xFFFFFFFF  }
0xc8: {  	_ =	task.clear_ibuf [dreg:s7], $0x2FFFF;
	_ =	strace $0x9FFFFFFF  }
0xc9: {  	(tm) =	ssettm $0x7FFFFFFF  }
tec
execute0_lowered:
.L_overlay_start_1:
0x0: {  	(tag) =	ssettag $0x1  }
0x1: {  	s5 =	rddreg [dreg:$0x0]  }
0x2: {  	s2 =	rddreg [dreg:$0x1]  }
0x3: {  	s3 =	rddreg [dreg:$0x2];
	s1 =	stileid.u32  }
0x4: {  	s0 =	rddreg [dreg:$0x3];
	s4 =	simm.s32 $0x0;
	s21 =	smul.u32 $0x2800, s1  }
0x5: {  	s6 =	srdreg.scid;
	s17 =	simm.s32 $0x2900;
	s10 =	smul.u32 $0x50000, s1  }
0x6: {  	s18 =	simm.s32 $0x1;
	s19 =	simm.s32 $0x50;
	s30 =	smul.u32 $0x2710, s1  }
0x7: {  	s20 =	simm.s32 $0x2;
	s6 =	sand.u32 $0x1, s6;
	s16 =	smul.u32 $0x27100, s1  }
0x8: {  	[smem:$0x7FF] =	sst s4;
	s9 =	sadd.s32 $0xF40C00, s5;
	s7 =	smul.u32 $0x28000, s6  }
0x9: {  	s28 =	sshll.u32 s1, $0x6;
	_ =	strace $0x80000056;
	s25 =	smul.u32 $0x271000, s6  }
0xa: {  	s8 =	sshll.u32 s6, $0x4;
	s12 =	ssub.s32 $0x2, s6;
	s26 =	smul.u32 $0x27100, s6  }
0xb: {  	s6 =	sor.u32 $0x1C03, s28;
	s8 =	sor.u32 s1, s8;
	s11 =	sadd.s32 s21, s5  }
0xc: {  	s23 =	sshrl.u32 s12, $0x1;
	s24 =	sshrl.u32 s10, $0x2;
	s13 =	smul.u32 $0x2710, s8  }
0xd: {  	s14 =	sadd.s32 s7, s5;
	s8 =	smul.u32 $0x27100, s8;
	s12 =	ssub.s32 s12, s23  }
0xe: {  	s15 =	sadd.s32 s24, s3;
	s5 =	sadd.s32 $0xA36C00, s11;
	s11 =	sadd.s32 s30, s26  }
0xf: {  	s22 =	sadd.s32 $0x70E00, s14;
	s14 =	simm.s32 $0x3;
	s29 =	sshrl.u32 s13, $0x3  }
0x10: {  	s8 =	sadd.s32 s9, s8;
	s9 =	sadd.s32 s25, s9;
	s13 =	sadd.s32 $0x50, s11  }
0x11: {  	s11 =	sadd.s32 $0xA0, s11;
	s21 =	sadd.s32 s21, s22;
	s22 =	simm.s32 $0x0  }
0x12: {  	s7 =	sadd.s32 s2, s29;
	s10 =	sadd.s32 s16, s9;
	s9 =	smax.u32 s12, $0x1  }
0x13: {  	s31 =	sshrl.u32 s13, $0x3;
	s13 =	sshrl.u32 s15, $0x3;
	s15 =	simm.s32 $0x100  }
0x14: {  	s16 =	simm.s32 $0x80;
	s10 =	sadd.s32 $0xA00, s10;
	s12 =	sadd.s32 s31, s2  }
.LBB2_1:
0x15: {  	[spmem:s13], [sflag:s6] =	dma.local [hbm:s5], $0x2800  }
0x16: {  	_ =	swait.ge [sflag:s14], $0x2800  }
0x17: {  	[sflag:s14] =	ssyncset.done $0x0  }
0x18: {  	[sflag:s14] =	ssyncadd.s32 $0xFFFFD800  }
0x19: {  	[bflag:$0x0] =	sbarrier.arrive $0xFFFF  }
0x1a: {  	[tilespmem:s4], [sflag:$0x3] =	stream.linear.gather [hbm4b:s7+s4], $0x50, $0x38;
	[tilespmem:$0x19100] =	vst v63  }
0x1b: {  	_ =	swait.ge [sflag:s14], $0x50  }
0x1c: {  	[sflag:s14] =	ssyncset.done $0x0  }
0x1d: {  	[sflag:s14] =	ssyncadd.s32 $0xFFFFFFB0  }
0x1e: {  	[tilespmem:s15], [sflag:$0x1] =	stream.linear.gather [hbm4b:s8+s4], $0x2800, $0x38;
	[tilespmem:$0x19100] =	vst v63  }
0x1f: {  	s23 =	sadd.s32 $0x0, s12  }
0x20: {  	[tilespmem:s16], [sflag:$0x3] =	stream.linear.gather [hbm4b:s23+s4], $0x50, $0x38;
	[tilespmem:$0x19100] =	vst v63  }
0x21: {  	_ =	swait.ge [sflag:s14], $0x50  }
0x22: {  	[sflag:s14] =	ssyncset.done $0x0  }
0x23: {  	s30 =	sadd.s32 $0xFFFFFB00, s10;
	[sflag:s14] =	ssyncadd.s32 $0xFFFFFFB0  }
0x24: {  	[tilespmem:s17], [sflag:$0x2] =	stream.linear.gather [hbm4b:s30+s4], $0x2800, $0x38;
	[tilespmem:$0x19100] =	vst v63  }
0x25: {  	_ =	swait.ge [sflag:s18], $0x2800  }
0x26: {  	[sflag:s18] =	ssyncset.done $0x0  }
0x27: {  	[sflag:s18] =	ssyncadd.s32 $0xFFFFD800  }
0x28: {  	[spmem:s3] =	stream.indirect.scatter.add.f32 [tilespmem:s15], [sflag:$0x3], $0x80, s4, s19, $0xb8;
	[tilespmem:$0x19100] =	vst v63  }
0x29: {  	_ =	swait.ge [sflag:s14], $0x2800  }
0x2a: {  	s31 =	sshrl.u32 s11, $0x3;
	[sflag:s14] =	ssyncset.done $0x0  }
0x2b: {  	s23 =	sadd.s32 s2, s31;
	[sflag:s14] =	ssyncadd.s32 $0xFFFFD800  }
0x2c: {  	[tilespmem:s4], [sflag:$0x3] =	stream.linear.gather [hbm4b:s23+s4], $0x50, $0x38;
	[tilespmem:$0x19100] =	vst v63  }
0x2d: {  	_ =	swait.ge [sflag:s14], $0x50  }
0x2e: {  	[sflag:s14] =	ssyncset.done $0x0  }
0x2f: {  	[sflag:s14] =	ssyncadd.s32 $0xFFFFFFB0  }
0x30: {  	[tilespmem:s15], [sflag:$0x1] =	stream.linear.gather [hbm4b:s10+s4], $0x2800, $0x38;
	[tilespmem:$0x19100] =	vst v63  }
0x31: {  	_ =	swait.ge [sflag:s20], $0x2800  }
0x32: {  	[sflag:s20] =	ssyncset.done $0x0  }
0x33: {  	[sflag:s20] =	ssyncadd.s32 $0xFFFFD800  }
0x34: {  	[spmem:s3] =	stream.indirect.scatter.add.f32 [tilespmem:s17], [sflag:$0x3], $0x80, s16, s19, $0xb8;
	[tilespmem:$0x19100] =	vst v63  }
0x35: {  	s25 =	simm.s32 $0x14;
	s26 =	simm.s32 $0x28;
	_ =	swait.ge [sflag:s14], $0x2800  }
0x36: {  	s24 =	sadd.s32 $0xA0, s11;
	s23 =	sadd.s32 $0xA00, s10;
	[sflag:s14] =	ssyncset.done $0x0  }
.LBB2_2:
0x37: {  	s28 =	sadd.s32 s25, s12  }
0x38: {  	[sflag:s14] =	ssyncadd.s32 $0xFFFFD800;
	s25 =	smov.u32 s26;
	s29 =	sadd.s32 $0x14, s26  }
0x39: {  	[tilespmem:s16], [sflag:$0x3] =	stream.linear.gather [hbm4b:s28+s4], $0x50, $0x38;
	[tilespmem:$0x19100] =	vst v63  }
0x3a: {  	p0 =	sne.s32 s26, $0x4C4;
	_ =	swait.ge [sflag:s14], $0x50  }
0x3b: {  	[sflag:s14] =	ssyncset.done $0x0  }
0x3c: {  	s26 =	sadd.s32 $0xFFFFFB00, s23;
	[sflag:s14] =	ssyncadd.s32 $0xFFFFFFB0  }
0x3d: {  	[tilespmem:s17], [sflag:$0x2] =	stream.linear.gather [hbm4b:s26+s4], $0x2800, $0x38;
	[tilespmem:$0x19100] =	vst v63  }
0x3e: {  	_ =	swait.ge [sflag:s18], $0x2800  }
0x3f: {  	[sflag:s18] =	ssyncset.done $0x0  }
0x40: {  	[sflag:s18] =	ssyncadd.s32 $0xFFFFD800  }
0x41: {  	[spmem:s3] =	stream.indirect.scatter.add.f32 [tilespmem:s15], [sflag:$0x3], $0x80, s4, s19, $0xb8;
	[tilespmem:$0x19100] =	vst v63  }
0x42: {  	_ =	swait.ge [sflag:s14], $0x2800  }
0x43: {  	s26 =	sshrl.u32 s24, $0x3;
	[sflag:s14] =	ssyncset.done $0x0  }
0x44: {  	s26 =	sadd.s32 s2, s26;
	[sflag:s14] =	ssyncadd.s32 $0xFFFFD800  }
0x45: {  	[tilespmem:s4], [sflag:$0x3] =	stream.linear.gather [hbm4b:s26+s4], $0x50, $0x38;
	[tilespmem:$0x19100] =	vst v63  }
0x46: {  	_ =	swait.ge [sflag:s14], $0x50  }
0x47: {  	[sflag:s14] =	ssyncset.done $0x0  }
0x48: {  	[sflag:s14] =	ssyncadd.s32 $0xFFFFFFB0  }
0x49: {  	[tilespmem:s15], [sflag:$0x1] =	stream.linear.gather [hbm4b:s23+s4], $0x2800, $0x38;
	[tilespmem:$0x19100] =	vst v63  }
0x4a: {  	_ =	swait.ge [sflag:s20], $0x2800  }
.Ltmp0:
0x4b: {  	[sflag:s20] =	ssyncset.done $0x0;
	(pc) =	sbr.rel @p0 .LBB2_2-.Ltmp0, $4  }
0x4c: {  	[sflag:s20] =	ssyncadd.s32 $0xFFFFD800  }
0x4d: {  	[spmem:s3] =	stream.indirect.scatter.add.f32 [tilespmem:s17], [sflag:$0x3], $0x80, s16, s19, $0xb8;
	[tilespmem:$0x19100] =	vst v63  }
0x4e: {  	s24 =	sadd.s32 $0xA0, s24;
	_ =	swait.ge [sflag:s14], $0x2800  }
0x4f: {  	s26 =	smov.u32 s29;
	s23 =	sadd.s32 $0xA00, s23;
	[sflag:s14] =	ssyncset.done $0x0  }
0x50: {  	s25 =	sadd.s32 s25, s12;
	[sflag:s14] =	ssyncadd.s32 $0xFFFFD800  }
0x51: {  	[tilespmem:s16], [sflag:$0x3] =	stream.linear.gather [hbm4b:s25+s4], $0x50, $0x38;
	[tilespmem:$0x19100] =	vst v63  }
0x52: {  	_ =	swait.ge [sflag:s14], $0x50  }
0x53: {  	[sflag:s14] =	ssyncset.done $0x0  }
0x54: {  	s31 =	sadd.s32 $0xFFFFFB00, s23;
	[sflag:s14] =	ssyncadd.s32 $0xFFFFFFB0  }
0x55: {  	[tilespmem:s17], [sflag:$0x2] =	stream.linear.gather [hbm4b:s31+s4], $0x2800, $0x38;
	[tilespmem:$0x19100] =	vst v63  }
0x56: {  	_ =	swait.ge [sflag:s18], $0x2800  }
0x57: {  	[sflag:s18] =	ssyncset.done $0x0  }
0x58: {  	[sflag:s18] =	ssyncadd.s32 $0xFFFFD800  }
0x59: {  	[spmem:s3] =	stream.indirect.scatter.add.f32 [tilespmem:s15], [sflag:$0x3], $0x80, s4, s19, $0xb8;
	[tilespmem:$0x19100] =	vst v63  }
0x5a: {  	_ =	swait.ge [sflag:s14], $0x2800  }
0x5b: {  	s24 =	sshrl.u32 s24, $0x3;
	[sflag:s14] =	ssyncset.done $0x0  }
0x5c: {  	s24 =	sadd.s32 s2, s24;
	[sflag:s14] =	ssyncadd.s32 $0xFFFFD800  }
0x5d: {  	[tilespmem:s4], [sflag:$0x3] =	stream.linear.gather [hbm4b:s24+s4], $0x50, $0x38;
	[tilespmem:$0x19100] =	vst v63  }
0x5e: {  	_ =	swait.ge [sflag:s14], $0x50  }
0x5f: {  	[sflag:s14] =	ssyncset.done $0x0  }
0x60: {  	[sflag:s14] =	ssyncadd.s32 $0xFFFFFFB0  }
0x61: {  	[tilespmem:s15], [sflag:$0x1] =	stream.linear.gather [hbm4b:s23+s4], $0x2800, $0x38;
	[tilespmem:$0x19100] =	vst v63  }
0x62: {  	_ =	swait.ge [sflag:s20], $0x2800  }
0x63: {  	[sflag:s20] =	ssyncset.done $0x0  }
0x64: {  	[sflag:s20] =	ssyncadd.s32 $0xFFFFD800  }
0x65: {  	[spmem:s3] =	stream.indirect.scatter.add.f32 [tilespmem:s17], [sflag:$0x3], $0x80, s16, s19, $0xb8;
	[tilespmem:$0x19100] =	vst v63  }
0x66: {  	_ =	swait.ge [sflag:s14], $0x2800  }
0x67: {  	[sflag:s14] =	ssyncset.done $0x0  }
0x68: {  	[sflag:s14] =	ssyncadd.s32 $0xFFFFD800  }
0x69: {  	_ =	swait.ge [sflag:s18], $0x2800  }
0x6a: {  	[sflag:s18] =	ssyncset.done $0x0  }
0x6b: {  	[sflag:s18] =	ssyncadd.s32 $0xFFFFD800  }
0x6c: {  	[spmem:s3] =	stream.indirect.scatter.add.f32 [tilespmem:s15], [sflag:$0x3], $0x80, s4, s19, $0xb8;
	[tilespmem:$0x19100] =	vst v63  }
0x6d: {  	_ =	swait.ge [sflag:s14], $0x2800  }
0x6e: {  	s22 =	sadd.s32 $0x1, s22;
	[sflag:s14] =	ssyncset.done $0x0  }
0x6f: {  	p0 =	sne.s32 s22, s9;
	[sflag:s14] =	ssyncadd.s32 $0xFFFFD800  }
.Ltmp1:
0x70: {  	[bflag:$0x0] =	sbarrier.arrive $0xFFFF;
	(pc) =	sbr.rel @p0 .LBB2_1-.Ltmp1, $4  }
0x71: {  	[hbm:s21], [sflag:s6] =	dma.local [spmem:s13], $0x2800  }
0x72: {  	_ =	swait.ge [sflag:s14], $0x2800  }
0x73: {  	[sflag:s14] =	ssyncset.done $0x0  }
0x74: {  	[sflag:s14] =	ssyncadd.s32 $0xFFFFD800  }
0x75: {  	_ =	sfence.sel $0x180000  }
0x76: {  	[bflag:$0x0] =	sbarrier.arrive $0xFFFF  }
0x77: {  	p0 =	sne.s32 s1, $0x0;
	_ =	strace $0x90000056  }
0x78: {  	s0 =	sadd.s32 @!p0 $0x100000, s0;
	[bflag:$0x2] =	sbarrier.arrive $0xFFFF  }
0x79: {  	[sflag:s0] =	ssyncadd.tile.s32 @!p0 $0x1;
	_ =	shalt  }
.Lfunc_end2:
_tile_overlayer_lowered:
.L_overlay_start_2:
0x7a: {  	(tag) =	ssettag $0x2  }
0x7b: {  	s0 =	rddreg [dreg:$0x0];
	s2 =	stileid.u32  }
0x7c: {  	s1 =	rddreg [dreg:$0x1];
	p0 =	sne.s32 s2, $0x0  }
0x7d: {  	s3 =	rddreg [dreg:$0x2];
	[bflag:$0x3] =	sbarrier.arrive $0xFFFF;
	s2 =	simm.s32 @!p0 $0x1C03  }
0x7e: {  	[timem:s3], [sflag:s2] =	dma.local @!p0 [hbm:s0], s1  }
0x7f: {  	s0 =	simm.s32 @!p0 $0x3  }
0x80: {  	_ =	swait.ge @!p0 [sflag:s0], s1  }
0x81: {  	s1 =	ssub.s32 @!p0 $0x0, s1;
	[sflag:s0] =	ssyncset.done @!p0 $0x0  }
0x82: {  	[sflag:s0] =	ssyncadd.s32 @!p0 s1  }
0x83: {  	[bflag:$0x3] =	sbarrier.arrive $0xFFFF  }
0x84: {  	_ =	shalt  }

</sc_bundles>
